<compile_context>
chip_gen: v7x
topology: tpu7x:2x2x1
jax: 0.10.2.dev20260603
libtpu: 0.0.44.dev20260713+nightly
codegen_flags: <defaults>
</compile_context>

<pallas_src>
import jax
import jax.numpy as jnp
from jax import lax
from jax.experimental import pallas as pl
from jax.experimental.pallas import tpu as pltpu
from jax.experimental.pallas import tpu_sc as plsc

DICT_LEN = 100000
D = 64
NG = 5
NC, NS, L = 2, 16, 16
NW = NC * NS
BLK = 128
BPW = 12
NBLK = NW * BPW
C0 = NBLK * BLK
NGRP = BLK // L
TCB = 4096
TCG = (DICT_LEN - C0 + TCB - 1) // TCB


def _sc_retrieve(keys_t, cue):
    mesh = plsc.VectorSubcoreMesh(core_axis_name="c", subcore_axis_name="s")

    def body(keys_hbm, cue_hbm, out_d, out_i, cue_v, keys_v, resd_v, resi_v,
             sem0, sem1):
        c = lax.axis_index("c")
        s = lax.axis_index("s")
        wid = s * NC + c

        pltpu.sync_copy(cue_hbm, cue_v)
        sems = (sem0, sem1)
        lane = lax.iota(jnp.int32, L)

        def blk_of(k):
            return wid + NW * k

        def start(k):
            cb = pl.multiple_of(blk_of(k) * BLK, BLK)
            return pltpu.async_copy(keys_hbm.at[:, pl.ds(cb, BLK)],
                                    keys_v.at[k % 2], sems[k % 2])

        handles = {0: start(0)}
        inf = jnp.float32(jnp.inf)
        rmin = [jnp.full((L,), inf) for _ in range(NGRP)]
        ridx = [jnp.zeros((L,), jnp.int32) for _ in range(NGRP)]
        for k in range(BPW):
            if k + 1 < BPW:
                handles[k + 1] = start(k + 1)
            handles[k].wait()
            buf = k % 2

            def dim_step(d, accs, buf=buf):
                cs = plsc.load_gather(cue_v, [jnp.full((L,), d, jnp.int32)])
                out = []
                for g in range(NGRP):
                    dq = keys_v[buf, d, pl.ds(g * L, L)] - cs
                    out.append(accs[g] + dq * dq)
                return tuple(out)

            accs = lax.fori_loop(0, D, dim_step,
                                 tuple(jnp.zeros((L,)) for _ in range(NGRP)))
            cb = blk_of(k) * BLK
            for g in range(NGRP):
                col = lane + (cb + g * L)
                take = accs[g] < rmin[g]
                rmin[g] = jnp.where(take, accs[g], rmin[g])
                ridx[g] = jnp.where(take, col, ridx[g])

        fd, fi = rmin[0], ridx[0]
        for g in range(1, NGRP):
            take = rmin[g] < fd
            tie = (rmin[g] == fd) & (ridx[g] < fi)
            upd = take | tie
            fd = jnp.where(upd, rmin[g], fd)
            fi = jnp.where(upd, ridx[g], fi)

        resd_v[0] = fd
        resi_v[0] = fi
        pltpu.sync_copy(resd_v, out_d.at[wid])
        pltpu.sync_copy(resi_v, out_i.at[wid])

    f = pl.kernel(
        body,
        compiler_params=pltpu.CompilerParams(needs_layout_passes=False),
        out_type=(
            jax.ShapeDtypeStruct((NW, 1, L), jnp.float32),
            jax.ShapeDtypeStruct((NW, 1, L), jnp.int32),
        ),
        mesh=mesh,
        scratch_types=[
            pltpu.VMEM((D,), jnp.float32),
            pltpu.VMEM((2, D, BLK), jnp.float32),
            pltpu.VMEM((1, L), jnp.float32),
            pltpu.VMEM((1, L), jnp.int32),
            pltpu.SemaphoreType.DMA,
            pltpu.SemaphoreType.DMA,
        ],
    )
    return f(keys_t, cue)


def _tcd2_body(keys_ref, cue_ref, vmin_ref, vidx_ref):
    i = pl.program_id(0)
    blk = keys_ref[...] - cue_ref[...]
    d2 = jnp.sum(blk * blk, axis=0, keepdims=True)
    cols = lax.broadcasted_iota(jnp.int32, (1, TCB), 1) + (C0 + i * TCB)
    d2 = jnp.where(cols < DICT_LEN, d2, jnp.float32(jnp.inf))

    @pl.when(i == 0)
    def _():
        vmin_ref[...] = d2
        vidx_ref[...] = cols

    @pl.when(i > 0)
    def _():
        take = d2 < vmin_ref[...]
        vmin_ref[...] = jnp.where(take, d2, vmin_ref[...])
        vidx_ref[...] = jnp.where(take, cols, vidx_ref[...])


def _fin_body(d2_ref, idx_ref, tmin_ref, tidx_ref, vals_ref, st_ref,
              pa_ref, pr_ref, ts_ref, h_ref, c_ref, wih_ref, whh_ref,
              bih_ref, bhh_ref, wa_ref, ba_ref, wc_ref, bc_ref,
              act_ref, val_ref, h_out, c_out, vblk_ref, semg):
    d2 = d2_ref[:, 0, :]
    idx = idx_ref[:, 0, :]
    tm = tmin_ref[...]
    ti = tidx_ref[...]
    mn = jnp.minimum(jnp.min(d2), jnp.min(tm))
    big = jnp.int32(jnp.iinfo(jnp.int32).max)
    bi = jnp.minimum(jnp.min(jnp.where(d2 == mn, idx, big)),
                     jnp.min(jnp.where(tm == mn, ti, big)))

    cb = pl.multiple_of((bi // BLK) * BLK, BLK)
    cp = pltpu.make_async_copy(vals_ref.at[:, pl.ds(cb, BLK)], vblk_ref, semg)
    cp.start()
    cp.wait()
    csel = (lax.broadcasted_iota(jnp.int32, (1, BLK), 1) == (bi - cb))
    m_col = jnp.sum(vblk_ref[...] * csel.astype(jnp.float32), axis=1,
                    keepdims=True)
    eye = (lax.broadcasted_iota(jnp.int32, (D, D), 0) ==
           lax.broadcasted_iota(jnp.int32, (D, D), 1)).astype(jnp.float32)
    m_t = lax.dot_general(m_col, eye, (((0,), (0,)), ((), ())),
                          precision=lax.Precision.HIGHEST,
                          preferred_element_type=jnp.float32)

    x = jnp.concatenate([st_ref[...], pa_ref[...], pr_ref[...], ts_ref[...]],
                        axis=1)
    h = h_ref[...]
    dn = (((1,), (0,)), ((), ()))
    pre = (lax.dot_general(x, wih_ref[...], dn,
                           precision=lax.Precision.HIGHEST,
                           preferred_element_type=jnp.float32) +
           lax.dot_general(h, whh_ref[...], dn,
                           precision=lax.Precision.HIGHEST,
                           preferred_element_type=jnp.float32) +
           bih_ref[...] + bhh_ref[...])
    i_t = jax.nn.sigmoid(pre[:, 0 * D:1 * D])
    f_t = jax.nn.sigmoid(pre[:, 1 * D:2 * D])
    g_t = jnp.tanh(pre[:, 2 * D:3 * D])
    o_t = jax.nn.sigmoid(pre[:, 3 * D:4 * D])
    r_t = jax.nn.sigmoid(pre[:, 4 * D:5 * D])
    c_t = f_t * c_ref[...] + i_t * g_t + r_t * m_t
    h_t = o_t * jnp.tanh(c_t)

    logits = lax.dot_general(h_t, wa_ref[...], dn,
                             precision=lax.Precision.HIGHEST,
                             preferred_element_type=jnp.float32)
    logits = logits + ba_ref[...]
    act_ref[...] = jax.nn.softmax(logits, axis=-1)
    val_ref[...] = lax.dot_general(h_t, wc_ref[...], dn,
                                   precision=lax.Precision.HIGHEST,
                                   preferred_element_type=jnp.float32)
    val_ref[...] += bc_ref[...]
    h_out[...] = h_t
    c_out[...] = c_t


def kernel(state, p_action, p_reward, timestep, cue, h_prev, c_prev, keys_mem,
           vals_mem, W_ih, W_hh, b_ih, b_hh, W_actor, b_actor, W_critic,
           b_critic):
    keys_t = keys_mem.T
    vals_t = vals_mem.T
    d2c, idxc = _sc_retrieve(keys_t, cue)

    tmin, tidx = pl.pallas_call(
        _tcd2_body,
        grid=(TCG,),
        in_specs=[
            pl.BlockSpec((D, TCB), lambda i: (0, C0 // TCB + i)),
            pl.BlockSpec((D, 1), lambda i: (0, 0)),
        ],
        out_specs=[pl.BlockSpec((1, TCB), lambda i: (0, 0)),
                   pl.BlockSpec((1, TCB), lambda i: (0, 0))],
        out_shape=(jax.ShapeDtypeStruct((1, TCB), jnp.float32),
                   jax.ShapeDtypeStruct((1, TCB), jnp.int32)),
    )(keys_t, cue.reshape(D, 1))

    vm = pltpu.MemorySpace.VMEM
    specs = [pl.BlockSpec(memory_space=vm) for _ in range(19)]
    specs[4] = pl.BlockSpec(memory_space=pl.ANY)
    act, val, h_t, c_t = pl.pallas_call(
        _fin_body,
        in_specs=specs,
        scratch_shapes=[pltpu.VMEM((D, BLK), jnp.float32),
                        pltpu.SemaphoreType.DMA],
        out_shape=(
            jax.ShapeDtypeStruct((1, 16), jnp.float32),
            jax.ShapeDtypeStruct((1, 1), jnp.float32),
            jax.ShapeDtypeStruct((1, D), jnp.float32),
            jax.ShapeDtypeStruct((1, D), jnp.float32),
        ),
    )(d2c, idxc, tmin, tidx, vals_t, state.reshape(1, 61),
      p_action.reshape(1, 1), p_reward.reshape(1, 1), timestep.reshape(1, 1),
      h_prev.reshape(1, D), c_prev.reshape(1, D), W_ih.T, W_hh.T,
      b_ih.reshape(1, NG * D), b_hh.reshape(1, NG * D), W_actor.T,
      b_actor.reshape(1, 16), W_critic.T, b_critic.reshape(1, 1))

    return (act.reshape(16), val.reshape(1), h_t.reshape(D), c_t.reshape(D))

# --- scband reference (transcript-rebuilt; emitter-appended) ---
"""Pipeline reference for scband-a2-c-dnd-lstm-26774826123372 (READ-ONLY COPY).

The authoritative reference and input builder live on the scoring server;
editing this copy changes nothing except your own understanding.
"""

import jax, jax.numpy as jnp
import numpy as np

INPUT_DIM = 64
HIDDEN_DIM = 64
NUM_ACTIONS = 16
DICT_LEN = 100000

def setup_inputs(seed: int = 0) -> dict:
    key = jax.random.key(seed)
    ks = jax.random.split(key, 17)
    inp = {}
    inp["state"] = jax.random.normal(ks[0], (61,), dtype=jnp.float32)
    inp["p_action"] = jax.random.normal(ks[1], (1,), dtype=jnp.float32)
    inp["p_reward"] = jax.random.normal(ks[2], (1,), dtype=jnp.float32)
    inp["timestep"] = jax.random.normal(ks[3], (1,), dtype=jnp.float32)
    inp["cue"] = jax.random.normal(ks[4], (HIDDEN_DIM,), dtype=jnp.float32)
    inp["h_prev"] = jax.random.normal(ks[5], (HIDDEN_DIM,), dtype=jnp.float32)
    inp["c_prev"] = jax.random.normal(ks[6], (HIDDEN_DIM,), dtype=jnp.float32)
    # DND episodic memory store (the large, memory-bound working set)
    inp["keys_mem"] = jax.random.normal(ks[7], (DICT_LEN, HIDDEN_DIM), dtype=jnp.float32)
    inp["vals_mem"] = jax.random.normal(ks[8], (DICT_LEN, HIDDEN_DIM), dtype=jnp.float32)
    # EpLSTMCell parameters: 5 gates (input, forget, cell, output, memory-retrieval gate r)
    s = 1.0 / np.sqrt(HIDDEN_DIM)
    inp["W_ih"] = jax.random.uniform(ks[9], (5 * HIDDEN_DIM, INPUT_DIM), minval=-s, maxval=s, dtype=jnp.float32)
    inp["W_hh"] = jax.random.uniform(ks[10], (5 * HIDDEN_DIM, HIDDEN_DIM), minval=-s, maxval=s, dtype=jnp.float32)
    inp["b_ih"] = jnp.zeros((5 * HIDDEN_DIM,), dtype=jnp.float32)
    inp["b_hh"] = jnp.zeros((5 * HIDDEN_DIM,), dtype=jnp.float32)
    inp["W_actor"] = 0.01 * jax.random.normal(ks[11], (NUM_ACTIONS, HIDDEN_DIM), dtype=jnp.float32)
    inp["b_actor"] = jnp.zeros((NUM_ACTIONS,), dtype=jnp.float32)
    inp["W_critic"] = jax.random.normal(ks[12], (1, HIDDEN_DIM), dtype=jnp.float32)
    inp["b_critic"] = jnp.zeros((1,), dtype=jnp.float32)
    return inp

def _dnd_get_memory(cue, keys_mem, vals_mem):
    # kernel='l2': similarity = -pairwise_distance(query, keys); retrieval policy = 1NN
    d2 = jnp.sum((keys_mem - cue[None, :]) ** 2, axis=-1)
    sims = -jnp.sqrt(d2 + 1e-12)
    best = jnp.argmax(sims)
    return jnp.take(vals_mem, best, axis=0)

def _ep_lstm_cell(x_t, m_t, h_prev, c_prev, W_ih, W_hh, b_ih, b_hh):
    preact = W_ih @ x_t + b_ih + W_hh @ h_prev + b_hh
    i_t, f_t, g_t, o_t, r_t = jnp.split(preact, 5)
    i_t = jax.nn.sigmoid(i_t)
    f_t = jax.nn.sigmoid(f_t)
    o_t = jax.nn.sigmoid(o_t)
    r_t = jax.nn.sigmoid(r_t)
    g_t = jnp.tanh(g_t)
    c_t = f_t * c_prev + i_t * g_t + r_t * m_t
    h_t = o_t * jnp.tanh(c_t)
    return h_t, c_t

def reference(state, p_action, p_reward, timestep, cue, h_prev, c_prev, keys_mem, vals_mem, W_ih, W_hh, b_ih, b_hh, W_actor, b_actor, W_critic, b_critic):
    x_t = jnp.concatenate([state, p_action, p_reward, timestep], axis=-1)
    m_t = _dnd_get_memory(cue, keys_mem, vals_mem)
    h_t, c_t = _ep_lstm_cell(x_t, m_t, h_prev, c_prev, W_ih, W_hh, b_ih, b_hh)
    action_dist = jax.nn.softmax(W_actor @ h_t + b_actor, axis=-1)
    value_estimate = W_critic @ h_t + b_critic
    return (action_dist, value_estimate, h_t, c_t)

if __name__ == "__main__":
    import jax
    _d = setup_inputs()
    print(jax.jit(kernel)(*tuple(_d.values())))

</pallas_src>

<mosaic_0001>
#map = affine_map<(d0, d1) -> (0, 0)>
#map1 = affine_map<(d0, d1) -> (0)>
#map2 = affine_map<(d0, d1) -> (0, 0, 0)>
module attributes {stable_mosaic.version = 14 : i64} {
  func.func @body(%arg0: i32, %arg1: i32, %arg2: memref<64x100000xf32, #tpu.memory_space<hbm>>, %arg3: memref<64xf32, #tpu.memory_space<hbm>>, %arg4: memref<32x1x16xf32, #tpu.memory_space<hbm>>, %arg5: memref<32x1x16xi32, #tpu.memory_space<hbm>>, %arg6: memref<64xf32, #tpu.memory_space<vmem>>, %arg7: memref<2x64x128xf32, #tpu.memory_space<vmem>>, %arg8: memref<1x16xf32, #tpu.memory_space<vmem>>, %arg9: memref<1x16xi32, #tpu.memory_space<vmem>>, %arg10: memref<!tpu.dma_semaphore, #tpu.memory_space<semaphore_mem>>, %arg11: memref<!tpu.dma_semaphore, #tpu.memory_space<semaphore_mem>>) attributes {dimension_semantics = [#tpu.dimension_semantics<core_parallel>, #tpu.dimension_semantics<subcore_parallel>], iteration_bounds = array<i64: 2, 16>, scalar_prefetch = 0 : i64, scratch_operands = 6 : i64, tpu.core_type = #tpu.core_type<sc_vector_subcore>, window_params = [{transform_indices = #map}, {transform_indices = #map1}, {transform_indices = #map2}, {transform_indices = #map2}]} {
    %mul3A = arith.constant 2 : i32
    %mul3A_0 = arith.muli %arg1, %mul3A : i32
    %add3A = arith.addi %mul3A_0, %arg0 : i32
    "tpu.region"() ({
      %run_scoped3A = tpu.sem_alloc : memref<!tpu.dma_semaphore, #tpu.memory_space<semaphore_mem>>
      tpu.enqueue_dma source(%arg3 : memref<64xf32, #tpu.memory_space<hbm>>) target(%arg6 : memref<64xf32, #tpu.memory_space<vmem>>) target_semaphore(%run_scoped3A : memref<!tpu.dma_semaphore, #tpu.memory_space<semaphore_mem>>)
      tpu.wait_dma2 semaphore(%run_scoped3A : memref<!tpu.dma_semaphore, #tpu.memory_space<semaphore_mem>>) src(%arg3 : memref<64xf32, #tpu.memory_space<hbm>>) dst(%arg6 : memref<64xf32, #tpu.memory_space<vmem>>)
      tpu.yield
    }) : () -> ()
    %iota3A = tpu.iota {dimensions = array<i32: 0>} : vector<16xi32>
    %add3A_1 = arith.constant 0 : i32
    %add3A_2 = arith.addi %add3A, %add3A_1 : i32
    %mul3A_3 = arith.constant 128 : i32
    %mul3A_4 = arith.muli %add3A_2, %mul3A_3 : i32
    %multiple_of3A = tpu.assume_multiple %mul3A_4, 128 : i32
    %dma_start3A = arith.constant 0 : i32
    %dma_start3A_5 = arith.constant 0 : i32
    %dma_start3A_6 = arith.constant 0 : i32
    %dma_start3A_7 = tpu.memref_slice %arg7[%dma_start3A, %dma_start3A_5, %dma_start3A_6] : memref<2x64x128xf32, #tpu.memory_space<vmem>> -> memref<1x64x128xf32, #tpu.memory_space<vmem>>
    %dma_start3A_8 = tpu.memref_squeeze %dma_start3A_7 : memref<1x64x128xf32, #tpu.memory_space<vmem>> -> memref<64x128xf32, #tpu.memory_space<vmem>>
    %dma_start3A_9 = arith.constant 0 : i32
    %dma_start3A_10 = tpu.memref_slice %arg2[%dma_start3A_9, %multiple_of3A] : memref<64x100000xf32, #tpu.memory_space<hbm>> -> memref<64x128xf32, #tpu.memory_space<hbm>>
    %dma_start3A_11 = arith.constant 0 : i32
    %dma_start3A_12 = arith.constant 0 : i32
    %dma_start3A_13 = tpu.memref_slice %arg7[%dma_start3A, %dma_start3A_11, %dma_start3A_12] : memref<2x64x128xf32, #tpu.memory_space<vmem>> -> memref<1x64x128xf32, #tpu.memory_space<vmem>>
    %dma_start3A_14 = tpu.memref_squeeze %dma_start3A_13 : memref<1x64x128xf32, #tpu.memory_space<vmem>> -> memref<64x128xf32, #tpu.memory_space<vmem>>
    %dma_start3A_15 = arith.constant 0 : i32
    %dma_start3A_16 = tpu.memref_slice %arg2[%dma_start3A_15, %multiple_of3A] : memref<64x100000xf32, #tpu.memory_space<hbm>> -> memref<64x128xf32, #tpu.memory_space<hbm>>
    tpu.enqueue_dma source(%dma_start3A_16 : memref<64x128xf32, #tpu.memory_space<hbm>>) target(%dma_start3A_14 : memref<64x128xf32, #tpu.memory_space<vmem>>) target_semaphore(%arg10 : memref<!tpu.dma_semaphore, #tpu.memory_space<semaphore_mem>>)
    %broadcast_in_dim3A = arith.constant 0x7F800000 : f32
    %broadcast_in_dim3A_17 = vector.broadcast %broadcast_in_dim3A : f32 to vector<16xf32>
    %broadcast_in_dim3A_18 = arith.constant 0x7F800000 : f32
    %broadcast_in_dim3A_19 = vector.broadcast %broadcast_in_dim3A_18 : f32 to vector<16xf32>
    %broadcast_in_dim3A_20 = arith.constant 0x7F800000 : f32
    %broadcast_in_dim3A_21 = vector.broadcast %broadcast_in_dim3A_20 : f32 to vector<16xf32>
    %broadcast_in_dim3A_22 = arith.constant 0x7F800000 : f32
    %broadcast_in_dim3A_23 = vector.broadcast %broadcast_in_dim3A_22 : f32 to vector<16xf32>
    %broadcast_in_dim3A_24 = arith.constant 0x7F800000 : f32
    %broadcast_in_dim3A_25 = vector.broadcast %broadcast_in_dim3A_24 : f32 to vector<16xf32>
    %broadcast_in_dim3A_26 = arith.constant 0x7F800000 : f32
    %broadcast_in_dim3A_27 = vector.broadcast %broadcast_in_dim3A_26 : f32 to vector<16xf32>
    %broadcast_in_dim3A_28 = arith.constant 0x7F800000 : f32
    %broadcast_in_dim3A_29 = vector.broadcast %broadcast_in_dim3A_28 : f32 to vector<16xf32>
    %broadcast_in_dim3A_30 = arith.constant 0x7F800000 : f32
    %broadcast_in_dim3A_31 = vector.broadcast %broadcast_in_dim3A_30 : f32 to vector<16xf32>
    %broadcast_in_dim3A_32 = arith.constant 0 : i32
    %broadcast_in_dim3A_33 = vector.broadcast %broadcast_in_dim3A_32 : i32 to vector<16xi32>
    %broadcast_in_dim3A_34 = arith.constant 0 : i32
    %broadcast_in_dim3A_35 = vector.broadcast %broadcast_in_dim3A_34 : i32 to vector<16xi32>
    %broadcast_in_dim3A_36 = arith.constant 0 : i32
    %broadcast_in_dim3A_37 = vector.broadcast %broadcast_in_dim3A_36 : i32 to vector<16xi32>
    %broadcast_in_dim3A_38 = arith.constant 0 : i32
    %broadcast_in_dim3A_39 = vector.broadcast %broadcast_in_dim3A_38 : i32 to vector<16xi32>
    %broadcast_in_dim3A_40 = arith.constant 0 : i32
    %broadcast_in_dim3A_41 = vector.broadcast %broadcast_in_dim3A_40 : i32 to vector<16xi32>
    %broadcast_in_dim3A_42 = arith.constant 0 : i32
    %broadcast_in_dim3A_43 = vector.broadcast %broadcast_in_dim3A_42 : i32 to vector<16xi32>
    %broadcast_in_dim3A_44 = arith.constant 0 : i32
    %broadcast_in_dim3A_45 = vector.broadcast %broadcast_in_dim3A_44 : i32 to vector<16xi32>
    %broadcast_in_dim3A_46 = arith.constant 0 : i32
    %broadcast_in_dim3A_47 = vector.broadcast %broadcast_in_dim3A_46 : i32 to vector<16xi32>
    %add3A_48 = arith.constant 32 : i32
    %add3A_49 = arith.addi %add3A, %add3A_48 : i32
    %mul3A_50 = arith.constant 128 : i32
    %mul3A_51 = arith.muli %add3A_49, %mul3A_50 : i32
    %multiple_of3A_52 = tpu.assume_multiple %mul3A_51, 128 : i32
    %dma_start3A_53 = arith.constant 1 : i32
    %dma_start3A_54 = arith.constant 0 : i32
    %dma_start3A_55 = arith.constant 0 : i32
    %dma_start3A_56 = tpu.memref_slice %arg7[%dma_start3A_53, %dma_start3A_54, %dma_start3A_55] : memref<2x64x128xf32, #tpu.memory_space<vmem>> -> memref<1x64x128xf32, #tpu.memory_space<vmem>>
    %dma_start3A_57 = tpu.memref_squeeze %dma_start3A_56 : memref<1x64x128xf32, #tpu.memory_space<vmem>> -> memref<64x128xf32, #tpu.memory_space<vmem>>
    %dma_start3A_58 = arith.constant 0 : i32
    %dma_start3A_59 = tpu.memref_slice %arg2[%dma_start3A_58, %multiple_of3A_52] : memref<64x100000xf32, #tpu.memory_space<hbm>> -> memref<64x128xf32, #tpu.memory_space<hbm>>
    %dma_start3A_60 = arith.constant 0 : i32
    %dma_start3A_61 = arith.constant 0 : i32
    %dma_start3A_62 = tpu.memref_slice %arg7[%dma_start3A_53, %dma_start3A_60, %dma_start3A_61] : memref<2x64x128xf32, #tpu.memory_space<vmem>> -> memref<1x64x128xf32, #tpu.memory_space<vmem>>
    %dma_start3A_63 = tpu.memref_squeeze %dma_start3A_62 : memref<1x64x128xf32, #tpu.memory_space<vmem>> -> memref<64x128xf32, #tpu.memory_space<vmem>>
    %dma_start3A_64 = arith.constant 0 : i32
    %dma_start3A_65 = tpu.memref_slice %arg2[%dma_start3A_64, %multiple_of3A_52] : memref<64x100000xf32, #tpu.memory_space<hbm>> -> memref<64x128xf32, #tpu.memory_space<hbm>>
    tpu.enqueue_dma source(%dma_start3A_65 : memref<64x128xf32, #tpu.memory_space<hbm>>) target(%dma_start3A_63 : memref<64x128xf32, #tpu.memory_space<vmem>>) target_semaphore(%arg11 : memref<!tpu.dma_semaphore, #tpu.memory_space<semaphore_mem>>)
    %dma_wait3A = arith.constant 0 : i32
    %dma_wait3A_66 = arith.constant 0 : i32
    %dma_wait3A_67 = arith.constant 0 : i32
    %dma_wait3A_68 = tpu.memref_slice %arg7[%dma_wait3A, %dma_wait3A_66, %dma_wait3A_67] : memref<2x64x128xf32, #tpu.memory_space<vmem>> -> memref<1x64x128xf32, #tpu.memory_space<vmem>>
    %dma_wait3A_69 = tpu.memref_squeeze %dma_wait3A_68 : memref<1x64x128xf32, #tpu.memory_space<vmem>> -> memref<64x128xf32, #tpu.memory_space<vmem>>
    %dma_wait3A_70 = arith.constant 0 : i32
    %dma_wait3A_71 = tpu.memref_slice %arg2[%dma_wait3A_70, %multiple_of3A] : memref<64x100000xf32, #tpu.memory_space<hbm>> -> memref<64x128xf32, #tpu.memory_space<hbm>>
    %dma_wait3A_72 = arith.constant 0 : i32
    %dma_wait3A_73 = arith.constant 0 : i32
    %dma_wait3A_74 = tpu.memref_slice %arg7[%dma_wait3A, %dma_wait3A_72, %dma_wait3A_73] : memref<2x64x128xf32, #tpu.memory_space<vmem>> -> memref<1x64x128xf32, #tpu.memory_space<vmem>>
    %dma_wait3A_75 = tpu.memref_squeeze %dma_wait3A_74 : memref<1x64x128xf32, #tpu.memory_space<vmem>> -> memref<64x128xf32, #tpu.memory_space<vmem>>
    %dma_wait3A_76 = arith.constant 0 : i32
    %dma_wait3A_77 = tpu.memref_slice %arg2[%dma_wait3A_76, %multiple_of3A] : memref<64x100000xf32, #tpu.memory_space<hbm>> -> memref<64x128xf32, #tpu.memory_space<hbm>>
    tpu.wait_dma2 semaphore(%arg10 : memref<!tpu.dma_semaphore, #tpu.memory_space<semaphore_mem>>) src(%dma_wait3A_77 : memref<64x128xf32, #tpu.memory_space<hbm>>) dst(%dma_wait3A_75 : memref<64x128xf32, #tpu.memory_space<vmem>>)
    %broadcast_in_dim3A_78 = arith.constant 0.000000e+00 : f32
    %broadcast_in_dim3A_79 = vector.broadcast %broadcast_in_dim3A_78 : f32 to vector<16xf32>
    %broadcast_in_dim3A_80 = arith.constant 0.000000e+00 : f32
    %broadcast_in_dim3A_81 = vector.broadcast %broadcast_in_dim3A_80 : f32 to vector<16xf32>
    %broadcast_in_dim3A_82 = arith.constant 0.000000e+00 : f32
    %broadcast_in_dim3A_83 = vector.broadcast %broadcast_in_dim3A_82 : f32 to vector<16xf32>
    %broadcast_in_dim3A_84 = arith.constant 0.000000e+00 : f32
    %broadcast_in_dim3A_85 = vector.broadcast %broadcast_in_dim3A_84 : f32 to vector<16xf32>
    %broadcast_in_dim3A_86 = arith.constant 0.000000e+00 : f32
    %broadcast_in_dim3A_87 = vector.broadcast %broadcast_in_dim3A_86 : f32 to vector<16xf32>
    %broadcast_in_dim3A_88 = arith.constant 0.000000e+00 : f32
    %broadcast_in_dim3A_89 = vector.broadcast %broadcast_in_dim3A_88 : f32 to vector<16xf32>
    %broadcast_in_dim3A_90 = arith.constant 0.000000e+00 : f32
    %broadcast_in_dim3A_91 = vector.broadcast %broadcast_in_dim3A_90 : f32 to vector<16xf32>
    %broadcast_in_dim3A_92 = arith.constant 0.000000e+00 : f32
    %broadcast_in_dim3A_93 = vector.broadcast %broadcast_in_dim3A_92 : f32 to vector<16xf32>
    %scan3A = arith.constant 0 : i32
    %scan3A_94 = arith.constant 64 : i32
    %scan3A_95 = arith.addi %scan3A, %scan3A_94 : i32
    %scan3A_96 = arith.constant 1 : i32
    %scan3A_97:8 = scf.for %scan3A_1435 = %scan3A to %scan3A_95 step %scan3A_96 iter_args(%scan3A_1436 = %broadcast_in_dim3A_79, %scan3A_1437 = %broadcast_in_dim3A_81, %scan3A_1438 = %broadcast_in_dim3A_83, %scan3A_1439 = %broadcast_in_dim3A_85, %scan3A_1440 = %broadcast_in_dim3A_87, %scan3A_1441 = %broadcast_in_dim3A_89, %scan3A_1442 = %broadcast_in_dim3A_91, %scan3A_1443 = %broadcast_in_dim3A_93) -> (vector<16xf32>, vector<16xf32>, vector<16xf32>, vector<16xf32>, vector<16xf32>, vector<16xf32>, vector<16xf32>, vector<16xf32>)  : i32 {
      %broadcast_in_dim3A_1444 = vector.broadcast %scan3A_1435 : i32 to vector<16xi32>
      %gather3A = tpu.vector_load_idx %arg6[%broadcast_in_dim3A_1444] : memref<64xf32, #tpu.memory_space<vmem>>[vector<16xi32>], vector<16xf32>,
      %get3A = arith.constant 0 : i32
      %get3A_1445 = arith.index_cast %get3A : i32 to index
      %get3A_1446 = arith.index_cast %scan3A_1435 : i32 to index
      %get3A_1447 = arith.constant 0 : index
      %get3A_1448 = tpu.vector_load %arg7[%get3A_1445, %get3A_1446, %get3A_1447] {strides = array<i32>} : memref<2x64x128xf32, #tpu.memory_space<vmem>>, vector<16xf32>,
      %sub3A = arith.subf %get3A_1448, %gather3A : vector<16xf32>
      %mul3A_1449 = arith.mulf %sub3A, %sub3A : vector<16xf32>
      %add3A_1450 = arith.addf %scan3A_1436, %mul3A_1449 : vector<16xf32>
      %get3A_1451 = arith.constant 0 : i32
      %get3A_1452 = arith.index_cast %get3A_1451 : i32 to index
      %get3A_1453 = arith.index_cast %scan3A_1435 : i32 to index
      %get3A_1454 = arith.constant 16 : index
      %get3A_1455 = tpu.vector_load %arg7[%get3A_1452, %get3A_1453, %get3A_1454] {strides = array<i32>} : memref<2x64x128xf32, #tpu.memory_space<vmem>>, vector<16xf32>,
      %sub3A_1456 = arith.subf %get3A_1455, %gather3A : vector<16xf32>
      %mul3A_1457 = arith.mulf %sub3A_1456, %sub3A_1456 : vector<16xf32>
      %add3A_1458 = arith.addf %scan3A_1437, %mul3A_1457 : vector<16xf32>
      %get3A_1459 = arith.constant 0 : i32
      %get3A_1460 = arith.index_cast %get3A_1459 : i32 to index
      %get3A_1461 = arith.index_cast %scan3A_1435 : i32 to index
      %get3A_1462 = arith.constant 32 : index
      %get3A_1463 = tpu.vector_load %arg7[%get3A_1460, %get3A_1461, %get3A_1462] {strides = array<i32>} : memref<2x64x128xf32, #tpu.memory_space<vmem>>, vector<16xf32>,
      %sub3A_1464 = arith.subf %get3A_1463, %gather3A : vector<16xf32>
      %mul3A_1465 = arith.mulf %sub3A_1464, %sub3A_1464 : vector<16xf32>
      %add3A_1466 = arith.addf %scan3A_1438, %mul3A_1465 : vector<16xf32>
      %get3A_1467 = arith.constant 0 : i32
      %get3A_1468 = arith.index_cast %get3A_1467 : i32 to index
      %get3A_1469 = arith.index_cast %scan3A_1435 : i32 to index
      %get3A_1470 = arith.constant 48 : index
      %get3A_1471 = tpu.vector_load %arg7[%get3A_1468, %get3A_1469, %get3A_1470] {strides = array<i32>} : memref<2x64x128xf32, #tpu.memory_space<vmem>>, vector<16xf32>,
      %sub3A_1472 = arith.subf %get3A_1471, %gather3A : vector<16xf32>
      %mul3A_1473 = arith.mulf %sub3A_1472, %sub3A_1472 : vector<16xf32>
      %add3A_1474 = arith.addf %scan3A_1439, %mul3A_1473 : vector<16xf32>
      %get3A_1475 = arith.constant 0 : i32
      %get3A_1476 = arith.index_cast %get3A_1475 : i32 to index
      %get3A_1477 = arith.index_cast %scan3A_1435 : i32 to index
      %get3A_1478 = arith.constant 64 : index
      %get3A_1479 = tpu.vector_load %arg7[%get3A_1476, %get3A_1477, %get3A_1478] {strides = array<i32>} : memref<2x64x128xf32, #tpu.memory_space<vmem>>, vector<16xf32>,
      %sub3A_1480 = arith.subf %get3A_1479, %gather3A : vector<16xf32>
      %mul3A_1481 = arith.mulf %sub3A_1480, %sub3A_1480 : vector<16xf32>
      %add3A_1482 = arith.addf %scan3A_1440, %mul3A_1481 : vector<16xf32>
      %get3A_1483 = arith.constant 0 : i32
      %get3A_1484 = arith.index_cast %get3A_1483 : i32 to index
      %get3A_1485 = arith.index_cast %scan3A_1435 : i32 to index
      %get3A_1486 = arith.constant 80 : index
      %get3A_1487 = tpu.vector_load %arg7[%get3A_1484, %get3A_1485, %get3A_1486] {strides = array<i32>} : memref<2x64x128xf32, #tpu.memory_space<vmem>>, vector<16xf32>,
      %sub3A_1488 = arith.subf %get3A_1487, %gather3A : vector<16xf32>
      %mul3A_1489 = arith.mulf %sub3A_1488, %sub3A_1488 : vector<16xf32>
      %add3A_1490 = arith.addf %scan3A_1441, %mul3A_1489 : vector<16xf32>
      %get3A_1491 = arith.constant 0 : i32
      %get3A_1492 = arith.index_cast %get3A_1491 : i32 to index
      %get3A_1493 = arith.index_cast %scan3A_1435 : i32 to index
      %get3A_1494 = arith.constant 96 : index
      %get3A_1495 = tpu.vector_load %arg7[%get3A_1492, %get3A_1493, %get3A_1494] {strides = array<i32>} : memref<2x64x128xf32, #tpu.memory_space<vmem>>, vector<16xf32>,
      %sub3A_1496 = arith.subf %get3A_1495, %gather3A : vector<16xf32>
      %mul3A_1497 = arith.mulf %sub3A_1496, %sub3A_1496 : vector<16xf32>
      %add3A_1498 = arith.addf %scan3A_1442, %mul3A_1497 : vector<16xf32>
      %get3A_1499 = arith.constant 0 : i32
      %get3A_1500 = arith.index_cast %get3A_1499 : i32 to index
      %get3A_1501 = arith.index_cast %scan3A_1435 : i32 to index
      %get3A_1502 = arith.constant 112 : index
      %get3A_1503 = tpu.vector_load %arg7[%get3A_1500, %get3A_1501, %get3A_1502] {strides = array<i32>} : memref<2x64x128xf32, #tpu.memory_space<vmem>>, vector<16xf32>,
      %sub3A_1504 = arith.subf %get3A_1503, %gather3A : vector<16xf32>
      %mul3A_1505 = arith.mulf %sub3A_1504, %sub3A_1504 : vector<16xf32>
      %add3A_1506 = arith.addf %scan3A_1443, %mul3A_1505 : vector<16xf32>
      scf.yield %add3A_1450, %add3A_1458, %add3A_1466, %add3A_1474, %add3A_1482, %add3A_1490, %add3A_1498, %add3A_1506 : vector<16xf32>, vector<16xf32>, vector<16xf32>, vector<16xf32>, vector<16xf32>, vector<16xf32>, vector<16xf32>, vector<16xf32>
    }
    %scan3A_98 = arith.constant 64 : i32
    %add3A_99 = arith.constant 0 : i32
    %add3A_100 = arith.addi %add3A, %add3A_99 : i32
    %mul3A_101 = arith.constant 128 : i32
    %mul3A_102 = arith.muli %add3A_100, %mul3A_101 : i32
    %add3A_103 = arith.constant 0 : i32
    %add3A_104 = arith.addi %mul3A_102, %add3A_103 : i32
    %add3A_105 = vector.broadcast %add3A_104 : i32 to vector<16xi32>
    %add3A_106 = arith.addi %iota3A, %add3A_105 : vector<16xi32>
    %lt3A = arith.cmpf olt, %scan3A_97#0, %broadcast_in_dim3A_17 : vector<16xf32>
    %select_n3A = arith.select %lt3A, %scan3A_97#0, %broadcast_in_dim3A_17 : vector<16xi1>, vector<16xf32>
    %select_n3A_107 = arith.select %lt3A, %add3A_106, %broadcast_in_dim3A_33 : vector<16xi1>, vector<16xi32>
    %add3A_108 = arith.constant 16 : i32
    %add3A_109 = arith.addi %mul3A_102, %add3A_108 : i32
    %add3A_110 = vector.broadcast %add3A_109 : i32 to vector<16xi32>
    %add3A_111 = arith.addi %iota3A, %add3A_110 : vector<16xi32>
    %lt3A_112 = arith.cmpf olt, %scan3A_97#1, %broadcast_in_dim3A_19 : vector<16xf32>
    %select_n3A_113 = arith.select %lt3A_112, %scan3A_97#1, %broadcast_in_dim3A_19 : vector<16xi1>, vector<16xf32>
    %select_n3A_114 = arith.select %lt3A_112, %add3A_111, %broadcast_in_dim3A_35 : vector<16xi1>, vector<16xi32>
    %add3A_115 = arith.constant 32 : i32
    %add3A_116 = arith.addi %mul3A_102, %add3A_115 : i32
    %add3A_117 = vector.broadcast %add3A_116 : i32 to vector<16xi32>
    %add3A_118 = arith.addi %iota3A, %add3A_117 : vector<16xi32>
    %lt3A_119 = arith.cmpf olt, %scan3A_97#2, %broadcast_in_dim3A_21 : vector<16xf32>
    %select_n3A_120 = arith.select %lt3A_119, %scan3A_97#2, %broadcast_in_dim3A_21 : vector<16xi1>, vector<16xf32>
    %select_n3A_121 = arith.select %lt3A_119, %add3A_118, %broadcast_in_dim3A_37 : vector<16xi1>, vector<16xi32>
    %add3A_122 = arith.constant 48 : i32
    %add3A_123 = arith.addi %mul3A_102, %add3A_122 : i32
    %add3A_124 = vector.broadcast %add3A_123 : i32 to vector<16xi32>
    %add3A_125 = arith.addi %iota3A, %add3A_124 : vector<16xi32>
    %lt3A_126 = arith.cmpf olt, %scan3A_97#3, %broadcast_in_dim3A_23 : vector<16xf32>
    %select_n3A_127 = arith.select %lt3A_126, %scan3A_97#3, %broadcast_in_dim3A_23 : vector<16xi1>, vector<16xf32>
    %select_n3A_128 = arith.select %lt3A_126, %add3A_125, %broadcast_in_dim3A_39 : vector<16xi1>, vector<16xi32>
    %add3A_129 = arith.constant 64 : i32
    %add3A_130 = arith.addi %mul3A_102, %add3A_129 : i32
    %add3A_131 = vector.broadcast %add3A_130 : i32 to vector<16xi32>
    %add3A_132 = arith.addi %iota3A, %add3A_131 : vector<16xi32>
    %lt3A_133 = arith.cmpf olt, %scan3A_97#4, %broadcast_in_dim3A_25 : vector<16xf32>
    %select_n3A_134 = arith.select %lt3A_133, %scan3A_97#4, %broadcast_in_dim3A_25 : vector<16xi1>, vector<16xf32>
    %select_n3A_135 = arith.select %lt3A_133, %add3A_132, %broadcast_in_dim3A_41 : vector<16xi1>, vector<16xi32>
    %add3A_136 = arith.constant 80 : i32
    %add3A_137 = arith.addi %mul3A_102, %add3A_136 : i32
    %add3A_138 = vector.broadcast %add3A_137 : i32 to vector<16xi32>
    %add3A_139 = arith.addi %iota3A, %add3A_138 : vector<16xi32>
    %lt3A_140 = arith.cmpf olt, %scan3A_97#5, %broadcast_in_dim3A_27 : vector<16xf32>
    %select_n3A_141 = arith.select %lt3A_140, %scan3A_97#5, %broadcast_in_dim3A_27 : vector<16xi1>, vector<16xf32>
    %select_n3A_142 = arith.select %lt3A_140, %add3A_139, %broadcast_in_dim3A_43 : vector<16xi1>, vector<16xi32>
    %add3A_143 = arith.constant 96 : i32
    %add3A_144 = arith.addi %mul3A_102, %add3A_143 : i32
    %add3A_145 = vector.broadcast %add3A_144 : i32 to vector<16xi32>
    %add3A_146 = arith.addi %iota3A, %add3A_145 : vector<16xi32>
    %lt3A_147 = arith.cmpf olt, %scan3A_97#6, %broadcast_in_dim3A_29 : vector<16xf32>
    %select_n3A_148 = arith.select %lt3A_147, %scan3A_97#6, %broadcast_in_dim3A_29 : vector<16xi1>, vector<16xf32>
    %select_n3A_149 = arith.select %lt3A_147, %add3A_146, %broadcast_in_dim3A_45 : vector<16xi1>, vector<16xi32>
    %add3A_150 = arith.constant 112 : i32
    %add3A_151 = arith.addi %mul3A_102, %add3A_150 : i32
    %add3A_152 = vector.broadcast %add3A_151 : i32 to vector<16xi32>
    %add3A_153 = arith.addi %iota3A, %add3A_152 : vector<16xi32>
    %lt3A_154 = arith.cmpf olt, %scan3A_97#7, %broadcast_in_dim3A_31 : vector<16xf32>
    %select_n3A_155 = arith.select %lt3A_154, %scan3A_97#7, %broadcast_in_dim3A_31 : vector<16xi1>, vector<16xf32>
    %select_n3A_156 = arith.select %lt3A_154, %add3A_153, %broadcast_in_dim3A_47 : vector<16xi1>, vector<16xi32>
    %add3A_157 = arith.constant 64 : i32
    %add3A_158 = arith.addi %add3A, %add3A_157 : i32
    %mul3A_159 = arith.constant 128 : i32
    %mul3A_160 = arith.muli %add3A_158, %mul3A_159 : i32
    %multiple_of3A_161 = tpu.assume_multiple %mul3A_160, 128 : i32
    %dma_start3A_162 = arith.constant 0 : i32
    %dma_start3A_163 = arith.constant 0 : i32
    %dma_start3A_164 = arith.constant 0 : i32
    %dma_start3A_165 = tpu.memref_slice %arg7[%dma_start3A_162, %dma_start3A_163, %dma_start3A_164] : memref<2x64x128xf32, #tpu.memory_space<vmem>> -> memref<1x64x128xf32, #tpu.memory_space<vmem>>
    %dma_start3A_166 = tpu.memref_squeeze %dma_start3A_165 : memref<1x64x128xf32, #tpu.memory_space<vmem>> -> memref<64x128xf32, #tpu.memory_space<vmem>>
    %dma_start3A_167 = arith.constant 0 : i32
    %dma_start3A_168 = tpu.memref_slice %arg2[%dma_start3A_167, %multiple_of3A_161] : memref<64x100000xf32, #tpu.memory_space<hbm>> -> memref<64x128xf32, #tpu.memory_space<hbm>>
    %dma_start3A_169 = arith.constant 0 : i32
    %dma_start3A_170 = arith.constant 0 : i32
    %dma_start3A_171 = tpu.memref_slice %arg7[%dma_start3A_162, %dma_start3A_169, %dma_start3A_170] : memref<2x64x128xf32, #tpu.memory_space<vmem>> -> memref<1x64x128xf32, #tpu.memory_space<vmem>>
    %dma_start3A_172 = tpu.memref_squeeze %dma_start3A_171 : memref<1x64x128xf32, #tpu.memory_space<vmem>> -> memref<64x128xf32, #tpu.memory_space<vmem>>
    %dma_start3A_173 = arith.constant 0 : i32
    %dma_start3A_174 = tpu.memref_slice %arg2[%dma_start3A_173, %multiple_of3A_161] : memref<64x100000xf32, #tpu.memory_space<hbm>> -> memref<64x128xf32, #tpu.memory_space<hbm>>
    tpu.enqueue_dma source(%dma_start3A_174 : memref<64x128xf32, #tpu.memory_space<hbm>>) target(%dma_start3A_172 : memref<64x128xf32, #tpu.memory_space<vmem>>) target_semaphore(%arg10 : memref<!tpu.dma_semaphore, #tpu.memory_space<semaphore_mem>>)
    %dma_wait3A_175 = arith.constant 1 : i32
    %dma_wait3A_176 = arith.constant 0 : i32
    %dma_wait3A_177 = arith.constant 0 : i32
    %dma_wait3A_178 = tpu.memref_slice %arg7[%dma_wait3A_175, %dma_wait3A_176, %dma_wait3A_177] : memref<2x64x128xf32, #tpu.memory_space<vmem>> -> memref<1x64x128xf32, #tpu.memory_space<vmem>>
    %dma_wait3A_179 = tpu.memref_squeeze %dma_wait3A_178 : memref<1x64x128xf32, #tpu.memory_space<vmem>> -> memref<64x128xf32, #tpu.memory_space<vmem>>
    %dma_wait3A_180 = arith.constant 0 : i32
    %dma_wait3A_181 = tpu.memref_slice %arg2[%dma_wait3A_180, %multiple_of3A_52] : memref<64x100000xf32, #tpu.memory_space<hbm>> -> memref<64x128xf32, #tpu.memory_space<hbm>>
    %dma_wait3A_182 = arith.constant 0 : i32
    %dma_wait3A_183 = arith.constant 0 : i32
    %dma_wait3A_184 = tpu.memref_slice %arg7[%dma_wait3A_175, %dma_wait3A_182, %dma_wait3A_183] : memref<2x64x128xf32, #tpu.memory_space<vmem>> -> memref<1x64x128xf32, #tpu.memory_space<vmem>>
    %dma_wait3A_185 = tpu.memref_squeeze %dma_wait3A_184 : memref<1x64x128xf32, #tpu.memory_space<vmem>> -> memref<64x128xf32, #tpu.memory_space<vmem>>
    %dma_wait3A_186 = arith.constant 0 : i32
    %dma_wait3A_187 = tpu.memref_slice %arg2[%dma_wait3A_186, %multiple_of3A_52] : memref<64x100000xf32, #tpu.memory_space<hbm>> -> memref<64x128xf32, #tpu.memory_space<hbm>>
    tpu.wait_dma2 semaphore(%arg11 : memref<!tpu.dma_semaphore, #tpu.memory_space<semaphore_mem>>) src(%dma_wait3A_187 : memref<64x128xf32, #tpu.memory_space<hbm>>) dst(%dma_wait3A_185 : memref<64x128xf32, #tpu.memory_space<vmem>>)
    %broadcast_in_dim3A_188 = arith.constant 0.000000e+00 : f32
    %broadcast_in_dim3A_189 = vector.broadcast %broadcast_in_dim3A_188 : f32 to vector<16xf32>
    %broadcast_in_dim3A_190 = arith.constant 0.000000e+00 : f32
    %broadcast_in_dim3A_191 = vector.broadcast %broadcast_in_dim3A_190 : f32 to vector<16xf32>
    %broadcast_in_dim3A_192 = arith.constant 0.000000e+00 : f32
    %broadcast_in_dim3A_193 = vector.broadcast %broadcast_in_dim3A_192 : f32 to vector<16xf32>
    %broadcast_in_dim3A_194 = arith.constant 0.000000e+00 : f32
    %broadcast_in_dim3A_195 = vector.broadcast %broadcast_in_dim3A_194 : f32 to vector<16xf32>
    %broadcast_in_dim3A_196 = arith.constant 0.000000e+00 : f32
    %broadcast_in_dim3A_197 = vector.broadcast %broadcast_in_dim3A_196 : f32 to vector<16xf32>
    %broadcast_in_dim3A_198 = arith.constant 0.000000e+00 : f32
    %broadcast_in_dim3A_199 = vector.broadcast %broadcast_in_dim3A_198 : f32 to vector<16xf32>
    %broadcast_in_dim3A_200 = arith.constant 0.000000e+00 : f32
    %broadcast_in_dim3A_201 = vector.broadcast %broadcast_in_dim3A_200 : f32 to vector<16xf32>
    %broadcast_in_dim3A_202 = arith.constant 0.000000e+00 : f32
    %broadcast_in_dim3A_203 = vector.broadcast %broadcast_in_dim3A_202 : f32 to vector<16xf32>
    %scan3A_204 = arith.constant 0 : i32
    %scan3A_205 = arith.constant 64 : i32
    %scan3A_206 = arith.addi %scan3A_204, %scan3A_205 : i32
    %scan3A_207 = arith.constant 1 : i32
    %scan3A_208:8 = scf.for %scan3A_1435 = %scan3A_204 to %scan3A_206 step %scan3A_207 iter_args(%scan3A_1436 = %broadcast_in_dim3A_189, %scan3A_1437 = %broadcast_in_dim3A_191, %scan3A_1438 = %broadcast_in_dim3A_193, %scan3A_1439 = %broadcast_in_dim3A_195, %scan3A_1440 = %broadcast_in_dim3A_197, %scan3A_1441 = %broadcast_in_dim3A_199, %scan3A_1442 = %broadcast_in_dim3A_201, %scan3A_1443 = %broadcast_in_dim3A_203) -> (vector<16xf32>, vector<16xf32>, vector<16xf32>, vector<16xf32>, vector<16xf32>, vector<16xf32>, vector<16xf32>, vector<16xf32>)  : i32 {
      %broadcast_in_dim3A_1444 = vector.broadcast %scan3A_1435 : i32 to vector<16xi32>
      %gather3A = tpu.vector_load_idx %arg6[%broadcast_in_dim3A_1444] : memref<64xf32, #tpu.memory_space<vmem>>[vector<16xi32>], vector<16xf32>,
      %get3A = arith.constant 1 : i32
      %get3A_1445 = arith.index_cast %get3A : i32 to index
      %get3A_1446 = arith.index_cast %scan3A_1435 : i32 to index
      %get3A_1447 = arith.constant 0 : index
      %get3A_1448 = tpu.vector_load %arg7[%get3A_1445, %get3A_1446, %get3A_1447] {strides = array<i32>} : memref<2x64x128xf32, #tpu.memory_space<vmem>>, vector<16xf32>,
      %sub3A = arith.subf %get3A_1448, %gather3A : vector<16xf32>
      %mul3A_1449 = arith.mulf %sub3A, %sub3A : vector<16xf32>
      %add3A_1450 = arith.addf %scan3A_1436, %mul3A_1449 : vector<16xf32>
      %get3A_1451 = arith.constant 1 : i32
      %get3A_1452 = arith.index_cast %get3A_1451 : i32 to index
      %get3A_1453 = arith.index_cast %scan3A_1435 : i32 to index
      %get3A_1454 = arith.constant 16 : index
      %get3A_1455 = tpu.vector_load %arg7[%get3A_1452, %get3A_1453, %get3A_1454] {strides = array<i32>} : memref<2x64x128xf32, #tpu.memory_space<vmem>>, vector<16xf32>,
      %sub3A_1456 = arith.subf %get3A_1455, %gather3A : vector<16xf32>
      %mul3A_1457 = arith.mulf %sub3A_1456, %sub3A_1456 : vector<16xf32>
      %add3A_1458 = arith.addf %scan3A_1437, %mul3A_1457 : vector<16xf32>
      %get3A_1459 = arith.constant 1 : i32
      %get3A_1460 = arith.index_cast %get3A_1459 : i32 to index
      %get3A_1461 = arith.index_cast %scan3A_1435 : i32 to index
      %get3A_1462 = arith.constant 32 : index
      %get3A_1463 = tpu.vector_load %arg7[%get3A_1460, %get3A_1461, %get3A_1462] {strides = array<i32>} : memref<2x64x128xf32, #tpu.memory_space<vmem>>, vector<16xf32>,
      %sub3A_1464 = arith.subf %get3A_1463, %gather3A : vector<16xf32>
      %mul3A_1465 = arith.mulf %sub3A_1464, %sub3A_1464 : vector<16xf32>
      %add3A_1466 = arith.addf %scan3A_1438, %mul3A_1465 : vector<16xf32>
      %get3A_1467 = arith.constant 1 : i32
      %get3A_1468 = arith.index_cast %get3A_1467 : i32 to index
      %get3A_1469 = arith.index_cast %scan3A_1435 : i32 to index
      %get3A_1470 = arith.constant 48 : index
      %get3A_1471 = tpu.vector_load %arg7[%get3A_1468, %get3A_1469, %get3A_1470] {strides = array<i32>} : memref<2x64x128xf32, #tpu.memory_space<vmem>>, vector<16xf32>,
      %sub3A_1472 = arith.subf %get3A_1471, %gather3A : vector<16xf32>
      %mul3A_1473 = arith.mulf %sub3A_1472, %sub3A_1472 : vector<16xf32>
      %add3A_1474 = arith.addf %scan3A_1439, %mul3A_1473 : vector<16xf32>
      %get3A_1475 = arith.constant 1 : i32
      %get3A_1476 = arith.index_cast %get3A_1475 : i32 to index
      %get3A_1477 = arith.index_cast %scan3A_1435 : i32 to index
      %get3A_1478 = arith.constant 64 : index
      %get3A_1479 = tpu.vector_load %arg7[%get3A_1476, %get3A_1477, %get3A_1478] {strides = array<i32>} : memref<2x64x128xf32, #tpu.memory_space<vmem>>, vector<16xf32>,
      %sub3A_1480 = arith.subf %get3A_1479, %gather3A : vector<16xf32>
      %mul3A_1481 = arith.mulf %sub3A_1480, %sub3A_1480 : vector<16xf32>
      %add3A_1482 = arith.addf %scan3A_1440, %mul3A_1481 : vector<16xf32>
      %get3A_1483 = arith.constant 1 : i32
      %get3A_1484 = arith.index_cast %get3A_1483 : i32 to index
      %get3A_1485 = arith.index_cast %scan3A_1435 : i32 to index
      %get3A_1486 = arith.constant 80 : index
      %get3A_1487 = tpu.vector_load %arg7[%get3A_1484, %get3A_1485, %get3A_1486] {strides = array<i32>} : memref<2x64x128xf32, #tpu.memory_space<vmem>>, vector<16xf32>,
      %sub3A_1488 = arith.subf %get3A_1487, %gather3A : vector<16xf32>
      %mul3A_1489 = arith.mulf %sub3A_1488, %sub3A_1488 : vector<16xf32>
      %add3A_1490 = arith.addf %scan3A_1441, %mul3A_1489 : vector<16xf32>
      %get3A_1491 = arith.constant 1 : i32
      %get3A_1492 = arith.index_cast %get3A_1491 : i32 to index
      %get3A_1493 = arith.index_cast %scan3A_1435 : i32 to index
      %get3A_1494 = arith.constant 96 : index
      %get3A_1495 = tpu.vector_load %arg7[%get3A_1492, %get3A_1493, %get3A_1494] {strides = array<i32>} : memref<2x64x128xf32, #tpu.memory_space<vmem>>, vector<16xf32>,
      %sub3A_1496 = arith.subf %get3A_1495, %gather3A : vector<16xf32>
      %mul3A_1497 = arith.mulf %sub3A_1496, %sub3A_1496 : vector<16xf32>
      %add3A_1498 = arith.addf %scan3A_1442, %mul3A_1497 : vector<16xf32>
      %get3A_1499 = arith.constant 1 : i32
      %get3A_1500 = arith.index_cast %get3A_1499 : i32 to index
      %get3A_1501 = arith.index_cast %scan3A_1435 : i32 to index
      %get3A_1502 = arith.constant 112 : index
      %get3A_1503 = tpu.vector_load %arg7[%get3A_1500, %get3A_1501, %get3A_1502] {strides = array<i32>} : memref<2x64x128xf32, #tpu.memory_space<vmem>>, vector<16xf32>,
      %sub3A_1504 = arith.subf %get3A_1503, %gather3A : vector<16xf32>
      %mul3A_1505 = arith.mulf %sub3A_1504, %sub3A_1504 : vector<16xf32>
      %add3A_1506 = arith.addf %scan3A_1443, %mul3A_1505 : vector<16xf32>
      scf.yield %add3A_1450, %add3A_1458, %add3A_1466, %add3A_1474, %add3A_1482, %add3A_1490, %add3A_1498, %add3A_1506 : vector<16xf32>, vector<16xf32>, vector<16xf32>, vector<16xf32>, vector<16xf32>, vector<16xf32>, vector<16xf32>, vector<16xf32>
    }
    %scan3A_209 = arith.constant 64 : i32
    %add3A_210 = arith.constant 32 : i32
    %add3A_211 = arith.addi %add3A, %add3A_210 : i32
    %mul3A_212 = arith.constant 128 : i32
    %mul3A_213 = arith.muli %add3A_211, %mul3A_212 : i32
    %add3A_214 = arith.constant 0 : i32
    %add3A_215 = arith.addi %mul3A_213, %add3A_214 : i32
    %add3A_216 = vector.broadcast %add3A_215 : i32 to vector<16xi32>
    %add3A_217 = arith.addi %iota3A, %add3A_216 : vector<16xi32>
    %lt3A_218 = arith.cmpf olt, %scan3A_208#0, %select_n3A : vector<16xf32>
    %select_n3A_219 = arith.select %lt3A_218, %scan3A_208#0, %select_n3A : vector<16xi1>, vector<16xf32>
    %select_n3A_220 = arith.select %lt3A_218, %add3A_217, %select_n3A_107 : vector<16xi1>, vector<16xi32>
    %add3A_221 = arith.constant 16 : i32
    %add3A_222 = arith.addi %mul3A_213, %add3A_221 : i32
    %add3A_223 = vector.broadcast %add3A_222 : i32 to vector<16xi32>
    %add3A_224 = arith.addi %iota3A, %add3A_223 : vector<16xi32>
    %lt3A_225 = arith.cmpf olt, %scan3A_208#1, %select_n3A_113 : vector<16xf32>
    %select_n3A_226 = arith.select %lt3A_225, %scan3A_208#1, %select_n3A_113 : vector<16xi1>, vector<16xf32>
    %select_n3A_227 = arith.select %lt3A_225, %add3A_224, %select_n3A_114 : vector<16xi1>, vector<16xi32>
    %add3A_228 = arith.constant 32 : i32
    %add3A_229 = arith.addi %mul3A_213, %add3A_228 : i32
    %add3A_230 = vector.broadcast %add3A_229 : i32 to vector<16xi32>
    %add3A_231 = arith.addi %iota3A, %add3A_230 : vector<16xi32>
    %lt3A_232 = arith.cmpf olt, %scan3A_208#2, %select_n3A_120 : vector<16xf32>
    %select_n3A_233 = arith.select %lt3A_232, %scan3A_208#2, %select_n3A_120 : vector<16xi1>, vector<16xf32>
    %select_n3A_234 = arith.select %lt3A_232, %add3A_231, %select_n3A_121 : vector<16xi1>, vector<16xi32>
    %add3A_235 = arith.constant 48 : i32
    %add3A_236 = arith.addi %mul3A_213, %add3A_235 : i32
    %add3A_237 = vector.broadcast %add3A_236 : i32 to vector<16xi32>
    %add3A_238 = arith.addi %iota3A, %add3A_237 : vector<16xi32>
    %lt3A_239 = arith.cmpf olt, %scan3A_208#3, %select_n3A_127 : vector<16xf32>
    %select_n3A_240 = arith.select %lt3A_239, %scan3A_208#3, %select_n3A_127 : vector<16xi1>, vector<16xf32>
    %select_n3A_241 = arith.select %lt3A_239, %add3A_238, %select_n3A_128 : vector<16xi1>, vector<16xi32>
    %add3A_242 = arith.constant 64 : i32
    %add3A_243 = arith.addi %mul3A_213, %add3A_242 : i32
    %add3A_244 = vector.broadcast %add3A_243 : i32 to vector<16xi32>
    %add3A_245 = arith.addi %iota3A, %add3A_244 : vector<16xi32>
    %lt3A_246 = arith.cmpf olt, %scan3A_208#4, %select_n3A_134 : vector<16xf32>
    %select_n3A_247 = arith.select %lt3A_246, %scan3A_208#4, %select_n3A_134 : vector<16xi1>, vector<16xf32>
    %select_n3A_248 = arith.select %lt3A_246, %add3A_245, %select_n3A_135 : vector<16xi1>, vector<16xi32>
    %add3A_249 = arith.constant 80 : i32
    %add3A_250 = arith.addi %mul3A_213, %add3A_249 : i32
    %add3A_251 = vector.broadcast %add3A_250 : i32 to vector<16xi32>
    %add3A_252 = arith.addi %iota3A, %add3A_251 : vector<16xi32>
    %lt3A_253 = arith.cmpf olt, %scan3A_208#5, %select_n3A_141 : vector<16xf32>
    %select_n3A_254 = arith.select %lt3A_253, %scan3A_208#5, %select_n3A_141 : vector<16xi1>, vector<16xf32>
    %select_n3A_255 = arith.select %lt3A_253, %add3A_252, %select_n3A_142 : vector<16xi1>, vector<16xi32>
    %add3A_256 = arith.constant 96 : i32
    %add3A_257 = arith.addi %mul3A_213, %add3A_256 : i32
    %add3A_258 = vector.broadcast %add3A_257 : i32 to vector<16xi32>
    %add3A_259 = arith.addi %iota3A, %add3A_258 : vector<16xi32>
    %lt3A_260 = arith.cmpf olt, %scan3A_208#6, %select_n3A_148 : vector<16xf32>
    %select_n3A_261 = arith.select %lt3A_260, %scan3A_208#6, %select_n3A_148 : vector<16xi1>, vector<16xf32>
    %select_n3A_262 = arith.select %lt3A_260, %add3A_259, %select_n3A_149 : vector<16xi1>, vector<16xi32>
    %add3A_263 = arith.constant 112 : i32
    %add3A_264 = arith.addi %mul3A_213, %add3A_263 : i32
    %add3A_265 = vector.broadcast %add3A_264 : i32 to vector<16xi32>
    %add3A_266 = arith.addi %iota3A, %add3A_265 : vector<16xi32>
    %lt3A_267 = arith.cmpf olt, %scan3A_208#7, %select_n3A_155 : vector<16xf32>
    %select_n3A_268 = arith.select %lt3A_267, %scan3A_208#7, %select_n3A_155 : vector<16xi1>, vector<16xf32>
    %select_n3A_269 = arith.select %lt3A_267, %add3A_266, %select_n3A_156 : vector<16xi1>, vector<16xi32>
    %add3A_270 = arith.constant 96 : i32
    %add3A_271 = arith.addi %add3A, %add3A_270 : i32
    %mul3A_272 = arith.constant 128 : i32
    %mul3A_273 = arith.muli %add3A_271, %mul3A_272 : i32
    %multiple_of3A_274 = tpu.assume_multiple %mul3A_273, 128 : i32
    %dma_start3A_275 = arith.constant 1 : i32
    %dma_start3A_276 = arith.constant 0 : i32
    %dma_start3A_277 = arith.constant 0 : i32
    %dma_start3A_278 = tpu.memref_slice %arg7[%dma_start3A_275, %dma_start3A_276, %dma_start3A_277] : memref<2x64x128xf32, #tpu.memory_space<vmem>> -> memref<1x64x128xf32, #tpu.memory_space<vmem>>
    %dma_start3A_279 = tpu.memref_squeeze %dma_start3A_278 : memref<1x64x128xf32, #tpu.memory_space<vmem>> -> memref<64x128xf32, #tpu.memory_space<vmem>>
    %dma_start3A_280 = arith.constant 0 : i32
    %dma_start3A_281 = tpu.memref_slice %arg2[%dma_start3A_280, %multiple_of3A_274] : memref<64x100000xf32, #tpu.memory_space<hbm>> -> memref<64x128xf32, #tpu.memory_space<hbm>>
    %dma_start3A_282 = arith.constant 0 : i32
    %dma_start3A_283 = arith.constant 0 : i32
    %dma_start3A_284 = tpu.memref_slice %arg7[%dma_start3A_275, %dma_start3A_282, %dma_start3A_283] : memref<2x64x128xf32, #tpu.memory_space<vmem>> -> memref<1x64x128xf32, #tpu.memory_space<vmem>>
    %dma_start3A_285 = tpu.memref_squeeze %dma_start3A_284 : memref<1x64x128xf32, #tpu.memory_space<vmem>> -> memref<64x128xf32, #tpu.memory_space<vmem>>
    %dma_start3A_286 = arith.constant 0 : i32
    %dma_start3A_287 = tpu.memref_slice %arg2[%dma_start3A_286, %multiple_of3A_274] : memref<64x100000xf32, #tpu.memory_space<hbm>> -> memref<64x128xf32, #tpu.memory_space<hbm>>
    tpu.enqueue_dma source(%dma_start3A_287 : memref<64x128xf32, #tpu.memory_space<hbm>>) target(%dma_start3A_285 : memref<64x128xf32, #tpu.memory_space<vmem>>) target_semaphore(%arg11 : memref<!tpu.dma_semaphore, #tpu.memory_space<semaphore_mem>>)
    %dma_wait3A_288 = arith.constant 0 : i32
    %dma_wait3A_289 = arith.constant 0 : i32
    %dma_wait3A_290 = arith.constant 0 : i32
    %dma_wait3A_291 = tpu.memref_slice %arg7[%dma_wait3A_288, %dma_wait3A_289, %dma_wait3A_290] : memref<2x64x128xf32, #tpu.memory_space<vmem>> -> memref<1x64x128xf32, #tpu.memory_space<vmem>>
    %dma_wait3A_292 = tpu.memref_squeeze %dma_wait3A_291 : memref<1x64x128xf32, #tpu.memory_space<vmem>> -> memref<64x128xf32, #tpu.memory_space<vmem>>
    %dma_wait3A_293 = arith.constant 0 : i32
    %dma_wait3A_294 = tpu.memref_slice %arg2[%dma_wait3A_293, %multiple_of3A_161] : memref<64x100000xf32, #tpu.memory_space<hbm>> -> memref<64x128xf32, #tpu.memory_space<hbm>>
    %dma_wait3A_295 = arith.constant 0 : i32
    %dma_wait3A_296 = arith.constant 0 : i32
    %dma_wait3A_297 = tpu.memref_slice %arg7[%dma_wait3A_288, %dma_wait3A_295, %dma_wait3A_296] : memref<2x64x128xf32, #tpu.memory_space<vmem>> -> memref<1x64x128xf32, #tpu.memory_space<vmem>>
    %dma_wait3A_298 = tpu.memref_squeeze %dma_wait3A_297 : memref<1x64x128xf32, #tpu.memory_space<vmem>> -> memref<64x128xf32, #tpu.memory_space<vmem>>
    %dma_wait3A_299 = arith.constant 0 : i32
    %dma_wait3A_300 = tpu.memref_slice %arg2[%dma_wait3A_299, %multiple_of3A_161] : memref<64x100000xf32, #tpu.memory_space<hbm>> -> memref<64x128xf32, #tpu.memory_space<hbm>>
    tpu.wait_dma2 semaphore(%arg10 : memref<!tpu.dma_semaphore, #tpu.memory_space<semaphore_mem>>) src(%dma_wait3A_300 : memref<64x128xf32, #tpu.memory_space<hbm>>) dst(%dma_wait3A_298 : memref<64x128xf32, #tpu.memory_space<vmem>>)
    %broadcast_in_dim3A_301 = arith.constant 0.000000e+00 : f32
    %broadcast_in_dim3A_302 = vector.broadcast %broadcast_in_dim3A_301 : f32 to vector<16xf32>
    %broadcast_in_dim3A_303 = arith.constant 0.000000e+00 : f32
    %broadcast_in_dim3A_304 = vector.broadcast %broadcast_in_dim3A_303 : f32 to vector<16xf32>
    %broadcast_in_dim3A_305 = arith.constant 0.000000e+00 : f32
    %broadcast_in_dim3A_306 = vector.broadcast %broadcast_in_dim3A_305 : f32 to vector<16xf32>
    %broadcast_in_dim3A_307 = arith.constant 0.000000e+00 : f32
    %broadcast_in_dim3A_308 = vector.broadcast %broadcast_in_dim3A_307 : f32 to vector<16xf32>
    %broadcast_in_dim3A_309 = arith.constant 0.000000e+00 : f32
    %broadcast_in_dim3A_310 = vector.broadcast %broadcast_in_dim3A_309 : f32 to vector<16xf32>
    %broadcast_in_dim3A_311 = arith.constant 0.000000e+00 : f32
    %broadcast_in_dim3A_312 = vector.broadcast %broadcast_in_dim3A_311 : f32 to vector<16xf32>
    %broadcast_in_dim3A_313 = arith.constant 0.000000e+00 : f32
    %broadcast_in_dim3A_314 = vector.broadcast %broadcast_in_dim3A_313 : f32 to vector<16xf32>
    %broadcast_in_dim3A_315 = arith.constant 0.000000e+00 : f32
    %broadcast_in_dim3A_316 = vector.broadcast %broadcast_in_dim3A_315 : f32 to vector<16xf32>
    %scan3A_317 = arith.constant 0 : i32
    %scan3A_318 = arith.constant 64 : i32
    %scan3A_319 = arith.addi %scan3A_317, %scan3A_318 : i32
    %scan3A_320 = arith.constant 1 : i32
    %scan3A_321:8 = scf.for %scan3A_1435 = %scan3A_317 to %scan3A_319 step %scan3A_320 iter_args(%scan3A_1436 = %broadcast_in_dim3A_302, %scan3A_1437 = %broadcast_in_dim3A_304, %scan3A_1438 = %broadcast_in_dim3A_306, %scan3A_1439 = %broadcast_in_dim3A_308, %scan3A_1440 = %broadcast_in_dim3A_310, %scan3A_1441 = %broadcast_in_dim3A_312, %scan3A_1442 = %broadcast_in_dim3A_314, %scan3A_1443 = %broadcast_in_dim3A_316) -> (vector<16xf32>, vector<16xf32>, vector<16xf32>, vector<16xf32>, vector<16xf32>, vector<16xf32>, vector<16xf32>, vector<16xf32>)  : i32 {
      %broadcast_in_dim3A_1444 = vector.broadcast %scan3A_1435 : i32 to vector<16xi32>
      %gather3A = tpu.vector_load_idx %arg6[%broadcast_in_dim3A_1444] : memref<64xf32, #tpu.memory_space<vmem>>[vector<16xi32>], vector<16xf32>,
      %get3A = arith.constant 0 : i32
      %get3A_1445 = arith.index_cast %get3A : i32 to index
      %get3A_1446 = arith.index_cast %scan3A_1435 : i32 to index
      %get3A_1447 = arith.constant 0 : index
      %get3A_1448 = tpu.vector_load %arg7[%get3A_1445, %get3A_1446, %get3A_1447] {strides = array<i32>} : memref<2x64x128xf32, #tpu.memory_space<vmem>>, vector<16xf32>,
      %sub3A = arith.subf %get3A_1448, %gather3A : vector<16xf32>
      %mul3A_1449 = arith.mulf %sub3A, %sub3A : vector<16xf32>
      %add3A_1450 = arith.addf %scan3A_1436, %mul3A_1449 : vector<16xf32>
      %get3A_1451 = arith.constant 0 : i32
      %get3A_1452 = arith.index_cast %get3A_1451 : i32 to index
      %get3A_1453 = arith.index_cast %scan3A_1435 : i32 to index
      %get3A_1454 = arith.constant 16 : index
      %get3A_1455 = tpu.vector_load %arg7[%get3A_1452, %get3A_1453, %get3A_1454] {strides = array<i32>} : memref<2x64x128xf32, #tpu.memory_space<vmem>>, vector<16xf32>,
      %sub3A_1456 = arith.subf %get3A_1455, %gather3A : vector<16xf32>
      %mul3A_1457 = arith.mulf %sub3A_1456, %sub3A_1456 : vector<16xf32>
      %add3A_1458 = arith.addf %scan3A_1437, %mul3A_1457 : vector<16xf32>
      %get3A_1459 = arith.constant 0 : i32
      %get3A_1460 = arith.index_cast %get3A_1459 : i32 to index
      %get3A_1461 = arith.index_cast %scan3A_1435 : i32 to index
      %get3A_1462 = arith.constant 32 : index
      %get3A_1463 = tpu.vector_load %arg7[%get3A_1460, %get3A_1461, %get3A_1462] {strides = array<i32>} : memref<2x64x128xf32, #tpu.memory_space<vmem>>, vector<16xf32>,
      %sub3A_1464 = arith.subf %get3A_1463, %gather3A : vector<16xf32>
      %mul3A_1465 = arith.mulf %sub3A_1464, %sub3A_1464 : vector<16xf32>
      %add3A_1466 = arith.addf %scan3A_1438, %mul3A_1465 : vector<16xf32>
      %get3A_1467 = arith.constant 0 : i32
      %get3A_1468 = arith.index_cast %get3A_1467 : i32 to index
      %get3A_1469 = arith.index_cast %scan3A_1435 : i32 to index
      %get3A_1470 = arith.constant 48 : index
      %get3A_1471 = tpu.vector_load %arg7[%get3A_1468, %get3A_1469, %get3A_1470] {strides = array<i32>} : memref<2x64x128xf32, #tpu.memory_space<vmem>>, vector<16xf32>,
      %sub3A_1472 = arith.subf %get3A_1471, %gather3A : vector<16xf32>
      %mul3A_1473 = arith.mulf %sub3A_1472, %sub3A_1472 : vector<16xf32>
      %add3A_1474 = arith.addf %scan3A_1439, %mul3A_1473 : vector<16xf32>
      %get3A_1475 = arith.constant 0 : i32
      %get3A_1476 = arith.index_cast %get3A_1475 : i32 to index
      %get3A_1477 = arith.index_cast %scan3A_1435 : i32 to index
      %get3A_1478 = arith.constant 64 : index
      %get3A_1479 = tpu.vector_load %arg7[%get3A_1476, %get3A_1477, %get3A_1478] {strides = array<i32>} : memref<2x64x128xf32, #tpu.memory_space<vmem>>, vector<16xf32>,
      %sub3A_1480 = arith.subf %get3A_1479, %gather3A : vector<16xf32>
      %mul3A_1481 = arith.mulf %sub3A_1480, %sub3A_1480 : vector<16xf32>
      %add3A_1482 = arith.addf %scan3A_1440, %mul3A_1481 : vector<16xf32>
      %get3A_1483 = arith.constant 0 : i32
      %get3A_1484 = arith.index_cast %get3A_1483 : i32 to index
      %get3A_1485 = arith.index_cast %scan3A_1435 : i32 to index
      %get3A_1486 = arith.constant 80 : index
      %get3A_1487 = tpu.vector_load %arg7[%get3A_1484, %get3A_1485, %get3A_1486] {strides = array<i32>} : memref<2x64x128xf32, #tpu.memory_space<vmem>>, vector<16xf32>,
      %sub3A_1488 = arith.subf %get3A_1487, %gather3A : vector<16xf32>
      %mul3A_1489 = arith.mulf %sub3A_1488, %sub3A_1488 : vector<16xf32>
      %add3A_1490 = arith.addf %scan3A_1441, %mul3A_1489 : vector<16xf32>
      %get3A_1491 = arith.constant 0 : i32
      %get3A_1492 = arith.index_cast %get3A_1491 : i32 to index
      %get3A_1493 = arith.index_cast %scan3A_1435 : i32 to index
      %get3A_1494 = arith.constant 96 : index
      %get3A_1495 = tpu.vector_load %arg7[%get3A_1492, %get3A_1493, %get3A_1494] {strides = array<i32>} : memref<2x64x128xf32, #tpu.memory_space<vmem>>, vector<16xf32>,
      %sub3A_1496 = arith.subf %get3A_1495, %gather3A : vector<16xf32>
      %mul3A_1497 = arith.mulf %sub3A_1496, %sub3A_1496 : vector<16xf32>
      %add3A_1498 = arith.addf %scan3A_1442, %mul3A_1497 : vector<16xf32>
      %get3A_1499 = arith.constant 0 : i32
      %get3A_1500 = arith.index_cast %get3A_1499 : i32 to index
      %get3A_1501 = arith.index_cast %scan3A_1435 : i32 to index
      %get3A_1502 = arith.constant 112 : index
      %get3A_1503 = tpu.vector_load %arg7[%get3A_1500, %get3A_1501, %get3A_1502] {strides = array<i32>} : memref<2x64x128xf32, #tpu.memory_space<vmem>>, vector<16xf32>,
      %sub3A_1504 = arith.subf %get3A_1503, %gather3A : vector<16xf32>
      %mul3A_1505 = arith.mulf %sub3A_1504, %sub3A_1504 : vector<16xf32>
      %add3A_1506 = arith.addf %scan3A_1443, %mul3A_1505 : vector<16xf32>
      scf.yield %add3A_1450, %add3A_1458, %add3A_1466, %add3A_1474, %add3A_1482, %add3A_1490, %add3A_1498, %add3A_1506 : vector<16xf32>, vector<16xf32>, vector<16xf32>, vector<16xf32>, vector<16xf32>, vector<16xf32>, vector<16xf32>, vector<16xf32>
    }
    %scan3A_322 = arith.constant 64 : i32
    %add3A_323 = arith.constant 64 : i32
    %add3A_324 = arith.addi %add3A, %add3A_323 : i32
    %mul3A_325 = arith.constant 128 : i32
    %mul3A_326 = arith.muli %add3A_324, %mul3A_325 : i32
    %add3A_327 = arith.constant 0 : i32
    %add3A_328 = arith.addi %mul3A_326, %add3A_327 : i32
    %add3A_329 = vector.broadcast %add3A_328 : i32 to vector<16xi32>
    %add3A_330 = arith.addi %iota3A, %add3A_329 : vector<16xi32>
    %lt3A_331 = arith.cmpf olt, %scan3A_321#0, %select_n3A_219 : vector<16xf32>
    %select_n3A_332 = arith.select %lt3A_331, %scan3A_321#0, %select_n3A_219 : vector<16xi1>, vector<16xf32>
    %select_n3A_333 = arith.select %lt3A_331, %add3A_330, %select_n3A_220 : vector<16xi1>, vector<16xi32>
    %add3A_334 = arith.constant 16 : i32
    %add3A_335 = arith.addi %mul3A_326, %add3A_334 : i32
    %add3A_336 = vector.broadcast %add3A_335 : i32 to vector<16xi32>
    %add3A_337 = arith.addi %iota3A, %add3A_336 : vector<16xi32>
    %lt3A_338 = arith.cmpf olt, %scan3A_321#1, %select_n3A_226 : vector<16xf32>
    %select_n3A_339 = arith.select %lt3A_338, %scan3A_321#1, %select_n3A_226 : vector<16xi1>, vector<16xf32>
    %select_n3A_340 = arith.select %lt3A_338, %add3A_337, %select_n3A_227 : vector<16xi1>, vector<16xi32>
    %add3A_341 = arith.constant 32 : i32
    %add3A_342 = arith.addi %mul3A_326, %add3A_341 : i32
    %add3A_343 = vector.broadcast %add3A_342 : i32 to vector<16xi32>
    %add3A_344 = arith.addi %iota3A, %add3A_343 : vector<16xi32>
    %lt3A_345 = arith.cmpf olt, %scan3A_321#2, %select_n3A_233 : vector<16xf32>
    %select_n3A_346 = arith.select %lt3A_345, %scan3A_321#2, %select_n3A_233 : vector<16xi1>, vector<16xf32>
    %select_n3A_347 = arith.select %lt3A_345, %add3A_344, %select_n3A_234 : vector<16xi1>, vector<16xi32>
    %add3A_348 = arith.constant 48 : i32
    %add3A_349 = arith.addi %mul3A_326, %add3A_348 : i32
    %add3A_350 = vector.broadcast %add3A_349 : i32 to vector<16xi32>
    %add3A_351 = arith.addi %iota3A, %add3A_350 : vector<16xi32>
    %lt3A_352 = arith.cmpf olt, %scan3A_321#3, %select_n3A_240 : vector<16xf32>
    %select_n3A_353 = arith.select %lt3A_352, %scan3A_321#3, %select_n3A_240 : vector<16xi1>, vector<16xf32>
    %select_n3A_354 = arith.select %lt3A_352, %add3A_351, %select_n3A_241 : vector<16xi1>, vector<16xi32>
    %add3A_355 = arith.constant 64 : i32
    %add3A_356 = arith.addi %mul3A_326, %add3A_355 : i32
    %add3A_357 = vector.broadcast %add3A_356 : i32 to vector<16xi32>
    %add3A_358 = arith.addi %iota3A, %add3A_357 : vector<16xi32>
    %lt3A_359 = arith.cmpf olt, %scan3A_321#4, %select_n3A_247 : vector<16xf32>
    %select_n3A_360 = arith.select %lt3A_359, %scan3A_321#4, %select_n3A_247 : vector<16xi1>, vector<16xf32>
    %select_n3A_361 = arith.select %lt3A_359, %add3A_358, %select_n3A_248 : vector<16xi1>, vector<16xi32>
    %add3A_362 = arith.constant 80 : i32
    %add3A_363 = arith.addi %mul3A_326, %add3A_362 : i32
    %add3A_364 = vector.broadcast %add3A_363 : i32 to vector<16xi32>
    %add3A_365 = arith.addi %iota3A, %add3A_364 : vector<16xi32>
    %lt3A_366 = arith.cmpf olt, %scan3A_321#5, %select_n3A_254 : vector<16xf32>
    %select_n3A_367 = arith.select %lt3A_366, %scan3A_321#5, %select_n3A_254 : vector<16xi1>, vector<16xf32>
    %select_n3A_368 = arith.select %lt3A_366, %add3A_365, %select_n3A_255 : vector<16xi1>, vector<16xi32>
    %add3A_369 = arith.constant 96 : i32
    %add3A_370 = arith.addi %mul3A_326, %add3A_369 : i32
    %add3A_371 = vector.broadcast %add3A_370 : i32 to vector<16xi32>
    %add3A_372 = arith.addi %iota3A, %add3A_371 : vector<16xi32>
    %lt3A_373 = arith.cmpf olt, %scan3A_321#6, %select_n3A_261 : vector<16xf32>
    %select_n3A_374 = arith.select %lt3A_373, %scan3A_321#6, %select_n3A_261 : vector<16xi1>, vector<16xf32>
    %select_n3A_375 = arith.select %lt3A_373, %add3A_372, %select_n3A_262 : vector<16xi1>, vector<16xi32>
    %add3A_376 = arith.constant 112 : i32
    %add3A_377 = arith.addi %mul3A_326, %add3A_376 : i32
    %add3A_378 = vector.broadcast %add3A_377 : i32 to vector<16xi32>
    %add3A_379 = arith.addi %iota3A, %add3A_378 : vector<16xi32>
    %lt3A_380 = arith.cmpf olt, %scan3A_321#7, %select_n3A_268 : vector<16xf32>
    %select_n3A_381 = arith.select %lt3A_380, %scan3A_321#7, %select_n3A_268 : vector<16xi1>, vector<16xf32>
    %select_n3A_382 = arith.select %lt3A_380, %add3A_379, %select_n3A_269 : vector<16xi1>, vector<16xi32>
    %add3A_383 = arith.constant 128 : i32
    %add3A_384 = arith.addi %add3A, %add3A_383 : i32
    %mul3A_385 = arith.constant 128 : i32
    %mul3A_386 = arith.muli %add3A_384, %mul3A_385 : i32
    %multiple_of3A_387 = tpu.assume_multiple %mul3A_386, 128 : i32
    %dma_start3A_388 = arith.constant 0 : i32
    %dma_start3A_389 = arith.constant 0 : i32
    %dma_start3A_390 = arith.constant 0 : i32
    %dma_start3A_391 = tpu.memref_slice %arg7[%dma_start3A_388, %dma_start3A_389, %dma_start3A_390] : memref<2x64x128xf32, #tpu.memory_space<vmem>> -> memref<1x64x128xf32, #tpu.memory_space<vmem>>
    %dma_start3A_392 = tpu.memref_squeeze %dma_start3A_391 : memref<1x64x128xf32, #tpu.memory_space<vmem>> -> memref<64x128xf32, #tpu.memory_space<vmem>>
    %dma_start3A_393 = arith.constant 0 : i32
    %dma_start3A_394 = tpu.memref_slice %arg2[%dma_start3A_393, %multiple_of3A_387] : memref<64x100000xf32, #tpu.memory_space<hbm>> -> memref<64x128xf32, #tpu.memory_space<hbm>>
    %dma_start3A_395 = arith.constant 0 : i32
    %dma_start3A_396 = arith.constant 0 : i32
    %dma_start3A_397 = tpu.memref_slice %arg7[%dma_start3A_388, %dma_start3A_395, %dma_start3A_396] : memref<2x64x128xf32, #tpu.memory_space<vmem>> -> memref<1x64x128xf32, #tpu.memory_space<vmem>>
    %dma_start3A_398 = tpu.memref_squeeze %dma_start3A_397 : memref<1x64x128xf32, #tpu.memory_space<vmem>> -> memref<64x128xf32, #tpu.memory_space<vmem>>
    %dma_start3A_399 = arith.constant 0 : i32
    %dma_start3A_400 = tpu.memref_slice %arg2[%dma_start3A_399, %multiple_of3A_387] : memref<64x100000xf32, #tpu.memory_space<hbm>> -> memref<64x128xf32, #tpu.memory_space<hbm>>
    tpu.enqueue_dma source(%dma_start3A_400 : memref<64x128xf32, #tpu.memory_space<hbm>>) target(%dma_start3A_398 : memref<64x128xf32, #tpu.memory_space<vmem>>) target_semaphore(%arg10 : memref<!tpu.dma_semaphore, #tpu.memory_space<semaphore_mem>>)
    %dma_wait3A_401 = arith.constant 1 : i32
    %dma_wait3A_402 = arith.constant 0 : i32
    %dma_wait3A_403 = arith.constant 0 : i32
    %dma_wait3A_404 = tpu.memref_slice %arg7[%dma_wait3A_401, %dma_wait3A_402, %dma_wait3A_403] : memref<2x64x128xf32, #tpu.memory_space<vmem>> -> memref<1x64x128xf32, #tpu.memory_space<vmem>>
    %dma_wait3A_405 = tpu.memref_squeeze %dma_wait3A_404 : memref<1x64x128xf32, #tpu.memory_space<vmem>> -> memref<64x128xf32, #tpu.memory_space<vmem>>
    %dma_wait3A_406 = arith.constant 0 : i32
    %dma_wait3A_407 = tpu.memref_slice %arg2[%dma_wait3A_406, %multiple_of3A_274] : memref<64x100000xf32, #tpu.memory_space<hbm>> -> memref<64x128xf32, #tpu.memory_space<hbm>>
    %dma_wait3A_408 = arith.constant 0 : i32
    %dma_wait3A_409 = arith.constant 0 : i32
    %dma_wait3A_410 = tpu.memref_slice %arg7[%dma_wait3A_401, %dma_wait3A_408, %dma_wait3A_409] : memref<2x64x128xf32, #tpu.memory_space<vmem>> -> memref<1x64x128xf32, #tpu.memory_space<vmem>>
    %dma_wait3A_411 = tpu.memref_squeeze %dma_wait3A_410 : memref<1x64x128xf32, #tpu.memory_space<vmem>> -> memref<64x128xf32, #tpu.memory_space<vmem>>
    %dma_wait3A_412 = arith.constant 0 : i32
    %dma_wait3A_413 = tpu.memref_slice %arg2[%dma_wait3A_412, %multiple_of3A_274] : memref<64x100000xf32, #tpu.memory_space<hbm>> -> memref<64x128xf32, #tpu.memory_space<hbm>>
    tpu.wait_dma2 semaphore(%arg11 : memref<!tpu.dma_semaphore, #tpu.memory_space<semaphore_mem>>) src(%dma_wait3A_413 : memref<64x128xf32, #tpu.memory_space<hbm>>) dst(%dma_wait3A_411 : memref<64x128xf32, #tpu.memory_space<vmem>>)
    %broadcast_in_dim3A_414 = arith.constant 0.000000e+00 : f32
    %broadcast_in_dim3A_415 = vector.broadcast %broadcast_in_dim3A_414 : f32 to vector<16xf32>
    %broadcast_in_dim3A_416 = arith.constant 0.000000e+00 : f32
    %broadcast_in_dim3A_417 = vector.broadcast %broadcast_in_dim3A_416 : f32 to vector<16xf32>
    %broadcast_in_dim3A_418 = arith.constant 0.000000e+00 : f32
    %broadcast_in_dim3A_419 = vector.broadcast %broadcast_in_dim3A_418 : f32 to vector<16xf32>
    %broadcast_in_dim3A_420 = arith.constant 0.000000e+00 : f32
    %broadcast_in_dim3A_421 = vector.broadcast %broadcast_in_dim3A_420 : f32 to vector<16xf32>
    %broadcast_in_dim3A_422 = arith.constant 0.000000e+00 : f32
    %broadcast_in_dim3A_423 = vector.broadcast %broadcast_in_dim3A_422 : f32 to vector<16xf32>
    %broadcast_in_dim3A_424 = arith.constant 0.000000e+00 : f32
    %broadcast_in_dim3A_425 = vector.broadcast %broadcast_in_dim3A_424 : f32 to vector<16xf32>
    %broadcast_in_dim3A_426 = arith.constant 0.000000e+00 : f32
    %broadcast_in_dim3A_427 = vector.broadcast %broadcast_in_dim3A_426 : f32 to vector<16xf32>
    %broadcast_in_dim3A_428 = arith.constant 0.000000e+00 : f32
    %broadcast_in_dim3A_429 = vector.broadcast %broadcast_in_dim3A_428 : f32 to vector<16xf32>
    %scan3A_430 = arith.constant 0 : i32
    %scan3A_431 = arith.constant 64 : i32
    %scan3A_432 = arith.addi %scan3A_430, %scan3A_431 : i32
    %scan3A_433 = arith.constant 1 : i32
    %scan3A_434:8 = scf.for %scan3A_1435 = %scan3A_430 to %scan3A_432 step %scan3A_433 iter_args(%scan3A_1436 = %broadcast_in_dim3A_415, %scan3A_1437 = %broadcast_in_dim3A_417, %scan3A_1438 = %broadcast_in_dim3A_419, %scan3A_1439 = %broadcast_in_dim3A_421, %scan3A_1440 = %broadcast_in_dim3A_423, %scan3A_1441 = %broadcast_in_dim3A_425, %scan3A_1442 = %broadcast_in_dim3A_427, %scan3A_1443 = %broadcast_in_dim3A_429) -> (vector<16xf32>, vector<16xf32>, vector<16xf32>, vector<16xf32>, vector<16xf32>, vector<16xf32>, vector<16xf32>, vector<16xf32>)  : i32 {
      %broadcast_in_dim3A_1444 = vector.broadcast %scan3A_1435 : i32 to vector<16xi32>
      %gather3A = tpu.vector_load_idx %arg6[%broadcast_in_dim3A_1444] : memref<64xf32, #tpu.memory_space<vmem>>[vector<16xi32>], vector<16xf32>,
      %get3A = arith.constant 1 : i32
      %get3A_1445 = arith.index_cast %get3A : i32 to index
      %get3A_1446 = arith.index_cast %scan3A_1435 : i32 to index
      %get3A_1447 = arith.constant 0 : index
      %get3A_1448 = tpu.vector_load %arg7[%get3A_1445, %get3A_1446, %get3A_1447] {strides = array<i32>} : memref<2x64x128xf32, #tpu.memory_space<vmem>>, vector<16xf32>,
      %sub3A = arith.subf %get3A_1448, %gather3A : vector<16xf32>
      %mul3A_1449 = arith.mulf %sub3A, %sub3A : vector<16xf32>
      %add3A_1450 = arith.addf %scan3A_1436, %mul3A_1449 : vector<16xf32>
      %get3A_1451 = arith.constant 1 : i32
      %get3A_1452 = arith.index_cast %get3A_1451 : i32 to index
      %get3A_1453 = arith.index_cast %scan3A_1435 : i32 to index
      %get3A_1454 = arith.constant 16 : index
      %get3A_1455 = tpu.vector_load %arg7[%get3A_1452, %get3A_1453, %get3A_1454] {strides = array<i32>} : memref<2x64x128xf32, #tpu.memory_space<vmem>>, vector<16xf32>,
      %sub3A_1456 = arith.subf %get3A_1455, %gather3A : vector<16xf32>
      %mul3A_1457 = arith.mulf %sub3A_1456, %sub3A_1456 : vector<16xf32>
      %add3A_1458 = arith.addf %scan3A_1437, %mul3A_1457 : vector<16xf32>
      %get3A_1459 = arith.constant 1 : i32
      %get3A_1460 = arith.index_cast %get3A_1459 : i32 to index
      %get3A_1461 = arith.index_cast %scan3A_1435 : i32 to index
      %get3A_1462 = arith.constant 32 : index
      %get3A_1463 = tpu.vector_load %arg7[%get3A_1460, %get3A_1461, %get3A_1462] {strides = array<i32>} : memref<2x64x128xf32, #tpu.memory_space<vmem>>, vector<16xf32>,
      %sub3A_1464 = arith.subf %get3A_1463, %gather3A : vector<16xf32>
      %mul3A_1465 = arith.mulf %sub3A_1464, %sub3A_1464 : vector<16xf32>
      %add3A_1466 = arith.addf %scan3A_1438, %mul3A_1465 : vector<16xf32>
      %get3A_1467 = arith.constant 1 : i32
      %get3A_1468 = arith.index_cast %get3A_1467 : i32 to index
      %get3A_1469 = arith.index_cast %scan3A_1435 : i32 to index
      %get3A_1470 = arith.constant 48 : index
      %get3A_1471 = tpu.vector_load %arg7[%get3A_1468, %get3A_1469, %get3A_1470] {strides = array<i32>} : memref<2x64x128xf32, #tpu.memory_space<vmem>>, vector<16xf32>,
      %sub3A_1472 = arith.subf %get3A_1471, %gather3A : vector<16xf32>
      %mul3A_1473 = arith.mulf %sub3A_1472, %sub3A_1472 : vector<16xf32>
      %add3A_1474 = arith.addf %scan3A_1439, %mul3A_1473 : vector<16xf32>
      %get3A_1475 = arith.constant 1 : i32
      %get3A_1476 = arith.index_cast %get3A_1475 : i32 to index
      %get3A_1477 = arith.index_cast %scan3A_1435 : i32 to index
      %get3A_1478 = arith.constant 64 : index
      %get3A_1479 = tpu.vector_load %arg7[%get3A_1476, %get3A_1477, %get3A_1478] {strides = array<i32>} : memref<2x64x128xf32, #tpu.memory_space<vmem>>, vector<16xf32>,
      %sub3A_1480 = arith.subf %get3A_1479, %gather3A : vector<16xf32>
      %mul3A_1481 = arith.mulf %sub3A_1480, %sub3A_1480 : vector<16xf32>
      %add3A_1482 = arith.addf %scan3A_1440, %mul3A_1481 : vector<16xf32>
      %get3A_1483 = arith.constant 1 : i32
      %get3A_1484 = arith.index_cast %get3A_1483 : i32 to index
      %get3A_1485 = arith.index_cast %scan3A_1435 : i32 to index
      %get3A_1486 = arith.constant 80 : index
      %get3A_1487 = tpu.vector_load %arg7[%get3A_1484, %get3A_1485, %get3A_1486] {strides = array<i32>} : memref<2x64x128xf32, #tpu.memory_space<vmem>>, vector<16xf32>,
      %sub3A_1488 = arith.subf %get3A_1487, %gather3A : vector<16xf32>
      %mul3A_1489 = arith.mulf %sub3A_1488, %sub3A_1488 : vector<16xf32>
      %add3A_1490 = arith.addf %scan3A_1441, %mul3A_1489 : vector<16xf32>
      %get3A_1491 = arith.constant 1 : i32
      %get3A_1492 = arith.index_cast %get3A_1491 : i32 to index
      %get3A_1493 = arith.index_cast %scan3A_1435 : i32 to index
      %get3A_1494 = arith.constant 96 : index
      %get3A_1495 = tpu.vector_load %arg7[%get3A_1492, %get3A_1493, %get3A_1494] {strides = array<i32>} : memref<2x64x128xf32, #tpu.memory_space<vmem>>, vector<16xf32>,
      %sub3A_1496 = arith.subf %get3A_1495, %gather3A : vector<16xf32>
      %mul3A_1497 = arith.mulf %sub3A_1496, %sub3A_1496 : vector<16xf32>
      %add3A_1498 = arith.addf %scan3A_1442, %mul3A_1497 : vector<16xf32>
      %get3A_1499 = arith.constant 1 : i32
      %get3A_1500 = arith.index_cast %get3A_1499 : i32 to index
      %get3A_1501 = arith.index_cast %scan3A_1435 : i32 to index
      %get3A_1502 = arith.constant 112 : index
      %get3A_1503 = tpu.vector_load %arg7[%get3A_1500, %get3A_1501, %get3A_1502] {strides = array<i32>} : memref<2x64x128xf32, #tpu.memory_space<vmem>>, vector<16xf32>,
      %sub3A_1504 = arith.subf %get3A_1503, %gather3A : vector<16xf32>
      %mul3A_1505 = arith.mulf %sub3A_1504, %sub3A_1504 : vector<16xf32>
      %add3A_1506 = arith.addf %scan3A_1443, %mul3A_1505 : vector<16xf32>
      scf.yield %add3A_1450, %add3A_1458, %add3A_1466, %add3A_1474, %add3A_1482, %add3A_1490, %add3A_1498, %add3A_1506 : vector<16xf32>, vector<16xf32>, vector<16xf32>, vector<16xf32>, vector<16xf32>, vector<16xf32>, vector<16xf32>, vector<16xf32>
    }
    %scan3A_435 = arith.constant 64 : i32
    %add3A_436 = arith.constant 96 : i32
    %add3A_437 = arith.addi %add3A, %add3A_436 : i32
    %mul3A_438 = arith.constant 128 : i32
    %mul3A_439 = arith.muli %add3A_437, %mul3A_438 : i32
    %add3A_440 = arith.constant 0 : i32
    %add3A_441 = arith.addi %mul3A_439, %add3A_440 : i32
    %add3A_442 = vector.broadcast %add3A_441 : i32 to vector<16xi32>
    %add3A_443 = arith.addi %iota3A, %add3A_442 : vector<16xi32>
    %lt3A_444 = arith.cmpf olt, %scan3A_434#0, %select_n3A_332 : vector<16xf32>
    %select_n3A_445 = arith.select %lt3A_444, %scan3A_434#0, %select_n3A_332 : vector<16xi1>, vector<16xf32>
    %select_n3A_446 = arith.select %lt3A_444, %add3A_443, %select_n3A_333 : vector<16xi1>, vector<16xi32>
    %add3A_447 = arith.constant 16 : i32
    %add3A_448 = arith.addi %mul3A_439, %add3A_447 : i32
    %add3A_449 = vector.broadcast %add3A_448 : i32 to vector<16xi32>
    %add3A_450 = arith.addi %iota3A, %add3A_449 : vector<16xi32>
    %lt3A_451 = arith.cmpf olt, %scan3A_434#1, %select_n3A_339 : vector<16xf32>
    %select_n3A_452 = arith.select %lt3A_451, %scan3A_434#1, %select_n3A_339 : vector<16xi1>, vector<16xf32>
    %select_n3A_453 = arith.select %lt3A_451, %add3A_450, %select_n3A_340 : vector<16xi1>, vector<16xi32>
    %add3A_454 = arith.constant 32 : i32
    %add3A_455 = arith.addi %mul3A_439, %add3A_454 : i32
    %add3A_456 = vector.broadcast %add3A_455 : i32 to vector<16xi32>
    %add3A_457 = arith.addi %iota3A, %add3A_456 : vector<16xi32>
    %lt3A_458 = arith.cmpf olt, %scan3A_434#2, %select_n3A_346 : vector<16xf32>
    %select_n3A_459 = arith.select %lt3A_458, %scan3A_434#2, %select_n3A_346 : vector<16xi1>, vector<16xf32>
    %select_n3A_460 = arith.select %lt3A_458, %add3A_457, %select_n3A_347 : vector<16xi1>, vector<16xi32>
    %add3A_461 = arith.constant 48 : i32
    %add3A_462 = arith.addi %mul3A_439, %add3A_461 : i32
    %add3A_463 = vector.broadcast %add3A_462 : i32 to vector<16xi32>
    %add3A_464 = arith.addi %iota3A, %add3A_463 : vector<16xi32>
    %lt3A_465 = arith.cmpf olt, %scan3A_434#3, %select_n3A_353 : vector<16xf32>
    %select_n3A_466 = arith.select %lt3A_465, %scan3A_434#3, %select_n3A_353 : vector<16xi1>, vector<16xf32>
    %select_n3A_467 = arith.select %lt3A_465, %add3A_464, %select_n3A_354 : vector<16xi1>, vector<16xi32>
    %add3A_468 = arith.constant 64 : i32
    %add3A_469 = arith.addi %mul3A_439, %add3A_468 : i32
    %add3A_470 = vector.broadcast %add3A_469 : i32 to vector<16xi32>
    %add3A_471 = arith.addi %iota3A, %add3A_470 : vector<16xi32>
    %lt3A_472 = arith.cmpf olt, %scan3A_434#4, %select_n3A_360 : vector<16xf32>
    %select_n3A_473 = arith.select %lt3A_472, %scan3A_434#4, %select_n3A_360 : vector<16xi1>, vector<16xf32>
    %select_n3A_474 = arith.select %lt3A_472, %add3A_471, %select_n3A_361 : vector<16xi1>, vector<16xi32>
    %add3A_475 = arith.constant 80 : i32
    %add3A_476 = arith.addi %mul3A_439, %add3A_475 : i32
    %add3A_477 = vector.broadcast %add3A_476 : i32 to vector<16xi32>
    %add3A_478 = arith.addi %iota3A, %add3A_477 : vector<16xi32>
    %lt3A_479 = arith.cmpf olt, %scan3A_434#5, %select_n3A_367 : vector<16xf32>
    %select_n3A_480 = arith.select %lt3A_479, %scan3A_434#5, %select_n3A_367 : vector<16xi1>, vector<16xf32>
    %select_n3A_481 = arith.select %lt3A_479, %add3A_478, %select_n3A_368 : vector<16xi1>, vector<16xi32>
    %add3A_482 = arith.constant 96 : i32
    %add3A_483 = arith.addi %mul3A_439, %add3A_482 : i32
    %add3A_484 = vector.broadcast %add3A_483 : i32 to vector<16xi32>
    %add3A_485 = arith.addi %iota3A, %add3A_484 : vector<16xi32>
    %lt3A_486 = arith.cmpf olt, %scan3A_434#6, %select_n3A_374 : vector<16xf32>
    %select_n3A_487 = arith.select %lt3A_486, %scan3A_434#6, %select_n3A_374 : vector<16xi1>, vector<16xf32>
    %select_n3A_488 = arith.select %lt3A_486, %add3A_485, %select_n3A_375 : vector<16xi1>, vector<16xi32>
    %add3A_489 = arith.constant 112 : i32
    %add3A_490 = arith.addi %mul3A_439, %add3A_489 : i32
    %add3A_491 = vector.broadcast %add3A_490 : i32 to vector<16xi32>
    %add3A_492 = arith.addi %iota3A, %add3A_491 : vector<16xi32>
    %lt3A_493 = arith.cmpf olt, %scan3A_434#7, %select_n3A_381 : vector<16xf32>
    %select_n3A_494 = arith.select %lt3A_493, %scan3A_434#7, %select_n3A_381 : vector<16xi1>, vector<16xf32>
    %select_n3A_495 = arith.select %lt3A_493, %add3A_492, %select_n3A_382 : vector<16xi1>, vector<16xi32>
    %add3A_496 = arith.constant 160 : i32
    %add3A_497 = arith.addi %add3A, %add3A_496 : i32
    %mul3A_498 = arith.constant 128 : i32
    %mul3A_499 = arith.muli %add3A_497, %mul3A_498 : i32
    %multiple_of3A_500 = tpu.assume_multiple %mul3A_499, 128 : i32
    %dma_start3A_501 = arith.constant 1 : i32
    %dma_start3A_502 = arith.constant 0 : i32
    %dma_start3A_503 = arith.constant 0 : i32
    %dma_start3A_504 = tpu.memref_slice %arg7[%dma_start3A_501, %dma_start3A_502, %dma_start3A_503] : memref<2x64x128xf32, #tpu.memory_space<vmem>> -> memref<1x64x128xf32, #tpu.memory_space<vmem>>
    %dma_start3A_505 = tpu.memref_squeeze %dma_start3A_504 : memref<1x64x128xf32, #tpu.memory_space<vmem>> -> memref<64x128xf32, #tpu.memory_space<vmem>>
    %dma_start3A_506 = arith.constant 0 : i32
    %dma_start3A_507 = tpu.memref_slice %arg2[%dma_start3A_506, %multiple_of3A_500] : memref<64x100000xf32, #tpu.memory_space<hbm>> -> memref<64x128xf32, #tpu.memory_space<hbm>>
    %dma_start3A_508 = arith.constant 0 : i32
    %dma_start3A_509 = arith.constant 0 : i32
    %dma_start3A_510 = tpu.memref_slice %arg7[%dma_start3A_501, %dma_start3A_508, %dma_start3A_509] : memref<2x64x128xf32, #tpu.memory_space<vmem>> -> memref<1x64x128xf32, #tpu.memory_space<vmem>>
    %dma_start3A_511 = tpu.memref_squeeze %dma_start3A_510 : memref<1x64x128xf32, #tpu.memory_space<vmem>> -> memref<64x128xf32, #tpu.memory_space<vmem>>
    %dma_start3A_512 = arith.constant 0 : i32
    %dma_start3A_513 = tpu.memref_slice %arg2[%dma_start3A_512, %multiple_of3A_500] : memref<64x100000xf32, #tpu.memory_space<hbm>> -> memref<64x128xf32, #tpu.memory_space<hbm>>
    tpu.enqueue_dma source(%dma_start3A_513 : memref<64x128xf32, #tpu.memory_space<hbm>>) target(%dma_start3A_511 : memref<64x128xf32, #tpu.memory_space<vmem>>) target_semaphore(%arg11 : memref<!tpu.dma_semaphore, #tpu.memory_space<semaphore_mem>>)
    %dma_wait3A_514 = arith.constant 0 : i32
    %dma_wait3A_515 = arith.constant 0 : i32
    %dma_wait3A_516 = arith.constant 0 : i32
    %dma_wait3A_517 = tpu.memref_slice %arg7[%dma_wait3A_514, %dma_wait3A_515, %dma_wait3A_516] : memref<2x64x128xf32, #tpu.memory_space<vmem>> -> memref<1x64x128xf32, #tpu.memory_space<vmem>>
    %dma_wait3A_518 = tpu.memref_squeeze %dma_wait3A_517 : memref<1x64x128xf32, #tpu.memory_space<vmem>> -> memref<64x128xf32, #tpu.memory_space<vmem>>
    %dma_wait3A_519 = arith.constant 0 : i32
    %dma_wait3A_520 = tpu.memref_slice %arg2[%dma_wait3A_519, %multiple_of3A_387] : memref<64x100000xf32, #tpu.memory_space<hbm>> -> memref<64x128xf32, #tpu.memory_space<hbm>>
    %dma_wait3A_521 = arith.constant 0 : i32
    %dma_wait3A_522 = arith.constant 0 : i32
    %dma_wait3A_523 = tpu.memref_slice %arg7[%dma_wait3A_514, %dma_wait3A_521, %dma_wait3A_522] : memref<2x64x128xf32, #tpu.memory_space<vmem>> -> memref<1x64x128xf32, #tpu.memory_space<vmem>>
    %dma_wait3A_524 = tpu.memref_squeeze %dma_wait3A_523 : memref<1x64x128xf32, #tpu.memory_space<vmem>> -> memref<64x128xf32, #tpu.memory_space<vmem>>
    %dma_wait3A_525 = arith.constant 0 : i32
    %dma_wait3A_526 = tpu.memref_slice %arg2[%dma_wait3A_525, %multiple_of3A_387] : memref<64x100000xf32, #tpu.memory_space<hbm>> -> memref<64x128xf32, #tpu.memory_space<hbm>>
    tpu.wait_dma2 semaphore(%arg10 : memref<!tpu.dma_semaphore, #tpu.memory_space<semaphore_mem>>) src(%dma_wait3A_526 : memref<64x128xf32, #tpu.memory_space<hbm>>) dst(%dma_wait3A_524 : memref<64x128xf32, #tpu.memory_space<vmem>>)
    %broadcast_in_dim3A_527 = arith.constant 0.000000e+00 : f32
    %broadcast_in_dim3A_528 = vector.broadcast %broadcast_in_dim3A_527 : f32 to vector<16xf32>
    %broadcast_in_dim3A_529 = arith.constant 0.000000e+00 : f32
    %broadcast_in_dim3A_530 = vector.broadcast %broadcast_in_dim3A_529 : f32 to vector<16xf32>
    %broadcast_in_dim3A_531 = arith.constant 0.000000e+00 : f32
    %broadcast_in_dim3A_532 = vector.broadcast %broadcast_in_dim3A_531 : f32 to vector<16xf32>
    %broadcast_in_dim3A_533 = arith.constant 0.000000e+00 : f32
    %broadcast_in_dim3A_534 = vector.broadcast %broadcast_in_dim3A_533 : f32 to vector<16xf32>
    %broadcast_in_dim3A_535 = arith.constant 0.000000e+00 : f32
    %broadcast_in_dim3A_536 = vector.broadcast %broadcast_in_dim3A_535 : f32 to vector<16xf32>
    %broadcast_in_dim3A_537 = arith.constant 0.000000e+00 : f32
    %broadcast_in_dim3A_538 = vector.broadcast %broadcast_in_dim3A_537 : f32 to vector<16xf32>
    %broadcast_in_dim3A_539 = arith.constant 0.000000e+00 : f32
    %broadcast_in_dim3A_540 = vector.broadcast %broadcast_in_dim3A_539 : f32 to vector<16xf32>
    %broadcast_in_dim3A_541 = arith.constant 0.000000e+00 : f32
    %broadcast_in_dim3A_542 = vector.broadcast %broadcast_in_dim3A_541 : f32 to vector<16xf32>
    %scan3A_543 = arith.constant 0 : i32
    %scan3A_544 = arith.constant 64 : i32
    %scan3A_545 = arith.addi %scan3A_543, %scan3A_544 : i32
    %scan3A_546 = arith.constant 1 : i32
    %scan3A_547:8 = scf.for %scan3A_1435 = %scan3A_543 to %scan3A_545 step %scan3A_546 iter_args(%scan3A_1436 = %broadcast_in_dim3A_528, %scan3A_1437 = %broadcast_in_dim3A_530, %scan3A_1438 = %broadcast_in_dim3A_532, %scan3A_1439 = %broadcast_in_dim3A_534, %scan3A_1440 = %broadcast_in_dim3A_536, %scan3A_1441 = %broadcast_in_dim3A_538, %scan3A_1442 = %broadcast_in_dim3A_540, %scan3A_1443 = %broadcast_in_dim3A_542) -> (vector<16xf32>, vector<16xf32>, vector<16xf32>, vector<16xf32>, vector<16xf32>, vector<16xf32>, vector<16xf32>, vector<16xf32>)  : i32 {
      %broadcast_in_dim3A_1444 = vector.broadcast %scan3A_1435 : i32 to vector<16xi32>
      %gather3A = tpu.vector_load_idx %arg6[%broadcast_in_dim3A_1444] : memref<64xf32, #tpu.memory_space<vmem>>[vector<16xi32>], vector<16xf32>,
      %get3A = arith.constant 0 : i32
      %get3A_1445 = arith.index_cast %get3A : i32 to index
      %get3A_1446 = arith.index_cast %scan3A_1435 : i32 to index
      %get3A_1447 = arith.constant 0 : index
      %get3A_1448 = tpu.vector_load %arg7[%get3A_1445, %get3A_1446, %get3A_1447] {strides = array<i32>} : memref<2x64x128xf32, #tpu.memory_space<vmem>>, vector<16xf32>,
      %sub3A = arith.subf %get3A_1448, %gather3A : vector<16xf32>
      %mul3A_1449 = arith.mulf %sub3A, %sub3A : vector<16xf32>
      %add3A_1450 = arith.addf %scan3A_1436, %mul3A_1449 : vector<16xf32>
      %get3A_1451 = arith.constant 0 : i32
      %get3A_1452 = arith.index_cast %get3A_1451 : i32 to index
      %get3A_1453 = arith.index_cast %scan3A_1435 : i32 to index
      %get3A_1454 = arith.constant 16 : index
      %get3A_1455 = tpu.vector_load %arg7[%get3A_1452, %get3A_1453, %get3A_1454] {strides = array<i32>} : memref<2x64x128xf32, #tpu.memory_space<vmem>>, vector<16xf32>,
      %sub3A_1456 = arith.subf %get3A_1455, %gather3A : vector<16xf32>
      %mul3A_1457 = arith.mulf %sub3A_1456, %sub3A_1456 : vector<16xf32>
      %add3A_1458 = arith.addf %scan3A_1437, %mul3A_1457 : vector<16xf32>
      %get3A_1459 = arith.constant 0 : i32
      %get3A_1460 = arith.index_cast %get3A_1459 : i32 to index
      %get3A_1461 = arith.index_cast %scan3A_1435 : i32 to index
      %get3A_1462 = arith.constant 32 : index
      %get3A_1463 = tpu.vector_load %arg7[%get3A_1460, %get3A_1461, %get3A_1462] {strides = array<i32>} : memref<2x64x128xf32, #tpu.memory_space<vmem>>, vector<16xf32>,
      %sub3A_1464 = arith.subf %get3A_1463, %gather3A : vector<16xf32>
      %mul3A_1465 = arith.mulf %sub3A_1464, %sub3A_1464 : vector<16xf32>
      %add3A_1466 = arith.addf %scan3A_1438, %mul3A_1465 : vector<16xf32>
      %get3A_1467 = arith.constant 0 : i32
      %get3A_1468 = arith.index_cast %get3A_1467 : i32 to index
      %get3A_1469 = arith.index_cast %scan3A_1435 : i32 to index
      %get3A_1470 = arith.constant 48 : index
      %get3A_1471 = tpu.vector_load %arg7[%get3A_1468, %get3A_1469, %get3A_1470] {strides = array<i32>} : memref<2x64x128xf32, #tpu.memory_space<vmem>>, vector<16xf32>,
      %sub3A_1472 = arith.subf %get3A_1471, %gather3A : vector<16xf32>
      %mul3A_1473 = arith.mulf %sub3A_1472, %sub3A_1472 : vector<16xf32>
      %add3A_1474 = arith.addf %scan3A_1439, %mul3A_1473 : vector<16xf32>
      %get3A_1475 = arith.constant 0 : i32
      %get3A_1476 = arith.index_cast %get3A_1475 : i32 to index
      %get3A_1477 = arith.index_cast %scan3A_1435 : i32 to index
      %get3A_1478 = arith.constant 64 : index
      %get3A_1479 = tpu.vector_load %arg7[%get3A_1476, %get3A_1477, %get3A_1478] {strides = array<i32>} : memref<2x64x128xf32, #tpu.memory_space<vmem>>, vector<16xf32>,
      %sub3A_1480 = arith.subf %get3A_1479, %gather3A : vector<16xf32>
      %mul3A_1481 = arith.mulf %sub3A_1480, %sub3A_1480 : vector<16xf32>
      %add3A_1482 = arith.addf %scan3A_1440, %mul3A_1481 : vector<16xf32>
      %get3A_1483 = arith.constant 0 : i32
      %get3A_1484 = arith.index_cast %get3A_1483 : i32 to index
      %get3A_1485 = arith.index_cast %scan3A_1435 : i32 to index
      %get3A_1486 = arith.constant 80 : index
      %get3A_1487 = tpu.vector_load %arg7[%get3A_1484, %get3A_1485, %get3A_1486] {strides = array<i32>} : memref<2x64x128xf32, #tpu.memory_space<vmem>>, vector<16xf32>,
      %sub3A_1488 = arith.subf %get3A_1487, %gather3A : vector<16xf32>
      %mul3A_1489 = arith.mulf %sub3A_1488, %sub3A_1488 : vector<16xf32>
      %add3A_1490 = arith.addf %scan3A_1441, %mul3A_1489 : vector<16xf32>
      %get3A_1491 = arith.constant 0 : i32
      %get3A_1492 = arith.index_cast %get3A_1491 : i32 to index
      %get3A_1493 = arith.index_cast %scan3A_1435 : i32 to index
      %get3A_1494 = arith.constant 96 : index
      %get3A_1495 = tpu.vector_load %arg7[%get3A_1492, %get3A_1493, %get3A_1494] {strides = array<i32>} : memref<2x64x128xf32, #tpu.memory_space<vmem>>, vector<16xf32>,
      %sub3A_1496 = arith.subf %get3A_1495, %gather3A : vector<16xf32>
      %mul3A_1497 = arith.mulf %sub3A_1496, %sub3A_1496 : vector<16xf32>
      %add3A_1498 = arith.addf %scan3A_1442, %mul3A_1497 : vector<16xf32>
      %get3A_1499 = arith.constant 0 : i32
      %get3A_1500 = arith.index_cast %get3A_1499 : i32 to index
      %get3A_1501 = arith.index_cast %scan3A_1435 : i32 to index
      %get3A_1502 = arith.constant 112 : index
      %get3A_1503 = tpu.vector_load %arg7[%get3A_1500, %get3A_1501, %get3A_1502] {strides = array<i32>} : memref<2x64x128xf32, #tpu.memory_space<vmem>>, vector<16xf32>,
      %sub3A_1504 = arith.subf %get3A_1503, %gather3A : vector<16xf32>
      %mul3A_1505 = arith.mulf %sub3A_1504, %sub3A_1504 : vector<16xf32>
      %add3A_1506 = arith.addf %scan3A_1443, %mul3A_1505 : vector<16xf32>
      scf.yield %add3A_1450, %add3A_1458, %add3A_1466, %add3A_1474, %add3A_1482, %add3A_1490, %add3A_1498, %add3A_1506 : vector<16xf32>, vector<16xf32>, vector<16xf32>, vector<16xf32>, vector<16xf32>, vector<16xf32>, vector<16xf32>, vector<16xf32>
    }
    %scan3A_548 = arith.constant 64 : i32
    %add3A_549 = arith.constant 128 : i32
    %add3A_550 = arith.addi %add3A, %add3A_549 : i32
    %mul3A_551 = arith.constant 128 : i32
    %mul3A_552 = arith.muli %add3A_550, %mul3A_551 : i32
    %add3A_553 = arith.constant 0 : i32
    %add3A_554 = arith.addi %mul3A_552, %add3A_553 : i32
    %add3A_555 = vector.broadcast %add3A_554 : i32 to vector<16xi32>
    %add3A_556 = arith.addi %iota3A, %add3A_555 : vector<16xi32>
    %lt3A_557 = arith.cmpf olt, %scan3A_547#0, %select_n3A_445 : vector<16xf32>
    %select_n3A_558 = arith.select %lt3A_557, %scan3A_547#0, %select_n3A_445 : vector<16xi1>, vector<16xf32>
    %select_n3A_559 = arith.select %lt3A_557, %add3A_556, %select_n3A_446 : vector<16xi1>, vector<16xi32>
    %add3A_560 = arith.constant 16 : i32
    %add3A_561 = arith.addi %mul3A_552, %add3A_560 : i32
    %add3A_562 = vector.broadcast %add3A_561 : i32 to vector<16xi32>
    %add3A_563 = arith.addi %iota3A, %add3A_562 : vector<16xi32>
    %lt3A_564 = arith.cmpf olt, %scan3A_547#1, %select_n3A_452 : vector<16xf32>
    %select_n3A_565 = arith.select %lt3A_564, %scan3A_547#1, %select_n3A_452 : vector<16xi1>, vector<16xf32>
    %select_n3A_566 = arith.select %lt3A_564, %add3A_563, %select_n3A_453 : vector<16xi1>, vector<16xi32>
    %add3A_567 = arith.constant 32 : i32
    %add3A_568 = arith.addi %mul3A_552, %add3A_567 : i32
    %add3A_569 = vector.broadcast %add3A_568 : i32 to vector<16xi32>
    %add3A_570 = arith.addi %iota3A, %add3A_569 : vector<16xi32>
    %lt3A_571 = arith.cmpf olt, %scan3A_547#2, %select_n3A_459 : vector<16xf32>
    %select_n3A_572 = arith.select %lt3A_571, %scan3A_547#2, %select_n3A_459 : vector<16xi1>, vector<16xf32>
    %select_n3A_573 = arith.select %lt3A_571, %add3A_570, %select_n3A_460 : vector<16xi1>, vector<16xi32>
    %add3A_574 = arith.constant 48 : i32
    %add3A_575 = arith.addi %mul3A_552, %add3A_574 : i32
    %add3A_576 = vector.broadcast %add3A_575 : i32 to vector<16xi32>
    %add3A_577 = arith.addi %iota3A, %add3A_576 : vector<16xi32>
    %lt3A_578 = arith.cmpf olt, %scan3A_547#3, %select_n3A_466 : vector<16xf32>
    %select_n3A_579 = arith.select %lt3A_578, %scan3A_547#3, %select_n3A_466 : vector<16xi1>, vector<16xf32>
    %select_n3A_580 = arith.select %lt3A_578, %add3A_577, %select_n3A_467 : vector<16xi1>, vector<16xi32>
    %add3A_581 = arith.constant 64 : i32
    %add3A_582 = arith.addi %mul3A_552, %add3A_581 : i32
    %add3A_583 = vector.broadcast %add3A_582 : i32 to vector<16xi32>
    %add3A_584 = arith.addi %iota3A, %add3A_583 : vector<16xi32>
    %lt3A_585 = arith.cmpf olt, %scan3A_547#4, %select_n3A_473 : vector<16xf32>
    %select_n3A_586 = arith.select %lt3A_585, %scan3A_547#4, %select_n3A_473 : vector<16xi1>, vector<16xf32>
    %select_n3A_587 = arith.select %lt3A_585, %add3A_584, %select_n3A_474 : vector<16xi1>, vector<16xi32>
    %add3A_588 = arith.constant 80 : i32
    %add3A_589 = arith.addi %mul3A_552, %add3A_588 : i32
    %add3A_590 = vector.broadcast %add3A_589 : i32 to vector<16xi32>
    %add3A_591 = arith.addi %iota3A, %add3A_590 : vector<16xi32>
    %lt3A_592 = arith.cmpf olt, %scan3A_547#5, %select_n3A_480 : vector<16xf32>
    %select_n3A_593 = arith.select %lt3A_592, %scan3A_547#5, %select_n3A_480 : vector<16xi1>, vector<16xf32>
    %select_n3A_594 = arith.select %lt3A_592, %add3A_591, %select_n3A_481 : vector<16xi1>, vector<16xi32>
    %add3A_595 = arith.constant 96 : i32
    %add3A_596 = arith.addi %mul3A_552, %add3A_595 : i32
    %add3A_597 = vector.broadcast %add3A_596 : i32 to vector<16xi32>
    %add3A_598 = arith.addi %iota3A, %add3A_597 : vector<16xi32>
    %lt3A_599 = arith.cmpf olt, %scan3A_547#6, %select_n3A_487 : vector<16xf32>
    %select_n3A_600 = arith.select %lt3A_599, %scan3A_547#6, %select_n3A_487 : vector<16xi1>, vector<16xf32>
    %select_n3A_601 = arith.select %lt3A_599, %add3A_598, %select_n3A_488 : vector<16xi1>, vector<16xi32>
    %add3A_602 = arith.constant 112 : i32
    %add3A_603 = arith.addi %mul3A_552, %add3A_602 : i32
    %add3A_604 = vector.broadcast %add3A_603 : i32 to vector<16xi32>
    %add3A_605 = arith.addi %iota3A, %add3A_604 : vector<16xi32>
    %lt3A_606 = arith.cmpf olt, %scan3A_547#7, %select_n3A_494 : vector<16xf32>
    %select_n3A_607 = arith.select %lt3A_606, %scan3A_547#7, %select_n3A_494 : vector<16xi1>, vector<16xf32>
    %select_n3A_608 = arith.select %lt3A_606, %add3A_605, %select_n3A_495 : vector<16xi1>, vector<16xi32>
    %add3A_609 = arith.constant 192 : i32
    %add3A_610 = arith.addi %add3A, %add3A_609 : i32
    %mul3A_611 = arith.constant 128 : i32
    %mul3A_612 = arith.muli %add3A_610, %mul3A_611 : i32
    %multiple_of3A_613 = tpu.assume_multiple %mul3A_612, 128 : i32
    %dma_start3A_614 = arith.constant 0 : i32
    %dma_start3A_615 = arith.constant 0 : i32
    %dma_start3A_616 = arith.constant 0 : i32
    %dma_start3A_617 = tpu.memref_slice %arg7[%dma_start3A_614, %dma_start3A_615, %dma_start3A_616] : memref<2x64x128xf32, #tpu.memory_space<vmem>> -> memref<1x64x128xf32, #tpu.memory_space<vmem>>
    %dma_start3A_618 = tpu.memref_squeeze %dma_start3A_617 : memref<1x64x128xf32, #tpu.memory_space<vmem>> -> memref<64x128xf32, #tpu.memory_space<vmem>>
    %dma_start3A_619 = arith.constant 0 : i32
    %dma_start3A_620 = tpu.memref_slice %arg2[%dma_start3A_619, %multiple_of3A_613] : memref<64x100000xf32, #tpu.memory_space<hbm>> -> memref<64x128xf32, #tpu.memory_space<hbm>>
    %dma_start3A_621 = arith.constant 0 : i32
    %dma_start3A_622 = arith.constant 0 : i32
    %dma_start3A_623 = tpu.memref_slice %arg7[%dma_start3A_614, %dma_start3A_621, %dma_start3A_622] : memref<2x64x128xf32, #tpu.memory_space<vmem>> -> memref<1x64x128xf32, #tpu.memory_space<vmem>>
    %dma_start3A_624 = tpu.memref_squeeze %dma_start3A_623 : memref<1x64x128xf32, #tpu.memory_space<vmem>> -> memref<64x128xf32, #tpu.memory_space<vmem>>
    %dma_start3A_625 = arith.constant 0 : i32
    %dma_start3A_626 = tpu.memref_slice %arg2[%dma_start3A_625, %multiple_of3A_613] : memref<64x100000xf32, #tpu.memory_space<hbm>> -> memref<64x128xf32, #tpu.memory_space<hbm>>
    tpu.enqueue_dma source(%dma_start3A_626 : memref<64x128xf32, #tpu.memory_space<hbm>>) target(%dma_start3A_624 : memref<64x128xf32, #tpu.memory_space<vmem>>) target_semaphore(%arg10 : memref<!tpu.dma_semaphore, #tpu.memory_space<semaphore_mem>>)
    %dma_wait3A_627 = arith.constant 1 : i32
    %dma_wait3A_628 = arith.constant 0 : i32
    %dma_wait3A_629 = arith.constant 0 : i32
    %dma_wait3A_630 = tpu.memref_slice %arg7[%dma_wait3A_627, %dma_wait3A_628, %dma_wait3A_629] : memref<2x64x128xf32, #tpu.memory_space<vmem>> -> memref<1x64x128xf32, #tpu.memory_space<vmem>>
    %dma_wait3A_631 = tpu.memref_squeeze %dma_wait3A_630 : memref<1x64x128xf32, #tpu.memory_space<vmem>> -> memref<64x128xf32, #tpu.memory_space<vmem>>
    %dma_wait3A_632 = arith.constant 0 : i32
    %dma_wait3A_633 = tpu.memref_slice %arg2[%dma_wait3A_632, %multiple_of3A_500] : memref<64x100000xf32, #tpu.memory_space<hbm>> -> memref<64x128xf32, #tpu.memory_space<hbm>>
    %dma_wait3A_634 = arith.constant 0 : i32
    %dma_wait3A_635 = arith.constant 0 : i32
    %dma_wait3A_636 = tpu.memref_slice %arg7[%dma_wait3A_627, %dma_wait3A_634, %dma_wait3A_635] : memref<2x64x128xf32, #tpu.memory_space<vmem>> -> memref<1x64x128xf32, #tpu.memory_space<vmem>>
    %dma_wait3A_637 = tpu.memref_squeeze %dma_wait3A_636 : memref<1x64x128xf32, #tpu.memory_space<vmem>> -> memref<64x128xf32, #tpu.memory_space<vmem>>
    %dma_wait3A_638 = arith.constant 0 : i32
    %dma_wait3A_639 = tpu.memref_slice %arg2[%dma_wait3A_638, %multiple_of3A_500] : memref<64x100000xf32, #tpu.memory_space<hbm>> -> memref<64x128xf32, #tpu.memory_space<hbm>>
    tpu.wait_dma2 semaphore(%arg11 : memref<!tpu.dma_semaphore, #tpu.memory_space<semaphore_mem>>) src(%dma_wait3A_639 : memref<64x128xf32, #tpu.memory_space<hbm>>) dst(%dma_wait3A_637 : memref<64x128xf32, #tpu.memory_space<vmem>>)
    %broadcast_in_dim3A_640 = arith.constant 0.000000e+00 : f32
    %broadcast_in_dim3A_641 = vector.broadcast %broadcast_in_dim3A_640 : f32 to vector<16xf32>
    %broadcast_in_dim3A_642 = arith.constant 0.000000e+00 : f32
    %broadcast_in_dim3A_643 = vector.broadcast %broadcast_in_dim3A_642 : f32 to vector<16xf32>
    %broadcast_in_dim3A_644 = arith.constant 0.000000e+00 : f32
    %broadcast_in_dim3A_645 = vector.broadcast %broadcast_in_dim3A_644 : f32 to vector<16xf32>
    %broadcast_in_dim3A_646 = arith.constant 0.000000e+00 : f32
    %broadcast_in_dim3A_647 = vector.broadcast %broadcast_in_dim3A_646 : f32 to vector<16xf32>
    %broadcast_in_dim3A_648 = arith.constant 0.000000e+00 : f32
    %broadcast_in_dim3A_649 = vector.broadcast %broadcast_in_dim3A_648 : f32 to vector<16xf32>
    %broadcast_in_dim3A_650 = arith.constant 0.000000e+00 : f32
    %broadcast_in_dim3A_651 = vector.broadcast %broadcast_in_dim3A_650 : f32 to vector<16xf32>
    %broadcast_in_dim3A_652 = arith.constant 0.000000e+00 : f32
    %broadcast_in_dim3A_653 = vector.broadcast %broadcast_in_dim3A_652 : f32 to vector<16xf32>
    %broadcast_in_dim3A_654 = arith.constant 0.000000e+00 : f32
    %broadcast_in_dim3A_655 = vector.broadcast %broadcast_in_dim3A_654 : f32 to vector<16xf32>
    %scan3A_656 = arith.constant 0 : i32
    %scan3A_657 = arith.constant 64 : i32
    %scan3A_658 = arith.addi %scan3A_656, %scan3A_657 : i32
    %scan3A_659 = arith.constant 1 : i32
    %scan3A_660:8 = scf.for %scan3A_1435 = %scan3A_656 to %scan3A_658 step %scan3A_659 iter_args(%scan3A_1436 = %broadcast_in_dim3A_641, %scan3A_1437 = %broadcast_in_dim3A_643, %scan3A_1438 = %broadcast_in_dim3A_645, %scan3A_1439 = %broadcast_in_dim3A_647, %scan3A_1440 = %broadcast_in_dim3A_649, %scan3A_1441 = %broadcast_in_dim3A_651, %scan3A_1442 = %broadcast_in_dim3A_653, %scan3A_1443 = %broadcast_in_dim3A_655) -> (vector<16xf32>, vector<16xf32>, vector<16xf32>, vector<16xf32>, vector<16xf32>, vector<16xf32>, vector<16xf32>, vector<16xf32>)  : i32 {
      %broadcast_in_dim3A_1444 = vector.broadcast %scan3A_1435 : i32 to vector<16xi32>
      %gather3A = tpu.vector_load_idx %arg6[%broadcast_in_dim3A_1444] : memref<64xf32, #tpu.memory_space<vmem>>[vector<16xi32>], vector<16xf32>,
      %get3A = arith.constant 1 : i32
      %get3A_1445 = arith.index_cast %get3A : i32 to index
      %get3A_1446 = arith.index_cast %scan3A_1435 : i32 to index
      %get3A_1447 = arith.constant 0 : index
      %get3A_1448 = tpu.vector_load %arg7[%get3A_1445, %get3A_1446, %get3A_1447] {strides = array<i32>} : memref<2x64x128xf32, #tpu.memory_space<vmem>>, vector<16xf32>,
      %sub3A = arith.subf %get3A_1448, %gather3A : vector<16xf32>
      %mul3A_1449 = arith.mulf %sub3A, %sub3A : vector<16xf32>
      %add3A_1450 = arith.addf %scan3A_1436, %mul3A_1449 : vector<16xf32>
      %get3A_1451 = arith.constant 1 : i32
      %get3A_1452 = arith.index_cast %get3A_1451 : i32 to index
      %get3A_1453 = arith.index_cast %scan3A_1435 : i32 to index
      %get3A_1454 = arith.constant 16 : index
      %get3A_1455 = tpu.vector_load %arg7[%get3A_1452, %get3A_1453, %get3A_1454] {strides = array<i32>} : memref<2x64x128xf32, #tpu.memory_space<vmem>>, vector<16xf32>,
      %sub3A_1456 = arith.subf %get3A_1455, %gather3A : vector<16xf32>
      %mul3A_1457 = arith.mulf %sub3A_1456, %sub3A_1456 : vector<16xf32>
      %add3A_1458 = arith.addf %scan3A_1437, %mul3A_1457 : vector<16xf32>
      %get3A_1459 = arith.constant 1 : i32
      %get3A_1460 = arith.index_cast %get3A_1459 : i32 to index
      %get3A_1461 = arith.index_cast %scan3A_1435 : i32 to index
      %get3A_1462 = arith.constant 32 : index
      %get3A_1463 = tpu.vector_load %arg7[%get3A_1460, %get3A_1461, %get3A_1462] {strides = array<i32>} : memref<2x64x128xf32, #tpu.memory_space<vmem>>, vector<16xf32>,
      %sub3A_1464 = arith.subf %get3A_1463, %gather3A : vector<16xf32>
      %mul3A_1465 = arith.mulf %sub3A_1464, %sub3A_1464 : vector<16xf32>
      %add3A_1466 = arith.addf %scan3A_1438, %mul3A_1465 : vector<16xf32>
      %get3A_1467 = arith.constant 1 : i32
      %get3A_1468 = arith.index_cast %get3A_1467 : i32 to index
      %get3A_1469 = arith.index_cast %scan3A_1435 : i32 to index
      %get3A_1470 = arith.constant 48 : index
      %get3A_1471 = tpu.vector_load %arg7[%get3A_1468, %get3A_1469, %get3A_1470] {strides = array<i32>} : memref<2x64x128xf32, #tpu.memory_space<vmem>>, vector<16xf32>,
      %sub3A_1472 = arith.subf %get3A_1471, %gather3A : vector<16xf32>
      %mul3A_1473 = arith.mulf %sub3A_1472, %sub3A_1472 : vector<16xf32>
      %add3A_1474 = arith.addf %scan3A_1439, %mul3A_1473 : vector<16xf32>
      %get3A_1475 = arith.constant 1 : i32
      %get3A_1476 = arith.index_cast %get3A_1475 : i32 to index
      %get3A_1477 = arith.index_cast %scan3A_1435 : i32 to index
      %get3A_1478 = arith.constant 64 : index
      %get3A_1479 = tpu.vector_load %arg7[%get3A_1476, %get3A_1477, %get3A_1478] {strides = array<i32>} : memref<2x64x128xf32, #tpu.memory_space<vmem>>, vector<16xf32>,
      %sub3A_1480 = arith.subf %get3A_1479, %gather3A : vector<16xf32>
      %mul3A_1481 = arith.mulf %sub3A_1480, %sub3A_1480 : vector<16xf32>
      %add3A_1482 = arith.addf %scan3A_1440, %mul3A_1481 : vector<16xf32>
      %get3A_1483 = arith.constant 1 : i32
      %get3A_1484 = arith.index_cast %get3A_1483 : i32 to index
      %get3A_1485 = arith.index_cast %scan3A_1435 : i32 to index
      %get3A_1486 = arith.constant 80 : index
      %get3A_1487 = tpu.vector_load %arg7[%get3A_1484, %get3A_1485, %get3A_1486] {strides = array<i32>} : memref<2x64x128xf32, #tpu.memory_space<vmem>>, vector<16xf32>,
      %sub3A_1488 = arith.subf %get3A_1487, %gather3A : vector<16xf32>
      %mul3A_1489 = arith.mulf %sub3A_1488, %sub3A_1488 : vector<16xf32>
      %add3A_1490 = arith.addf %scan3A_1441, %mul3A_1489 : vector<16xf32>
      %get3A_1491 = arith.constant 1 : i32
      %get3A_1492 = arith.index_cast %get3A_1491 : i32 to index
      %get3A_1493 = arith.index_cast %scan3A_1435 : i32 to index
      %get3A_1494 = arith.constant 96 : index
      %get3A_1495 = tpu.vector_load %arg7[%get3A_1492, %get3A_1493, %get3A_1494] {strides = array<i32>} : memref<2x64x128xf32, #tpu.memory_space<vmem>>, vector<16xf32>,
      %sub3A_1496 = arith.subf %get3A_1495, %gather3A : vector<16xf32>
      %mul3A_1497 = arith.mulf %sub3A_1496, %sub3A_1496 : vector<16xf32>
      %add3A_1498 = arith.addf %scan3A_1442, %mul3A_1497 : vector<16xf32>
      %get3A_1499 = arith.constant 1 : i32
      %get3A_1500 = arith.index_cast %get3A_1499 : i32 to index
      %get3A_1501 = arith.index_cast %scan3A_1435 : i32 to index
      %get3A_1502 = arith.constant 112 : index
      %get3A_1503 = tpu.vector_load %arg7[%get3A_1500, %get3A_1501, %get3A_1502] {strides = array<i32>} : memref<2x64x128xf32, #tpu.memory_space<vmem>>, vector<16xf32>,
      %sub3A_1504 = arith.subf %get3A_1503, %gather3A : vector<16xf32>
      %mul3A_1505 = arith.mulf %sub3A_1504, %sub3A_1504 : vector<16xf32>
      %add3A_1506 = arith.addf %scan3A_1443, %mul3A_1505 : vector<16xf32>
      scf.yield %add3A_1450, %add3A_1458, %add3A_1466, %add3A_1474, %add3A_1482, %add3A_1490, %add3A_1498, %add3A_1506 : vector<16xf32>, vector<16xf32>, vector<16xf32>, vector<16xf32>, vector<16xf32>, vector<16xf32>, vector<16xf32>, vector<16xf32>
    }
    %scan3A_661 = arith.constant 64 : i32
    %add3A_662 = arith.constant 160 : i32
    %add3A_663 = arith.addi %add3A, %add3A_662 : i32
    %mul3A_664 = arith.constant 128 : i32
    %mul3A_665 = arith.muli %add3A_663, %mul3A_664 : i32
    %add3A_666 = arith.constant 0 : i32
    %add3A_667 = arith.addi %mul3A_665, %add3A_666 : i32
    %add3A_668 = vector.broadcast %add3A_667 : i32 to vector<16xi32>
    %add3A_669 = arith.addi %iota3A, %add3A_668 : vector<16xi32>
    %lt3A_670 = arith.cmpf olt, %scan3A_660#0, %select_n3A_558 : vector<16xf32>
    %select_n3A_671 = arith.select %lt3A_670, %scan3A_660#0, %select_n3A_558 : vector<16xi1>, vector<16xf32>
    %select_n3A_672 = arith.select %lt3A_670, %add3A_669, %select_n3A_559 : vector<16xi1>, vector<16xi32>
    %add3A_673 = arith.constant 16 : i32
    %add3A_674 = arith.addi %mul3A_665, %add3A_673 : i32
    %add3A_675 = vector.broadcast %add3A_674 : i32 to vector<16xi32>
    %add3A_676 = arith.addi %iota3A, %add3A_675 : vector<16xi32>
    %lt3A_677 = arith.cmpf olt, %scan3A_660#1, %select_n3A_565 : vector<16xf32>
    %select_n3A_678 = arith.select %lt3A_677, %scan3A_660#1, %select_n3A_565 : vector<16xi1>, vector<16xf32>
    %select_n3A_679 = arith.select %lt3A_677, %add3A_676, %select_n3A_566 : vector<16xi1>, vector<16xi32>
    %add3A_680 = arith.constant 32 : i32
    %add3A_681 = arith.addi %mul3A_665, %add3A_680 : i32
    %add3A_682 = vector.broadcast %add3A_681 : i32 to vector<16xi32>
    %add3A_683 = arith.addi %iota3A, %add3A_682 : vector<16xi32>
    %lt3A_684 = arith.cmpf olt, %scan3A_660#2, %select_n3A_572 : vector<16xf32>
    %select_n3A_685 = arith.select %lt3A_684, %scan3A_660#2, %select_n3A_572 : vector<16xi1>, vector<16xf32>
    %select_n3A_686 = arith.select %lt3A_684, %add3A_683, %select_n3A_573 : vector<16xi1>, vector<16xi32>
    %add3A_687 = arith.constant 48 : i32
    %add3A_688 = arith.addi %mul3A_665, %add3A_687 : i32
    %add3A_689 = vector.broadcast %add3A_688 : i32 to vector<16xi32>
    %add3A_690 = arith.addi %iota3A, %add3A_689 : vector<16xi32>
    %lt3A_691 = arith.cmpf olt, %scan3A_660#3, %select_n3A_579 : vector<16xf32>
    %select_n3A_692 = arith.select %lt3A_691, %scan3A_660#3, %select_n3A_579 : vector<16xi1>, vector<16xf32>
    %select_n3A_693 = arith.select %lt3A_691, %add3A_690, %select_n3A_580 : vector<16xi1>, vector<16xi32>
    %add3A_694 = arith.constant 64 : i32
    %add3A_695 = arith.addi %mul3A_665, %add3A_694 : i32
    %add3A_696 = vector.broadcast %add3A_695 : i32 to vector<16xi32>
    %add3A_697 = arith.addi %iota3A, %add3A_696 : vector<16xi32>
    %lt3A_698 = arith.cmpf olt, %scan3A_660#4, %select_n3A_586 : vector<16xf32>
    %select_n3A_699 = arith.select %lt3A_698, %scan3A_660#4, %select_n3A_586 : vector<16xi1>, vector<16xf32>
    %select_n3A_700 = arith.select %lt3A_698, %add3A_697, %select_n3A_587 : vector<16xi1>, vector<16xi32>
    %add3A_701 = arith.constant 80 : i32
    %add3A_702 = arith.addi %mul3A_665, %add3A_701 : i32
    %add3A_703 = vector.broadcast %add3A_702 : i32 to vector<16xi32>
    %add3A_704 = arith.addi %iota3A, %add3A_703 : vector<16xi32>
    %lt3A_705 = arith.cmpf olt, %scan3A_660#5, %select_n3A_593 : vector<16xf32>
    %select_n3A_706 = arith.select %lt3A_705, %scan3A_660#5, %select_n3A_593 : vector<16xi1>, vector<16xf32>
    %select_n3A_707 = arith.select %lt3A_705, %add3A_704, %select_n3A_594 : vector<16xi1>, vector<16xi32>
    %add3A_708 = arith.constant 96 : i32
    %add3A_709 = arith.addi %mul3A_665, %add3A_708 : i32
    %add3A_710 = vector.broadcast %add3A_709 : i32 to vector<16xi32>
    %add3A_711 = arith.addi %iota3A, %add3A_710 : vector<16xi32>
    %lt3A_712 = arith.cmpf olt, %scan3A_660#6, %select_n3A_600 : vector<16xf32>
    %select_n3A_713 = arith.select %lt3A_712, %scan3A_660#6, %select_n3A_600 : vector<16xi1>, vector<16xf32>
    %select_n3A_714 = arith.select %lt3A_712, %add3A_711, %select_n3A_601 : vector<16xi1>, vector<16xi32>
    %add3A_715 = arith.constant 112 : i32
    %add3A_716 = arith.addi %mul3A_665, %add3A_715 : i32
    %add3A_717 = vector.broadcast %add3A_716 : i32 to vector<16xi32>
    %add3A_718 = arith.addi %iota3A, %add3A_717 : vector<16xi32>
    %lt3A_719 = arith.cmpf olt, %scan3A_660#7, %select_n3A_607 : vector<16xf32>
    %select_n3A_720 = arith.select %lt3A_719, %scan3A_660#7, %select_n3A_607 : vector<16xi1>, vector<16xf32>
    %select_n3A_721 = arith.select %lt3A_719, %add3A_718, %select_n3A_608 : vector<16xi1>, vector<16xi32>
    %add3A_722 = arith.constant 224 : i32
    %add3A_723 = arith.addi %add3A, %add3A_722 : i32
    %mul3A_724 = arith.constant 128 : i32
    %mul3A_725 = arith.muli %add3A_723, %mul3A_724 : i32
    %multiple_of3A_726 = tpu.assume_multiple %mul3A_725, 128 : i32
    %dma_start3A_727 = arith.constant 1 : i32
    %dma_start3A_728 = arith.constant 0 : i32
    %dma_start3A_729 = arith.constant 0 : i32
    %dma_start3A_730 = tpu.memref_slice %arg7[%dma_start3A_727, %dma_start3A_728, %dma_start3A_729] : memref<2x64x128xf32, #tpu.memory_space<vmem>> -> memref<1x64x128xf32, #tpu.memory_space<vmem>>
    %dma_start3A_731 = tpu.memref_squeeze %dma_start3A_730 : memref<1x64x128xf32, #tpu.memory_space<vmem>> -> memref<64x128xf32, #tpu.memory_space<vmem>>
    %dma_start3A_732 = arith.constant 0 : i32
    %dma_start3A_733 = tpu.memref_slice %arg2[%dma_start3A_732, %multiple_of3A_726] : memref<64x100000xf32, #tpu.memory_space<hbm>> -> memref<64x128xf32, #tpu.memory_space<hbm>>
    %dma_start3A_734 = arith.constant 0 : i32
    %dma_start3A_735 = arith.constant 0 : i32
    %dma_start3A_736 = tpu.memref_slice %arg7[%dma_start3A_727, %dma_start3A_734, %dma_start3A_735] : memref<2x64x128xf32, #tpu.memory_space<vmem>> -> memref<1x64x128xf32, #tpu.memory_space<vmem>>
    %dma_start3A_737 = tpu.memref_squeeze %dma_start3A_736 : memref<1x64x128xf32, #tpu.memory_space<vmem>> -> memref<64x128xf32, #tpu.memory_space<vmem>>
    %dma_start3A_738 = arith.constant 0 : i32
    %dma_start3A_739 = tpu.memref_slice %arg2[%dma_start3A_738, %multiple_of3A_726] : memref<64x100000xf32, #tpu.memory_space<hbm>> -> memref<64x128xf32, #tpu.memory_space<hbm>>
    tpu.enqueue_dma source(%dma_start3A_739 : memref<64x128xf32, #tpu.memory_space<hbm>>) target(%dma_start3A_737 : memref<64x128xf32, #tpu.memory_space<vmem>>) target_semaphore(%arg11 : memref<!tpu.dma_semaphore, #tpu.memory_space<semaphore_mem>>)
    %dma_wait3A_740 = arith.constant 0 : i32
    %dma_wait3A_741 = arith.constant 0 : i32
    %dma_wait3A_742 = arith.constant 0 : i32
    %dma_wait3A_743 = tpu.memref_slice %arg7[%dma_wait3A_740, %dma_wait3A_741, %dma_wait3A_742] : memref<2x64x128xf32, #tpu.memory_space<vmem>> -> memref<1x64x128xf32, #tpu.memory_space<vmem>>
    %dma_wait3A_744 = tpu.memref_squeeze %dma_wait3A_743 : memref<1x64x128xf32, #tpu.memory_space<vmem>> -> memref<64x128xf32, #tpu.memory_space<vmem>>
    %dma_wait3A_745 = arith.constant 0 : i32
    %dma_wait3A_746 = tpu.memref_slice %arg2[%dma_wait3A_745, %multiple_of3A_613] : memref<64x100000xf32, #tpu.memory_space<hbm>> -> memref<64x128xf32, #tpu.memory_space<hbm>>
    %dma_wait3A_747 = arith.constant 0 : i32
    %dma_wait3A_748 = arith.constant 0 : i32
    %dma_wait3A_749 = tpu.memref_slice %arg7[%dma_wait3A_740, %dma_wait3A_747, %dma_wait3A_748] : memref<2x64x128xf32, #tpu.memory_space<vmem>> -> memref<1x64x128xf32, #tpu.memory_space<vmem>>
    %dma_wait3A_750 = tpu.memref_squeeze %dma_wait3A_749 : memref<1x64x128xf32, #tpu.memory_space<vmem>> -> memref<64x128xf32, #tpu.memory_space<vmem>>
    %dma_wait3A_751 = arith.constant 0 : i32
    %dma_wait3A_752 = tpu.memref_slice %arg2[%dma_wait3A_751, %multiple_of3A_613] : memref<64x100000xf32, #tpu.memory_space<hbm>> -> memref<64x128xf32, #tpu.memory_space<hbm>>
    tpu.wait_dma2 semaphore(%arg10 : memref<!tpu.dma_semaphore, #tpu.memory_space<semaphore_mem>>) src(%dma_wait3A_752 : memref<64x128xf32, #tpu.memory_space<hbm>>) dst(%dma_wait3A_750 : memref<64x128xf32, #tpu.memory_space<vmem>>)
    %broadcast_in_dim3A_753 = arith.constant 0.000000e+00 : f32
    %broadcast_in_dim3A_754 = vector.broadcast %broadcast_in_dim3A_753 : f32 to vector<16xf32>
    %broadcast_in_dim3A_755 = arith.constant 0.000000e+00 : f32
    %broadcast_in_dim3A_756 = vector.broadcast %broadcast_in_dim3A_755 : f32 to vector<16xf32>
    %broadcast_in_dim3A_757 = arith.constant 0.000000e+00 : f32
    %broadcast_in_dim3A_758 = vector.broadcast %broadcast_in_dim3A_757 : f32 to vector<16xf32>
    %broadcast_in_dim3A_759 = arith.constant 0.000000e+00 : f32
    %broadcast_in_dim3A_760 = vector.broadcast %broadcast_in_dim3A_759 : f32 to vector<16xf32>
    %broadcast_in_dim3A_761 = arith.constant 0.000000e+00 : f32
    %broadcast_in_dim3A_762 = vector.broadcast %broadcast_in_dim3A_761 : f32 to vector<16xf32>
    %broadcast_in_dim3A_763 = arith.constant 0.000000e+00 : f32
    %broadcast_in_dim3A_764 = vector.broadcast %broadcast_in_dim3A_763 : f32 to vector<16xf32>
    %broadcast_in_dim3A_765 = arith.constant 0.000000e+00 : f32
    %broadcast_in_dim3A_766 = vector.broadcast %broadcast_in_dim3A_765 : f32 to vector<16xf32>
    %broadcast_in_dim3A_767 = arith.constant 0.000000e+00 : f32
    %broadcast_in_dim3A_768 = vector.broadcast %broadcast_in_dim3A_767 : f32 to vector<16xf32>
    %scan3A_769 = arith.constant 0 : i32
    %scan3A_770 = arith.constant 64 : i32
    %scan3A_771 = arith.addi %scan3A_769, %scan3A_770 : i32
    %scan3A_772 = arith.constant 1 : i32
    %scan3A_773:8 = scf.for %scan3A_1435 = %scan3A_769 to %scan3A_771 step %scan3A_772 iter_args(%scan3A_1436 = %broadcast_in_dim3A_754, %scan3A_1437 = %broadcast_in_dim3A_756, %scan3A_1438 = %broadcast_in_dim3A_758, %scan3A_1439 = %broadcast_in_dim3A_760, %scan3A_1440 = %broadcast_in_dim3A_762, %scan3A_1441 = %broadcast_in_dim3A_764, %scan3A_1442 = %broadcast_in_dim3A_766, %scan3A_1443 = %broadcast_in_dim3A_768) -> (vector<16xf32>, vector<16xf32>, vector<16xf32>, vector<16xf32>, vector<16xf32>, vector<16xf32>, vector<16xf32>, vector<16xf32>)  : i32 {
      %broadcast_in_dim3A_1444 = vector.broadcast %scan3A_1435 : i32 to vector<16xi32>
      %gather3A = tpu.vector_load_idx %arg6[%broadcast_in_dim3A_1444] : memref<64xf32, #tpu.memory_space<vmem>>[vector<16xi32>], vector<16xf32>,
      %get3A = arith.constant 0 : i32
      %get3A_1445 = arith.index_cast %get3A : i32 to index
      %get3A_1446 = arith.index_cast %scan3A_1435 : i32 to index
      %get3A_1447 = arith.constant 0 : index
      %get3A_1448 = tpu.vector_load %arg7[%get3A_1445, %get3A_1446, %get3A_1447] {strides = array<i32>} : memref<2x64x128xf32, #tpu.memory_space<vmem>>, vector<16xf32>,
      %sub3A = arith.subf %get3A_1448, %gather3A : vector<16xf32>
      %mul3A_1449 = arith.mulf %sub3A, %sub3A : vector<16xf32>
      %add3A_1450 = arith.addf %scan3A_1436, %mul3A_1449 : vector<16xf32>
      %get3A_1451 = arith.constant 0 : i32
      %get3A_1452 = arith.index_cast %get3A_1451 : i32 to index
      %get3A_1453 = arith.index_cast %scan3A_1435 : i32 to index
      %get3A_1454 = arith.constant 16 : index
      %get3A_1455 = tpu.vector_load %arg7[%get3A_1452, %get3A_1453, %get3A_1454] {strides = array<i32>} : memref<2x64x128xf32, #tpu.memory_space<vmem>>, vector<16xf32>,
      %sub3A_1456 = arith.subf %get3A_1455, %gather3A : vector<16xf32>
      %mul3A_1457 = arith.mulf %sub3A_1456, %sub3A_1456 : vector<16xf32>
      %add3A_1458 = arith.addf %scan3A_1437, %mul3A_1457 : vector<16xf32>
      %get3A_1459 = arith.constant 0 : i32
      %get3A_1460 = arith.index_cast %get3A_1459 : i32 to index
      %get3A_1461 = arith.index_cast %scan3A_1435 : i32 to index
      %get3A_1462 = arith.constant 32 : index
      %get3A_1463 = tpu.vector_load %arg7[%get3A_1460, %get3A_1461, %get3A_1462] {strides = array<i32>} : memref<2x64x128xf32, #tpu.memory_space<vmem>>, vector<16xf32>,
      %sub3A_1464 = arith.subf %get3A_1463, %gather3A : vector<16xf32>
      %mul3A_1465 = arith.mulf %sub3A_1464, %sub3A_1464 : vector<16xf32>
      %add3A_1466 = arith.addf %scan3A_1438, %mul3A_1465 : vector<16xf32>
      %get3A_1467 = arith.constant 0 : i32
      %get3A_1468 = arith.index_cast %get3A_1467 : i32 to index
      %get3A_1469 = arith.index_cast %scan3A_1435 : i32 to index
      %get3A_1470 = arith.constant 48 : index
      %get3A_1471 = tpu.vector_load %arg7[%get3A_1468, %get3A_1469, %get3A_1470] {strides = array<i32>} : memref<2x64x128xf32, #tpu.memory_space<vmem>>, vector<16xf32>,
      %sub3A_1472 = arith.subf %get3A_1471, %gather3A : vector<16xf32>
      %mul3A_1473 = arith.mulf %sub3A_1472, %sub3A_1472 : vector<16xf32>
      %add3A_1474 = arith.addf %scan3A_1439, %mul3A_1473 : vector<16xf32>
      %get3A_1475 = arith.constant 0 : i32
      %get3A_1476 = arith.index_cast %get3A_1475 : i32 to index
      %get3A_1477 = arith.index_cast %scan3A_1435 : i32 to index
      %get3A_1478 = arith.constant 64 : index
      %get3A_1479 = tpu.vector_load %arg7[%get3A_1476, %get3A_1477, %get3A_1478] {strides = array<i32>} : memref<2x64x128xf32, #tpu.memory_space<vmem>>, vector<16xf32>,
      %sub3A_1480 = arith.subf %get3A_1479, %gather3A : vector<16xf32>
      %mul3A_1481 = arith.mulf %sub3A_1480, %sub3A_1480 : vector<16xf32>
      %add3A_1482 = arith.addf %scan3A_1440, %mul3A_1481 : vector<16xf32>
      %get3A_1483 = arith.constant 0 : i32
      %get3A_1484 = arith.index_cast %get3A_1483 : i32 to index
      %get3A_1485 = arith.index_cast %scan3A_1435 : i32 to index
      %get3A_1486 = arith.constant 80 : index
      %get3A_1487 = tpu.vector_load %arg7[%get3A_1484, %get3A_1485, %get3A_1486] {strides = array<i32>} : memref<2x64x128xf32, #tpu.memory_space<vmem>>, vector<16xf32>,
      %sub3A_1488 = arith.subf %get3A_1487, %gather3A : vector<16xf32>
      %mul3A_1489 = arith.mulf %sub3A_1488, %sub3A_1488 : vector<16xf32>
      %add3A_1490 = arith.addf %scan3A_1441, %mul3A_1489 : vector<16xf32>
      %get3A_1491 = arith.constant 0 : i32
      %get3A_1492 = arith.index_cast %get3A_1491 : i32 to index
      %get3A_1493 = arith.index_cast %scan3A_1435 : i32 to index
      %get3A_1494 = arith.constant 96 : index
      %get3A_1495 = tpu.vector_load %arg7[%get3A_1492, %get3A_1493, %get3A_1494] {strides = array<i32>} : memref<2x64x128xf32, #tpu.memory_space<vmem>>, vector<16xf32>,
      %sub3A_1496 = arith.subf %get3A_1495, %gather3A : vector<16xf32>
      %mul3A_1497 = arith.mulf %sub3A_1496, %sub3A_1496 : vector<16xf32>
      %add3A_1498 = arith.addf %scan3A_1442, %mul3A_1497 : vector<16xf32>
      %get3A_1499 = arith.constant 0 : i32
      %get3A_1500 = arith.index_cast %get3A_1499 : i32 to index
      %get3A_1501 = arith.index_cast %scan3A_1435 : i32 to index
      %get3A_1502 = arith.constant 112 : index
      %get3A_1503 = tpu.vector_load %arg7[%get3A_1500, %get3A_1501, %get3A_1502] {strides = array<i32>} : memref<2x64x128xf32, #tpu.memory_space<vmem>>, vector<16xf32>,
      %sub3A_1504 = arith.subf %get3A_1503, %gather3A : vector<16xf32>
      %mul3A_1505 = arith.mulf %sub3A_1504, %sub3A_1504 : vector<16xf32>
      %add3A_1506 = arith.addf %scan3A_1443, %mul3A_1505 : vector<16xf32>
      scf.yield %add3A_1450, %add3A_1458, %add3A_1466, %add3A_1474, %add3A_1482, %add3A_1490, %add3A_1498, %add3A_1506 : vector<16xf32>, vector<16xf32>, vector<16xf32>, vector<16xf32>, vector<16xf32>, vector<16xf32>, vector<16xf32>, vector<16xf32>
    }
    %scan3A_774 = arith.constant 64 : i32
    %add3A_775 = arith.constant 192 : i32
    %add3A_776 = arith.addi %add3A, %add3A_775 : i32
    %mul3A_777 = arith.constant 128 : i32
    %mul3A_778 = arith.muli %add3A_776, %mul3A_777 : i32
    %add3A_779 = arith.constant 0 : i32
    %add3A_780 = arith.addi %mul3A_778, %add3A_779 : i32
    %add3A_781 = vector.broadcast %add3A_780 : i32 to vector<16xi32>
    %add3A_782 = arith.addi %iota3A, %add3A_781 : vector<16xi32>
    %lt3A_783 = arith.cmpf olt, %scan3A_773#0, %select_n3A_671 : vector<16xf32>
    %select_n3A_784 = arith.select %lt3A_783, %scan3A_773#0, %select_n3A_671 : vector<16xi1>, vector<16xf32>
    %select_n3A_785 = arith.select %lt3A_783, %add3A_782, %select_n3A_672 : vector<16xi1>, vector<16xi32>
    %add3A_786 = arith.constant 16 : i32
    %add3A_787 = arith.addi %mul3A_778, %add3A_786 : i32
    %add3A_788 = vector.broadcast %add3A_787 : i32 to vector<16xi32>
    %add3A_789 = arith.addi %iota3A, %add3A_788 : vector<16xi32>
    %lt3A_790 = arith.cmpf olt, %scan3A_773#1, %select_n3A_678 : vector<16xf32>
    %select_n3A_791 = arith.select %lt3A_790, %scan3A_773#1, %select_n3A_678 : vector<16xi1>, vector<16xf32>
    %select_n3A_792 = arith.select %lt3A_790, %add3A_789, %select_n3A_679 : vector<16xi1>, vector<16xi32>
    %add3A_793 = arith.constant 32 : i32
    %add3A_794 = arith.addi %mul3A_778, %add3A_793 : i32
    %add3A_795 = vector.broadcast %add3A_794 : i32 to vector<16xi32>
    %add3A_796 = arith.addi %iota3A, %add3A_795 : vector<16xi32>
    %lt3A_797 = arith.cmpf olt, %scan3A_773#2, %select_n3A_685 : vector<16xf32>
    %select_n3A_798 = arith.select %lt3A_797, %scan3A_773#2, %select_n3A_685 : vector<16xi1>, vector<16xf32>
    %select_n3A_799 = arith.select %lt3A_797, %add3A_796, %select_n3A_686 : vector<16xi1>, vector<16xi32>
    %add3A_800 = arith.constant 48 : i32
    %add3A_801 = arith.addi %mul3A_778, %add3A_800 : i32
    %add3A_802 = vector.broadcast %add3A_801 : i32 to vector<16xi32>
    %add3A_803 = arith.addi %iota3A, %add3A_802 : vector<16xi32>
    %lt3A_804 = arith.cmpf olt, %scan3A_773#3, %select_n3A_692 : vector<16xf32>
    %select_n3A_805 = arith.select %lt3A_804, %scan3A_773#3, %select_n3A_692 : vector<16xi1>, vector<16xf32>
    %select_n3A_806 = arith.select %lt3A_804, %add3A_803, %select_n3A_693 : vector<16xi1>, vector<16xi32>
    %add3A_807 = arith.constant 64 : i32
    %add3A_808 = arith.addi %mul3A_778, %add3A_807 : i32
    %add3A_809 = vector.broadcast %add3A_808 : i32 to vector<16xi32>
    %add3A_810 = arith.addi %iota3A, %add3A_809 : vector<16xi32>
    %lt3A_811 = arith.cmpf olt, %scan3A_773#4, %select_n3A_699 : vector<16xf32>
    %select_n3A_812 = arith.select %lt3A_811, %scan3A_773#4, %select_n3A_699 : vector<16xi1>, vector<16xf32>
    %select_n3A_813 = arith.select %lt3A_811, %add3A_810, %select_n3A_700 : vector<16xi1>, vector<16xi32>
    %add3A_814 = arith.constant 80 : i32
    %add3A_815 = arith.addi %mul3A_778, %add3A_814 : i32
    %add3A_816 = vector.broadcast %add3A_815 : i32 to vector<16xi32>
    %add3A_817 = arith.addi %iota3A, %add3A_816 : vector<16xi32>
    %lt3A_818 = arith.cmpf olt, %scan3A_773#5, %select_n3A_706 : vector<16xf32>
    %select_n3A_819 = arith.select %lt3A_818, %scan3A_773#5, %select_n3A_706 : vector<16xi1>, vector<16xf32>
    %select_n3A_820 = arith.select %lt3A_818, %add3A_817, %select_n3A_707 : vector<16xi1>, vector<16xi32>
    %add3A_821 = arith.constant 96 : i32
    %add3A_822 = arith.addi %mul3A_778, %add3A_821 : i32
    %add3A_823 = vector.broadcast %add3A_822 : i32 to vector<16xi32>
    %add3A_824 = arith.addi %iota3A, %add3A_823 : vector<16xi32>
    %lt3A_825 = arith.cmpf olt, %scan3A_773#6, %select_n3A_713 : vector<16xf32>
    %select_n3A_826 = arith.select %lt3A_825, %scan3A_773#6, %select_n3A_713 : vector<16xi1>, vector<16xf32>
    %select_n3A_827 = arith.select %lt3A_825, %add3A_824, %select_n3A_714 : vector<16xi1>, vector<16xi32>
    %add3A_828 = arith.constant 112 : i32
    %add3A_829 = arith.addi %mul3A_778, %add3A_828 : i32
    %add3A_830 = vector.broadcast %add3A_829 : i32 to vector<16xi32>
    %add3A_831 = arith.addi %iota3A, %add3A_830 : vector<16xi32>
    %lt3A_832 = arith.cmpf olt, %scan3A_773#7, %select_n3A_720 : vector<16xf32>
    %select_n3A_833 = arith.select %lt3A_832, %scan3A_773#7, %select_n3A_720 : vector<16xi1>, vector<16xf32>
    %select_n3A_834 = arith.select %lt3A_832, %add3A_831, %select_n3A_721 : vector<16xi1>, vector<16xi32>
    %add3A_835 = arith.constant 256 : i32
    %add3A_836 = arith.addi %add3A, %add3A_835 : i32
    %mul3A_837 = arith.constant 128 : i32
    %mul3A_838 = arith.muli %add3A_836, %mul3A_837 : i32
    %multiple_of3A_839 = tpu.assume_multiple %mul3A_838, 128 : i32
    %dma_start3A_840 = arith.constant 0 : i32
    %dma_start3A_841 = arith.constant 0 : i32
    %dma_start3A_842 = arith.constant 0 : i32
    %dma_start3A_843 = tpu.memref_slice %arg7[%dma_start3A_840, %dma_start3A_841, %dma_start3A_842] : memref<2x64x128xf32, #tpu.memory_space<vmem>> -> memref<1x64x128xf32, #tpu.memory_space<vmem>>
    %dma_start3A_844 = tpu.memref_squeeze %dma_start3A_843 : memref<1x64x128xf32, #tpu.memory_space<vmem>> -> memref<64x128xf32, #tpu.memory_space<vmem>>
    %dma_start3A_845 = arith.constant 0 : i32
    %dma_start3A_846 = tpu.memref_slice %arg2[%dma_start3A_845, %multiple_of3A_839] : memref<64x100000xf32, #tpu.memory_space<hbm>> -> memref<64x128xf32, #tpu.memory_space<hbm>>
    %dma_start3A_847 = arith.constant 0 : i32
    %dma_start3A_848 = arith.constant 0 : i32
    %dma_start3A_849 = tpu.memref_slice %arg7[%dma_start3A_840, %dma_start3A_847, %dma_start3A_848] : memref<2x64x128xf32, #tpu.memory_space<vmem>> -> memref<1x64x128xf32, #tpu.memory_space<vmem>>
    %dma_start3A_850 = tpu.memref_squeeze %dma_start3A_849 : memref<1x64x128xf32, #tpu.memory_space<vmem>> -> memref<64x128xf32, #tpu.memory_space<vmem>>
    %dma_start3A_851 = arith.constant 0 : i32
    %dma_start3A_852 = tpu.memref_slice %arg2[%dma_start3A_851, %multiple_of3A_839] : memref<64x100000xf32, #tpu.memory_space<hbm>> -> memref<64x128xf32, #tpu.memory_space<hbm>>
    tpu.enqueue_dma source(%dma_start3A_852 : memref<64x128xf32, #tpu.memory_space<hbm>>) target(%dma_start3A_850 : memref<64x128xf32, #tpu.memory_space<vmem>>) target_semaphore(%arg10 : memref<!tpu.dma_semaphore, #tpu.memory_space<semaphore_mem>>)
    %dma_wait3A_853 = arith.constant 1 : i32
    %dma_wait3A_854 = arith.constant 0 : i32
    %dma_wait3A_855 = arith.constant 0 : i32
    %dma_wait3A_856 = tpu.memref_slice %arg7[%dma_wait3A_853, %dma_wait3A_854, %dma_wait3A_855] : memref<2x64x128xf32, #tpu.memory_space<vmem>> -> memref<1x64x128xf32, #tpu.memory_space<vmem>>
    %dma_wait3A_857 = tpu.memref_squeeze %dma_wait3A_856 : memref<1x64x128xf32, #tpu.memory_space<vmem>> -> memref<64x128xf32, #tpu.memory_space<vmem>>
    %dma_wait3A_858 = arith.constant 0 : i32
    %dma_wait3A_859 = tpu.memref_slice %arg2[%dma_wait3A_858, %multiple_of3A_726] : memref<64x100000xf32, #tpu.memory_space<hbm>> -> memref<64x128xf32, #tpu.memory_space<hbm>>
    %dma_wait3A_860 = arith.constant 0 : i32
    %dma_wait3A_861 = arith.constant 0 : i32
    %dma_wait3A_862 = tpu.memref_slice %arg7[%dma_wait3A_853, %dma_wait3A_860, %dma_wait3A_861] : memref<2x64x128xf32, #tpu.memory_space<vmem>> -> memref<1x64x128xf32, #tpu.memory_space<vmem>>
    %dma_wait3A_863 = tpu.memref_squeeze %dma_wait3A_862 : memref<1x64x128xf32, #tpu.memory_space<vmem>> -> memref<64x128xf32, #tpu.memory_space<vmem>>
    %dma_wait3A_864 = arith.constant 0 : i32
    %dma_wait3A_865 = tpu.memref_slice %arg2[%dma_wait3A_864, %multiple_of3A_726] : memref<64x100000xf32, #tpu.memory_space<hbm>> -> memref<64x128xf32, #tpu.memory_space<hbm>>
    tpu.wait_dma2 semaphore(%arg11 : memref<!tpu.dma_semaphore, #tpu.memory_space<semaphore_mem>>) src(%dma_wait3A_865 : memref<64x128xf32, #tpu.memory_space<hbm>>) dst(%dma_wait3A_863 : memref<64x128xf32, #tpu.memory_space<vmem>>)
    %broadcast_in_dim3A_866 = arith.constant 0.000000e+00 : f32
    %broadcast_in_dim3A_867 = vector.broadcast %broadcast_in_dim3A_866 : f32 to vector<16xf32>
    %broadcast_in_dim3A_868 = arith.constant 0.000000e+00 : f32
    %broadcast_in_dim3A_869 = vector.broadcast %broadcast_in_dim3A_868 : f32 to vector<16xf32>
    %broadcast_in_dim3A_870 = arith.constant 0.000000e+00 : f32
    %broadcast_in_dim3A_871 = vector.broadcast %broadcast_in_dim3A_870 : f32 to vector<16xf32>
    %broadcast_in_dim3A_872 = arith.constant 0.000000e+00 : f32
    %broadcast_in_dim3A_873 = vector.broadcast %broadcast_in_dim3A_872 : f32 to vector<16xf32>
    %broadcast_in_dim3A_874 = arith.constant 0.000000e+00 : f32
    %broadcast_in_dim3A_875 = vector.broadcast %broadcast_in_dim3A_874 : f32 to vector<16xf32>
    %broadcast_in_dim3A_876 = arith.constant 0.000000e+00 : f32
    %broadcast_in_dim3A_877 = vector.broadcast %broadcast_in_dim3A_876 : f32 to vector<16xf32>
    %broadcast_in_dim3A_878 = arith.constant 0.000000e+00 : f32
    %broadcast_in_dim3A_879 = vector.broadcast %broadcast_in_dim3A_878 : f32 to vector<16xf32>
    %broadcast_in_dim3A_880 = arith.constant 0.000000e+00 : f32
    %broadcast_in_dim3A_881 = vector.broadcast %broadcast_in_dim3A_880 : f32 to vector<16xf32>
    %scan3A_882 = arith.constant 0 : i32
    %scan3A_883 = arith.constant 64 : i32
    %scan3A_884 = arith.addi %scan3A_882, %scan3A_883 : i32
    %scan3A_885 = arith.constant 1 : i32
    %scan3A_886:8 = scf.for %scan3A_1435 = %scan3A_882 to %scan3A_884 step %scan3A_885 iter_args(%scan3A_1436 = %broadcast_in_dim3A_867, %scan3A_1437 = %broadcast_in_dim3A_869, %scan3A_1438 = %broadcast_in_dim3A_871, %scan3A_1439 = %broadcast_in_dim3A_873, %scan3A_1440 = %broadcast_in_dim3A_875, %scan3A_1441 = %broadcast_in_dim3A_877, %scan3A_1442 = %broadcast_in_dim3A_879, %scan3A_1443 = %broadcast_in_dim3A_881) -> (vector<16xf32>, vector<16xf32>, vector<16xf32>, vector<16xf32>, vector<16xf32>, vector<16xf32>, vector<16xf32>, vector<16xf32>)  : i32 {
      %broadcast_in_dim3A_1444 = vector.broadcast %scan3A_1435 : i32 to vector<16xi32>
      %gather3A = tpu.vector_load_idx %arg6[%broadcast_in_dim3A_1444] : memref<64xf32, #tpu.memory_space<vmem>>[vector<16xi32>], vector<16xf32>,
      %get3A = arith.constant 1 : i32
      %get3A_1445 = arith.index_cast %get3A : i32 to index
      %get3A_1446 = arith.index_cast %scan3A_1435 : i32 to index
      %get3A_1447 = arith.constant 0 : index
      %get3A_1448 = tpu.vector_load %arg7[%get3A_1445, %get3A_1446, %get3A_1447] {strides = array<i32>} : memref<2x64x128xf32, #tpu.memory_space<vmem>>, vector<16xf32>,
      %sub3A = arith.subf %get3A_1448, %gather3A : vector<16xf32>
      %mul3A_1449 = arith.mulf %sub3A, %sub3A : vector<16xf32>
      %add3A_1450 = arith.addf %scan3A_1436, %mul3A_1449 : vector<16xf32>
      %get3A_1451 = arith.constant 1 : i32
      %get3A_1452 = arith.index_cast %get3A_1451 : i32 to index
      %get3A_1453 = arith.index_cast %scan3A_1435 : i32 to index
      %get3A_1454 = arith.constant 16 : index
      %get3A_1455 = tpu.vector_load %arg7[%get3A_1452, %get3A_1453, %get3A_1454] {strides = array<i32>} : memref<2x64x128xf32, #tpu.memory_space<vmem>>, vector<16xf32>,
      %sub3A_1456 = arith.subf %get3A_1455, %gather3A : vector<16xf32>
      %mul3A_1457 = arith.mulf %sub3A_1456, %sub3A_1456 : vector<16xf32>
      %add3A_1458 = arith.addf %scan3A_1437, %mul3A_1457 : vector<16xf32>
      %get3A_1459 = arith.constant 1 : i32
      %get3A_1460 = arith.index_cast %get3A_1459 : i32 to index
      %get3A_1461 = arith.index_cast %scan3A_1435 : i32 to index
      %get3A_1462 = arith.constant 32 : index
      %get3A_1463 = tpu.vector_load %arg7[%get3A_1460, %get3A_1461, %get3A_1462] {strides = array<i32>} : memref<2x64x128xf32, #tpu.memory_space<vmem>>, vector<16xf32>,
      %sub3A_1464 = arith.subf %get3A_1463, %gather3A : vector<16xf32>
      %mul3A_1465 = arith.mulf %sub3A_1464, %sub3A_1464 : vector<16xf32>
      %add3A_1466 = arith.addf %scan3A_1438, %mul3A_1465 : vector<16xf32>
      %get3A_1467 = arith.constant 1 : i32
      %get3A_1468 = arith.index_cast %get3A_1467 : i32 to index
      %get3A_1469 = arith.index_cast %scan3A_1435 : i32 to index
      %get3A_1470 = arith.constant 48 : index
      %get3A_1471 = tpu.vector_load %arg7[%get3A_1468, %get3A_1469, %get3A_1470] {strides = array<i32>} : memref<2x64x128xf32, #tpu.memory_space<vmem>>, vector<16xf32>,
      %sub3A_1472 = arith.subf %get3A_1471, %gather3A : vector<16xf32>
      %mul3A_1473 = arith.mulf %sub3A_1472, %sub3A_1472 : vector<16xf32>
      %add3A_1474 = arith.addf %scan3A_1439, %mul3A_1473 : vector<16xf32>
      %get3A_1475 = arith.constant 1 : i32
      %get3A_1476 = arith.index_cast %get3A_1475 : i32 to index
      %get3A_1477 = arith.index_cast %scan3A_1435 : i32 to index
      %get3A_1478 = arith.constant 64 : index
      %get3A_1479 = tpu.vector_load %arg7[%get3A_1476, %get3A_1477, %get3A_1478] {strides = array<i32>} : memref<2x64x128xf32, #tpu.memory_space<vmem>>, vector<16xf32>,
      %sub3A_1480 = arith.subf %get3A_1479, %gather3A : vector<16xf32>
      %mul3A_1481 = arith.mulf %sub3A_1480, %sub3A_1480 : vector<16xf32>
      %add3A_1482 = arith.addf %scan3A_1440, %mul3A_1481 : vector<16xf32>
      %get3A_1483 = arith.constant 1 : i32
      %get3A_1484 = arith.index_cast %get3A_1483 : i32 to index
      %get3A_1485 = arith.index_cast %scan3A_1435 : i32 to index
      %get3A_1486 = arith.constant 80 : index
      %get3A_1487 = tpu.vector_load %arg7[%get3A_1484, %get3A_1485, %get3A_1486] {strides = array<i32>} : memref<2x64x128xf32, #tpu.memory_space<vmem>>, vector<16xf32>,
      %sub3A_1488 = arith.subf %get3A_1487, %gather3A : vector<16xf32>
      %mul3A_1489 = arith.mulf %sub3A_1488, %sub3A_1488 : vector<16xf32>
      %add3A_1490 = arith.addf %scan3A_1441, %mul3A_1489 : vector<16xf32>
      %get3A_1491 = arith.constant 1 : i32
      %get3A_1492 = arith.index_cast %get3A_1491 : i32 to index
      %get3A_1493 = arith.index_cast %scan3A_1435 : i32 to index
      %get3A_1494 = arith.constant 96 : index
      %get3A_1495 = tpu.vector_load %arg7[%get3A_1492, %get3A_1493, %get3A_1494] {strides = array<i32>} : memref<2x64x128xf32, #tpu.memory_space<vmem>>, vector<16xf32>,
      %sub3A_1496 = arith.subf %get3A_1495, %gather3A : vector<16xf32>
      %mul3A_1497 = arith.mulf %sub3A_1496, %sub3A_1496 : vector<16xf32>
      %add3A_1498 = arith.addf %scan3A_1442, %mul3A_1497 : vector<16xf32>
      %get3A_1499 = arith.constant 1 : i32
      %get3A_1500 = arith.index_cast %get3A_1499 : i32 to index
      %get3A_1501 = arith.index_cast %scan3A_1435 : i32 to index
      %get3A_1502 = arith.constant 112 : index
      %get3A_1503 = tpu.vector_load %arg7[%get3A_1500, %get3A_1501, %get3A_1502] {strides = array<i32>} : memref<2x64x128xf32, #tpu.memory_space<vmem>>, vector<16xf32>,
      %sub3A_1504 = arith.subf %get3A_1503, %gather3A : vector<16xf32>
      %mul3A_1505 = arith.mulf %sub3A_1504, %sub3A_1504 : vector<16xf32>
      %add3A_1506 = arith.addf %scan3A_1443, %mul3A_1505 : vector<16xf32>
      scf.yield %add3A_1450, %add3A_1458, %add3A_1466, %add3A_1474, %add3A_1482, %add3A_1490, %add3A_1498, %add3A_1506 : vector<16xf32>, vector<16xf32>, vector<16xf32>, vector<16xf32>, vector<16xf32>, vector<16xf32>, vector<16xf32>, vector<16xf32>
    }
    %scan3A_887 = arith.constant 64 : i32
    %add3A_888 = arith.constant 224 : i32
    %add3A_889 = arith.addi %add3A, %add3A_888 : i32
    %mul3A_890 = arith.constant 128 : i32
    %mul3A_891 = arith.muli %add3A_889, %mul3A_890 : i32
    %add3A_892 = arith.constant 0 : i32
    %add3A_893 = arith.addi %mul3A_891, %add3A_892 : i32
    %add3A_894 = vector.broadcast %add3A_893 : i32 to vector<16xi32>
    %add3A_895 = arith.addi %iota3A, %add3A_894 : vector<16xi32>
    %lt3A_896 = arith.cmpf olt, %scan3A_886#0, %select_n3A_784 : vector<16xf32>
    %select_n3A_897 = arith.select %lt3A_896, %scan3A_886#0, %select_n3A_784 : vector<16xi1>, vector<16xf32>
    %select_n3A_898 = arith.select %lt3A_896, %add3A_895, %select_n3A_785 : vector<16xi1>, vector<16xi32>
    %add3A_899 = arith.constant 16 : i32
    %add3A_900 = arith.addi %mul3A_891, %add3A_899 : i32
    %add3A_901 = vector.broadcast %add3A_900 : i32 to vector<16xi32>
    %add3A_902 = arith.addi %iota3A, %add3A_901 : vector<16xi32>
    %lt3A_903 = arith.cmpf olt, %scan3A_886#1, %select_n3A_791 : vector<16xf32>
    %select_n3A_904 = arith.select %lt3A_903, %scan3A_886#1, %select_n3A_791 : vector<16xi1>, vector<16xf32>
    %select_n3A_905 = arith.select %lt3A_903, %add3A_902, %select_n3A_792 : vector<16xi1>, vector<16xi32>
    %add3A_906 = arith.constant 32 : i32
    %add3A_907 = arith.addi %mul3A_891, %add3A_906 : i32
    %add3A_908 = vector.broadcast %add3A_907 : i32 to vector<16xi32>
    %add3A_909 = arith.addi %iota3A, %add3A_908 : vector<16xi32>
    %lt3A_910 = arith.cmpf olt, %scan3A_886#2, %select_n3A_798 : vector<16xf32>
    %select_n3A_911 = arith.select %lt3A_910, %scan3A_886#2, %select_n3A_798 : vector<16xi1>, vector<16xf32>
    %select_n3A_912 = arith.select %lt3A_910, %add3A_909, %select_n3A_799 : vector<16xi1>, vector<16xi32>
    %add3A_913 = arith.constant 48 : i32
    %add3A_914 = arith.addi %mul3A_891, %add3A_913 : i32
    %add3A_915 = vector.broadcast %add3A_914 : i32 to vector<16xi32>
    %add3A_916 = arith.addi %iota3A, %add3A_915 : vector<16xi32>
    %lt3A_917 = arith.cmpf olt, %scan3A_886#3, %select_n3A_805 : vector<16xf32>
    %select_n3A_918 = arith.select %lt3A_917, %scan3A_886#3, %select_n3A_805 : vector<16xi1>, vector<16xf32>
    %select_n3A_919 = arith.select %lt3A_917, %add3A_916, %select_n3A_806 : vector<16xi1>, vector<16xi32>
    %add3A_920 = arith.constant 64 : i32
    %add3A_921 = arith.addi %mul3A_891, %add3A_920 : i32
    %add3A_922 = vector.broadcast %add3A_921 : i32 to vector<16xi32>
    %add3A_923 = arith.addi %iota3A, %add3A_922 : vector<16xi32>
    %lt3A_924 = arith.cmpf olt, %scan3A_886#4, %select_n3A_812 : vector<16xf32>
    %select_n3A_925 = arith.select %lt3A_924, %scan3A_886#4, %select_n3A_812 : vector<16xi1>, vector<16xf32>
    %select_n3A_926 = arith.select %lt3A_924, %add3A_923, %select_n3A_813 : vector<16xi1>, vector<16xi32>
    %add3A_927 = arith.constant 80 : i32
    %add3A_928 = arith.addi %mul3A_891, %add3A_927 : i32
    %add3A_929 = vector.broadcast %add3A_928 : i32 to vector<16xi32>
    %add3A_930 = arith.addi %iota3A, %add3A_929 : vector<16xi32>
    %lt3A_931 = arith.cmpf olt, %scan3A_886#5, %select_n3A_819 : vector<16xf32>
    %select_n3A_932 = arith.select %lt3A_931, %scan3A_886#5, %select_n3A_819 : vector<16xi1>, vector<16xf32>
    %select_n3A_933 = arith.select %lt3A_931, %add3A_930, %select_n3A_820 : vector<16xi1>, vector<16xi32>
    %add3A_934 = arith.constant 96 : i32
    %add3A_935 = arith.addi %mul3A_891, %add3A_934 : i32
    %add3A_936 = vector.broadcast %add3A_935 : i32 to vector<16xi32>
    %add3A_937 = arith.addi %iota3A, %add3A_936 : vector<16xi32>
    %lt3A_938 = arith.cmpf olt, %scan3A_886#6, %select_n3A_826 : vector<16xf32>
    %select_n3A_939 = arith.select %lt3A_938, %scan3A_886#6, %select_n3A_826 : vector<16xi1>, vector<16xf32>
    %select_n3A_940 = arith.select %lt3A_938, %add3A_937, %select_n3A_827 : vector<16xi1>, vector<16xi32>
    %add3A_941 = arith.constant 112 : i32
    %add3A_942 = arith.addi %mul3A_891, %add3A_941 : i32
    %add3A_943 = vector.broadcast %add3A_942 : i32 to vector<16xi32>
    %add3A_944 = arith.addi %iota3A, %add3A_943 : vector<16xi32>
    %lt3A_945 = arith.cmpf olt, %scan3A_886#7, %select_n3A_833 : vector<16xf32>
    %select_n3A_946 = arith.select %lt3A_945, %scan3A_886#7, %select_n3A_833 : vector<16xi1>, vector<16xf32>
    %select_n3A_947 = arith.select %lt3A_945, %add3A_944, %select_n3A_834 : vector<16xi1>, vector<16xi32>
    %add3A_948 = arith.constant 288 : i32
    %add3A_949 = arith.addi %add3A, %add3A_948 : i32
    %mul3A_950 = arith.constant 128 : i32
    %mul3A_951 = arith.muli %add3A_949, %mul3A_950 : i32
    %multiple_of3A_952 = tpu.assume_multiple %mul3A_951, 128 : i32
    %dma_start3A_953 = arith.constant 1 : i32
    %dma_start3A_954 = arith.constant 0 : i32
    %dma_start3A_955 = arith.constant 0 : i32
    %dma_start3A_956 = tpu.memref_slice %arg7[%dma_start3A_953, %dma_start3A_954, %dma_start3A_955] : memref<2x64x128xf32, #tpu.memory_space<vmem>> -> memref<1x64x128xf32, #tpu.memory_space<vmem>>
    %dma_start3A_957 = tpu.memref_squeeze %dma_start3A_956 : memref<1x64x128xf32, #tpu.memory_space<vmem>> -> memref<64x128xf32, #tpu.memory_space<vmem>>
    %dma_start3A_958 = arith.constant 0 : i32
    %dma_start3A_959 = tpu.memref_slice %arg2[%dma_start3A_958, %multiple_of3A_952] : memref<64x100000xf32, #tpu.memory_space<hbm>> -> memref<64x128xf32, #tpu.memory_space<hbm>>
    %dma_start3A_960 = arith.constant 0 : i32
    %dma_start3A_961 = arith.constant 0 : i32
    %dma_start3A_962 = tpu.memref_slice %arg7[%dma_start3A_953, %dma_start3A_960, %dma_start3A_961] : memref<2x64x128xf32, #tpu.memory_space<vmem>> -> memref<1x64x128xf32, #tpu.memory_space<vmem>>
    %dma_start3A_963 = tpu.memref_squeeze %dma_start3A_962 : memref<1x64x128xf32, #tpu.memory_space<vmem>> -> memref<64x128xf32, #tpu.memory_space<vmem>>
    %dma_start3A_964 = arith.constant 0 : i32
    %dma_start3A_965 = tpu.memref_slice %arg2[%dma_start3A_964, %multiple_of3A_952] : memref<64x100000xf32, #tpu.memory_space<hbm>> -> memref<64x128xf32, #tpu.memory_space<hbm>>
    tpu.enqueue_dma source(%dma_start3A_965 : memref<64x128xf32, #tpu.memory_space<hbm>>) target(%dma_start3A_963 : memref<64x128xf32, #tpu.memory_space<vmem>>) target_semaphore(%arg11 : memref<!tpu.dma_semaphore, #tpu.memory_space<semaphore_mem>>)
    %dma_wait3A_966 = arith.constant 0 : i32
    %dma_wait3A_967 = arith.constant 0 : i32
    %dma_wait3A_968 = arith.constant 0 : i32
    %dma_wait3A_969 = tpu.memref_slice %arg7[%dma_wait3A_966, %dma_wait3A_967, %dma_wait3A_968] : memref<2x64x128xf32, #tpu.memory_space<vmem>> -> memref<1x64x128xf32, #tpu.memory_space<vmem>>
    %dma_wait3A_970 = tpu.memref_squeeze %dma_wait3A_969 : memref<1x64x128xf32, #tpu.memory_space<vmem>> -> memref<64x128xf32, #tpu.memory_space<vmem>>
    %dma_wait3A_971 = arith.constant 0 : i32
    %dma_wait3A_972 = tpu.memref_slice %arg2[%dma_wait3A_971, %multiple_of3A_839] : memref<64x100000xf32, #tpu.memory_space<hbm>> -> memref<64x128xf32, #tpu.memory_space<hbm>>
    %dma_wait3A_973 = arith.constant 0 : i32
    %dma_wait3A_974 = arith.constant 0 : i32
    %dma_wait3A_975 = tpu.memref_slice %arg7[%dma_wait3A_966, %dma_wait3A_973, %dma_wait3A_974] : memref<2x64x128xf32, #tpu.memory_space<vmem>> -> memref<1x64x128xf32, #tpu.memory_space<vmem>>
    %dma_wait3A_976 = tpu.memref_squeeze %dma_wait3A_975 : memref<1x64x128xf32, #tpu.memory_space<vmem>> -> memref<64x128xf32, #tpu.memory_space<vmem>>
    %dma_wait3A_977 = arith.constant 0 : i32
    %dma_wait3A_978 = tpu.memref_slice %arg2[%dma_wait3A_977, %multiple_of3A_839] : memref<64x100000xf32, #tpu.memory_space<hbm>> -> memref<64x128xf32, #tpu.memory_space<hbm>>
    tpu.wait_dma2 semaphore(%arg10 : memref<!tpu.dma_semaphore, #tpu.memory_space<semaphore_mem>>) src(%dma_wait3A_978 : memref<64x128xf32, #tpu.memory_space<hbm>>) dst(%dma_wait3A_976 : memref<64x128xf32, #tpu.memory_space<vmem>>)
    %broadcast_in_dim3A_979 = arith.constant 0.000000e+00 : f32
    %broadcast_in_dim3A_980 = vector.broadcast %broadcast_in_dim3A_979 : f32 to vector<16xf32>
    %broadcast_in_dim3A_981 = arith.constant 0.000000e+00 : f32
    %broadcast_in_dim3A_982 = vector.broadcast %broadcast_in_dim3A_981 : f32 to vector<16xf32>
    %broadcast_in_dim3A_983 = arith.constant 0.000000e+00 : f32
    %broadcast_in_dim3A_984 = vector.broadcast %broadcast_in_dim3A_983 : f32 to vector<16xf32>
    %broadcast_in_dim3A_985 = arith.constant 0.000000e+00 : f32
    %broadcast_in_dim3A_986 = vector.broadcast %broadcast_in_dim3A_985 : f32 to vector<16xf32>
    %broadcast_in_dim3A_987 = arith.constant 0.000000e+00 : f32
    %broadcast_in_dim3A_988 = vector.broadcast %broadcast_in_dim3A_987 : f32 to vector<16xf32>
    %broadcast_in_dim3A_989 = arith.constant 0.000000e+00 : f32
    %broadcast_in_dim3A_990 = vector.broadcast %broadcast_in_dim3A_989 : f32 to vector<16xf32>
    %broadcast_in_dim3A_991 = arith.constant 0.000000e+00 : f32
    %broadcast_in_dim3A_992 = vector.broadcast %broadcast_in_dim3A_991 : f32 to vector<16xf32>
    %broadcast_in_dim3A_993 = arith.constant 0.000000e+00 : f32
    %broadcast_in_dim3A_994 = vector.broadcast %broadcast_in_dim3A_993 : f32 to vector<16xf32>
    %scan3A_995 = arith.constant 0 : i32
    %scan3A_996 = arith.constant 64 : i32
    %scan3A_997 = arith.addi %scan3A_995, %scan3A_996 : i32
    %scan3A_998 = arith.constant 1 : i32
    %scan3A_999:8 = scf.for %scan3A_1435 = %scan3A_995 to %scan3A_997 step %scan3A_998 iter_args(%scan3A_1436 = %broadcast_in_dim3A_980, %scan3A_1437 = %broadcast_in_dim3A_982, %scan3A_1438 = %broadcast_in_dim3A_984, %scan3A_1439 = %broadcast_in_dim3A_986, %scan3A_1440 = %broadcast_in_dim3A_988, %scan3A_1441 = %broadcast_in_dim3A_990, %scan3A_1442 = %broadcast_in_dim3A_992, %scan3A_1443 = %broadcast_in_dim3A_994) -> (vector<16xf32>, vector<16xf32>, vector<16xf32>, vector<16xf32>, vector<16xf32>, vector<16xf32>, vector<16xf32>, vector<16xf32>)  : i32 {
      %broadcast_in_dim3A_1444 = vector.broadcast %scan3A_1435 : i32 to vector<16xi32>
      %gather3A = tpu.vector_load_idx %arg6[%broadcast_in_dim3A_1444] : memref<64xf32, #tpu.memory_space<vmem>>[vector<16xi32>], vector<16xf32>,
      %get3A = arith.constant 0 : i32
      %get3A_1445 = arith.index_cast %get3A : i32 to index
      %get3A_1446 = arith.index_cast %scan3A_1435 : i32 to index
      %get3A_1447 = arith.constant 0 : index
      %get3A_1448 = tpu.vector_load %arg7[%get3A_1445, %get3A_1446, %get3A_1447] {strides = array<i32>} : memref<2x64x128xf32, #tpu.memory_space<vmem>>, vector<16xf32>,
      %sub3A = arith.subf %get3A_1448, %gather3A : vector<16xf32>
      %mul3A_1449 = arith.mulf %sub3A, %sub3A : vector<16xf32>
      %add3A_1450 = arith.addf %scan3A_1436, %mul3A_1449 : vector<16xf32>
      %get3A_1451 = arith.constant 0 : i32
      %get3A_1452 = arith.index_cast %get3A_1451 : i32 to index
      %get3A_1453 = arith.index_cast %scan3A_1435 : i32 to index
      %get3A_1454 = arith.constant 16 : index
      %get3A_1455 = tpu.vector_load %arg7[%get3A_1452, %get3A_1453, %get3A_1454] {strides = array<i32>} : memref<2x64x128xf32, #tpu.memory_space<vmem>>, vector<16xf32>,
      %sub3A_1456 = arith.subf %get3A_1455, %gather3A : vector<16xf32>
      %mul3A_1457 = arith.mulf %sub3A_1456, %sub3A_1456 : vector<16xf32>
      %add3A_1458 = arith.addf %scan3A_1437, %mul3A_1457 : vector<16xf32>
      %get3A_1459 = arith.constant 0 : i32
      %get3A_1460 = arith.index_cast %get3A_1459 : i32 to index
      %get3A_1461 = arith.index_cast %scan3A_1435 : i32 to index
      %get3A_1462 = arith.constant 32 : index
      %get3A_1463 = tpu.vector_load %arg7[%get3A_1460, %get3A_1461, %get3A_1462] {strides = array<i32>} : memref<2x64x128xf32, #tpu.memory_space<vmem>>, vector<16xf32>,
      %sub3A_1464 = arith.subf %get3A_1463, %gather3A : vector<16xf32>
      %mul3A_1465 = arith.mulf %sub3A_1464, %sub3A_1464 : vector<16xf32>
      %add3A_1466 = arith.addf %scan3A_1438, %mul3A_1465 : vector<16xf32>
      %get3A_1467 = arith.constant 0 : i32
      %get3A_1468 = arith.index_cast %get3A_1467 : i32 to index
      %get3A_1469 = arith.index_cast %scan3A_1435 : i32 to index
      %get3A_1470 = arith.constant 48 : index
      %get3A_1471 = tpu.vector_load %arg7[%get3A_1468, %get3A_1469, %get3A_1470] {strides = array<i32>} : memref<2x64x128xf32, #tpu.memory_space<vmem>>, vector<16xf32>,
      %sub3A_1472 = arith.subf %get3A_1471, %gather3A : vector<16xf32>
      %mul3A_1473 = arith.mulf %sub3A_1472, %sub3A_1472 : vector<16xf32>
      %add3A_1474 = arith.addf %scan3A_1439, %mul3A_1473 : vector<16xf32>
      %get3A_1475 = arith.constant 0 : i32
      %get3A_1476 = arith.index_cast %get3A_1475 : i32 to index
      %get3A_1477 = arith.index_cast %scan3A_1435 : i32 to index
      %get3A_1478 = arith.constant 64 : index
      %get3A_1479 = tpu.vector_load %arg7[%get3A_1476, %get3A_1477, %get3A_1478] {strides = array<i32>} : memref<2x64x128xf32, #tpu.memory_space<vmem>>, vector<16xf32>,
      %sub3A_1480 = arith.subf %get3A_1479, %gather3A : vector<16xf32>
      %mul3A_1481 = arith.mulf %sub3A_1480, %sub3A_1480 : vector<16xf32>
      %add3A_1482 = arith.addf %scan3A_1440, %mul3A_1481 : vector<16xf32>
      %get3A_1483 = arith.constant 0 : i32
      %get3A_1484 = arith.index_cast %get3A_1483 : i32 to index
      %get3A_1485 = arith.index_cast %scan3A_1435 : i32 to index
      %get3A_1486 = arith.constant 80 : index
      %get3A_1487 = tpu.vector_load %arg7[%get3A_1484, %get3A_1485, %get3A_1486] {strides = array<i32>} : memref<2x64x128xf32, #tpu.memory_space<vmem>>, vector<16xf32>,
      %sub3A_1488 = arith.subf %get3A_1487, %gather3A : vector<16xf32>
      %mul3A_1489 = arith.mulf %sub3A_1488, %sub3A_1488 : vector<16xf32>
      %add3A_1490 = arith.addf %scan3A_1441, %mul3A_1489 : vector<16xf32>
      %get3A_1491 = arith.constant 0 : i32
      %get3A_1492 = arith.index_cast %get3A_1491 : i32 to index
      %get3A_1493 = arith.index_cast %scan3A_1435 : i32 to index
      %get3A_1494 = arith.constant 96 : index
      %get3A_1495 = tpu.vector_load %arg7[%get3A_1492, %get3A_1493, %get3A_1494] {strides = array<i32>} : memref<2x64x128xf32, #tpu.memory_space<vmem>>, vector<16xf32>,
      %sub3A_1496 = arith.subf %get3A_1495, %gather3A : vector<16xf32>
      %mul3A_1497 = arith.mulf %sub3A_1496, %sub3A_1496 : vector<16xf32>
      %add3A_1498 = arith.addf %scan3A_1442, %mul3A_1497 : vector<16xf32>
      %get3A_1499 = arith.constant 0 : i32
      %get3A_1500 = arith.index_cast %get3A_1499 : i32 to index
      %get3A_1501 = arith.index_cast %scan3A_1435 : i32 to index
      %get3A_1502 = arith.constant 112 : index
      %get3A_1503 = tpu.vector_load %arg7[%get3A_1500, %get3A_1501, %get3A_1502] {strides = array<i32>} : memref<2x64x128xf32, #tpu.memory_space<vmem>>, vector<16xf32>,
      %sub3A_1504 = arith.subf %get3A_1503, %gather3A : vector<16xf32>
      %mul3A_1505 = arith.mulf %sub3A_1504, %sub3A_1504 : vector<16xf32>
      %add3A_1506 = arith.addf %scan3A_1443, %mul3A_1505 : vector<16xf32>
      scf.yield %add3A_1450, %add3A_1458, %add3A_1466, %add3A_1474, %add3A_1482, %add3A_1490, %add3A_1498, %add3A_1506 : vector<16xf32>, vector<16xf32>, vector<16xf32>, vector<16xf32>, vector<16xf32>, vector<16xf32>, vector<16xf32>, vector<16xf32>
    }
    %scan3A_1000 = arith.constant 64 : i32
    %add3A_1001 = arith.constant 256 : i32
    %add3A_1002 = arith.addi %add3A, %add3A_1001 : i32
    %mul3A_1003 = arith.constant 128 : i32
    %mul3A_1004 = arith.muli %add3A_1002, %mul3A_1003 : i32
    %add3A_1005 = arith.constant 0 : i32
    %add3A_1006 = arith.addi %mul3A_1004, %add3A_1005 : i32
    %add3A_1007 = vector.broadcast %add3A_1006 : i32 to vector<16xi32>
    %add3A_1008 = arith.addi %iota3A, %add3A_1007 : vector<16xi32>
    %lt3A_1009 = arith.cmpf olt, %scan3A_999#0, %select_n3A_897 : vector<16xf32>
    %select_n3A_1010 = arith.select %lt3A_1009, %scan3A_999#0, %select_n3A_897 : vector<16xi1>, vector<16xf32>
    %select_n3A_1011 = arith.select %lt3A_1009, %add3A_1008, %select_n3A_898 : vector<16xi1>, vector<16xi32>
    %add3A_1012 = arith.constant 16 : i32
    %add3A_1013 = arith.addi %mul3A_1004, %add3A_1012 : i32
    %add3A_1014 = vector.broadcast %add3A_1013 : i32 to vector<16xi32>
    %add3A_1015 = arith.addi %iota3A, %add3A_1014 : vector<16xi32>
    %lt3A_1016 = arith.cmpf olt, %scan3A_999#1, %select_n3A_904 : vector<16xf32>
    %select_n3A_1017 = arith.select %lt3A_1016, %scan3A_999#1, %select_n3A_904 : vector<16xi1>, vector<16xf32>
    %select_n3A_1018 = arith.select %lt3A_1016, %add3A_1015, %select_n3A_905 : vector<16xi1>, vector<16xi32>
    %add3A_1019 = arith.constant 32 : i32
    %add3A_1020 = arith.addi %mul3A_1004, %add3A_1019 : i32
    %add3A_1021 = vector.broadcast %add3A_1020 : i32 to vector<16xi32>
    %add3A_1022 = arith.addi %iota3A, %add3A_1021 : vector<16xi32>
    %lt3A_1023 = arith.cmpf olt, %scan3A_999#2, %select_n3A_911 : vector<16xf32>
    %select_n3A_1024 = arith.select %lt3A_1023, %scan3A_999#2, %select_n3A_911 : vector<16xi1>, vector<16xf32>
    %select_n3A_1025 = arith.select %lt3A_1023, %add3A_1022, %select_n3A_912 : vector<16xi1>, vector<16xi32>
    %add3A_1026 = arith.constant 48 : i32
    %add3A_1027 = arith.addi %mul3A_1004, %add3A_1026 : i32
    %add3A_1028 = vector.broadcast %add3A_1027 : i32 to vector<16xi32>
    %add3A_1029 = arith.addi %iota3A, %add3A_1028 : vector<16xi32>
    %lt3A_1030 = arith.cmpf olt, %scan3A_999#3, %select_n3A_918 : vector<16xf32>
    %select_n3A_1031 = arith.select %lt3A_1030, %scan3A_999#3, %select_n3A_918 : vector<16xi1>, vector<16xf32>
    %select_n3A_1032 = arith.select %lt3A_1030, %add3A_1029, %select_n3A_919 : vector<16xi1>, vector<16xi32>
    %add3A_1033 = arith.constant 64 : i32
    %add3A_1034 = arith.addi %mul3A_1004, %add3A_1033 : i32
    %add3A_1035 = vector.broadcast %add3A_1034 : i32 to vector<16xi32>
    %add3A_1036 = arith.addi %iota3A, %add3A_1035 : vector<16xi32>
    %lt3A_1037 = arith.cmpf olt, %scan3A_999#4, %select_n3A_925 : vector<16xf32>
    %select_n3A_1038 = arith.select %lt3A_1037, %scan3A_999#4, %select_n3A_925 : vector<16xi1>, vector<16xf32>
    %select_n3A_1039 = arith.select %lt3A_1037, %add3A_1036, %select_n3A_926 : vector<16xi1>, vector<16xi32>
    %add3A_1040 = arith.constant 80 : i32
    %add3A_1041 = arith.addi %mul3A_1004, %add3A_1040 : i32
    %add3A_1042 = vector.broadcast %add3A_1041 : i32 to vector<16xi32>
    %add3A_1043 = arith.addi %iota3A, %add3A_1042 : vector<16xi32>
    %lt3A_1044 = arith.cmpf olt, %scan3A_999#5, %select_n3A_932 : vector<16xf32>
    %select_n3A_1045 = arith.select %lt3A_1044, %scan3A_999#5, %select_n3A_932 : vector<16xi1>, vector<16xf32>
    %select_n3A_1046 = arith.select %lt3A_1044, %add3A_1043, %select_n3A_933 : vector<16xi1>, vector<16xi32>
    %add3A_1047 = arith.constant 96 : i32
    %add3A_1048 = arith.addi %mul3A_1004, %add3A_1047 : i32
    %add3A_1049 = vector.broadcast %add3A_1048 : i32 to vector<16xi32>
    %add3A_1050 = arith.addi %iota3A, %add3A_1049 : vector<16xi32>
    %lt3A_1051 = arith.cmpf olt, %scan3A_999#6, %select_n3A_939 : vector<16xf32>
    %select_n3A_1052 = arith.select %lt3A_1051, %scan3A_999#6, %select_n3A_939 : vector<16xi1>, vector<16xf32>
    %select_n3A_1053 = arith.select %lt3A_1051, %add3A_1050, %select_n3A_940 : vector<16xi1>, vector<16xi32>
    %add3A_1054 = arith.constant 112 : i32
    %add3A_1055 = arith.addi %mul3A_1004, %add3A_1054 : i32
    %add3A_1056 = vector.broadcast %add3A_1055 : i32 to vector<16xi32>
    %add3A_1057 = arith.addi %iota3A, %add3A_1056 : vector<16xi32>
    %lt3A_1058 = arith.cmpf olt, %scan3A_999#7, %select_n3A_946 : vector<16xf32>
    %select_n3A_1059 = arith.select %lt3A_1058, %scan3A_999#7, %select_n3A_946 : vector<16xi1>, vector<16xf32>
    %select_n3A_1060 = arith.select %lt3A_1058, %add3A_1057, %select_n3A_947 : vector<16xi1>, vector<16xi32>
    %add3A_1061 = arith.constant 320 : i32
    %add3A_1062 = arith.addi %add3A, %add3A_1061 : i32
    %mul3A_1063 = arith.constant 128 : i32
    %mul3A_1064 = arith.muli %add3A_1062, %mul3A_1063 : i32
    %multiple_of3A_1065 = tpu.assume_multiple %mul3A_1064, 128 : i32
    %dma_start3A_1066 = arith.constant 0 : i32
    %dma_start3A_1067 = arith.constant 0 : i32
    %dma_start3A_1068 = arith.constant 0 : i32
    %dma_start3A_1069 = tpu.memref_slice %arg7[%dma_start3A_1066, %dma_start3A_1067, %dma_start3A_1068] : memref<2x64x128xf32, #tpu.memory_space<vmem>> -> memref<1x64x128xf32, #tpu.memory_space<vmem>>
    %dma_start3A_1070 = tpu.memref_squeeze %dma_start3A_1069 : memref<1x64x128xf32, #tpu.memory_space<vmem>> -> memref<64x128xf32, #tpu.memory_space<vmem>>
    %dma_start3A_1071 = arith.constant 0 : i32
    %dma_start3A_1072 = tpu.memref_slice %arg2[%dma_start3A_1071, %multiple_of3A_1065] : memref<64x100000xf32, #tpu.memory_space<hbm>> -> memref<64x128xf32, #tpu.memory_space<hbm>>
    %dma_start3A_1073 = arith.constant 0 : i32
    %dma_start3A_1074 = arith.constant 0 : i32
    %dma_start3A_1075 = tpu.memref_slice %arg7[%dma_start3A_1066, %dma_start3A_1073, %dma_start3A_1074] : memref<2x64x128xf32, #tpu.memory_space<vmem>> -> memref<1x64x128xf32, #tpu.memory_space<vmem>>
    %dma_start3A_1076 = tpu.memref_squeeze %dma_start3A_1075 : memref<1x64x128xf32, #tpu.memory_space<vmem>> -> memref<64x128xf32, #tpu.memory_space<vmem>>
    %dma_start3A_1077 = arith.constant 0 : i32
    %dma_start3A_1078 = tpu.memref_slice %arg2[%dma_start3A_1077, %multiple_of3A_1065] : memref<64x100000xf32, #tpu.memory_space<hbm>> -> memref<64x128xf32, #tpu.memory_space<hbm>>
    tpu.enqueue_dma source(%dma_start3A_1078 : memref<64x128xf32, #tpu.memory_space<hbm>>) target(%dma_start3A_1076 : memref<64x128xf32, #tpu.memory_space<vmem>>) target_semaphore(%arg10 : memref<!tpu.dma_semaphore, #tpu.memory_space<semaphore_mem>>)
    %dma_wait3A_1079 = arith.constant 1 : i32
    %dma_wait3A_1080 = arith.constant 0 : i32
    %dma_wait3A_1081 = arith.constant 0 : i32
    %dma_wait3A_1082 = tpu.memref_slice %arg7[%dma_wait3A_1079, %dma_wait3A_1080, %dma_wait3A_1081] : memref<2x64x128xf32, #tpu.memory_space<vmem>> -> memref<1x64x128xf32, #tpu.memory_space<vmem>>
    %dma_wait3A_1083 = tpu.memref_squeeze %dma_wait3A_1082 : memref<1x64x128xf32, #tpu.memory_space<vmem>> -> memref<64x128xf32, #tpu.memory_space<vmem>>
    %dma_wait3A_1084 = arith.constant 0 : i32
    %dma_wait3A_1085 = tpu.memref_slice %arg2[%dma_wait3A_1084, %multiple_of3A_952] : memref<64x100000xf32, #tpu.memory_space<hbm>> -> memref<64x128xf32, #tpu.memory_space<hbm>>
    %dma_wait3A_1086 = arith.constant 0 : i32
    %dma_wait3A_1087 = arith.constant 0 : i32
    %dma_wait3A_1088 = tpu.memref_slice %arg7[%dma_wait3A_1079, %dma_wait3A_1086, %dma_wait3A_1087] : memref<2x64x128xf32, #tpu.memory_space<vmem>> -> memref<1x64x128xf32, #tpu.memory_space<vmem>>
    %dma_wait3A_1089 = tpu.memref_squeeze %dma_wait3A_1088 : memref<1x64x128xf32, #tpu.memory_space<vmem>> -> memref<64x128xf32, #tpu.memory_space<vmem>>
    %dma_wait3A_1090 = arith.constant 0 : i32
    %dma_wait3A_1091 = tpu.memref_slice %arg2[%dma_wait3A_1090, %multiple_of3A_952] : memref<64x100000xf32, #tpu.memory_space<hbm>> -> memref<64x128xf32, #tpu.memory_space<hbm>>
    tpu.wait_dma2 semaphore(%arg11 : memref<!tpu.dma_semaphore, #tpu.memory_space<semaphore_mem>>) src(%dma_wait3A_1091 : memref<64x128xf32, #tpu.memory_space<hbm>>) dst(%dma_wait3A_1089 : memref<64x128xf32, #tpu.memory_space<vmem>>)
    %broadcast_in_dim3A_1092 = arith.constant 0.000000e+00 : f32
    %broadcast_in_dim3A_1093 = vector.broadcast %broadcast_in_dim3A_1092 : f32 to vector<16xf32>
    %broadcast_in_dim3A_1094 = arith.constant 0.000000e+00 : f32
    %broadcast_in_dim3A_1095 = vector.broadcast %broadcast_in_dim3A_1094 : f32 to vector<16xf32>
    %broadcast_in_dim3A_1096 = arith.constant 0.000000e+00 : f32
    %broadcast_in_dim3A_1097 = vector.broadcast %broadcast_in_dim3A_1096 : f32 to vector<16xf32>
    %broadcast_in_dim3A_1098 = arith.constant 0.000000e+00 : f32
    %broadcast_in_dim3A_1099 = vector.broadcast %broadcast_in_dim3A_1098 : f32 to vector<16xf32>
    %broadcast_in_dim3A_1100 = arith.constant 0.000000e+00 : f32
    %broadcast_in_dim3A_1101 = vector.broadcast %broadcast_in_dim3A_1100 : f32 to vector<16xf32>
    %broadcast_in_dim3A_1102 = arith.constant 0.000000e+00 : f32
    %broadcast_in_dim3A_1103 = vector.broadcast %broadcast_in_dim3A_1102 : f32 to vector<16xf32>
    %broadcast_in_dim3A_1104 = arith.constant 0.000000e+00 : f32
    %broadcast_in_dim3A_1105 = vector.broadcast %broadcast_in_dim3A_1104 : f32 to vector<16xf32>
    %broadcast_in_dim3A_1106 = arith.constant 0.000000e+00 : f32
    %broadcast_in_dim3A_1107 = vector.broadcast %broadcast_in_dim3A_1106 : f32 to vector<16xf32>
    %scan3A_1108 = arith.constant 0 : i32
    %scan3A_1109 = arith.constant 64 : i32
    %scan3A_1110 = arith.addi %scan3A_1108, %scan3A_1109 : i32
    %scan3A_1111 = arith.constant 1 : i32
    %scan3A_1112:8 = scf.for %scan3A_1435 = %scan3A_1108 to %scan3A_1110 step %scan3A_1111 iter_args(%scan3A_1436 = %broadcast_in_dim3A_1093, %scan3A_1437 = %broadcast_in_dim3A_1095, %scan3A_1438 = %broadcast_in_dim3A_1097, %scan3A_1439 = %broadcast_in_dim3A_1099, %scan3A_1440 = %broadcast_in_dim3A_1101, %scan3A_1441 = %broadcast_in_dim3A_1103, %scan3A_1442 = %broadcast_in_dim3A_1105, %scan3A_1443 = %broadcast_in_dim3A_1107) -> (vector<16xf32>, vector<16xf32>, vector<16xf32>, vector<16xf32>, vector<16xf32>, vector<16xf32>, vector<16xf32>, vector<16xf32>)  : i32 {
      %broadcast_in_dim3A_1444 = vector.broadcast %scan3A_1435 : i32 to vector<16xi32>
      %gather3A = tpu.vector_load_idx %arg6[%broadcast_in_dim3A_1444] : memref<64xf32, #tpu.memory_space<vmem>>[vector<16xi32>], vector<16xf32>,
      %get3A = arith.constant 1 : i32
      %get3A_1445 = arith.index_cast %get3A : i32 to index
      %get3A_1446 = arith.index_cast %scan3A_1435 : i32 to index
      %get3A_1447 = arith.constant 0 : index
      %get3A_1448 = tpu.vector_load %arg7[%get3A_1445, %get3A_1446, %get3A_1447] {strides = array<i32>} : memref<2x64x128xf32, #tpu.memory_space<vmem>>, vector<16xf32>,
      %sub3A = arith.subf %get3A_1448, %gather3A : vector<16xf32>
      %mul3A_1449 = arith.mulf %sub3A, %sub3A : vector<16xf32>
      %add3A_1450 = arith.addf %scan3A_1436, %mul3A_1449 : vector<16xf32>
      %get3A_1451 = arith.constant 1 : i32
      %get3A_1452 = arith.index_cast %get3A_1451 : i32 to index
      %get3A_1453 = arith.index_cast %scan3A_1435 : i32 to index
      %get3A_1454 = arith.constant 16 : index
      %get3A_1455 = tpu.vector_load %arg7[%get3A_1452, %get3A_1453, %get3A_1454] {strides = array<i32>} : memref<2x64x128xf32, #tpu.memory_space<vmem>>, vector<16xf32>,
      %sub3A_1456 = arith.subf %get3A_1455, %gather3A : vector<16xf32>
      %mul3A_1457 = arith.mulf %sub3A_1456, %sub3A_1456 : vector<16xf32>
      %add3A_1458 = arith.addf %scan3A_1437, %mul3A_1457 : vector<16xf32>
      %get3A_1459 = arith.constant 1 : i32
      %get3A_1460 = arith.index_cast %get3A_1459 : i32 to index
      %get3A_1461 = arith.index_cast %scan3A_1435 : i32 to index
      %get3A_1462 = arith.constant 32 : index
      %get3A_1463 = tpu.vector_load %arg7[%get3A_1460, %get3A_1461, %get3A_1462] {strides = array<i32>} : memref<2x64x128xf32, #tpu.memory_space<vmem>>, vector<16xf32>,
      %sub3A_1464 = arith.subf %get3A_1463, %gather3A : vector<16xf32>
      %mul3A_1465 = arith.mulf %sub3A_1464, %sub3A_1464 : vector<16xf32>
      %add3A_1466 = arith.addf %scan3A_1438, %mul3A_1465 : vector<16xf32>
      %get3A_1467 = arith.constant 1 : i32
      %get3A_1468 = arith.index_cast %get3A_1467 : i32 to index
      %get3A_1469 = arith.index_cast %scan3A_1435 : i32 to index
      %get3A_1470 = arith.constant 48 : index
      %get3A_1471 = tpu.vector_load %arg7[%get3A_1468, %get3A_1469, %get3A_1470] {strides = array<i32>} : memref<2x64x128xf32, #tpu.memory_space<vmem>>, vector<16xf32>,
      %sub3A_1472 = arith.subf %get3A_1471, %gather3A : vector<16xf32>
      %mul3A_1473 = arith.mulf %sub3A_1472, %sub3A_1472 : vector<16xf32>
      %add3A_1474 = arith.addf %scan3A_1439, %mul3A_1473 : vector<16xf32>
      %get3A_1475 = arith.constant 1 : i32
      %get3A_1476 = arith.index_cast %get3A_1475 : i32 to index
      %get3A_1477 = arith.index_cast %scan3A_1435 : i32 to index
      %get3A_1478 = arith.constant 64 : index
      %get3A_1479 = tpu.vector_load %arg7[%get3A_1476, %get3A_1477, %get3A_1478] {strides = array<i32>} : memref<2x64x128xf32, #tpu.memory_space<vmem>>, vector<16xf32>,
      %sub3A_1480 = arith.subf %get3A_1479, %gather3A : vector<16xf32>
      %mul3A_1481 = arith.mulf %sub3A_1480, %sub3A_1480 : vector<16xf32>
      %add3A_1482 = arith.addf %scan3A_1440, %mul3A_1481 : vector<16xf32>
      %get3A_1483 = arith.constant 1 : i32
      %get3A_1484 = arith.index_cast %get3A_1483 : i32 to index
      %get3A_1485 = arith.index_cast %scan3A_1435 : i32 to index
      %get3A_1486 = arith.constant 80 : index
      %get3A_1487 = tpu.vector_load %arg7[%get3A_1484, %get3A_1485, %get3A_1486] {strides = array<i32>} : memref<2x64x128xf32, #tpu.memory_space<vmem>>, vector<16xf32>,
      %sub3A_1488 = arith.subf %get3A_1487, %gather3A : vector<16xf32>
      %mul3A_1489 = arith.mulf %sub3A_1488, %sub3A_1488 : vector<16xf32>
      %add3A_1490 = arith.addf %scan3A_1441, %mul3A_1489 : vector<16xf32>
      %get3A_1491 = arith.constant 1 : i32
      %get3A_1492 = arith.index_cast %get3A_1491 : i32 to index
      %get3A_1493 = arith.index_cast %scan3A_1435 : i32 to index
      %get3A_1494 = arith.constant 96 : index
      %get3A_1495 = tpu.vector_load %arg7[%get3A_1492, %get3A_1493, %get3A_1494] {strides = array<i32>} : memref<2x64x128xf32, #tpu.memory_space<vmem>>, vector<16xf32>,
      %sub3A_1496 = arith.subf %get3A_1495, %gather3A : vector<16xf32>
      %mul3A_1497 = arith.mulf %sub3A_1496, %sub3A_1496 : vector<16xf32>
      %add3A_1498 = arith.addf %scan3A_1442, %mul3A_1497 : vector<16xf32>
      %get3A_1499 = arith.constant 1 : i32
      %get3A_1500 = arith.index_cast %get3A_1499 : i32 to index
      %get3A_1501 = arith.index_cast %scan3A_1435 : i32 to index
      %get3A_1502 = arith.constant 112 : index
      %get3A_1503 = tpu.vector_load %arg7[%get3A_1500, %get3A_1501, %get3A_1502] {strides = array<i32>} : memref<2x64x128xf32, #tpu.memory_space<vmem>>, vector<16xf32>,
      %sub3A_1504 = arith.subf %get3A_1503, %gather3A : vector<16xf32>
      %mul3A_1505 = arith.mulf %sub3A_1504, %sub3A_1504 : vector<16xf32>
      %add3A_1506 = arith.addf %scan3A_1443, %mul3A_1505 : vector<16xf32>
      scf.yield %add3A_1450, %add3A_1458, %add3A_1466, %add3A_1474, %add3A_1482, %add3A_1490, %add3A_1498, %add3A_1506 : vector<16xf32>, vector<16xf32>, vector<16xf32>, vector<16xf32>, vector<16xf32>, vector<16xf32>, vector<16xf32>, vector<16xf32>
    }
    %scan3A_1113 = arith.constant 64 : i32
    %add3A_1114 = arith.constant 288 : i32
    %add3A_1115 = arith.addi %add3A, %add3A_1114 : i32
    %mul3A_1116 = arith.constant 128 : i32
    %mul3A_1117 = arith.muli %add3A_1115, %mul3A_1116 : i32
    %add3A_1118 = arith.constant 0 : i32
    %add3A_1119 = arith.addi %mul3A_1117, %add3A_1118 : i32
    %add3A_1120 = vector.broadcast %add3A_1119 : i32 to vector<16xi32>
    %add3A_1121 = arith.addi %iota3A, %add3A_1120 : vector<16xi32>
    %lt3A_1122 = arith.cmpf olt, %scan3A_1112#0, %select_n3A_1010 : vector<16xf32>
    %select_n3A_1123 = arith.select %lt3A_1122, %scan3A_1112#0, %select_n3A_1010 : vector<16xi1>, vector<16xf32>
    %select_n3A_1124 = arith.select %lt3A_1122, %add3A_1121, %select_n3A_1011 : vector<16xi1>, vector<16xi32>
    %add3A_1125 = arith.constant 16 : i32
    %add3A_1126 = arith.addi %mul3A_1117, %add3A_1125 : i32
    %add3A_1127 = vector.broadcast %add3A_1126 : i32 to vector<16xi32>
    %add3A_1128 = arith.addi %iota3A, %add3A_1127 : vector<16xi32>
    %lt3A_1129 = arith.cmpf olt, %scan3A_1112#1, %select_n3A_1017 : vector<16xf32>
    %select_n3A_1130 = arith.select %lt3A_1129, %scan3A_1112#1, %select_n3A_1017 : vector<16xi1>, vector<16xf32>
    %select_n3A_1131 = arith.select %lt3A_1129, %add3A_1128, %select_n3A_1018 : vector<16xi1>, vector<16xi32>
    %add3A_1132 = arith.constant 32 : i32
    %add3A_1133 = arith.addi %mul3A_1117, %add3A_1132 : i32
    %add3A_1134 = vector.broadcast %add3A_1133 : i32 to vector<16xi32>
    %add3A_1135 = arith.addi %iota3A, %add3A_1134 : vector<16xi32>
    %lt3A_1136 = arith.cmpf olt, %scan3A_1112#2, %select_n3A_1024 : vector<16xf32>
    %select_n3A_1137 = arith.select %lt3A_1136, %scan3A_1112#2, %select_n3A_1024 : vector<16xi1>, vector<16xf32>
    %select_n3A_1138 = arith.select %lt3A_1136, %add3A_1135, %select_n3A_1025 : vector<16xi1>, vector<16xi32>
    %add3A_1139 = arith.constant 48 : i32
    %add3A_1140 = arith.addi %mul3A_1117, %add3A_1139 : i32
    %add3A_1141 = vector.broadcast %add3A_1140 : i32 to vector<16xi32>
    %add3A_1142 = arith.addi %iota3A, %add3A_1141 : vector<16xi32>
    %lt3A_1143 = arith.cmpf olt, %scan3A_1112#3, %select_n3A_1031 : vector<16xf32>
    %select_n3A_1144 = arith.select %lt3A_1143, %scan3A_1112#3, %select_n3A_1031 : vector<16xi1>, vector<16xf32>
    %select_n3A_1145 = arith.select %lt3A_1143, %add3A_1142, %select_n3A_1032 : vector<16xi1>, vector<16xi32>
    %add3A_1146 = arith.constant 64 : i32
    %add3A_1147 = arith.addi %mul3A_1117, %add3A_1146 : i32
    %add3A_1148 = vector.broadcast %add3A_1147 : i32 to vector<16xi32>
    %add3A_1149 = arith.addi %iota3A, %add3A_1148 : vector<16xi32>
    %lt3A_1150 = arith.cmpf olt, %scan3A_1112#4, %select_n3A_1038 : vector<16xf32>
    %select_n3A_1151 = arith.select %lt3A_1150, %scan3A_1112#4, %select_n3A_1038 : vector<16xi1>, vector<16xf32>
    %select_n3A_1152 = arith.select %lt3A_1150, %add3A_1149, %select_n3A_1039 : vector<16xi1>, vector<16xi32>
    %add3A_1153 = arith.constant 80 : i32
    %add3A_1154 = arith.addi %mul3A_1117, %add3A_1153 : i32
    %add3A_1155 = vector.broadcast %add3A_1154 : i32 to vector<16xi32>
    %add3A_1156 = arith.addi %iota3A, %add3A_1155 : vector<16xi32>
    %lt3A_1157 = arith.cmpf olt, %scan3A_1112#5, %select_n3A_1045 : vector<16xf32>
    %select_n3A_1158 = arith.select %lt3A_1157, %scan3A_1112#5, %select_n3A_1045 : vector<16xi1>, vector<16xf32>
    %select_n3A_1159 = arith.select %lt3A_1157, %add3A_1156, %select_n3A_1046 : vector<16xi1>, vector<16xi32>
    %add3A_1160 = arith.constant 96 : i32
    %add3A_1161 = arith.addi %mul3A_1117, %add3A_1160 : i32
    %add3A_1162 = vector.broadcast %add3A_1161 : i32 to vector<16xi32>
    %add3A_1163 = arith.addi %iota3A, %add3A_1162 : vector<16xi32>
    %lt3A_1164 = arith.cmpf olt, %scan3A_1112#6, %select_n3A_1052 : vector<16xf32>
    %select_n3A_1165 = arith.select %lt3A_1164, %scan3A_1112#6, %select_n3A_1052 : vector<16xi1>, vector<16xf32>
    %select_n3A_1166 = arith.select %lt3A_1164, %add3A_1163, %select_n3A_1053 : vector<16xi1>, vector<16xi32>
    %add3A_1167 = arith.constant 112 : i32
    %add3A_1168 = arith.addi %mul3A_1117, %add3A_1167 : i32
    %add3A_1169 = vector.broadcast %add3A_1168 : i32 to vector<16xi32>
    %add3A_1170 = arith.addi %iota3A, %add3A_1169 : vector<16xi32>
    %lt3A_1171 = arith.cmpf olt, %scan3A_1112#7, %select_n3A_1059 : vector<16xf32>
    %select_n3A_1172 = arith.select %lt3A_1171, %scan3A_1112#7, %select_n3A_1059 : vector<16xi1>, vector<16xf32>
    %select_n3A_1173 = arith.select %lt3A_1171, %add3A_1170, %select_n3A_1060 : vector<16xi1>, vector<16xi32>
    %add3A_1174 = arith.constant 352 : i32
    %add3A_1175 = arith.addi %add3A, %add3A_1174 : i32
    %mul3A_1176 = arith.constant 128 : i32
    %mul3A_1177 = arith.muli %add3A_1175, %mul3A_1176 : i32
    %multiple_of3A_1178 = tpu.assume_multiple %mul3A_1177, 128 : i32
    %dma_start3A_1179 = arith.constant 1 : i32
    %dma_start3A_1180 = arith.constant 0 : i32
    %dma_start3A_1181 = arith.constant 0 : i32
    %dma_start3A_1182 = tpu.memref_slice %arg7[%dma_start3A_1179, %dma_start3A_1180, %dma_start3A_1181] : memref<2x64x128xf32, #tpu.memory_space<vmem>> -> memref<1x64x128xf32, #tpu.memory_space<vmem>>
    %dma_start3A_1183 = tpu.memref_squeeze %dma_start3A_1182 : memref<1x64x128xf32, #tpu.memory_space<vmem>> -> memref<64x128xf32, #tpu.memory_space<vmem>>
    %dma_start3A_1184 = arith.constant 0 : i32
    %dma_start3A_1185 = tpu.memref_slice %arg2[%dma_start3A_1184, %multiple_of3A_1178] : memref<64x100000xf32, #tpu.memory_space<hbm>> -> memref<64x128xf32, #tpu.memory_space<hbm>>
    %dma_start3A_1186 = arith.constant 0 : i32
    %dma_start3A_1187 = arith.constant 0 : i32
    %dma_start3A_1188 = tpu.memref_slice %arg7[%dma_start3A_1179, %dma_start3A_1186, %dma_start3A_1187] : memref<2x64x128xf32, #tpu.memory_space<vmem>> -> memref<1x64x128xf32, #tpu.memory_space<vmem>>
    %dma_start3A_1189 = tpu.memref_squeeze %dma_start3A_1188 : memref<1x64x128xf32, #tpu.memory_space<vmem>> -> memref<64x128xf32, #tpu.memory_space<vmem>>
    %dma_start3A_1190 = arith.constant 0 : i32
    %dma_start3A_1191 = tpu.memref_slice %arg2[%dma_start3A_1190, %multiple_of3A_1178] : memref<64x100000xf32, #tpu.memory_space<hbm>> -> memref<64x128xf32, #tpu.memory_space<hbm>>
    tpu.enqueue_dma source(%dma_start3A_1191 : memref<64x128xf32, #tpu.memory_space<hbm>>) target(%dma_start3A_1189 : memref<64x128xf32, #tpu.memory_space<vmem>>) target_semaphore(%arg11 : memref<!tpu.dma_semaphore, #tpu.memory_space<semaphore_mem>>)
    %dma_wait3A_1192 = arith.constant 0 : i32
    %dma_wait3A_1193 = arith.constant 0 : i32
    %dma_wait3A_1194 = arith.constant 0 : i32
    %dma_wait3A_1195 = tpu.memref_slice %arg7[%dma_wait3A_1192, %dma_wait3A_1193, %dma_wait3A_1194] : memref<2x64x128xf32, #tpu.memory_space<vmem>> -> memref<1x64x128xf32, #tpu.memory_space<vmem>>
    %dma_wait3A_1196 = tpu.memref_squeeze %dma_wait3A_1195 : memref<1x64x128xf32, #tpu.memory_space<vmem>> -> memref<64x128xf32, #tpu.memory_space<vmem>>
    %dma_wait3A_1197 = arith.constant 0 : i32
    %dma_wait3A_1198 = tpu.memref_slice %arg2[%dma_wait3A_1197, %multiple_of3A_1065] : memref<64x100000xf32, #tpu.memory_space<hbm>> -> memref<64x128xf32, #tpu.memory_space<hbm>>
    %dma_wait3A_1199 = arith.constant 0 : i32
    %dma_wait3A_1200 = arith.constant 0 : i32
    %dma_wait3A_1201 = tpu.memref_slice %arg7[%dma_wait3A_1192, %dma_wait3A_1199, %dma_wait3A_1200] : memref<2x64x128xf32, #tpu.memory_space<vmem>> -> memref<1x64x128xf32, #tpu.memory_space<vmem>>
    %dma_wait3A_1202 = tpu.memref_squeeze %dma_wait3A_1201 : memref<1x64x128xf32, #tpu.memory_space<vmem>> -> memref<64x128xf32, #tpu.memory_space<vmem>>
    %dma_wait3A_1203 = arith.constant 0 : i32
    %dma_wait3A_1204 = tpu.memref_slice %arg2[%dma_wait3A_1203, %multiple_of3A_1065] : memref<64x100000xf32, #tpu.memory_space<hbm>> -> memref<64x128xf32, #tpu.memory_space<hbm>>
    tpu.wait_dma2 semaphore(%arg10 : memref<!tpu.dma_semaphore, #tpu.memory_space<semaphore_mem>>) src(%dma_wait3A_1204 : memref<64x128xf32, #tpu.memory_space<hbm>>) dst(%dma_wait3A_1202 : memref<64x128xf32, #tpu.memory_space<vmem>>)
    %broadcast_in_dim3A_1205 = arith.constant 0.000000e+00 : f32
    %broadcast_in_dim3A_1206 = vector.broadcast %broadcast_in_dim3A_1205 : f32 to vector<16xf32>
    %broadcast_in_dim3A_1207 = arith.constant 0.000000e+00 : f32
    %broadcast_in_dim3A_1208 = vector.broadcast %broadcast_in_dim3A_1207 : f32 to vector<16xf32>
    %broadcast_in_dim3A_1209 = arith.constant 0.000000e+00 : f32
    %broadcast_in_dim3A_1210 = vector.broadcast %broadcast_in_dim3A_1209 : f32 to vector<16xf32>
    %broadcast_in_dim3A_1211 = arith.constant 0.000000e+00 : f32
    %broadcast_in_dim3A_1212 = vector.broadcast %broadcast_in_dim3A_1211 : f32 to vector<16xf32>
    %broadcast_in_dim3A_1213 = arith.constant 0.000000e+00 : f32
    %broadcast_in_dim3A_1214 = vector.broadcast %broadcast_in_dim3A_1213 : f32 to vector<16xf32>
    %broadcast_in_dim3A_1215 = arith.constant 0.000000e+00 : f32
    %broadcast_in_dim3A_1216 = vector.broadcast %broadcast_in_dim3A_1215 : f32 to vector<16xf32>
    %broadcast_in_dim3A_1217 = arith.constant 0.000000e+00 : f32
    %broadcast_in_dim3A_1218 = vector.broadcast %broadcast_in_dim3A_1217 : f32 to vector<16xf32>
    %broadcast_in_dim3A_1219 = arith.constant 0.000000e+00 : f32
    %broadcast_in_dim3A_1220 = vector.broadcast %broadcast_in_dim3A_1219 : f32 to vector<16xf32>
    %scan3A_1221 = arith.constant 0 : i32
    %scan3A_1222 = arith.constant 64 : i32
    %scan3A_1223 = arith.addi %scan3A_1221, %scan3A_1222 : i32
    %scan3A_1224 = arith.constant 1 : i32
    %scan3A_1225:8 = scf.for %scan3A_1435 = %scan3A_1221 to %scan3A_1223 step %scan3A_1224 iter_args(%scan3A_1436 = %broadcast_in_dim3A_1206, %scan3A_1437 = %broadcast_in_dim3A_1208, %scan3A_1438 = %broadcast_in_dim3A_1210, %scan3A_1439 = %broadcast_in_dim3A_1212, %scan3A_1440 = %broadcast_in_dim3A_1214, %scan3A_1441 = %broadcast_in_dim3A_1216, %scan3A_1442 = %broadcast_in_dim3A_1218, %scan3A_1443 = %broadcast_in_dim3A_1220) -> (vector<16xf32>, vector<16xf32>, vector<16xf32>, vector<16xf32>, vector<16xf32>, vector<16xf32>, vector<16xf32>, vector<16xf32>)  : i32 {
      %broadcast_in_dim3A_1444 = vector.broadcast %scan3A_1435 : i32 to vector<16xi32>
      %gather3A = tpu.vector_load_idx %arg6[%broadcast_in_dim3A_1444] : memref<64xf32, #tpu.memory_space<vmem>>[vector<16xi32>], vector<16xf32>,
      %get3A = arith.constant 0 : i32
      %get3A_1445 = arith.index_cast %get3A : i32 to index
      %get3A_1446 = arith.index_cast %scan3A_1435 : i32 to index
      %get3A_1447 = arith.constant 0 : index
      %get3A_1448 = tpu.vector_load %arg7[%get3A_1445, %get3A_1446, %get3A_1447] {strides = array<i32>} : memref<2x64x128xf32, #tpu.memory_space<vmem>>, vector<16xf32>,
      %sub3A = arith.subf %get3A_1448, %gather3A : vector<16xf32>
      %mul3A_1449 = arith.mulf %sub3A, %sub3A : vector<16xf32>
      %add3A_1450 = arith.addf %scan3A_1436, %mul3A_1449 : vector<16xf32>
      %get3A_1451 = arith.constant 0 : i32
      %get3A_1452 = arith.index_cast %get3A_1451 : i32 to index
      %get3A_1453 = arith.index_cast %scan3A_1435 : i32 to index
      %get3A_1454 = arith.constant 16 : index
      %get3A_1455 = tpu.vector_load %arg7[%get3A_1452, %get3A_1453, %get3A_1454] {strides = array<i32>} : memref<2x64x128xf32, #tpu.memory_space<vmem>>, vector<16xf32>,
      %sub3A_1456 = arith.subf %get3A_1455, %gather3A : vector<16xf32>
      %mul3A_1457 = arith.mulf %sub3A_1456, %sub3A_1456 : vector<16xf32>
      %add3A_1458 = arith.addf %scan3A_1437, %mul3A_1457 : vector<16xf32>
      %get3A_1459 = arith.constant 0 : i32
      %get3A_1460 = arith.index_cast %get3A_1459 : i32 to index
      %get3A_1461 = arith.index_cast %scan3A_1435 : i32 to index
      %get3A_1462 = arith.constant 32 : index
      %get3A_1463 = tpu.vector_load %arg7[%get3A_1460, %get3A_1461, %get3A_1462] {strides = array<i32>} : memref<2x64x128xf32, #tpu.memory_space<vmem>>, vector<16xf32>,
      %sub3A_1464 = arith.subf %get3A_1463, %gather3A : vector<16xf32>
      %mul3A_1465 = arith.mulf %sub3A_1464, %sub3A_1464 : vector<16xf32>
      %add3A_1466 = arith.addf %scan3A_1438, %mul3A_1465 : vector<16xf32>
      %get3A_1467 = arith.constant 0 : i32
      %get3A_1468 = arith.index_cast %get3A_1467 : i32 to index
      %get3A_1469 = arith.index_cast %scan3A_1435 : i32 to index
      %get3A_1470 = arith.constant 48 : index
      %get3A_1471 = tpu.vector_load %arg7[%get3A_1468, %get3A_1469, %get3A_1470] {strides = array<i32>} : memref<2x64x128xf32, #tpu.memory_space<vmem>>, vector<16xf32>,
      %sub3A_1472 = arith.subf %get3A_1471, %gather3A : vector<16xf32>
      %mul3A_1473 = arith.mulf %sub3A_1472, %sub3A_1472 : vector<16xf32>
      %add3A_1474 = arith.addf %scan3A_1439, %mul3A_1473 : vector<16xf32>
      %get3A_1475 = arith.constant 0 : i32
      %get3A_1476 = arith.index_cast %get3A_1475 : i32 to index
      %get3A_1477 = arith.index_cast %scan3A_1435 : i32 to index
      %get3A_1478 = arith.constant 64 : index
      %get3A_1479 = tpu.vector_load %arg7[%get3A_1476, %get3A_1477, %get3A_1478] {strides = array<i32>} : memref<2x64x128xf32, #tpu.memory_space<vmem>>, vector<16xf32>,
      %sub3A_1480 = arith.subf %get3A_1479, %gather3A : vector<16xf32>
      %mul3A_1481 = arith.mulf %sub3A_1480, %sub3A_1480 : vector<16xf32>
      %add3A_1482 = arith.addf %scan3A_1440, %mul3A_1481 : vector<16xf32>
      %get3A_1483 = arith.constant 0 : i32
      %get3A_1484 = arith.index_cast %get3A_1483 : i32 to index
      %get3A_1485 = arith.index_cast %scan3A_1435 : i32 to index
      %get3A_1486 = arith.constant 80 : index
      %get3A_1487 = tpu.vector_load %arg7[%get3A_1484, %get3A_1485, %get3A_1486] {strides = array<i32>} : memref<2x64x128xf32, #tpu.memory_space<vmem>>, vector<16xf32>,
      %sub3A_1488 = arith.subf %get3A_1487, %gather3A : vector<16xf32>
      %mul3A_1489 = arith.mulf %sub3A_1488, %sub3A_1488 : vector<16xf32>
      %add3A_1490 = arith.addf %scan3A_1441, %mul3A_1489 : vector<16xf32>
      %get3A_1491 = arith.constant 0 : i32
      %get3A_1492 = arith.index_cast %get3A_1491 : i32 to index
      %get3A_1493 = arith.index_cast %scan3A_1435 : i32 to index
      %get3A_1494 = arith.constant 96 : index
      %get3A_1495 = tpu.vector_load %arg7[%get3A_1492, %get3A_1493, %get3A_1494] {strides = array<i32>} : memref<2x64x128xf32, #tpu.memory_space<vmem>>, vector<16xf32>,
      %sub3A_1496 = arith.subf %get3A_1495, %gather3A : vector<16xf32>
      %mul3A_1497 = arith.mulf %sub3A_1496, %sub3A_1496 : vector<16xf32>
      %add3A_1498 = arith.addf %scan3A_1442, %mul3A_1497 : vector<16xf32>
      %get3A_1499 = arith.constant 0 : i32
      %get3A_1500 = arith.index_cast %get3A_1499 : i32 to index
      %get3A_1501 = arith.index_cast %scan3A_1435 : i32 to index
      %get3A_1502 = arith.constant 112 : index
      %get3A_1503 = tpu.vector_load %arg7[%get3A_1500, %get3A_1501, %get3A_1502] {strides = array<i32>} : memref<2x64x128xf32, #tpu.memory_space<vmem>>, vector<16xf32>,
      %sub3A_1504 = arith.subf %get3A_1503, %gather3A : vector<16xf32>
      %mul3A_1505 = arith.mulf %sub3A_1504, %sub3A_1504 : vector<16xf32>
      %add3A_1506 = arith.addf %scan3A_1443, %mul3A_1505 : vector<16xf32>
      scf.yield %add3A_1450, %add3A_1458, %add3A_1466, %add3A_1474, %add3A_1482, %add3A_1490, %add3A_1498, %add3A_1506 : vector<16xf32>, vector<16xf32>, vector<16xf32>, vector<16xf32>, vector<16xf32>, vector<16xf32>, vector<16xf32>, vector<16xf32>
    }
    %scan3A_1226 = arith.constant 64 : i32
    %add3A_1227 = arith.constant 320 : i32
    %add3A_1228 = arith.addi %add3A, %add3A_1227 : i32
    %mul3A_1229 = arith.constant 128 : i32
    %mul3A_1230 = arith.muli %add3A_1228, %mul3A_1229 : i32
    %add3A_1231 = arith.constant 0 : i32
    %add3A_1232 = arith.addi %mul3A_1230, %add3A_1231 : i32
    %add3A_1233 = vector.broadcast %add3A_1232 : i32 to vector<16xi32>
    %add3A_1234 = arith.addi %iota3A, %add3A_1233 : vector<16xi32>
    %lt3A_1235 = arith.cmpf olt, %scan3A_1225#0, %select_n3A_1123 : vector<16xf32>
    %select_n3A_1236 = arith.select %lt3A_1235, %scan3A_1225#0, %select_n3A_1123 : vector<16xi1>, vector<16xf32>
    %select_n3A_1237 = arith.select %lt3A_1235, %add3A_1234, %select_n3A_1124 : vector<16xi1>, vector<16xi32>
    %add3A_1238 = arith.constant 16 : i32
    %add3A_1239 = arith.addi %mul3A_1230, %add3A_1238 : i32
    %add3A_1240 = vector.broadcast %add3A_1239 : i32 to vector<16xi32>
    %add3A_1241 = arith.addi %iota3A, %add3A_1240 : vector<16xi32>
    %lt3A_1242 = arith.cmpf olt, %scan3A_1225#1, %select_n3A_1130 : vector<16xf32>
    %select_n3A_1243 = arith.select %lt3A_1242, %scan3A_1225#1, %select_n3A_1130 : vector<16xi1>, vector<16xf32>
    %select_n3A_1244 = arith.select %lt3A_1242, %add3A_1241, %select_n3A_1131 : vector<16xi1>, vector<16xi32>
    %add3A_1245 = arith.constant 32 : i32
    %add3A_1246 = arith.addi %mul3A_1230, %add3A_1245 : i32
    %add3A_1247 = vector.broadcast %add3A_1246 : i32 to vector<16xi32>
    %add3A_1248 = arith.addi %iota3A, %add3A_1247 : vector<16xi32>
    %lt3A_1249 = arith.cmpf olt, %scan3A_1225#2, %select_n3A_1137 : vector<16xf32>
    %select_n3A_1250 = arith.select %lt3A_1249, %scan3A_1225#2, %select_n3A_1137 : vector<16xi1>, vector<16xf32>
    %select_n3A_1251 = arith.select %lt3A_1249, %add3A_1248, %select_n3A_1138 : vector<16xi1>, vector<16xi32>
    %add3A_1252 = arith.constant 48 : i32
    %add3A_1253 = arith.addi %mul3A_1230, %add3A_1252 : i32
    %add3A_1254 = vector.broadcast %add3A_1253 : i32 to vector<16xi32>
    %add3A_1255 = arith.addi %iota3A, %add3A_1254 : vector<16xi32>
    %lt3A_1256 = arith.cmpf olt, %scan3A_1225#3, %select_n3A_1144 : vector<16xf32>
    %select_n3A_1257 = arith.select %lt3A_1256, %scan3A_1225#3, %select_n3A_1144 : vector<16xi1>, vector<16xf32>
    %select_n3A_1258 = arith.select %lt3A_1256, %add3A_1255, %select_n3A_1145 : vector<16xi1>, vector<16xi32>
    %add3A_1259 = arith.constant 64 : i32
    %add3A_1260 = arith.addi %mul3A_1230, %add3A_1259 : i32
    %add3A_1261 = vector.broadcast %add3A_1260 : i32 to vector<16xi32>
    %add3A_1262 = arith.addi %iota3A, %add3A_1261 : vector<16xi32>
    %lt3A_1263 = arith.cmpf olt, %scan3A_1225#4, %select_n3A_1151 : vector<16xf32>
    %select_n3A_1264 = arith.select %lt3A_1263, %scan3A_1225#4, %select_n3A_1151 : vector<16xi1>, vector<16xf32>
    %select_n3A_1265 = arith.select %lt3A_1263, %add3A_1262, %select_n3A_1152 : vector<16xi1>, vector<16xi32>
    %add3A_1266 = arith.constant 80 : i32
    %add3A_1267 = arith.addi %mul3A_1230, %add3A_1266 : i32
    %add3A_1268 = vector.broadcast %add3A_1267 : i32 to vector<16xi32>
    %add3A_1269 = arith.addi %iota3A, %add3A_1268 : vector<16xi32>
    %lt3A_1270 = arith.cmpf olt, %scan3A_1225#5, %select_n3A_1158 : vector<16xf32>
    %select_n3A_1271 = arith.select %lt3A_1270, %scan3A_1225#5, %select_n3A_1158 : vector<16xi1>, vector<16xf32>
    %select_n3A_1272 = arith.select %lt3A_1270, %add3A_1269, %select_n3A_1159 : vector<16xi1>, vector<16xi32>
    %add3A_1273 = arith.constant 96 : i32
    %add3A_1274 = arith.addi %mul3A_1230, %add3A_1273 : i32
    %add3A_1275 = vector.broadcast %add3A_1274 : i32 to vector<16xi32>
    %add3A_1276 = arith.addi %iota3A, %add3A_1275 : vector<16xi32>
    %lt3A_1277 = arith.cmpf olt, %scan3A_1225#6, %select_n3A_1165 : vector<16xf32>
    %select_n3A_1278 = arith.select %lt3A_1277, %scan3A_1225#6, %select_n3A_1165 : vector<16xi1>, vector<16xf32>
    %select_n3A_1279 = arith.select %lt3A_1277, %add3A_1276, %select_n3A_1166 : vector<16xi1>, vector<16xi32>
    %add3A_1280 = arith.constant 112 : i32
    %add3A_1281 = arith.addi %mul3A_1230, %add3A_1280 : i32
    %add3A_1282 = vector.broadcast %add3A_1281 : i32 to vector<16xi32>
    %add3A_1283 = arith.addi %iota3A, %add3A_1282 : vector<16xi32>
    %lt3A_1284 = arith.cmpf olt, %scan3A_1225#7, %select_n3A_1172 : vector<16xf32>
    %select_n3A_1285 = arith.select %lt3A_1284, %scan3A_1225#7, %select_n3A_1172 : vector<16xi1>, vector<16xf32>
    %select_n3A_1286 = arith.select %lt3A_1284, %add3A_1283, %select_n3A_1173 : vector<16xi1>, vector<16xi32>
    %dma_wait3A_1287 = arith.constant 1 : i32
    %dma_wait3A_1288 = arith.constant 0 : i32
    %dma_wait3A_1289 = arith.constant 0 : i32
    %dma_wait3A_1290 = tpu.memref_slice %arg7[%dma_wait3A_1287, %dma_wait3A_1288, %dma_wait3A_1289] : memref<2x64x128xf32, #tpu.memory_space<vmem>> -> memref<1x64x128xf32, #tpu.memory_space<vmem>>
    %dma_wait3A_1291 = tpu.memref_squeeze %dma_wait3A_1290 : memref<1x64x128xf32, #tpu.memory_space<vmem>> -> memref<64x128xf32, #tpu.memory_space<vmem>>
    %dma_wait3A_1292 = arith.constant 0 : i32
    %dma_wait3A_1293 = tpu.memref_slice %arg2[%dma_wait3A_1292, %multiple_of3A_1178] : memref<64x100000xf32, #tpu.memory_space<hbm>> -> memref<64x128xf32, #tpu.memory_space<hbm>>
    %dma_wait3A_1294 = arith.constant 0 : i32
    %dma_wait3A_1295 = arith.constant 0 : i32
    %dma_wait3A_1296 = tpu.memref_slice %arg7[%dma_wait3A_1287, %dma_wait3A_1294, %dma_wait3A_1295] : memref<2x64x128xf32, #tpu.memory_space<vmem>> -> memref<1x64x128xf32, #tpu.memory_space<vmem>>
    %dma_wait3A_1297 = tpu.memref_squeeze %dma_wait3A_1296 : memref<1x64x128xf32, #tpu.memory_space<vmem>> -> memref<64x128xf32, #tpu.memory_space<vmem>>
    %dma_wait3A_1298 = arith.constant 0 : i32
    %dma_wait3A_1299 = tpu.memref_slice %arg2[%dma_wait3A_1298, %multiple_of3A_1178] : memref<64x100000xf32, #tpu.memory_space<hbm>> -> memref<64x128xf32, #tpu.memory_space<hbm>>
    tpu.wait_dma2 semaphore(%arg11 : memref<!tpu.dma_semaphore, #tpu.memory_space<semaphore_mem>>) src(%dma_wait3A_1299 : memref<64x128xf32, #tpu.memory_space<hbm>>) dst(%dma_wait3A_1297 : memref<64x128xf32, #tpu.memory_space<vmem>>)
    %broadcast_in_dim3A_1300 = arith.constant 0.000000e+00 : f32
    %broadcast_in_dim3A_1301 = vector.broadcast %broadcast_in_dim3A_1300 : f32 to vector<16xf32>
    %broadcast_in_dim3A_1302 = arith.constant 0.000000e+00 : f32
    %broadcast_in_dim3A_1303 = vector.broadcast %broadcast_in_dim3A_1302 : f32 to vector<16xf32>
    %broadcast_in_dim3A_1304 = arith.constant 0.000000e+00 : f32
    %broadcast_in_dim3A_1305 = vector.broadcast %broadcast_in_dim3A_1304 : f32 to vector<16xf32>
    %broadcast_in_dim3A_1306 = arith.constant 0.000000e+00 : f32
    %broadcast_in_dim3A_1307 = vector.broadcast %broadcast_in_dim3A_1306 : f32 to vector<16xf32>
    %broadcast_in_dim3A_1308 = arith.constant 0.000000e+00 : f32
    %broadcast_in_dim3A_1309 = vector.broadcast %broadcast_in_dim3A_1308 : f32 to vector<16xf32>
    %broadcast_in_dim3A_1310 = arith.constant 0.000000e+00 : f32
    %broadcast_in_dim3A_1311 = vector.broadcast %broadcast_in_dim3A_1310 : f32 to vector<16xf32>
    %broadcast_in_dim3A_1312 = arith.constant 0.000000e+00 : f32
    %broadcast_in_dim3A_1313 = vector.broadcast %broadcast_in_dim3A_1312 : f32 to vector<16xf32>
    %broadcast_in_dim3A_1314 = arith.constant 0.000000e+00 : f32
    %broadcast_in_dim3A_1315 = vector.broadcast %broadcast_in_dim3A_1314 : f32 to vector<16xf32>
    %scan3A_1316 = arith.constant 0 : i32
    %scan3A_1317 = arith.constant 64 : i32
    %scan3A_1318 = arith.addi %scan3A_1316, %scan3A_1317 : i32
    %scan3A_1319 = arith.constant 1 : i32
    %scan3A_1320:8 = scf.for %scan3A_1435 = %scan3A_1316 to %scan3A_1318 step %scan3A_1319 iter_args(%scan3A_1436 = %broadcast_in_dim3A_1301, %scan3A_1437 = %broadcast_in_dim3A_1303, %scan3A_1438 = %broadcast_in_dim3A_1305, %scan3A_1439 = %broadcast_in_dim3A_1307, %scan3A_1440 = %broadcast_in_dim3A_1309, %scan3A_1441 = %broadcast_in_dim3A_1311, %scan3A_1442 = %broadcast_in_dim3A_1313, %scan3A_1443 = %broadcast_in_dim3A_1315) -> (vector<16xf32>, vector<16xf32>, vector<16xf32>, vector<16xf32>, vector<16xf32>, vector<16xf32>, vector<16xf32>, vector<16xf32>)  : i32 {
      %broadcast_in_dim3A_1444 = vector.broadcast %scan3A_1435 : i32 to vector<16xi32>
      %gather3A = tpu.vector_load_idx %arg6[%broadcast_in_dim3A_1444] : memref<64xf32, #tpu.memory_space<vmem>>[vector<16xi32>], vector<16xf32>,
      %get3A = arith.constant 1 : i32
      %get3A_1445 = arith.index_cast %get3A : i32 to index
      %get3A_1446 = arith.index_cast %scan3A_1435 : i32 to index
      %get3A_1447 = arith.constant 0 : index
      %get3A_1448 = tpu.vector_load %arg7[%get3A_1445, %get3A_1446, %get3A_1447] {strides = array<i32>} : memref<2x64x128xf32, #tpu.memory_space<vmem>>, vector<16xf32>,
      %sub3A = arith.subf %get3A_1448, %gather3A : vector<16xf32>
      %mul3A_1449 = arith.mulf %sub3A, %sub3A : vector<16xf32>
      %add3A_1450 = arith.addf %scan3A_1436, %mul3A_1449 : vector<16xf32>
      %get3A_1451 = arith.constant 1 : i32
      %get3A_1452 = arith.index_cast %get3A_1451 : i32 to index
      %get3A_1453 = arith.index_cast %scan3A_1435 : i32 to index
      %get3A_1454 = arith.constant 16 : index
      %get3A_1455 = tpu.vector_load %arg7[%get3A_1452, %get3A_1453, %get3A_1454] {strides = array<i32>} : memref<2x64x128xf32, #tpu.memory_space<vmem>>, vector<16xf32>,
      %sub3A_1456 = arith.subf %get3A_1455, %gather3A : vector<16xf32>
      %mul3A_1457 = arith.mulf %sub3A_1456, %sub3A_1456 : vector<16xf32>
      %add3A_1458 = arith.addf %scan3A_1437, %mul3A_1457 : vector<16xf32>
      %get3A_1459 = arith.constant 1 : i32
      %get3A_1460 = arith.index_cast %get3A_1459 : i32 to index
      %get3A_1461 = arith.index_cast %scan3A_1435 : i32 to index
      %get3A_1462 = arith.constant 32 : index
      %get3A_1463 = tpu.vector_load %arg7[%get3A_1460, %get3A_1461, %get3A_1462] {strides = array<i32>} : memref<2x64x128xf32, #tpu.memory_space<vmem>>, vector<16xf32>,
      %sub3A_1464 = arith.subf %get3A_1463, %gather3A : vector<16xf32>
      %mul3A_1465 = arith.mulf %sub3A_1464, %sub3A_1464 : vector<16xf32>
      %add3A_1466 = arith.addf %scan3A_1438, %mul3A_1465 : vector<16xf32>
      %get3A_1467 = arith.constant 1 : i32
      %get3A_1468 = arith.index_cast %get3A_1467 : i32 to index
      %get3A_1469 = arith.index_cast %scan3A_1435 : i32 to index
      %get3A_1470 = arith.constant 48 : index
      %get3A_1471 = tpu.vector_load %arg7[%get3A_1468, %get3A_1469, %get3A_1470] {strides = array<i32>} : memref<2x64x128xf32, #tpu.memory_space<vmem>>, vector<16xf32>,
      %sub3A_1472 = arith.subf %get3A_1471, %gather3A : vector<16xf32>
      %mul3A_1473 = arith.mulf %sub3A_1472, %sub3A_1472 : vector<16xf32>
      %add3A_1474 = arith.addf %scan3A_1439, %mul3A_1473 : vector<16xf32>
      %get3A_1475 = arith.constant 1 : i32
      %get3A_1476 = arith.index_cast %get3A_1475 : i32 to index
      %get3A_1477 = arith.index_cast %scan3A_1435 : i32 to index
      %get3A_1478 = arith.constant 64 : index
      %get3A_1479 = tpu.vector_load %arg7[%get3A_1476, %get3A_1477, %get3A_1478] {strides = array<i32>} : memref<2x64x128xf32, #tpu.memory_space<vmem>>, vector<16xf32>,
      %sub3A_1480 = arith.subf %get3A_1479, %gather3A : vector<16xf32>
      %mul3A_1481 = arith.mulf %sub3A_1480, %sub3A_1480 : vector<16xf32>
      %add3A_1482 = arith.addf %scan3A_1440, %mul3A_1481 : vector<16xf32>
      %get3A_1483 = arith.constant 1 : i32
      %get3A_1484 = arith.index_cast %get3A_1483 : i32 to index
      %get3A_1485 = arith.index_cast %scan3A_1435 : i32 to index
      %get3A_1486 = arith.constant 80 : index
      %get3A_1487 = tpu.vector_load %arg7[%get3A_1484, %get3A_1485, %get3A_1486] {strides = array<i32>} : memref<2x64x128xf32, #tpu.memory_space<vmem>>, vector<16xf32>,
      %sub3A_1488 = arith.subf %get3A_1487, %gather3A : vector<16xf32>
      %mul3A_1489 = arith.mulf %sub3A_1488, %sub3A_1488 : vector<16xf32>
      %add3A_1490 = arith.addf %scan3A_1441, %mul3A_1489 : vector<16xf32>
      %get3A_1491 = arith.constant 1 : i32
      %get3A_1492 = arith.index_cast %get3A_1491 : i32 to index
      %get3A_1493 = arith.index_cast %scan3A_1435 : i32 to index
      %get3A_1494 = arith.constant 96 : index
      %get3A_1495 = tpu.vector_load %arg7[%get3A_1492, %get3A_1493, %get3A_1494] {strides = array<i32>} : memref<2x64x128xf32, #tpu.memory_space<vmem>>, vector<16xf32>,
      %sub3A_1496 = arith.subf %get3A_1495, %gather3A : vector<16xf32>
      %mul3A_1497 = arith.mulf %sub3A_1496, %sub3A_1496 : vector<16xf32>
      %add3A_1498 = arith.addf %scan3A_1442, %mul3A_1497 : vector<16xf32>
      %get3A_1499 = arith.constant 1 : i32
      %get3A_1500 = arith.index_cast %get3A_1499 : i32 to index
      %get3A_1501 = arith.index_cast %scan3A_1435 : i32 to index
      %get3A_1502 = arith.constant 112 : index
      %get3A_1503 = tpu.vector_load %arg7[%get3A_1500, %get3A_1501, %get3A_1502] {strides = array<i32>} : memref<2x64x128xf32, #tpu.memory_space<vmem>>, vector<16xf32>,
      %sub3A_1504 = arith.subf %get3A_1503, %gather3A : vector<16xf32>
      %mul3A_1505 = arith.mulf %sub3A_1504, %sub3A_1504 : vector<16xf32>
      %add3A_1506 = arith.addf %scan3A_1443, %mul3A_1505 : vector<16xf32>
      scf.yield %add3A_1450, %add3A_1458, %add3A_1466, %add3A_1474, %add3A_1482, %add3A_1490, %add3A_1498, %add3A_1506 : vector<16xf32>, vector<16xf32>, vector<16xf32>, vector<16xf32>, vector<16xf32>, vector<16xf32>, vector<16xf32>, vector<16xf32>
    }
    %scan3A_1321 = arith.constant 64 : i32
    %add3A_1322 = arith.constant 352 : i32
    %add3A_1323 = arith.addi %add3A, %add3A_1322 : i32
    %mul3A_1324 = arith.constant 128 : i32
    %mul3A_1325 = arith.muli %add3A_1323, %mul3A_1324 : i32
    %add3A_1326 = arith.constant 0 : i32
    %add3A_1327 = arith.addi %mul3A_1325, %add3A_1326 : i32
    %add3A_1328 = vector.broadcast %add3A_1327 : i32 to vector<16xi32>
    %add3A_1329 = arith.addi %iota3A, %add3A_1328 : vector<16xi32>
    %lt3A_1330 = arith.cmpf olt, %scan3A_1320#0, %select_n3A_1236 : vector<16xf32>
    %select_n3A_1331 = arith.select %lt3A_1330, %scan3A_1320#0, %select_n3A_1236 : vector<16xi1>, vector<16xf32>
    %select_n3A_1332 = arith.select %lt3A_1330, %add3A_1329, %select_n3A_1237 : vector<16xi1>, vector<16xi32>
    %add3A_1333 = arith.constant 16 : i32
    %add3A_1334 = arith.addi %mul3A_1325, %add3A_1333 : i32
    %add3A_1335 = vector.broadcast %add3A_1334 : i32 to vector<16xi32>
    %add3A_1336 = arith.addi %iota3A, %add3A_1335 : vector<16xi32>
    %lt3A_1337 = arith.cmpf olt, %scan3A_1320#1, %select_n3A_1243 : vector<16xf32>
    %select_n3A_1338 = arith.select %lt3A_1337, %scan3A_1320#1, %select_n3A_1243 : vector<16xi1>, vector<16xf32>
    %select_n3A_1339 = arith.select %lt3A_1337, %add3A_1336, %select_n3A_1244 : vector<16xi1>, vector<16xi32>
    %add3A_1340 = arith.constant 32 : i32
    %add3A_1341 = arith.addi %mul3A_1325, %add3A_1340 : i32
    %add3A_1342 = vector.broadcast %add3A_1341 : i32 to vector<16xi32>
    %add3A_1343 = arith.addi %iota3A, %add3A_1342 : vector<16xi32>
    %lt3A_1344 = arith.cmpf olt, %scan3A_1320#2, %select_n3A_1250 : vector<16xf32>
    %select_n3A_1345 = arith.select %lt3A_1344, %scan3A_1320#2, %select_n3A_1250 : vector<16xi1>, vector<16xf32>
    %select_n3A_1346 = arith.select %lt3A_1344, %add3A_1343, %select_n3A_1251 : vector<16xi1>, vector<16xi32>
    %add3A_1347 = arith.constant 48 : i32
    %add3A_1348 = arith.addi %mul3A_1325, %add3A_1347 : i32
    %add3A_1349 = vector.broadcast %add3A_1348 : i32 to vector<16xi32>
    %add3A_1350 = arith.addi %iota3A, %add3A_1349 : vector<16xi32>
    %lt3A_1351 = arith.cmpf olt, %scan3A_1320#3, %select_n3A_1257 : vector<16xf32>
    %select_n3A_1352 = arith.select %lt3A_1351, %scan3A_1320#3, %select_n3A_1257 : vector<16xi1>, vector<16xf32>
    %select_n3A_1353 = arith.select %lt3A_1351, %add3A_1350, %select_n3A_1258 : vector<16xi1>, vector<16xi32>
    %add3A_1354 = arith.constant 64 : i32
    %add3A_1355 = arith.addi %mul3A_1325, %add3A_1354 : i32
    %add3A_1356 = vector.broadcast %add3A_1355 : i32 to vector<16xi32>
    %add3A_1357 = arith.addi %iota3A, %add3A_1356 : vector<16xi32>
    %lt3A_1358 = arith.cmpf olt, %scan3A_1320#4, %select_n3A_1264 : vector<16xf32>
    %select_n3A_1359 = arith.select %lt3A_1358, %scan3A_1320#4, %select_n3A_1264 : vector<16xi1>, vector<16xf32>
    %select_n3A_1360 = arith.select %lt3A_1358, %add3A_1357, %select_n3A_1265 : vector<16xi1>, vector<16xi32>
    %add3A_1361 = arith.constant 80 : i32
    %add3A_1362 = arith.addi %mul3A_1325, %add3A_1361 : i32
    %add3A_1363 = vector.broadcast %add3A_1362 : i32 to vector<16xi32>
    %add3A_1364 = arith.addi %iota3A, %add3A_1363 : vector<16xi32>
    %lt3A_1365 = arith.cmpf olt, %scan3A_1320#5, %select_n3A_1271 : vector<16xf32>
    %select_n3A_1366 = arith.select %lt3A_1365, %scan3A_1320#5, %select_n3A_1271 : vector<16xi1>, vector<16xf32>
    %select_n3A_1367 = arith.select %lt3A_1365, %add3A_1364, %select_n3A_1272 : vector<16xi1>, vector<16xi32>
    %add3A_1368 = arith.constant 96 : i32
    %add3A_1369 = arith.addi %mul3A_1325, %add3A_1368 : i32
    %add3A_1370 = vector.broadcast %add3A_1369 : i32 to vector<16xi32>
    %add3A_1371 = arith.addi %iota3A, %add3A_1370 : vector<16xi32>
    %lt3A_1372 = arith.cmpf olt, %scan3A_1320#6, %select_n3A_1278 : vector<16xf32>
    %select_n3A_1373 = arith.select %lt3A_1372, %scan3A_1320#6, %select_n3A_1278 : vector<16xi1>, vector<16xf32>
    %select_n3A_1374 = arith.select %lt3A_1372, %add3A_1371, %select_n3A_1279 : vector<16xi1>, vector<16xi32>
    %add3A_1375 = arith.constant 112 : i32
    %add3A_1376 = arith.addi %mul3A_1325, %add3A_1375 : i32
    %add3A_1377 = vector.broadcast %add3A_1376 : i32 to vector<16xi32>
    %add3A_1378 = arith.addi %iota3A, %add3A_1377 : vector<16xi32>
    %lt3A_1379 = arith.cmpf olt, %scan3A_1320#7, %select_n3A_1285 : vector<16xf32>
    %select_n3A_1380 = arith.select %lt3A_1379, %scan3A_1320#7, %select_n3A_1285 : vector<16xi1>, vector<16xf32>
    %select_n3A_1381 = arith.select %lt3A_1379, %add3A_1378, %select_n3A_1286 : vector<16xi1>, vector<16xi32>
    %lt3A_1382 = arith.cmpf olt, %select_n3A_1338, %select_n3A_1331 : vector<16xf32>
    %eq3A = arith.cmpf oeq, %select_n3A_1338, %select_n3A_1331 : vector<16xf32>
    %lt3A_1383 = arith.cmpi slt, %select_n3A_1339, %select_n3A_1332 : vector<16xi32>
    %and3A = arith.andi %eq3A, %lt3A_1383 : vector<16xi1>
    %or3A = arith.ori %lt3A_1382, %and3A : vector<16xi1>
    %select_n3A_1384 = arith.select %or3A, %select_n3A_1338, %select_n3A_1331 : vector<16xi1>, vector<16xf32>
    %select_n3A_1385 = arith.select %or3A, %select_n3A_1339, %select_n3A_1332 : vector<16xi1>, vector<16xi32>
    %lt3A_1386 = arith.cmpf olt, %select_n3A_1345, %select_n3A_1384 : vector<16xf32>
    %eq3A_1387 = arith.cmpf oeq, %select_n3A_1345, %select_n3A_1384 : vector<16xf32>
    %lt3A_1388 = arith.cmpi slt, %select_n3A_1346, %select_n3A_1385 : vector<16xi32>
    %and3A_1389 = arith.andi %eq3A_1387, %lt3A_1388 : vector<16xi1>
    %or3A_1390 = arith.ori %lt3A_1386, %and3A_1389 : vector<16xi1>
    %select_n3A_1391 = arith.select %or3A_1390, %select_n3A_1345, %select_n3A_1384 : vector<16xi1>, vector<16xf32>
    %select_n3A_1392 = arith.select %or3A_1390, %select_n3A_1346, %select_n3A_1385 : vector<16xi1>, vector<16xi32>
    %lt3A_1393 = arith.cmpf olt, %select_n3A_1352, %select_n3A_1391 : vector<16xf32>
    %eq3A_1394 = arith.cmpf oeq, %select_n3A_1352, %select_n3A_1391 : vector<16xf32>
    %lt3A_1395 = arith.cmpi slt, %select_n3A_1353, %select_n3A_1392 : vector<16xi32>
    %and3A_1396 = arith.andi %eq3A_1394, %lt3A_1395 : vector<16xi1>
    %or3A_1397 = arith.ori %lt3A_1393, %and3A_1396 : vector<16xi1>
    %select_n3A_1398 = arith.select %or3A_1397, %select_n3A_1352, %select_n3A_1391 : vector<16xi1>, vector<16xf32>
    %select_n3A_1399 = arith.select %or3A_1397, %select_n3A_1353, %select_n3A_1392 : vector<16xi1>, vector<16xi32>
    %lt3A_1400 = arith.cmpf olt, %select_n3A_1359, %select_n3A_1398 : vector<16xf32>
    %eq3A_1401 = arith.cmpf oeq, %select_n3A_1359, %select_n3A_1398 : vector<16xf32>
    %lt3A_1402 = arith.cmpi slt, %select_n3A_1360, %select_n3A_1399 : vector<16xi32>
    %and3A_1403 = arith.andi %eq3A_1401, %lt3A_1402 : vector<16xi1>
    %or3A_1404 = arith.ori %lt3A_1400, %and3A_1403 : vector<16xi1>
    %select_n3A_1405 = arith.select %or3A_1404, %select_n3A_1359, %select_n3A_1398 : vector<16xi1>, vector<16xf32>
    %select_n3A_1406 = arith.select %or3A_1404, %select_n3A_1360, %select_n3A_1399 : vector<16xi1>, vector<16xi32>
    %lt3A_1407 = arith.cmpf olt, %select_n3A_1366, %select_n3A_1405 : vector<16xf32>
    %eq3A_1408 = arith.cmpf oeq, %select_n3A_1366, %select_n3A_1405 : vector<16xf32>
    %lt3A_1409 = arith.cmpi slt, %select_n3A_1367, %select_n3A_1406 : vector<16xi32>
    %and3A_1410 = arith.andi %eq3A_1408, %lt3A_1409 : vector<16xi1>
    %or3A_1411 = arith.ori %lt3A_1407, %and3A_1410 : vector<16xi1>
    %select_n3A_1412 = arith.select %or3A_1411, %select_n3A_1366, %select_n3A_1405 : vector<16xi1>, vector<16xf32>
    %select_n3A_1413 = arith.select %or3A_1411, %select_n3A_1367, %select_n3A_1406 : vector<16xi1>, vector<16xi32>
    %lt3A_1414 = arith.cmpf olt, %select_n3A_1373, %select_n3A_1412 : vector<16xf32>
    %eq3A_1415 = arith.cmpf oeq, %select_n3A_1373, %select_n3A_1412 : vector<16xf32>
    %lt3A_1416 = arith.cmpi slt, %select_n3A_1374, %select_n3A_1413 : vector<16xi32>
    %and3A_1417 = arith.andi %eq3A_1415, %lt3A_1416 : vector<16xi1>
    %or3A_1418 = arith.ori %lt3A_1414, %and3A_1417 : vector<16xi1>
    %select_n3A_1419 = arith.select %or3A_1418, %select_n3A_1373, %select_n3A_1412 : vector<16xi1>, vector<16xf32>
    %select_n3A_1420 = arith.select %or3A_1418, %select_n3A_1374, %select_n3A_1413 : vector<16xi1>, vector<16xi32>
    %lt3A_1421 = arith.cmpf olt, %select_n3A_1380, %select_n3A_1419 : vector<16xf32>
    %eq3A_1422 = arith.cmpf oeq, %select_n3A_1380, %select_n3A_1419 : vector<16xf32>
    %lt3A_1423 = arith.cmpi slt, %select_n3A_1381, %select_n3A_1420 : vector<16xi32>
    %and3A_1424 = arith.andi %eq3A_1422, %lt3A_1423 : vector<16xi1>
    %or3A_1425 = arith.ori %lt3A_1421, %and3A_1424 : vector<16xi1>
    %select_n3A_1426 = arith.select %or3A_1425, %select_n3A_1380, %select_n3A_1419 : vector<16xi1>, vector<16xf32>
    %select_n3A_1427 = arith.select %or3A_1425, %select_n3A_1381, %select_n3A_1420 : vector<16xi1>, vector<16xi32>
    %swap3A = arith.constant 0 : i32
    %swap3A_1428 = arith.index_cast %swap3A : i32 to index
    %swap3A_1429 = arith.constant 0 : index
    %swap3A_1430 = tpu.vector_load %arg8[%swap3A_1428, %swap3A_1429] {strides = array<i32>} : memref<1x16xf32, #tpu.memory_space<vmem>>, vector<16xf32>,
    tpu.vector_store %arg8[%swap3A_1428, %swap3A_1429], %select_n3A_1426 {strides = array<i32>} : memref<1x16xf32, #tpu.memory_space<vmem>>, vector<16xf32>,
    %swap3A_1431 = arith.constant 0 : i32
    %swap3A_1432 = arith.index_cast %swap3A_1431 : i32 to index
    %swap3A_1433 = arith.constant 0 : index
    %swap3A_1434 = tpu.vector_load %arg9[%swap3A_1432, %swap3A_1433] {strides = array<i32>} : memref<1x16xi32, #tpu.memory_space<vmem>>, vector<16xi32>,
    tpu.vector_store %arg9[%swap3A_1432, %swap3A_1433], %select_n3A_1427 {strides = array<i32>} : memref<1x16xi32, #tpu.memory_space<vmem>>, vector<16xi32>,
    "tpu.region"() ({
      %run_scoped3A = tpu.sem_alloc : memref<!tpu.dma_semaphore, #tpu.memory_space<semaphore_mem>>
      %dma_start3A_1435 = arith.constant 0 : i32
      %dma_start3A_1436 = arith.constant 0 : i32
      %dma_start3A_1437 = tpu.memref_slice %arg4[%add3A, %dma_start3A_1435, %dma_start3A_1436] : memref<32x1x16xf32, #tpu.memory_space<hbm>> -> memref<1x1x16xf32, #tpu.memory_space<hbm>>
      %dma_start3A_1438 = tpu.memref_squeeze %dma_start3A_1437 : memref<1x1x16xf32, #tpu.memory_space<hbm>> -> memref<1x16xf32, #tpu.memory_space<hbm>>
      %dma_start3A_1439 = arith.constant 0 : i32
      %dma_start3A_1440 = arith.constant 0 : i32
      %dma_start3A_1441 = tpu.memref_slice %arg4[%add3A, %dma_start3A_1439, %dma_start3A_1440] : memref<32x1x16xf32, #tpu.memory_space<hbm>> -> memref<1x1x16xf32, #tpu.memory_space<hbm>>
      %dma_start3A_1442 = tpu.memref_squeeze %dma_start3A_1441 : memref<1x1x16xf32, #tpu.memory_space<hbm>> -> memref<1x16xf32, #tpu.memory_space<hbm>>
      tpu.enqueue_dma source(%arg8 : memref<1x16xf32, #tpu.memory_space<vmem>>) target(%dma_start3A_1442 : memref<1x16xf32, #tpu.memory_space<hbm>>) target_semaphore(%run_scoped3A : memref<!tpu.dma_semaphore, #tpu.memory_space<semaphore_mem>>)
      %dma_wait3A_1443 = arith.constant 0 : i32
      %dma_wait3A_1444 = arith.constant 0 : i32
      %dma_wait3A_1445 = tpu.memref_slice %arg4[%add3A, %dma_wait3A_1443, %dma_wait3A_1444] : memref<32x1x16xf32, #tpu.memory_space<hbm>> -> memref<1x1x16xf32, #tpu.memory_space<hbm>>
      %dma_wait3A_1446 = tpu.memref_squeeze %dma_wait3A_1445 : memref<1x1x16xf32, #tpu.memory_space<hbm>> -> memref<1x16xf32, #tpu.memory_space<hbm>>
      %dma_wait3A_1447 = arith.constant 0 : i32
      %dma_wait3A_1448 = arith.constant 0 : i32
      %dma_wait3A_1449 = tpu.memref_slice %arg4[%add3A, %dma_wait3A_1447, %dma_wait3A_1448] : memref<32x1x16xf32, #tpu.memory_space<hbm>> -> memref<1x1x16xf32, #tpu.memory_space<hbm>>
      %dma_wait3A_1450 = tpu.memref_squeeze %dma_wait3A_1449 : memref<1x1x16xf32, #tpu.memory_space<hbm>> -> memref<1x16xf32, #tpu.memory_space<hbm>>
      tpu.wait_dma2 semaphore(%run_scoped3A : memref<!tpu.dma_semaphore, #tpu.memory_space<semaphore_mem>>) src(%arg8 : memref<1x16xf32, #tpu.memory_space<vmem>>) dst(%dma_wait3A_1450 : memref<1x16xf32, #tpu.memory_space<hbm>>)
      tpu.yield
    }) : () -> ()
    "tpu.region"() ({
      %run_scoped3A = tpu.sem_alloc : memref<!tpu.dma_semaphore, #tpu.memory_space<semaphore_mem>>
      %dma_start3A_1435 = arith.constant 0 : i32
      %dma_start3A_1436 = arith.constant 0 : i32
      %dma_start3A_1437 = tpu.memref_slice %arg5[%add3A, %dma_start3A_1435, %dma_start3A_1436] : memref<32x1x16xi32, #tpu.memory_space<hbm>> -> memref<1x1x16xi32, #tpu.memory_space<hbm>>
      %dma_start3A_1438 = tpu.memref_squeeze %dma_start3A_1437 : memref<1x1x16xi32, #tpu.memory_space<hbm>> -> memref<1x16xi32, #tpu.memory_space<hbm>>
      %dma_start3A_1439 = arith.constant 0 : i32
      %dma_start3A_1440 = arith.constant 0 : i32
      %dma_start3A_1441 = tpu.memref_slice %arg5[%add3A, %dma_start3A_1439, %dma_start3A_1440] : memref<32x1x16xi32, #tpu.memory_space<hbm>> -> memref<1x1x16xi32, #tpu.memory_space<hbm>>
      %dma_start3A_1442 = tpu.memref_squeeze %dma_start3A_1441 : memref<1x1x16xi32, #tpu.memory_space<hbm>> -> memref<1x16xi32, #tpu.memory_space<hbm>>
      tpu.enqueue_dma source(%arg9 : memref<1x16xi32, #tpu.memory_space<vmem>>) target(%dma_start3A_1442 : memref<1x16xi32, #tpu.memory_space<hbm>>) target_semaphore(%run_scoped3A : memref<!tpu.dma_semaphore, #tpu.memory_space<semaphore_mem>>)
      %dma_wait3A_1443 = arith.constant 0 : i32
      %dma_wait3A_1444 = arith.constant 0 : i32
      %dma_wait3A_1445 = tpu.memref_slice %arg5[%add3A, %dma_wait3A_1443, %dma_wait3A_1444] : memref<32x1x16xi32, #tpu.memory_space<hbm>> -> memref<1x1x16xi32, #tpu.memory_space<hbm>>
      %dma_wait3A_1446 = tpu.memref_squeeze %dma_wait3A_1445 : memref<1x1x16xi32, #tpu.memory_space<hbm>> -> memref<1x16xi32, #tpu.memory_space<hbm>>
      %dma_wait3A_1447 = arith.constant 0 : i32
      %dma_wait3A_1448 = arith.constant 0 : i32
      %dma_wait3A_1449 = tpu.memref_slice %arg5[%add3A, %dma_wait3A_1447, %dma_wait3A_1448] : memref<32x1x16xi32, #tpu.memory_space<hbm>> -> memref<1x1x16xi32, #tpu.memory_space<hbm>>
      %dma_wait3A_1450 = tpu.memref_squeeze %dma_wait3A_1449 : memref<1x1x16xi32, #tpu.memory_space<hbm>> -> memref<1x16xi32, #tpu.memory_space<hbm>>
      tpu.wait_dma2 semaphore(%run_scoped3A : memref<!tpu.dma_semaphore, #tpu.memory_space<semaphore_mem>>) src(%arg9 : memref<1x16xi32, #tpu.memory_space<vmem>>) dst(%dma_wait3A_1450 : memref<1x16xi32, #tpu.memory_space<hbm>>)
      tpu.yield
    }) : () -> ()
    return
  }
}

module attributes {stable_mosaic.version = 14 : i64} {
  func.func @_fin_body(%arg0: memref<32x1x16xf32, #tpu.memory_space<vmem>>, %arg1: memref<32x1x16xi32, #tpu.memory_space<vmem>>, %arg2: memref<1x4096xf32, #tpu.memory_space<vmem>>, %arg3: memref<1x4096xi32, #tpu.memory_space<vmem>>, %arg4: memref<64x100000xf32, #tpu.memory_space<any>>, %arg5: memref<1x61xf32, #tpu.memory_space<vmem>>, %arg6: memref<1x1xf32, #tpu.memory_space<vmem>>, %arg7: memref<1x1xf32, #tpu.memory_space<vmem>>, %arg8: memref<1x1xf32, #tpu.memory_space<vmem>>, %arg9: memref<1x64xf32, #tpu.memory_space<vmem>>, %arg10: memref<1x64xf32, #tpu.memory_space<vmem>>, %arg11: memref<64x320xf32, #tpu.memory_space<vmem>>, %arg12: memref<64x320xf32, #tpu.memory_space<vmem>>, %arg13: memref<1x320xf32, #tpu.memory_space<vmem>>, %arg14: memref<1x320xf32, #tpu.memory_space<vmem>>, %arg15: memref<64x16xf32, #tpu.memory_space<vmem>>, %arg16: memref<1x16xf32, #tpu.memory_space<vmem>>, %arg17: memref<64x1xf32, #tpu.memory_space<vmem>>, %arg18: memref<1x1xf32, #tpu.memory_space<vmem>>, %arg19: memref<1x16xf32, #tpu.memory_space<vmem>>, %arg20: memref<1x1xf32, #tpu.memory_space<vmem>>, %arg21: memref<1x64xf32, #tpu.memory_space<vmem>>, %arg22: memref<1x64xf32, #tpu.memory_space<vmem>>, %arg23: memref<64x128xf32, #tpu.memory_space<vmem>>, %arg24: memref<!tpu.dma_semaphore, #tpu.memory_space<semaphore_mem>>) attributes {dimension_semantics = [], scalar_prefetch = 0 : i64, scratch_operands = 2 : i64, tpu.core_type = #tpu.core_type<tc>} {
    %get3A = arith.constant 0 : index
    %get3A_0 = arith.constant 0 : index
    %get3A_1 = arith.constant 0 : index
    %get3A_2 = vector.load %arg0[%get3A, %get3A_0, %get3A_1] : memref<32x1x16xf32, #tpu.memory_space<vmem>>, vector<32x1x16xf32>
    %get3A_3 = vector.shape_cast %get3A_2 : vector<32x1x16xf32> to vector<32x16xf32>
    %get3A_4 = arith.constant 0 : index
    %get3A_5 = arith.constant 0 : index
    %get3A_6 = arith.constant 0 : index
    %get3A_7 = vector.load %arg1[%get3A_4, %get3A_5, %get3A_6] : memref<32x1x16xi32, #tpu.memory_space<vmem>>, vector<32x1x16xi32>
    %get3A_8 = vector.shape_cast %get3A_7 : vector<32x1x16xi32> to vector<32x16xi32>
    %get3A_9 = arith.constant 0 : index
    %get3A_10 = arith.constant 0 : index
    %get3A_11 = vector.load %arg2[%get3A_9, %get3A_10] : memref<1x4096xf32, #tpu.memory_space<vmem>>, vector<1x4096xf32>
    %get3A_12 = arith.constant 0 : index
    %get3A_13 = arith.constant 0 : index
    %get3A_14 = vector.load %arg3[%get3A_12, %get3A_13] : memref<1x4096xi32, #tpu.memory_space<vmem>>, vector<1x4096xi32>
    %reduce_min3A = vector.shape_cast %get3A_3 : vector<32x16xf32> to vector<1x32x16xf32>
    %reduce_min3A_15 = arith.constant dense<0x7F800000> : vector<1xf32>
    %reduce_min3A_16 = vector.multi_reduction <minimumf>, %reduce_min3A, %reduce_min3A_15 [1, 2] : vector<1x32x16xf32> to vector<1xf32>
    %reduce_min3A_17 = vector.shape_cast %reduce_min3A_16 : vector<1xf32> to vector<1x1x1xf32>
    %reduce_min3A_18 = vector.extract %reduce_min3A_17[0, 0, 0] : f32 from vector<1x1x1xf32>
    %reduce_min3A_19 = vector.shape_cast %get3A_11 : vector<1x4096xf32> to vector<1x1x4096xf32>
    %reduce_min3A_20 = arith.constant dense<0x7F800000> : vector<1xf32>
    %reduce_min3A_21 = vector.multi_reduction <minimumf>, %reduce_min3A_19, %reduce_min3A_20 [1, 2] : vector<1x1x4096xf32> to vector<1xf32>
    %reduce_min3A_22 = vector.shape_cast %reduce_min3A_21 : vector<1xf32> to vector<1x1x1xf32>
    %reduce_min3A_23 = vector.extract %reduce_min3A_22[0, 0, 0] : f32 from vector<1x1x1xf32>
    %min3A = arith.minimumf %reduce_min3A_18, %reduce_min3A_23 : f32
    %eq3A = vector.broadcast %min3A : f32 to vector<32x16xf32>
    %eq3A_24 = arith.cmpf oeq, %get3A_3, %eq3A : vector<32x16xf32>
    %jit3A = arith.constant 2147483647 : i32
    %broadcast_in_dim3A = vector.broadcast %jit3A : i32 to vector<32x16xi32>
    %select_n3A = arith.select %eq3A_24, %get3A_8, %broadcast_in_dim3A : vector<32x16xi1>, vector<32x16xi32>
    %reduce_min3A_25 = vector.shape_cast %select_n3A : vector<32x16xi32> to vector<1x32x16xi32>
    %reduce_min3A_26 = arith.constant dense<2147483647> : vector<1xi32>
    %reduce_min3A_27 = vector.multi_reduction <minsi>, %reduce_min3A_25, %reduce_min3A_26 [1, 2] : vector<1x32x16xi32> to vector<1xi32>
    %reduce_min3A_28 = vector.shape_cast %reduce_min3A_27 : vector<1xi32> to vector<1x1x1xi32>
    %reduce_min3A_29 = vector.extract %reduce_min3A_28[0, 0, 0] : i32 from vector<1x1x1xi32>
    %eq3A_30 = vector.broadcast %min3A : f32 to vector<1x4096xf32>
    %eq3A_31 = arith.cmpf oeq, %get3A_11, %eq3A_30 : vector<1x4096xf32>
    %jit3A_32 = arith.constant 2147483647 : i32
    %broadcast_in_dim3A_33 = vector.broadcast %jit3A_32 : i32 to vector<1x4096xi32>
    %select_n3A_34 = arith.select %eq3A_31, %get3A_14, %broadcast_in_dim3A_33 : vector<1x4096xi1>, vector<1x4096xi32>
    %reduce_min3A_35 = vector.shape_cast %select_n3A_34 : vector<1x4096xi32> to vector<1x1x4096xi32>
    %reduce_min3A_36 = arith.constant dense<2147483647> : vector<1xi32>
    %reduce_min3A_37 = vector.multi_reduction <minsi>, %reduce_min3A_35, %reduce_min3A_36 [1, 2] : vector<1x1x4096xi32> to vector<1xi32>
    %reduce_min3A_38 = vector.shape_cast %reduce_min3A_37 : vector<1xi32> to vector<1x1x1xi32>
    %reduce_min3A_39 = vector.extract %reduce_min3A_38[0, 0, 0] : i32 from vector<1x1x1xi32>
    %min3A_40 = arith.minsi %reduce_min3A_29, %reduce_min3A_39 : i32
    %jit3A_41 = arith.constant 128 : i32
    %div3A = arith.divsi %min3A_40, %jit3A_41 : i32
    %sign3A = arith.constant 0 : i32
    %sign3A_42 = arith.cmpi sgt, %min3A_40, %sign3A : i32
    %sign3A_43 = arith.extui %sign3A_42 : i1 to i32
    %sign3A_44 = arith.constant 0 : i32
    %sign3A_45 = arith.cmpi slt, %min3A_40, %sign3A_44 : i32
    %sign3A_46 = arith.extui %sign3A_45 : i1 to i32
    %sign3A_47 = arith.subi %sign3A_43, %sign3A_46 : i32
    %sign3A_48 = arith.constant 0 : i32
    %sign3A_49 = arith.cmpi sgt, %jit3A_41, %sign3A_48 : i32
    %sign3A_50 = arith.extui %sign3A_49 : i1 to i32
    %sign3A_51 = arith.constant 0 : i32
    %sign3A_52 = arith.cmpi slt, %jit3A_41, %sign3A_51 : i32
    %sign3A_53 = arith.extui %sign3A_52 : i1 to i32
    %sign3A_54 = arith.subi %sign3A_50, %sign3A_53 : i32
    %ne3A = arith.cmpi ne, %sign3A_47, %sign3A_54 : i32
    %rem3A = arith.remsi %min3A_40, %jit3A_41 : i32
    %ne3A_55 = arith.constant 0 : i32
    %ne3A_56 = arith.cmpi ne, %rem3A, %ne3A_55 : i32
    %and3A = arith.andi %ne3A, %ne3A_56 : i1
    %sub3A = arith.constant 1 : i32
    %sub3A_57 = arith.subi %div3A, %sub3A : i32
    %select_n3A_58 = arith.select %and3A, %sub3A_57, %div3A : i32
    %mul3A = arith.constant 128 : i32
    %mul3A_59 = arith.muli %select_n3A_58, %mul3A : i32
    %multiple_of3A = tpu.assume_multiple %mul3A_59, 128 : i32
    %dma_start3A = arith.constant 0 : i32
    %dma_start3A_60 = tpu.memref_slice %arg4[%dma_start3A, %multiple_of3A] : memref<64x100000xf32, #tpu.memory_space<any>> -> memref<64x128xf32, #tpu.memory_space<any>>
    tpu.enqueue_dma source(%dma_start3A_60 : memref<64x128xf32, #tpu.memory_space<any>>) target(%arg23 : memref<64x128xf32, #tpu.memory_space<vmem>>) target_semaphore(%arg24 : memref<!tpu.dma_semaphore, #tpu.memory_space<semaphore_mem>>)
    %dma_wait3A = arith.constant 0 : i32
    %dma_wait3A_61 = tpu.memref_slice %arg4[%dma_wait3A, %multiple_of3A] : memref<64x100000xf32, #tpu.memory_space<any>> -> memref<64x128xf32, #tpu.memory_space<any>>
    tpu.wait_dma2 semaphore(%arg24 : memref<!tpu.dma_semaphore, #tpu.memory_space<semaphore_mem>>) src(%dma_wait3A_61 : memref<64x128xf32, #tpu.memory_space<any>>) dst(%arg23 : memref<64x128xf32, #tpu.memory_space<vmem>>)
    %iota3A = tpu.iota {dimensions = array<i32: 1>} : vector<1x128xi32>
    %sub3A_62 = arith.subi %min3A_40, %multiple_of3A : i32
    %eq3A_63 = vector.broadcast %sub3A_62 : i32 to vector<1x128xi32>
    %eq3A_64 = arith.cmpi eq, %iota3A, %eq3A_63 : vector<1x128xi32>
    %get3A_65 = arith.constant 0 : index
    %get3A_66 = arith.constant 0 : index
    %get3A_67 = vector.load %arg23[%get3A_65, %get3A_66] : memref<64x128xf32, #tpu.memory_space<vmem>>, vector<64x128xf32>
    %convert_element_type3A = arith.extui %eq3A_64 : vector<1x128xi1> to vector<1x128xi32>
    %convert_element_type3A_68 = arith.sitofp %convert_element_type3A : vector<1x128xi32> to vector<1x128xf32>
    %mul3A_69 = vector.broadcast %convert_element_type3A_68 : vector<1x128xf32> to vector<64x128xf32>
    %mul3A_70 = arith.mulf %get3A_67, %mul3A_69 : vector<64x128xf32>
    %reduce_sum3A = arith.constant dense<0.000000e+00> : vector<64xf32>
    %reduce_sum3A_71 = vector.multi_reduction <add>, %mul3A_70, %reduce_sum3A [1] : vector<64x128xf32> to vector<64xf32>
    %broadcast_in_dim3A_72 = vector.shape_cast %reduce_sum3A_71 : vector<64xf32> to vector<64x1xf32>
    %iota3A_73 = tpu.iota {dimensions = array<i32: 0>} : vector<64x64xi32>
    %iota3A_74 = tpu.iota {dimensions = array<i32: 1>} : vector<64x64xi32>
    %eq3A_75 = arith.cmpi eq, %iota3A_73, %iota3A_74 : vector<64x64xi32>
    %convert_element_type3A_76 = arith.extui %eq3A_75 : vector<64x64xi1> to vector<64x64xi32>
    %convert_element_type3A_77 = arith.sitofp %convert_element_type3A_76 : vector<64x64xi32> to vector<64x64xf32>
    %dot_general3A = arith.constant dense<0.000000e+00> : vector<1x64xf32>
    %dot_general3A_78 = tpu.matmul %broadcast_in_dim3A_72, %convert_element_type3A_77, %dot_general3A {dimension_numbers = #tpu.dot_dimension_numbers<[0], [0], [1], [1], [0, 1, 1, 1], [], []>, precision = #tpu.contract_precision<fp32>, transpose_lhs_hint = false} : vector<64x1xf32>, vector<64x64xf32>, vector<1x64xf32> -> vector<1x64xf32>
    %get3A_79 = arith.constant 0 : index
    %get3A_80 = arith.constant 0 : index
    %get3A_81 = vector.load %arg5[%get3A_79, %get3A_80] : memref<1x61xf32, #tpu.memory_space<vmem>>, vector<1x61xf32>
    %get3A_82 = arith.constant 0 : index
    %get3A_83 = arith.constant 0 : index
    %get3A_84 = vector.load %arg6[%get3A_82, %get3A_83] : memref<1x1xf32, #tpu.memory_space<vmem>>, vector<1x1xf32>
    %get3A_85 = arith.constant 0 : index
    %get3A_86 = arith.constant 0 : index
    %get3A_87 = vector.load %arg7[%get3A_85, %get3A_86] : memref<1x1xf32, #tpu.memory_space<vmem>>, vector<1x1xf32>
    %get3A_88 = arith.constant 0 : index
    %get3A_89 = arith.constant 0 : index
    %get3A_90 = vector.load %arg8[%get3A_88, %get3A_89] : memref<1x1xf32, #tpu.memory_space<vmem>>, vector<1x1xf32>
    %concatenate3A = tpu.concatenate %get3A_81, %get3A_84, %get3A_87, %get3A_90 in 1 : vector<1x61xf32>, vector<1x1xf32>, vector<1x1xf32>, vector<1x1xf32> -> vector<1x64xf32>
    %get3A_91 = arith.constant 0 : index
    %get3A_92 = arith.constant 0 : index
    %get3A_93 = vector.load %arg9[%get3A_91, %get3A_92] : memref<1x64xf32, #tpu.memory_space<vmem>>, vector<1x64xf32>
    %get3A_94 = arith.constant 0 : index
    %get3A_95 = arith.constant 0 : index
    %get3A_96 = vector.load %arg11[%get3A_94, %get3A_95] : memref<64x320xf32, #tpu.memory_space<vmem>>, vector<64x320xf32>
    %dot_general3A_97 = arith.constant dense<0.000000e+00> : vector<1x320xf32>
    %dot_general3A_98 = tpu.matmul %concatenate3A, %get3A_96, %dot_general3A_97 {dimension_numbers = #tpu.dot_dimension_numbers<[1], [0], [0], [1], [0, 0, 1, 1], [], []>, precision = #tpu.contract_precision<fp32>, transpose_lhs_hint = false} : vector<1x64xf32>, vector<64x320xf32>, vector<1x320xf32> -> vector<1x320xf32>
    %get3A_99 = arith.constant 0 : index
    %get3A_100 = arith.constant 0 : index
    %get3A_101 = vector.load %arg12[%get3A_99, %get3A_100] : memref<64x320xf32, #tpu.memory_space<vmem>>, vector<64x320xf32>
    %dot_general3A_102 = arith.constant dense<0.000000e+00> : vector<1x320xf32>
    %dot_general3A_103 = tpu.matmul %get3A_93, %get3A_101, %dot_general3A_102 {dimension_numbers = #tpu.dot_dimension_numbers<[1], [0], [0], [1], [0, 0, 1, 1], [], []>, precision = #tpu.contract_precision<fp32>, transpose_lhs_hint = false} : vector<1x64xf32>, vector<64x320xf32>, vector<1x320xf32> -> vector<1x320xf32>
    %add3A = arith.addf %dot_general3A_98, %dot_general3A_103 : vector<1x320xf32>
    %get3A_104 = arith.constant 0 : index
    %get3A_105 = arith.constant 0 : index
    %get3A_106 = vector.load %arg13[%get3A_104, %get3A_105] : memref<1x320xf32, #tpu.memory_space<vmem>>, vector<1x320xf32>
    %add3A_107 = arith.addf %add3A, %get3A_106 : vector<1x320xf32>
    %get3A_108 = arith.constant 0 : index
    %get3A_109 = arith.constant 0 : index
    %get3A_110 = vector.load %arg14[%get3A_108, %get3A_109] : memref<1x320xf32, #tpu.memory_space<vmem>>, vector<1x320xf32>
    %add3A_111 = arith.addf %add3A_107, %get3A_110 : vector<1x320xf32>
    %slice3A = vector.extract_strided_slice %add3A_111 {offsets = [0, 0], sizes = [1, 64], strides = [1, 1]} : vector<1x320xf32> to vector<1x64xf32>
    %logistic3A = arith.negf %slice3A : vector<1x64xf32>
    %logistic3A_112 = math.exp %logistic3A : vector<1x64xf32>
    %logistic3A_113 = arith.constant 1.000000e+00 : f32
    %logistic3A_114 = vector.broadcast %logistic3A_113 : f32 to vector<1x64xf32>
    %logistic3A_115 = arith.addf %logistic3A_114, %logistic3A_112 : vector<1x64xf32>
    %logistic3A_116 = arith.divf %logistic3A_114, %logistic3A_115 : vector<1x64xf32>
    %slice3A_117 = vector.extract_strided_slice %add3A_111 {offsets = [0, 64], sizes = [1, 64], strides = [1, 1]} : vector<1x320xf32> to vector<1x64xf32>
    %logistic3A_118 = arith.negf %slice3A_117 : vector<1x64xf32>
    %logistic3A_119 = math.exp %logistic3A_118 : vector<1x64xf32>
    %logistic3A_120 = arith.constant 1.000000e+00 : f32
    %logistic3A_121 = vector.broadcast %logistic3A_120 : f32 to vector<1x64xf32>
    %logistic3A_122 = arith.addf %logistic3A_121, %logistic3A_119 : vector<1x64xf32>
    %logistic3A_123 = arith.divf %logistic3A_121, %logistic3A_122 : vector<1x64xf32>
    %slice3A_124 = vector.extract_strided_slice %add3A_111 {offsets = [0, 128], sizes = [1, 64], strides = [1, 1]} : vector<1x320xf32> to vector<1x64xf32>
    %tanh3A = math.tanh %slice3A_124 : vector<1x64xf32>
    %slice3A_125 = vector.extract_strided_slice %add3A_111 {offsets = [0, 192], sizes = [1, 64], strides = [1, 1]} : vector<1x320xf32> to vector<1x64xf32>
    %logistic3A_126 = arith.negf %slice3A_125 : vector<1x64xf32>
    %logistic3A_127 = math.exp %logistic3A_126 : vector<1x64xf32>
    %logistic3A_128 = arith.constant 1.000000e+00 : f32
    %logistic3A_129 = vector.broadcast %logistic3A_128 : f32 to vector<1x64xf32>
    %logistic3A_130 = arith.addf %logistic3A_129, %logistic3A_127 : vector<1x64xf32>
    %logistic3A_131 = arith.divf %logistic3A_129, %logistic3A_130 : vector<1x64xf32>
    %slice3A_132 = vector.extract_strided_slice %add3A_111 {offsets = [0, 256], sizes = [1, 64], strides = [1, 1]} : vector<1x320xf32> to vector<1x64xf32>
    %logistic3A_133 = arith.negf %slice3A_132 : vector<1x64xf32>
    %logistic3A_134 = math.exp %logistic3A_133 : vector<1x64xf32>
    %logistic3A_135 = arith.constant 1.000000e+00 : f32
    %logistic3A_136 = vector.broadcast %logistic3A_135 : f32 to vector<1x64xf32>
    %logistic3A_137 = arith.addf %logistic3A_136, %logistic3A_134 : vector<1x64xf32>
    %logistic3A_138 = arith.divf %logistic3A_136, %logistic3A_137 : vector<1x64xf32>
    %get3A_139 = arith.constant 0 : index
    %get3A_140 = arith.constant 0 : index
    %get3A_141 = vector.load %arg10[%get3A_139, %get3A_140] : memref<1x64xf32, #tpu.memory_space<vmem>>, vector<1x64xf32>
    %mul3A_142 = arith.mulf %logistic3A_123, %get3A_141 : vector<1x64xf32>
    %mul3A_143 = arith.mulf %logistic3A_116, %tanh3A : vector<1x64xf32>
    %add3A_144 = arith.addf %mul3A_142, %mul3A_143 : vector<1x64xf32>
    %mul3A_145 = arith.mulf %logistic3A_138, %dot_general3A_78 : vector<1x64xf32>
    %add3A_146 = arith.addf %add3A_144, %mul3A_145 : vector<1x64xf32>
    %tanh3A_147 = math.tanh %add3A_146 : vector<1x64xf32>
    %mul3A_148 = arith.mulf %logistic3A_131, %tanh3A_147 : vector<1x64xf32>
    %get3A_149 = arith.constant 0 : index
    %get3A_150 = arith.constant 0 : index
    %get3A_151 = vector.load %arg15[%get3A_149, %get3A_150] : memref<64x16xf32, #tpu.memory_space<vmem>>, vector<64x16xf32>
    %dot_general3A_152 = arith.constant dense<0.000000e+00> : vector<1x16xf32>
    %dot_general3A_153 = tpu.matmul %mul3A_148, %get3A_151, %dot_general3A_152 {dimension_numbers = #tpu.dot_dimension_numbers<[1], [0], [0], [1], [0, 0, 1, 1], [], []>, precision = #tpu.contract_precision<fp32>, transpose_lhs_hint = false} : vector<1x64xf32>, vector<64x16xf32>, vector<1x16xf32> -> vector<1x16xf32>
    %get3A_154 = arith.constant 0 : index
    %get3A_155 = arith.constant 0 : index
    %get3A_156 = vector.load %arg16[%get3A_154, %get3A_155] : memref<1x16xf32, #tpu.memory_space<vmem>>, vector<1x16xf32>
    %add3A_157 = arith.addf %dot_general3A_153, %get3A_156 : vector<1x16xf32>
    %reduce_max3A = arith.constant dense<0xFF800000> : vector<1xf32>
    %reduce_max3A_158 = vector.multi_reduction <maximumf>, %add3A_157, %reduce_max3A [1] : vector<1x16xf32> to vector<1xf32>
    %max3A = arith.constant 0xFF800000 : f32
    %max3A_159 = vector.broadcast %max3A : f32 to vector<1xf32>
    %max3A_160 = arith.maximumf %max3A_159, %reduce_max3A_158 : vector<1xf32>
    %broadcast_in_dim3A_161 = vector.shape_cast %max3A_160 : vector<1xf32> to vector<1x1xf32>
    %sub3A_162 = vector.broadcast %broadcast_in_dim3A_161 : vector<1x1xf32> to vector<1x16xf32>
    %sub3A_163 = arith.subf %add3A_157, %sub3A_162 : vector<1x16xf32>
    %exp3A = math.exp %sub3A_163 : vector<1x16xf32>
    %reduce_sum3A_164 = arith.constant dense<0.000000e+00> : vector<1xf32>
    %reduce_sum3A_165 = vector.multi_reduction <add>, %exp3A, %reduce_sum3A_164 [1] : vector<1x16xf32> to vector<1xf32>
    %broadcast_in_dim3A_166 = vector.shape_cast %reduce_sum3A_165 : vector<1xf32> to vector<1x1xf32>
    %div3A_167 = vector.broadcast %broadcast_in_dim3A_166 : vector<1x1xf32> to vector<1x16xf32>
    %div3A_168 = arith.divf %exp3A, %div3A_167 : vector<1x16xf32>
    %swap3A = arith.constant 0 : index
    %swap3A_169 = arith.constant 0 : index
    %swap3A_170 = vector.load %arg19[%swap3A, %swap3A_169] : memref<1x16xf32, #tpu.memory_space<vmem>>, vector<1x16xf32>
    tpu.vector_store %arg19[%swap3A, %swap3A_169], %div3A_168 {strides = array<i32>} : memref<1x16xf32, #tpu.memory_space<vmem>>, vector<1x16xf32>,
    %get3A_171 = arith.constant 0 : index
    %get3A_172 = arith.constant 0 : index
    %get3A_173 = vector.load %arg17[%get3A_171, %get3A_172] : memref<64x1xf32, #tpu.memory_space<vmem>>, vector<64x1xf32>
    %dot_general3A_174 = arith.constant dense<0.000000e+00> : vector<1x1xf32>
    %dot_general3A_175 = tpu.matmul %mul3A_148, %get3A_173, %dot_general3A_174 {dimension_numbers = #tpu.dot_dimension_numbers<[1], [0], [0], [1], [0, 0, 1, 1], [], []>, precision = #tpu.contract_precision<fp32>, transpose_lhs_hint = false} : vector<1x64xf32>, vector<64x1xf32>, vector<1x1xf32> -> vector<1x1xf32>
    %swap3A_176 = arith.constant 0 : index
    %swap3A_177 = arith.constant 0 : index
    %swap3A_178 = vector.load %arg20[%swap3A_176, %swap3A_177] : memref<1x1xf32, #tpu.memory_space<vmem>>, vector<1x1xf32>
    tpu.vector_store %arg20[%swap3A_176, %swap3A_177], %dot_general3A_175 {strides = array<i32>} : memref<1x1xf32, #tpu.memory_space<vmem>>, vector<1x1xf32>,
    %get3A_179 = arith.constant 0 : index
    %get3A_180 = arith.constant 0 : index
    %get3A_181 = vector.load %arg20[%get3A_179, %get3A_180] : memref<1x1xf32, #tpu.memory_space<vmem>>, vector<1x1xf32>
    %get3A_182 = arith.constant 0 : index
    %get3A_183 = arith.constant 0 : index
    %get3A_184 = vector.load %arg18[%get3A_182, %get3A_183] : memref<1x1xf32, #tpu.memory_space<vmem>>, vector<1x1xf32>
    %add3A_185 = arith.addf %get3A_181, %get3A_184 : vector<1x1xf32>
    %swap3A_186 = arith.constant 0 : index
    %swap3A_187 = arith.constant 0 : index
    %swap3A_188 = vector.load %arg20[%swap3A_186, %swap3A_187] : memref<1x1xf32, #tpu.memory_space<vmem>>, vector<1x1xf32>
    tpu.vector_store %arg20[%swap3A_186, %swap3A_187], %add3A_185 {strides = array<i32>} : memref<1x1xf32, #tpu.memory_space<vmem>>, vector<1x1xf32>,
    %swap3A_189 = arith.constant 0 : index
    %swap3A_190 = arith.constant 0 : index
    %swap3A_191 = vector.load %arg21[%swap3A_189, %swap3A_190] : memref<1x64xf32, #tpu.memory_space<vmem>>, vector<1x64xf32>
    tpu.vector_store %arg21[%swap3A_189, %swap3A_190], %mul3A_148 {strides = array<i32>} : memref<1x64xf32, #tpu.memory_space<vmem>>, vector<1x64xf32>,
    %swap3A_192 = arith.constant 0 : index
    %swap3A_193 = arith.constant 0 : index
    %swap3A_194 = vector.load %arg22[%swap3A_192, %swap3A_193] : memref<1x64xf32, #tpu.memory_space<vmem>>, vector<1x64xf32>
    tpu.vector_store %arg22[%swap3A_192, %swap3A_193], %add3A_146 {strides = array<i32>} : memref<1x64xf32, #tpu.memory_space<vmem>>, vector<1x64xf32>,
    return
  }
}

module attributes {stable_mosaic.version = 14 : i64} {
  func.func @_tcd2_body(%arg0: i32, %arg1: memref<64x4096xf32, #tpu.memory_space<vmem>>, %arg2: memref<64x1xf32, #tpu.memory_space<vmem>>, %arg3: memref<1x4096xf32, #tpu.memory_space<vmem>>, %arg4: memref<1x4096xi32, #tpu.memory_space<vmem>>) attributes {dimension_semantics = [#tpu.dimension_semantics<arbitrary>], iteration_bounds = array<i64: 13>, scalar_prefetch = 0 : i64, scratch_operands = 0 : i64, tpu.core_type = #tpu.core_type<tc>, window_params = [{transform_indices = @transform_0, window_bounds = array<i64: 64, 4096>}, {pipeline_mode = #tpu.pipeline_mode<synchronous>, transform_indices = @transform_1, window_bounds = array<i64: 64, 1>}, {pipeline_mode = #tpu.pipeline_mode<synchronous>, transform_indices = @transform_2, window_bounds = array<i64: 1, 4096>}, {pipeline_mode = #tpu.pipeline_mode<synchronous>, transform_indices = @transform_3, window_bounds = array<i64: 1, 4096>}]} {
    %get3A = arith.constant 0 : index
    %get3A_0 = arith.constant 0 : index
    %get3A_1 = vector.load %arg1[%get3A, %get3A_0] : memref<64x4096xf32, #tpu.memory_space<vmem>>, vector<64x4096xf32>
    %get3A_2 = arith.constant 0 : index
    %get3A_3 = arith.constant 0 : index
    %get3A_4 = vector.load %arg2[%get3A_2, %get3A_3] : memref<64x1xf32, #tpu.memory_space<vmem>>, vector<64x1xf32>
    %sub3A = vector.broadcast %get3A_4 : vector<64x1xf32> to vector<64x4096xf32>
    %sub3A_5 = arith.subf %get3A_1, %sub3A : vector<64x4096xf32>
    %mul3A = arith.mulf %sub3A_5, %sub3A_5 : vector<64x4096xf32>
    %reduce_sum3A = arith.constant dense<0.000000e+00> : vector<4096xf32>
    %reduce_sum3A_6 = vector.multi_reduction <add>, %mul3A, %reduce_sum3A [0] : vector<64x4096xf32> to vector<4096xf32>
    %broadcast_in_dim3A = vector.shape_cast %reduce_sum3A_6 : vector<4096xf32> to vector<1x4096xf32>
    %iota3A = tpu.iota {dimensions = array<i32: 1>} : vector<1x4096xi32>
    %mul3A_7 = arith.constant 4096 : i32
    %mul3A_8 = arith.muli %arg0, %mul3A_7 : i32
    %add3A = arith.constant 49152 : i32
    %add3A_9 = arith.addi %add3A, %mul3A_8 : i32
    %add3A_10 = vector.broadcast %add3A_9 : i32 to vector<1x4096xi32>
    %add3A_11 = arith.addi %iota3A, %add3A_10 : vector<1x4096xi32>
    %lt3A = arith.constant 100000 : i32
    %lt3A_12 = vector.broadcast %lt3A : i32 to vector<1x4096xi32>
    %lt3A_13 = arith.cmpi slt, %add3A_11, %lt3A_12 : vector<1x4096xi32>
    %jit3A = arith.constant 0x7F800000 : f32
    %broadcast_in_dim3A_14 = vector.broadcast %jit3A : f32 to vector<1x4096xf32>
    %select_n3A = arith.select %lt3A_13, %broadcast_in_dim3A, %broadcast_in_dim3A_14 : vector<1x4096xi1>, vector<1x4096xf32>
    %eq3A = arith.constant 0 : i32
    %eq3A_15 = arith.cmpi eq, %arg0, %eq3A : i32
    %convert_element_type3A = arith.extui %eq3A_15 : i1 to i32
    %cond3A = arith.constant 0 : i32
    %cond3A_16 = arith.cmpi ne, %convert_element_type3A, %cond3A : i32
    scf.if %cond3A_16 {
      %swap3A = arith.constant 0 : index
      %swap3A_21 = arith.constant 0 : index
      %swap3A_22 = vector.load %arg3[%swap3A, %swap3A_21] : memref<1x4096xf32, #tpu.memory_space<vmem>>, vector<1x4096xf32>
      tpu.vector_store %arg3[%swap3A, %swap3A_21], %select_n3A {strides = array<i32>} : memref<1x4096xf32, #tpu.memory_space<vmem>>, vector<1x4096xf32>,
      %swap3A_23 = arith.constant 0 : index
      %swap3A_24 = arith.constant 0 : index
      %swap3A_25 = vector.load %arg4[%swap3A_23, %swap3A_24] : memref<1x4096xi32, #tpu.memory_space<vmem>>, vector<1x4096xi32>
      tpu.vector_store %arg4[%swap3A_23, %swap3A_24], %add3A_11 {strides = array<i32>} : memref<1x4096xi32, #tpu.memory_space<vmem>>, vector<1x4096xi32>,
    } else {
    }
    %gt3A = arith.constant 0 : i32
    %gt3A_17 = arith.cmpi sgt, %arg0, %gt3A : i32
    %convert_element_type3A_18 = arith.extui %gt3A_17 : i1 to i32
    %cond3A_19 = arith.constant 0 : i32
    %cond3A_20 = arith.cmpi ne, %convert_element_type3A_18, %cond3A_19 : i32
    scf.if %cond3A_20 {
      %get3A_21 = arith.constant 0 : index
      %get3A_22 = arith.constant 0 : index
      %get3A_23 = vector.load %arg3[%get3A_21, %get3A_22] : memref<1x4096xf32, #tpu.memory_space<vmem>>, vector<1x4096xf32>
      %lt3A_24 = arith.cmpf olt, %select_n3A, %get3A_23 : vector<1x4096xf32>
      %get3A_25 = arith.constant 0 : index
      %get3A_26 = arith.constant 0 : index
      %get3A_27 = vector.load %arg3[%get3A_25, %get3A_26] : memref<1x4096xf32, #tpu.memory_space<vmem>>, vector<1x4096xf32>
      %select_n3A_28 = arith.select %lt3A_24, %select_n3A, %get3A_27 : vector<1x4096xi1>, vector<1x4096xf32>
      %swap3A = arith.constant 0 : index
      %swap3A_29 = arith.constant 0 : index
      %swap3A_30 = vector.load %arg3[%swap3A, %swap3A_29] : memref<1x4096xf32, #tpu.memory_space<vmem>>, vector<1x4096xf32>
      tpu.vector_store %arg3[%swap3A, %swap3A_29], %select_n3A_28 {strides = array<i32>} : memref<1x4096xf32, #tpu.memory_space<vmem>>, vector<1x4096xf32>,
      %get3A_31 = arith.constant 0 : index
      %get3A_32 = arith.constant 0 : index
      %get3A_33 = vector.load %arg4[%get3A_31, %get3A_32] : memref<1x4096xi32, #tpu.memory_space<vmem>>, vector<1x4096xi32>
      %select_n3A_34 = arith.select %lt3A_24, %add3A_11, %get3A_33 : vector<1x4096xi1>, vector<1x4096xi32>
      %swap3A_35 = arith.constant 0 : index
      %swap3A_36 = arith.constant 0 : index
      %swap3A_37 = vector.load %arg4[%swap3A_35, %swap3A_36] : memref<1x4096xi32, #tpu.memory_space<vmem>>, vector<1x4096xi32>
      tpu.vector_store %arg4[%swap3A_35, %swap3A_36], %select_n3A_34 {strides = array<i32>} : memref<1x4096xi32, #tpu.memory_space<vmem>>, vector<1x4096xi32>,
    } else {
    }
    return
  }
  func.func @transform_0(%arg0: i32) -> (i32, i32) {
    %add3A = arith.constant 12 : i32
    %add3A_0 = arith.addi %add3A, %arg0 : i32
    %c0_i32 = arith.constant 0 : i32
    %c0_i32_1 = arith.constant 0 : i32
    return %c0_i32, %add3A_0 : i32, i32
  }
  func.func @transform_1(%arg0: i32) -> (i32, i32) {
    %c0_i32 = arith.constant 0 : i32
    %c0_i32_0 = arith.constant 0 : i32
    %c0_i32_1 = arith.constant 0 : i32
    return %c0_i32, %c0_i32_0 : i32, i32
  }
  func.func @transform_2(%arg0: i32) -> (i32, i32) {
    %c0_i32 = arith.constant 0 : i32
    %c0_i32_0 = arith.constant 0 : i32
    %c0_i32_1 = arith.constant 0 : i32
    return %c0_i32, %c0_i32_0 : i32, i32
  }
  func.func @transform_3(%arg0: i32) -> (i32, i32) {
    %c0_i32 = arith.constant 0 : i32
    %c0_i32_0 = arith.constant 0 : i32
    %c0_i32_1 = arith.constant 0 : i32
    return %c0_i32, %c0_i32_0 : i32, i32
  }
}

</mosaic_0001>

<sc_bundles>
// kernel: kernel.5.cloned.1.call-start
scs
__scs_entry_jumppad:
0x0: {  	(pc) =	sbr.rel $0x88, $3  }
0x1: {  	(tag) =	ssettag $0x0;
	lr =	simm.s32 $0x1  }
0x2: {  	[smem:$0x3F90] =	sst lr;
	_ =	strace $0xD0000000  }
0x3: {  	_ = 	snop  }
0x4: {  	_ = 	snop  }
0x5: {  	_ = 	snop  }
0x6: {  	_ = 	snop  }
0x7: {  	_ = 	snop  }
__scs_overlays_trampoline_lowered:
0x8: {  	[smem:$0x3F9F] =	sst s0  }
0x9: {  	[smem:$0x3FA0] =	sst s1  }
0xa: {  	[smem:$0x3FA1] =	sst s2  }
0xb: {  	[smem:$0x3FA2] =	sst s3  }
0xc: {  	[smem:$0x3FA3] =	sst s4  }
0xd: {  	[smem:$0x3FA4] =	sst s5  }
0xe: {  	[smem:$0x3FA5] =	sst s6  }
0xf: {  	[smem:$0x3FA6] =	sst s7  }
0x10: {  	[smem:$0x3FA7] =	sst s8  }
0x11: {  	[smem:$0x3FA8] =	sst s9;
	s0 =	simm.s32 @!p0 $0x0  }
0x12: {  	s1 =	sld [smem:$0x3F8E];
	s0 =	simm.s32 @p0 $0x1  }
0x13: {  	[smem:$0x3FA9] =	sst s0;
	s0 =	simm.s32 @!p1 $0x0  }
0x14: {  	s2 =	sld [smem:$0x3F8D];
	s0 =	simm.s32 @p1 $0x1  }
0x15: {  	[smem:$0x3FAA] =	sst s0;
	s0 =	simm.s32 @!p2 $0x0  }
0x16: {  	s3 =	sld [smem:$0x3FDB];
	s0 =	simm.s32 @p2 $0x1  }
0x17: {  	s4 =	simm.s32 $0x1BF5;
	[smem:$0x3FAC] =	sst s0  }
0x18: {  	s0 =	sld [smem:$0x3F8F];
	_ =	swait.ge [sflag:s4], $0x0  }
0x19: {  	s7 =	sld [smem:$0x3F90]  }
0x1a: {  	s8 =	sadd.s32 $0xFFFFE003, lr  }
0x1b: {  	s9 =	sadd.s32 $0xFFFFFEF7, lr;
	s5 =	simm.s32 $0xFFFFFFFF;
	p2 =	slt.u32 s8, $0xFFFFF086  }
0x1c: {  	p1 =	slt.u32 s9, $0xF7A;
	s5 =	simm.s32 @!p2 $0x0  }
0x1d: {  	s5 =	simm.s32 @p1 $0x1;
	p0 =	seq.s32 s7, s2  }
0x1e: {  	s7 =	smul.u32 @!p0 $0xF7A, s2;
	p2 =	seq.s32 @!p0 s5, $0x0  }
0x1f: {  	s9 =	smul.u32 $0xF7A, s1;
	s8 =	simm.s32 @!p0 $0x1BF5;
	p2 =	por !p2, p0  }
0x20: {  	[sflag:s8] =	ssyncset.s32 @!p0 $0xFFFFF086;
	s6 =	sadd.s32 @!p0 s3, s7;
	s7 =	simm.s32 @!p0 $0x108  }
0x21: {  	s3 =	sadd.s32 s3, s9;
	s6 =	sadd.s32 @!p0 $0x88, s6;
	s7 =	simm.s32 @p2 $0x1082  }
0x22: {  	[simem:s7], [sflag:s8] =	dma.local @!p0 [hbm:s6], $0xF7A  }
0x23: {  	s9 =	sor.u32 $0xD0000000, s2;
	s6 =	simm.s32 $0x108;
	_ =	swait.ge @!p0 [sflag:s8], $0x0  }
0x24: {  	s3 =	sadd.s32 $0x88, s3;
	s6 =	simm.s32 @!p1 $0x1082;
	[sflag:s4] =	ssyncset.s32 $0xFFFFF086  }
0x25: {  	[simem:s6], [sflag:s4] =	dma.local [hbm:s3], $0xF7A  }
0x26: {  	[smem:$0x3F90] =	sst s1;
	(tag) =	ssettag s2;
	_ =	strace s9  }
0x27: {  	s1 =	sld [smem:$0x3FA0]  }
0x28: {  	s2 =	sld [smem:$0x3FA1]  }
0x29: {  	s4 =	sld [smem:$0x3FA3]  }
0x2a: {  	p0 =	seq.s32 s5, $0x0;
	s5 =	sld [smem:$0x3FA4]  }
0x2b: {  	s6 =	sld [smem:$0x3FA5]  }
0x2c: {  	s7 =	sld [smem:$0x3FA6]  }
0x2d: {  	s3 =	simm.s32 $0x108;
	s8 =	sld [smem:$0x3FA7]  }
0x2e: {  	s3 =	simm.s32 @!p0 $0x1082;
	s9 =	sld [smem:$0x3FA8]  }
0x2f: {  	lr =	sadd.s32 s0, s3;
	s0 =	sld [smem:$0x3F9F]  }
0x30: {  	s3 =	sld [smem:$0x3FA2]  }
0x31: {  	[smem:$0x3FAB] =	sst s10  }
0x32: {  	s10 =	sld [smem:$0x3FA9];
	_ =	sdelay $0x3  }
0x33: {  	p0 =	seq.s32 s10, $0x1;
	s10 =	sld [smem:$0x3FAB];
	_ =	sdelay $0x3  }
0x34: {  	[smem:$0x3FAB] =	sst s10  }
0x35: {  	s10 =	sld [smem:$0x3FAA];
	_ =	sdelay $0x3  }
0x36: {  	p1 =	seq.s32 s10, $0x1;
	s10 =	sld [smem:$0x3FAB];
	_ =	sdelay $0x3  }
0x37: {  	[smem:$0x3FAB] =	sst s10  }
0x38: {  	s10 =	sld [smem:$0x3FAC]  }
0x39: {  	_ = 	snop;
	(pc) =	sbr.ind lr, $3  }
0x3a: {  	_ = 	snop  }
0x3b: {  	_ = 	snop  }
0x3c: {  	p2 =	seq.s32 s10, $0x1;
	s10 =	sld [smem:$0x3FAB]  }
0x3d: {  	_ =	shalt  }
0x3e: {  	_ =	shalt  }
0x3f: {  	_ =	shalt  }
0x40: {  	_ =	shalt  }
0x41: {  	_ =	shalt  }
0x42: {  	_ =	shalt  }
0x43: {  	_ =	shalt  }
0x44: {  	_ =	shalt  }
0x45: {  	_ =	shalt  }
0x46: {  	_ =	shalt  }
0x47: {  	_ =	shalt  }
0x48: {  	_ =	shalt  }
0x49: {  	_ =	shalt  }
0x4a: {  	_ =	shalt  }
0x4b: {  	_ =	shalt  }
0x4c: {  	_ =	shalt  }
0x4d: {  	_ =	shalt  }
0x4e: {  	_ =	shalt  }
0x4f: {  	_ =	shalt  }
0x50: {  	_ =	shalt  }
0x51: {  	_ =	shalt  }
0x52: {  	_ =	shalt  }
0x53: {  	_ =	shalt  }
0x54: {  	_ =	shalt  }
0x55: {  	_ =	shalt  }
0x56: {  	_ =	shalt  }
0x57: {  	_ =	shalt  }
0x58: {  	_ =	shalt  }
0x59: {  	_ =	shalt  }
0x5a: {  	_ =	shalt  }
0x5b: {  	_ =	shalt  }
0x5c: {  	_ =	shalt  }
0x5d: {  	_ =	shalt  }
0x5e: {  	_ =	shalt  }
0x5f: {  	_ =	shalt  }
0x60: {  	_ =	shalt  }
0x61: {  	_ =	shalt  }
0x62: {  	_ =	shalt  }
0x63: {  	_ =	shalt  }
0x64: {  	_ =	shalt  }
0x65: {  	_ =	shalt  }
0x66: {  	_ =	shalt  }
0x67: {  	_ =	shalt  }
0x68: {  	_ =	shalt  }
0x69: {  	_ =	shalt  }
0x6a: {  	_ =	shalt  }
0x6b: {  	_ =	shalt  }
0x6c: {  	_ =	shalt  }
0x6d: {  	_ =	shalt  }
0x6e: {  	_ =	shalt  }
0x6f: {  	_ =	shalt  }
0x70: {  	_ =	shalt  }
0x71: {  	_ =	shalt  }
0x72: {  	_ =	shalt  }
0x73: {  	_ =	shalt  }
0x74: {  	_ =	shalt  }
0x75: {  	_ =	shalt  }
0x76: {  	_ =	shalt  }
0x77: {  	_ =	shalt  }
0x78: {  	_ =	shalt  }
0x79: {  	_ =	shalt  }
0x7a: {  	_ =	shalt  }
0x7b: {  	_ =	shalt  }
0x7c: {  	_ =	shalt  }
0x7d: {  	_ =	shalt  }
0x7e: {  	_ =	shalt  }
0x7f: {  	_ =	shalt  }
0x80: {  	_ =	shalt  }
0x81: {  	_ =	shalt  }
0x82: {  	_ =	shalt  }
0x83: {  	_ =	shalt  }
0x84: {  	_ =	shalt  }
0x85: {  	_ =	shalt  }
0x86: {  	_ =	shalt  }
0x87: {  	_ =	shalt  }
.Lfunc_end0:
.L_simem_size_0:
called_computation_lowered:
.L_overlay_start_0:
0x88: {  	s2 =	sld [smem:$0x3FD9]  }
0x89: {  	s3 =	sld [smem:$0x3FFE];
	_ =	sdelay $0x1  }
0x8a: {  	s1 =	srdreg.scid  }
0x8b: {  	s0 =	sand.u32 $0x1, s1  }
0x8c: {  	s17 =	sshll.u32 s0, $0xA;
	s2 =	sadd.s32 s3, s2  }
0x8d: {  	s2 =	sadd.s32 s2, s17  }
0x8e: {  	[smem:$0x3FB7] =	sst s2  }
0x8f: {  	_ = 	snop  }
0x90: {  	s2 =	sld [smem:$0x3FC5]  }
0x91: {  	s18 =	sld [smem:$0x3FC2];
	(tm) =	ssettm $0x1  }
0x92: {  	s4 =	sld [smem:$0x3FFB];
	_ =	sdelay $0x3  }
0x93: {  	_ =	strace s4  }
0x94: {  	s4 =	sld [smem:$0x3FFC];
	_ =	sdelay $0x3  }
0x95: {  	_ =	strace s4  }
0x96: {  	s4 =	sld [smem:$0x3FFD];
	_ =	sdelay $0x3  }
0x97: {  	_ =	strace s4  }
0x98: {  	_ =	strace $0x8FFFFFFF  }
0x99: {  	s19 =	sld [smem:$0x3FDB];
	_ =	sdelay $0x1  }
0x9a: {  	s5 =	simm.s32 $_scs_section_size  }
0x9b: {  	s6 =	simm.s32 $_size__tile_overlayer_lowered;
	s7 =	simm.s32 $_tile_overlayer_lowered  }
0x9c: {  	s22 =	simm.s32 $0x1BFF;
	s21 =	sshll.u32 s7, $0x1;
	s4 =	sadd.s32 s5, s19  }
0x9d: {  	s8 =	simm.s32 $0x0;
	s20 =	sshll.u32 s6, $0x1;
	s6 =	sadd.s32 s21, s4  }
0x9e: {  	[timem:s8], [sflag:s22] =	dma.local [hbm:s6], s20  }
0x9f: {  	_ =	swait.ge [sflag:s22], s20  }
0xa0: {  	s5 =	ssub.s32 $0x0, s20;
	[sflag:s22] =	ssyncset.done $0x0  }
0xa1: {  	[sflag:s22] =	ssyncadd.s32 s5;
	_ =	sdelay $0x1  }
0xa2: {  	s23 =	simm.s32 $0x1B8B  }
0xa3: {  	_ =	swait.ge [sflag:s23], $0x1  }
0xa4: {  	[sflag:s23] =	ssyncset.done $0x0  }
0xa5: {  	s25 =	simm.s32 $0x1B8E;
	s24 =	sld [smem:$0x3FFE];
	[sflag:s23] =	ssyncadd.s32 $0xFFFFFFFF  }
0xa6: {  	s26 =	simm.s32 $execute0_lowered;
	[smem:$0x3FD2] =	sst s25  }
0xa7: {  	s6 =	sshll.u32 s26, $0x1;
	_ =	strace $0x80000046;
	[dreg:$0x1] =	wrdreg $0xFFFFFFFF  }
0xa8: {  	s28 =	simm.s32 $_size_execute0_lowered;
	s4 =	sadd.s32 s4, s6;
	[dreg:$0x0] =	wrdreg $0x0  }
0xa9: {  	s6 =	sshll.u32 s28, $0x1;
	[dreg:$0x2] =	wrdreg s4  }
0xaa: {  	[dreg:$0x3] =	wrdreg s6  }
0xab: {  	[dreg:$0x4] =	wrdreg $0xC0  }
0xac: {  	_ =	task [dreg:s8], $0x5FFFF  }
0xad: {  	[dreg:$0x1] =	wrdreg $0xFFFFFFFF  }
0xae: {  	[dreg:$0x0] =	wrdreg $0x60  }
0xaf: {  	[dreg:$0x2] =	wrdreg s18  }
0xb0: {  	[dreg:$0x3] =	wrdreg s2  }
0xb1: {  	[dreg:$0x4] =	wrdreg s24  }
0xb2: {  	[dreg:$0x5] =	wrdreg $0x9  }
0xb3: {  	_ =	task.clear_ibuf [dreg:s8], $0x6FFFF;
	_ =	strace $0x90000046  }
0xb4: {  	s29 =	simm.s32 $0x9;
	_ =	strace $0x80000048  }
0xb5: {  	_ =	swait.ge [sflag:s29], $0x1  }
0xb6: {  	[sflag:s29] =	ssyncadd.s32 $0xFFFFFFFF  }
0xb7: {  	_ =	strace $0x90000048  }
0xb8: {  	_ =	sfence  }
0xb9: {  	s30 =	sld [smem:$0x0];
	_ =	sdelay $0x2  }
0xba: {  	s31 =	sshll.u32 s1, $0xD;
	s1 =	sshrl.u32 s1, $0x2  }
0xbb: {  	s3 =	sand.u32 $0x4000, s31;
	s1 =	sadd.s32 s1, s30  }
0xbc: {  	s0 =	sor.u32 s3, s0;
	s1 =	sshll.u32 s1, $0x11  }
0xbd: {  	s0 =	sor.u32 s1, s0  }
0xbe: {  	s0 =	sadd.s32 $0x8F2B, s0  }
0xbf: {  	[sflag:s0] =	ssyncadd.remote.s32 $0x1  }
0xc0: {  	_ =	sfence.sel $0xFFFF  }
0xc1: {  	[dreg:$0x0] =	wrdreg $0xFFFFFFFF;
	(pc) =	sbr.abs _section_cstart, $3  }
0xc2: {  	[dreg:$0x1] =	wrdreg $0xFFFFFFFF  }
0xc3: {  	_ =	task.clear_ibuf [dreg:s8], $0x2FFFF;
	_ =	strace $0x9FFFFFFF  }
0xc4: {  	(tm) =	ssettm $0x7FFFFFFF  }
0xc5: {  	_ =	shalt  }
tec
execute0_lowered:
.L_overlay_start_1:
0x0: {  	(tag) =	ssettag $0x1  }
0x1: {  	s5 =	srdreg.scid;
	s0 =	stileid.u32  }
0x2: {  	s5 =	sand.u32 $0x1, s5;
	s6 =	sshll.u32 s0, $0x1  }
0x3: {  	s6 =	sor.u32 s5, s6  }
0x4: {  	s16 =	sshll.u32 s6, $0x7  }
0x5: {  	s15 =	rddreg [dreg:$0x0];
	s3 =	simm.s32 $0x0;
	v0 =	vlaneseq.u32;
	s9 =	sor.u32 $0x10, s16  }
0x6: {  	[smem:$0x7FF] =	sst s3;
	s10 =	sor.u32 $0x20, s16;
	v1 =	vor.u32 s9, v0  }
0x7: {  	s4 =	rddreg [dreg:$0x2];
	_ =	strace $0x80000047;
	s11 =	sor.u32 $0x30, s16;
	v30 =	vor.u32 s10, v0;
	[tilespmem:$0x1FA00] =	vst v1  }
0x8: {  	s13 =	sor.u32 $0x40, s16;
	v31 =	vor.u32 s11, v0;
	[tilespmem:$0x1FA10] =	vst v30  }
0x9: {  	s14 =	sor.u32 $0x50, s16;
	v32 =	vor.u32 s13, v0;
	[tilespmem:$0x1FA20] =	vst v31  }
0xa: {  	s19 =	sor.u32 $0x60, s16;
	v33 =	vor.u32 s14, v0;
	[tilespmem:$0x1FA30] =	vst v32  }
0xb: {  	s20 =	sor.u32 $0x70, s16;
	v34 =	vor.u32 s19, v0;
	[tilespmem:$0x1FA40] =	vst v33  }
0xc: {  	s12 =	sor.u32 $0x1000, s16;
	v35 =	vor.u32 s20, v0;
	[tilespmem:$0x1FA50] =	vst v34  }
0xd: {  	s21 =	sor.u32 $0x1010, s16;
	v36 =	vor.u32 s12, v0;
	[tilespmem:$0x1FA60] =	vst v35  }
0xe: {  	s29 =	sor.u32 $0x1020, s16;
	v37 =	vor.u32 s21, v0;
	[tilespmem:$0x1FA70] =	vst v36  }
0xf: {  	s30 =	sor.u32 $0x1030, s16;
	v38 =	vor.u32 s29, v0;
	[tilespmem:$0x1FA80] =	vst v37  }
0x10: {  	s31 =	sor.u32 $0x1040, s16;
	v39 =	vor.u32 s30, v0;
	[tilespmem:$0x1FA90] =	vst v38  }
0x11: {  	s0 =	sor.u32 $0x1050, s16;
	v40 =	vor.u32 s31, v0;
	[tilespmem:$0x1FAA0] =	vst v39  }
0x12: {  	s2 =	sor.u32 $0x1060, s16;
	v41 =	vor.u32 s0, v0;
	[tilespmem:$0x1FAB0] =	vst v40  }
0x13: {  	s1 =	sor.u32 $0x1070, s16;
	v42 =	vor.u32 s2, v0;
	[tilespmem:$0x1FAC0] =	vst v41  }
0x14: {  	s5 =	ssub.s32 $0x2, s5;
	s7 =	sshll.u32 s6, $0x4;
	s28 =	sor.u32 $0x2000, s16;
	v43 =	vor.u32 s1, v0;
	[tilespmem:$0x1FAD0] =	vst v42  }
0x15: {  	s25 =	sshrl.u32 s5, $0x1;
	s17 =	sadd.s32 s7, s4;
	s4 =	sor.u32 $0x3000, s16;
	v44 =	vor.u32 s28, v0;
	[tilespmem:$0x1FAE0] =	vst v43  }
0x16: {  	s18 =	ssub.s32 s5, s25;
	s25 =	sor.u32 $0x5000, s16;
	v52 =	vor.u32 s4, v0;
	[tilespmem:$0x1FAF0] =	vst v44  }
0x17: {  	s24 =	sor.u32 $0x6000, s16;
	v8 =	vor.u32 s25, v0;
	[tilespmem:$0x1FB70] =	vst v52  }
0x18: {  	s23 =	sor.u32 $0x7000, s16;
	v16 =	vor.u32 s24, v0;
	[tilespmem:$0x1FC70] =	vst v8  }
0x19: {  	s30 =	sor.u32 $0x2010, s16;
	v24 =	vor.u32 s23, v0;
	[tilespmem:$0x1FCF0] =	vst v16  }
0x1a: {  	s31 =	sor.u32 $0x2020, s16;
	v45 =	vor.u32 s30, v0;
	[tilespmem:$0x1FD70] =	vst v24  }
0x1b: {  	s2 =	sor.u32 $0x2030, s16;
	v46 =	vor.u32 s31, v0;
	[tilespmem:$0x1FB00] =	vst v45  }
0x1c: {  	s26 =	sadd.s32 s15, s16;
	s7 =	sadd.s32 s15, s4;
	s4 =	sor.u32 $0x3040, s16;
	v47 =	vor.u32 s2, v0;
	[tilespmem:$0x1FB10] =	vst v46  }
0x1d: {  	[dreg:$0x4] =	wrdreg s26;
	s26 =	sor.u32 $0x4000, s16;
	v56 =	vor.u32 s4, v0;
	[tilespmem:$0x1FB20] =	vst v47  }
0x1e: {  	s1 =	sor.u32 $0x4010, s16;
	v60 =	vor.u32 s26, v0;
	[tilespmem:$0x1FBB0] =	vst v56  }
0x1f: {  	s9 =	sadd.s32 s15, s25;
	s25 =	sor.u32 $0x6010, s16;
	v61 =	vor.u32 s1, v0;
	[tilespmem:$0x1FBF0] =	vst v60  }
0x20: {  	s10 =	sadd.s32 s15, s24;
	s24 =	sor.u32 $0x6070, s16;
	v17 =	vor.u32 s25, v0;
	[tilespmem:$0x1FC00] =	vst v61  }
0x21: {  	s22 =	sor.u32 $0x8000, s16;
	v23 =	vor.u32 s24, v0;
	[tilespmem:$0x1FD00] =	vst v17  }
0x22: {  	s11 =	sadd.s32 s15, s23;
	s23 =	sor.u32 $0x8010, s16;
	v32 =	vor.u32 s22, v0;
	[tilespmem:$0x1FD60] =	vst v23  }
0x23: {  	s21 =	sor.u32 $0x9000, s16;
	v33 =	vor.u32 s23, v0;
	[tilespmem:$0x1FDF0] =	vst v32  }
0x24: {  	v40 =	vor.u32 s21, v0;
	[tilespmem:$0x1FE00] =	vst v33  }
0x25: {  	s30 =	sor.u32 $0x2040, s16;
	v52 =	vor.u32 s16, v0;
	[tilespmem:$0x1FE70] =	vst v40  }
0x26: {  	s31 =	sor.u32 $0x2050, s16;
	v48 =	vor.u32 s30, v0;
	[tilespmem:$0x1FF30] =	vst v52  }
0x27: {  	s2 =	sor.u32 $0x3010, s16;
	v49 =	vor.u32 s31, v0;
	[tilespmem:$0x1FB30] =	vst v48  }
0x28: {  	s4 =	sor.u32 $0x4020, s16;
	v53 =	vor.u32 s2, v0;
	[tilespmem:$0x1FB40] =	vst v49  }
0x29: {  	s8 =	sadd.s32 s15, s26;
	s26 =	sor.u32 $0x4050, s16;
	v62 =	vor.u32 s4, v0;
	[tilespmem:$0x1FB80] =	vst v53  }
0x2a: {  	s1 =	sor.u32 $0x4070, s16;
	v5 =	vor.u32 s26, v0;
	[tilespmem:$0x1FC10] =	vst v62  }
0x2b: {  	s25 =	sor.u32 $0x7030, s16;
	v7 =	vor.u32 s1, v0;
	[tilespmem:$0x1FC40] =	vst v5  }
0x2c: {  	s24 =	sor.u32 $0x8020, s16;
	v27 =	vor.u32 s25, v0;
	[tilespmem:$0x1FC60] =	vst v7  }
0x2d: {  	s5 =	sadd.s32 s15, s12;
	s12 =	sadd.s32 s15, s22;
	s22 =	sor.u32 $0x9020, s16;
	v34 =	vor.u32 s24, v0;
	[tilespmem:$0x1FDA0] =	vst v27  }
0x2e: {  	s23 =	sor.u32 $0x9030, s16;
	v42 =	vor.u32 s22, v0;
	[tilespmem:$0x1FE10] =	vst v34  }
0x2f: {  	s30 =	sor.u32 $0x2060, s16;
	v43 =	vor.u32 s23, v0;
	[tilespmem:$0x1FE90] =	vst v42  }
0x30: {  	s31 =	sor.u32 $0x2070, s16;
	v50 =	vor.u32 s30, v0;
	[tilespmem:$0x1FEA0] =	vst v43  }
0x31: {  	s2 =	sor.u32 $0x3050, s16;
	v51 =	vor.u32 s31, v0;
	[tilespmem:$0x1FB50] =	vst v50  }
0x32: {  	s4 =	sor.u32 $0x5010, s16;
	v57 =	vor.u32 s2, v0;
	[tilespmem:$0x1FB60] =	vst v51  }
0x33: {  	s26 =	sor.u32 $0x5040, s16;
	v9 =	vor.u32 s4, v0;
	[tilespmem:$0x1FBC0] =	vst v57  }
0x34: {  	s25 =	sor.u32 $0x8040, s16;
	v12 =	vor.u32 s26, v0;
	[tilespmem:$0x1FC80] =	vst v9  }
0x35: {  	s24 =	sor.u32 $0x9040, s16;
	v36 =	vor.u32 s25, v0;
	[tilespmem:$0x1FCB0] =	vst v12  }
0x36: {  	s19 =	sor.u32 $0xA000, s16;
	v44 =	vor.u32 s24, v0;
	[tilespmem:$0x1FE30] =	vst v36  }
0x37: {  	s22 =	sor.u32 $0xA040, s16;
	v48 =	vor.u32 s19, v0;
	[tilespmem:$0x1FEB0] =	vst v44  }
0x38: {  	s1 =	sor.u32 $0xA070, s16;
	v53 =	vor.u32 s22, v0;
	[tilespmem:$0x1FEF0] =	vst v48  }
0x39: {  	s6 =	sadd.s32 s15, s28;
	s28 =	sor.u32 $0xB050, s16;
	v56 =	vor.u32 s1, v0;
	[tilespmem:$0x1FF40] =	vst v53  }
0x3a: {  	s30 =	sor.u32 $0x3020, s16;
	v62 =	vor.u32 s28, v0;
	[tilespmem:$0x1FF70] =	vst v56  }
0x3b: {  	s31 =	sor.u32 $0x3030, s16;
	v54 =	vor.u32 s30, v0;
	[tilespmem:$0x1FFD0] =	vst v62  }
0x3c: {  	s2 =	sor.u32 $0x4040, s16;
	v55 =	vor.u32 s31, v0;
	[tilespmem:$0x1FB90] =	vst v54  }
0x3d: {  	s4 =	sor.u32 $0x5060, s16;
	v4 =	vor.u32 s2, v0;
	[tilespmem:$0x1FBA0] =	vst v55  }
0x3e: {  	s26 =	sor.u32 $0x6040, s16;
	v14 =	vor.u32 s4, v0;
	[tilespmem:$0x1FC30] =	vst v4  }
0x3f: {  	s25 =	sor.u32 $0x9060, s16;
	v20 =	vor.u32 s26, v0;
	[tilespmem:$0x1FCD0] =	vst v14  }
0x40: {  	s13 =	sadd.s32 s15, s21;
	s21 =	sor.u32 $0xA020, s16;
	v46 =	vor.u32 s25, v0;
	[tilespmem:$0x1FD30] =	vst v20  }
0x41: {  	s20 =	sor.u32 $0xB000, s16;
	v50 =	vor.u32 s21, v0;
	[tilespmem:$0x1FED0] =	vst v46  }
0x42: {  	s30 =	sor.u32 $0x3060, s16;
	v57 =	vor.u32 s20, v0;
	[tilespmem:$0x1FF10] =	vst v50  }
0x43: {  	s31 =	sor.u32 $0x3070, s16;
	v58 =	vor.u32 s30, v0;
	[tilespmem:$0x1FF80] =	vst v57  }
0x44: {  	s2 =	sor.u32 $0x5030, s16;
	v59 =	vor.u32 s31, v0;
	[tilespmem:$0x1FBD0] =	vst v58  }
0x45: {  	s4 =	sor.u32 $0x6050, s16;
	v11 =	vor.u32 s2, v0;
	[tilespmem:$0x1FBE0] =	vst v59  }
0x46: {  	s26 =	sor.u32 $0x7060, s16;
	v21 =	vor.u32 s4, v0;
	[tilespmem:$0x1FCA0] =	vst v11  }
0x47: {  	s23 =	sor.u32 $0xA050, s16;
	v30 =	vor.u32 s26, v0;
	[tilespmem:$0x1FD40] =	vst v21  }
0x48: {  	s25 =	sor.u32 $0xB030, s16;
	v54 =	vor.u32 s23, v0;
	[tilespmem:$0x1FDD0] =	vst v30  }
0x49: {  	s30 =	sor.u32 $0x4030, s16;
	v60 =	vor.u32 s25, v0;
	[tilespmem:$0x1FF50] =	vst v54  }
0x4a: {  	s31 =	sor.u32 $0x4060, s16;
	v63 =	vor.u32 s30, v0;
	[tilespmem:$0x1FFB0] =	vst v60  }
0x4b: {  	s2 =	sor.u32 $0x6020, s16;
	v6 =	vor.u32 s31, v0;
	[tilespmem:$0x1FC20] =	vst v63  }
0x4c: {  	s4 =	sor.u32 $0x7050, s16;
	v18 =	vor.u32 s2, v0;
	[tilespmem:$0x1FC50] =	vst v6  }
0x4d: {  	s26 =	sor.u32 $0x9010, s16;
	v29 =	vor.u32 s4, v0;
	[tilespmem:$0x1FD10] =	vst v18  }
0x4e: {  	s24 =	sor.u32 $0xB020, s16;
	v41 =	vor.u32 s26, v0;
	[tilespmem:$0x1FDC0] =	vst v29  }
0x4f: {  	s30 =	sor.u32 $0x5020, s16;
	v59 =	vor.u32 s24, v0;
	[tilespmem:$0x1FE80] =	vst v41  }
0x50: {  	s31 =	sor.u32 $0x5050, s16;
	v10 =	vor.u32 s30, v0;
	[tilespmem:$0x1FFA0] =	vst v59  }
0x51: {  	s2 =	sor.u32 $0x7020, s16;
	v13 =	vor.u32 s31, v0;
	[tilespmem:$0x1FC90] =	vst v10  }
0x52: {  	s4 =	sor.u32 $0x8060, s16;
	v26 =	vor.u32 s2, v0;
	[tilespmem:$0x1FCC0] =	vst v13  }
0x53: {  	s26 =	sor.u32 $0xA060, s16;
	v38 =	vor.u32 s4, v0;
	[tilespmem:$0x1FD90] =	vst v26  }
0x54: {  	s30 =	sor.u32 $0x5070, s16;
	v55 =	vor.u32 s26, v0;
	[tilespmem:$0x1FE50] =	vst v38  }
0x55: {  	s31 =	sor.u32 $0x6030, s16;
	v15 =	vor.u32 s30, v0;
	[tilespmem:$0x1FF60] =	vst v55  }
0x56: {  	s2 =	sor.u32 $0x8030, s16;
	v19 =	vor.u32 s31, v0;
	[tilespmem:$0x1FCE0] =	vst v15  }
0x57: {  	s4 =	sor.u32 $0xA010, s16;
	v35 =	vor.u32 s2, v0;
	[tilespmem:$0x1FD20] =	vst v19  }
0x58: {  	s30 =	sor.u32 $0x6060, s16;
	v49 =	vor.u32 s4, v0;
	[tilespmem:$0x1FE20] =	vst v35  }
0x59: {  	s31 =	sor.u32 $0x7010, s16;
	v22 =	vor.u32 s30, v0;
	[tilespmem:$0x1FF00] =	vst v49  }
0x5a: {  	s2 =	sor.u32 $0x9050, s16;
	v25 =	vor.u32 s31, v0;
	[tilespmem:$0x1FD50] =	vst v22  }
0x5b: {  	s30 =	sor.u32 $0x7040, s16;
	v45 =	vor.u32 s2, v0;
	[tilespmem:$0x1FD80] =	vst v25  }
0x5c: {  	s31 =	sor.u32 $0x7070, s16;
	v28 =	vor.u32 s30, v0;
	[tilespmem:$0x1FEC0] =	vst v45  }
0x5d: {  	s2 =	sor.u32 $0xB010, s16;
	v31 =	vor.u32 s31, v0;
	[tilespmem:$0x1FDB0] =	vst v28  }
0x5e: {  	s30 =	sor.u32 $0x8050, s16;
	v58 =	vor.u32 s2, v0;
	[tilespmem:$0x1FDE0] =	vst v31  }
0x5f: {  	s29 =	sor.u32 $0xB070, s16;
	s31 =	sor.u32 $0x8070, s16;
	v37 =	vor.u32 s30, v0;
	[tilespmem:$0x1FF90] =	vst v58  }
0x60: {  	s18 =	smax.u32 s18, $0x1;
	s14 =	sadd.s32 s15, s19;
	s30 =	sor.u32 $0x9070, s16;
	v39 =	vor.u32 s31, v0;
	[tilespmem:$0x1FE40] =	vst v37  }
0x61: {  	s15 =	sadd.s32 s15, s20;
	s19 =	simm.s32 $0x3;
	s31 =	sor.u32 $0xA030, s16;
	[tilespmem:$0x1FE60] =	vst v39;
	v47 =	vor.u32 s30, v0  }
0x62: {  	s22 =	simm.s32 $0x80;
	s28 =	simm.s32 $0x4100;
	s30 =	sor.u32 $0xB040, s16;
	v51 =	vor.u32 s31, v0;
	[tilespmem:$0x1FEE0] =	vst v47  }
0x63: {  	s20 =	simm.s32 $0x400;
	s21 =	simm.s32 $0xC3800;
	s31 =	sor.u32 $0xB060, s16;
	[tilespmem:$0x1FF20] =	vst v51;
	v61 =	vor.u32 s30, v0  }
0x64: {  	s23 =	simm.s32 $0x2080;
	s25 =	simm.s32 $0x2;
	s4 =	rddreg [dreg:$0x4];
	v63 =	vor.u32 s31, v0;
	[tilespmem:$0x1FFC0] =	vst v61  }
0x65: {  	s24 =	simm.s32 $0x1;
	s26 =	simm.s32 $0x4080;
	s2 =	rddreg [dreg:$0x1];
	v0 =	vor.u32 s29, v0;
	[tilespmem:$0x1FFE0] =	vst v63  }
0x66: {  	s16 =	sadd.s32 $0x2600, s17;
	s17 =	sadd.s32 $0x2800, s17;
	s29 =	simm.s32 $0x0;
	[tilespmem:$0x1FFF0] =	vst v0  }
.LBB2_1:
0x67: {  	[tilespmem:s3], [sflag:$0x3] =	stream.linear.gather [hbm4b:s2+s3], $0x80, $0x38;
	[tilespmem:$0x4180] =	vst v63  }
0x68: {  	_ =	swait.ge [sflag:s19], $0x80  }
0x69: {  	[sflag:s19] =	ssyncset.done $0x0  }
0x6a: {  	[sflag:s19] =	ssyncadd.s32 $0xFFFFFF80  }
0x6b: {  	[tilespmem:s22], [sflag:$0x1] =	stream.strided.gather [hbm4b:s4+s20], $0x2000, s21, s20, $0x38;
	[tilespmem:$0x4180] =	vst v63  }
0x6c: {  	v0 =	vmov s3  }
0x6d: {  	[tilespmem:s23], [sflag:$0x2] =	stream.strided.gather [hbm4b:s5+s20], $0x2000, s21, s20, $0x38;
	[tilespmem:$0x4180] =	vst v63  }
0x6e: {  	_ =	swait.ge [sflag:s24], $0x2000  }
0x6f: {  	[sflag:s24] =	ssyncset.done $0x0  }
0x70: {  	[sflag:s24] =	ssyncadd.s32 $0xFFFFE000  }
0x71: {  	s0 =	simm.s32 $0xC0;
	v5 =	vld.idx.msk [tilespmem:v0+s3+$0x0], $0xffff  }
0x72: {  	v0 =	vld [tilespmem:s0+$0x30]  }
0x73: {  	v1 =	vld [tilespmem:s0+$0xFFFFFFC0]  }
0x74: {  	v2 =	vld [tilespmem:s0+$0xFFFFFFD0]  }
0x75: {  	v3 =	vld [tilespmem:s0+$0xFFFFFFE0]  }
0x76: {  	v6 =	vld [tilespmem:s0+$0xFFFFFFF0]  }
0x77: {  	s1 =	simm.s32 $0x1;
	v11 =	vld [tilespmem:s0+$0x10]  }
0x78: {  	v7 =	vmov s1;
	v12 =	vld [tilespmem:s0+$0x20];
	_ =	sdelay $0x1  }
0x79: {  	v4 =	vimm.f32 $0.0e+00;
	s1 =	simm.s32 $0x2;
	v8 =	vld [tilespmem:s0+$0x0];
	v0 =	vsub.f32 v0, v5  }
0x7a: {  	v13 =	vmov s1;
	v1 =	vsub.f32 v1, v5;
	v2 =	vsub.f32 v2, v5  }
0x7b: {  	v3 =	vsub.f32 v3, v5;
	v6 =	vsub.f32 v6, v5;
	v9 =	vmul.f32 v0, v0  }
0x7c: {  	s30 =	simm.s32 $0x140;
	v16 =	vsub.f32 v11, v5;
	v18 =	vsub.f32 v12, v5;
	v10 =	vmul.f32 v2, v2;
	v0 =	vld.idx.msk [tilespmem:v7+s3+$0x0], $0xffff  }
0x7d: {  	v1 =	vmul.f32 v1, v1;
	v14 =	vmul.f32 v3, v3;
	v2 =	vadd.f32 v9, v4;
	v9 =	vld [tilespmem:s30+$0x30]  }
0x7e: {  	v7 =	vsub.f32 v8, v5;
	v15 =	vmul.f32 v6, v6;
	v3 =	vadd.f32 v10, v4;
	v10 =	vld [tilespmem:s30+$0xFFFFFFC0]  }
0x7f: {  	v11 =	vld [tilespmem:s30+$0xFFFFFFD0];
	v8 =	vimm.f32 $0.0e+00;
	v6 =	vimm.f32 $0.0e+00;
	v5 =	vimm.f32 $0.0e+00  }
0x80: {  	s31 =	simm.s32 $0x3;
	v12 =	vld [tilespmem:s30+$0xFFFFFFE0];
	v1 =	vadd.f32 v1, v4;
	v17 =	vmul.f32 v7, v7;
	v7 =	vimm.f32 $0.0e+00  }
.LBB2_2:
0x81: {  	p0 =	sne.s32 s31, $0x3F;
	v19 =	vld [tilespmem:s30+$0xFFFFFFF0];
	v4 =	vadd.f32 v14, v4;
	v8 =	vadd.f32 v15, v8;
	v14 =	vmul.f32 v16, v16  }
0x82: {  	v15 =	vld [tilespmem:s30+$0x0];
	v9 =	vsub.f32 v9, v0;
	v7 =	vadd.f32 v17, v7;
	v16 =	vmul.f32 v18, v18;
	v18 =	vmovc v0  }
0x83: {  	v10 =	vsub.f32 v10, v18;
	v17 =	vld [tilespmem:s30+$0x10];
	v6 =	vadd.f32 v14, v6  }
0x84: {  	v11 =	vsub.f32 v11, v18;
	v20 =	vld [tilespmem:s30+$0x20];
	v14 =	vmul.f32 v9, v9;
	v5 =	vadd.f32 v16, v5  }
.Ltmp0:
0x85: {  	s30 =	sadd.s32 $0x80, s30;
	v0 =	vld.idx.msk [tilespmem:v13+s3+$0x0], $0xffff;
	v13 =	vmul.f32 v10, v10;
	v12 =	vsub.f32 v12, v18;
	(pc) =	sbr.rel @p0 .LBB2_2-.Ltmp0, $4  }
0x86: {  	v9 =	vld [tilespmem:s30+$0x30];
	v16 =	vmul.f32 v11, v11;
	v19 =	vsub.f32 v19, v18;
	v2 =	vadd.f32 v14, v2  }
0x87: {  	v10 =	vld [tilespmem:s30+$0xFFFFFFC0];
	v1 =	vadd.f32 v13, v1;
	v14 =	vmul.f32 v12, v12;
	v21 =	vsub.f32 v15, v18  }
0x88: {  	v11 =	vld [tilespmem:s30+$0xFFFFFFD0];
	v3 =	vadd.f32 v16, v3;
	v15 =	vmul.f32 v19, v19;
	v16 =	vsub.f32 v17, v18  }
0x89: {  	v13 =	vmov s31;
	s31 =	sadd.s32 $0x1, s31;
	v12 =	vld [tilespmem:s30+$0xFFFFFFE0];
	v17 =	vmul.f32 v21, v21;
	v18 =	vsub.f32 v20, v18  }
0x8a: {  	v19 =	vld [tilespmem:s30+$0xFFFFFFF0]  }
0x8b: {  	v20 =	vld [tilespmem:s30+$0x0]  }
0x8c: {  	v21 =	vld [tilespmem:s30+$0x10];
	v4 =	vadd.f32 v14, v4;
	v8 =	vadd.f32 v15, v8  }
0x8d: {  	v22 =	vld [tilespmem:s30+$0x20];
	v14 =	vmul.f32 v16, v16;
	s1 =	simm.s32 $0x0;
	v9 =	vsub.f32 v9, v0;
	v7 =	vadd.f32 v17, v7  }
0x8e: {  	v13 =	vld.idx.msk [tilespmem:v13+s3+$0x0], $0xffff;
	s0 =	sadd.s32 $0x80, s30;
	v16 =	vmul.f32 v18, v18;
	v63 =	vmov s1;
	v10 =	vsub.f32 v10, v0  }
0x8f: {  	v15 =	vld [tilespmem:s0+$0x30];
	v6 =	vadd.f32 v14, v6;
	v11 =	vsub.f32 v11, v0;
	v9 =	vmul.f32 v9, v9  }
0x90: {  	v17 =	vld [tilespmem:s0+$0xFFFFFFC0];
	v5 =	vadd.f32 v16, v5;
	v10 =	vmul.f32 v10, v10;
	v12 =	vsub.f32 v12, v0  }
0x91: {  	v62 =	vld [tilespmem:s0+$0x20];
	v11 =	vmul.f32 v11, v11;
	v18 =	vsub.f32 v19, v0;
	v2 =	vadd.f32 v9, v2  }
0x92: {  	v14 =	vld [tilespmem:s0+$0xFFFFFFD0];
	v1 =	vadd.f32 v10, v1;
	v10 =	vmul.f32 v12, v12;
	v12 =	vsub.f32 v20, v0  }
0x93: {  	v16 =	vld [tilespmem:s0+$0xFFFFFFE0];
	v3 =	vadd.f32 v11, v3;
	v11 =	vmul.f32 v18, v18;
	v18 =	vsub.f32 v21, v0  }
0x94: {  	v9 =	vld [tilespmem:s0+$0xFFFFFFF0];
	v0 =	vsub.f32 v22, v0;
	v12 =	vmul.f32 v12, v12;
	v4 =	vadd.f32 v10, v4  }
0x95: {  	v19 =	vld [tilespmem:s0+$0x0];
	v8 =	vadd.f32 v11, v8;
	v10 =	vmul.f32 v18, v18;
	v11 =	vsub.f32 v15, v13  }
0x96: {  	v20 =	vld [tilespmem:s0+$0x10];
	[tilespmem:s22], [sflag:$0x1] =	stream.strided.gather [hbm4b:s6+s20], $0x2000, s21, s20, $0x38;
	v0 =	vmul.f32 v0, v0;
	v7 =	vadd.f32 v12, v7;
	v12 =	vsub.f32 v17, v13  }
0x97: {  	_ =	swait.ge [sflag:s25], $0x2000;
	v6 =	vadd.f32 v10, v6;
	v10 =	vsub.f32 v14, v13;
	v11 =	vmul.f32 v11, v11  }
0x98: {  	[sflag:s25] =	ssyncset.done $0x0;
	v0 =	vadd.f32 v0, v5;
	v5 =	vmul.f32 v12, v12  }
0x99: {  	[sflag:s25] =	ssyncadd.s32 $0xFFFFE000;
	v10 =	vmul.f32 v10, v10;
	v2 =	vadd.f32 v11, v2  }
0x9a: {  	s0 =	simm.s32 $0x20F0;
	v18 =	vld.idx.msk [tilespmem:v63+s3+$0x0], $0xffff;
	v12 =	vsub.f32 v16, v13;
	v1 =	vadd.f32 v5, v1  }
0x9b: {  	v9 =	vsub.f32 v9, v13;
	v11 =	vld [tilespmem:s0+$0x0];
	[tilespmem:$0x1F980] =	vst v2;
	v3 =	vadd.f32 v10, v3  }
0x9c: {  	v2 =	vsub.f32 v19, v13;
	[tilespmem:$0x1F990] =	vst v1;
	v1 =	vmul.f32 v12, v12  }
0x9d: {  	[tilespmem:$0x1F9A0] =	vst v3;
	v3 =	vmul.f32 v9, v9  }
0x9e: {  	v5 =	vsub.f32 v20, v13;
	v12 =	vld [tilespmem:s0+$0xFFFFFF90];
	v2 =	vmul.f32 v2, v2;
	v1 =	vadd.f32 v1, v4  }
0x9f: {  	v10 =	vsub.f32 v62, v13;
	v9 =	vld [tilespmem:s0+$0xFFFFFFA0];
	v3 =	vadd.f32 v3, v8  }
0xa0: {  	v2 =	vadd.f32 v2, v7;
	v7 =	vsub.f32 v11, v18;
	v11 =	vld [tilespmem:s0+$0xFFFFFFE0];
	[tilespmem:$0x1F9B0] =	vst v1;
	v1 =	vmul.f32 v5, v5  }
0xa1: {  	v5 =	vld [tilespmem:s0+$0xFFFFFFB0];
	[tilespmem:$0x1F9C0] =	vst v3  }
0xa2: {  	[tilespmem:$0x1F9D0] =	vst v2;
	v2 =	vld [tilespmem:s0+$0xFFFFFFC0];
	v3 =	vmul.f32 v10, v10;
	v1 =	vadd.f32 v1, v6  }
0xa3: {  	s1 =	simm.s32 $0x1;
	v8 =	vsub.f32 v12, v18;
	v12 =	vld [tilespmem:s0+$0xFFFFFFF0]  }
0xa4: {  	v6 =	vld [tilespmem:s0+$0xFFFFFFD0];
	v0 =	vadd.f32 v3, v0;
	[tilespmem:$0x1F9E0] =	vst v1;
	v1 =	vmov s1;
	_ =	sdelay $0x1  }
0xa5: {  	v4 =	vimm.f32 $0.0e+00;
	v3 =	vmul.f32 v7, v7;
	[tilespmem:$0x1F9F0] =	vst v0;
	v0 =	vsub.f32 v9, v18  }
0xa6: {  	s30 =	simm.s32 $0x2170;
	v7 =	vmul.f32 v8, v8;
	v16 =	vsub.f32 v11, v18;
	v5 =	vsub.f32 v5, v18  }
0xa7: {  	v9 =	vld [tilespmem:s30+$0x0];
	v13 =	vsub.f32 v2, v18;
	v2 =	vadd.f32 v3, v4;
	v8 =	vmul.f32 v0, v0  }
0xa8: {  	s1 =	simm.s32 $0x2;
	v14 =	vmul.f32 v5, v5;
	v5 =	vsub.f32 v6, v18;
	v18 =	vsub.f32 v12, v18;
	v0 =	vld.idx.msk [tilespmem:v1+s3+$0x0], $0xffff  }
0xa9: {  	v10 =	vld [tilespmem:s30+$0xFFFFFF90];
	v6 =	vimm.f32 $0.0e+00;
	v15 =	vmul.f32 v13, v13;
	v13 =	vmov s1  }
0xaa: {  	v11 =	vld [tilespmem:s30+$0xFFFFFFA0];
	v1 =	vadd.f32 v7, v4;
	v3 =	vadd.f32 v8, v4;
	v17 =	vmul.f32 v5, v5  }
0xab: {  	s31 =	simm.s32 $0x3;
	v12 =	vld [tilespmem:s30+$0xFFFFFFB0];
	v8 =	vimm.f32 $0.0e+00;
	v7 =	vimm.f32 $0.0e+00;
	v5 =	vimm.f32 $0.0e+00  }
.LBB2_4:
0xac: {  	p0 =	sne.s32 s31, $0x3F;
	v19 =	vld [tilespmem:s30+$0xFFFFFFC0];
	v4 =	vadd.f32 v14, v4;
	v8 =	vadd.f32 v15, v8;
	v14 =	vmul.f32 v16, v16  }
0xad: {  	v15 =	vld [tilespmem:s30+$0xFFFFFFD0];
	v9 =	vsub.f32 v9, v0;
	v7 =	vadd.f32 v17, v7;
	v16 =	vmul.f32 v18, v18;
	v18 =	vmovc v0  }
0xae: {  	v10 =	vsub.f32 v10, v18;
	v17 =	vld [tilespmem:s30+$0xFFFFFFE0];
	v6 =	vadd.f32 v14, v6  }
0xaf: {  	v11 =	vsub.f32 v11, v18;
	v20 =	vld [tilespmem:s30+$0xFFFFFFF0];
	v14 =	vmul.f32 v9, v9;
	v5 =	vadd.f32 v16, v5  }
.Ltmp1:
0xb0: {  	s30 =	sadd.s32 $0x80, s30;
	v0 =	vld.idx.msk [tilespmem:v13+s3+$0x0], $0xffff;
	v13 =	vmul.f32 v10, v10;
	v12 =	vsub.f32 v12, v18;
	(pc) =	sbr.rel @p0 .LBB2_4-.Ltmp1, $4  }
0xb1: {  	v9 =	vld [tilespmem:s30+$0x0];
	v16 =	vmul.f32 v11, v11;
	v19 =	vsub.f32 v19, v18;
	v2 =	vadd.f32 v14, v2  }
0xb2: {  	v10 =	vld [tilespmem:s30+$0xFFFFFF90];
	v1 =	vadd.f32 v13, v1;
	v14 =	vmul.f32 v12, v12;
	v21 =	vsub.f32 v15, v18  }
0xb3: {  	v11 =	vld [tilespmem:s30+$0xFFFFFFA0];
	v3 =	vadd.f32 v16, v3;
	v15 =	vmul.f32 v19, v19;
	v16 =	vsub.f32 v17, v18  }
0xb4: {  	v13 =	vmov s31;
	s31 =	sadd.s32 $0x1, s31;
	v12 =	vld [tilespmem:s30+$0xFFFFFFB0];
	v17 =	vmul.f32 v21, v21;
	v18 =	vsub.f32 v20, v18  }
0xb5: {  	v19 =	vld [tilespmem:s30+$0xFFFFFFC0]  }
0xb6: {  	v20 =	vld [tilespmem:s30+$0xFFFFFFD0]  }
0xb7: {  	v21 =	vld [tilespmem:s30+$0xFFFFFFE0];
	v4 =	vadd.f32 v14, v4;
	v8 =	vadd.f32 v15, v8  }
0xb8: {  	v22 =	vld [tilespmem:s30+$0xFFFFFFF0];
	v14 =	vmul.f32 v16, v16;
	s1 =	simm.s32 $0x0;
	v9 =	vsub.f32 v9, v0;
	v7 =	vadd.f32 v17, v7  }
0xb9: {  	v13 =	vld.idx.msk [tilespmem:v13+s3+$0x0], $0xffff;
	s0 =	sadd.s32 $0x80, s30;
	v16 =	vmul.f32 v18, v18;
	v63 =	vmov s1;
	v10 =	vsub.f32 v10, v0  }
0xba: {  	v15 =	vld [tilespmem:s0+$0x0];
	v6 =	vadd.f32 v14, v6;
	v11 =	vsub.f32 v11, v0;
	v9 =	vmul.f32 v9, v9  }
0xbb: {  	v17 =	vld [tilespmem:s0+$0xFFFFFF90];
	v5 =	vadd.f32 v16, v5;
	v10 =	vmul.f32 v10, v10;
	v12 =	vsub.f32 v12, v0  }
0xbc: {  	v62 =	vld [tilespmem:s0+$0xFFFFFFF0];
	v11 =	vmul.f32 v11, v11;
	v18 =	vsub.f32 v19, v0;
	v2 =	vadd.f32 v9, v2  }
0xbd: {  	v14 =	vld [tilespmem:s0+$0xFFFFFFA0];
	v1 =	vadd.f32 v10, v1;
	v10 =	vmul.f32 v12, v12;
	v12 =	vsub.f32 v20, v0  }
0xbe: {  	v16 =	vld [tilespmem:s0+$0xFFFFFFB0];
	v3 =	vadd.f32 v11, v3;
	v11 =	vmul.f32 v18, v18;
	v18 =	vsub.f32 v21, v0  }
0xbf: {  	v9 =	vld [tilespmem:s0+$0xFFFFFFC0];
	v0 =	vsub.f32 v22, v0;
	v12 =	vmul.f32 v12, v12;
	v4 =	vadd.f32 v10, v4  }
0xc0: {  	v19 =	vld [tilespmem:s0+$0xFFFFFFD0];
	v8 =	vadd.f32 v11, v8;
	v10 =	vmul.f32 v18, v18;
	v11 =	vsub.f32 v15, v13  }
0xc1: {  	v20 =	vld [tilespmem:s0+$0xFFFFFFE0];
	[tilespmem:s23], [sflag:$0x2] =	stream.strided.gather [hbm4b:s7+s20], $0x2000, s21, s20, $0x38;
	v0 =	vmul.f32 v0, v0;
	v7 =	vadd.f32 v12, v7;
	v12 =	vsub.f32 v17, v13  }
0xc2: {  	_ =	swait.ge [sflag:s24], $0x2000;
	v6 =	vadd.f32 v10, v6;
	v10 =	vsub.f32 v14, v13;
	v11 =	vmul.f32 v11, v11  }
0xc3: {  	[sflag:s24] =	ssyncset.done $0x0;
	v0 =	vadd.f32 v0, v5;
	v5 =	vmul.f32 v12, v12  }
0xc4: {  	[sflag:s24] =	ssyncadd.s32 $0xFFFFE000;
	v10 =	vmul.f32 v10, v10;
	v2 =	vadd.f32 v11, v2  }
0xc5: {  	s0 =	simm.s32 $0xC0;
	v18 =	vld.idx.msk [tilespmem:v63+s3+$0x0], $0xffff;
	v12 =	vsub.f32 v16, v13;
	v1 =	vadd.f32 v5, v1  }
0xc6: {  	v9 =	vsub.f32 v9, v13;
	v11 =	vld [tilespmem:s0+$0x30];
	[tilespmem:$0x1F900] =	vst v2;
	v3 =	vadd.f32 v10, v3  }
0xc7: {  	v2 =	vsub.f32 v19, v13;
	[tilespmem:$0x1F910] =	vst v1;
	v1 =	vmul.f32 v12, v12  }
0xc8: {  	[tilespmem:$0x1F920] =	vst v3;
	v3 =	vmul.f32 v9, v9  }
0xc9: {  	v5 =	vsub.f32 v20, v13;
	v12 =	vld [tilespmem:s0+$0xFFFFFFC0];
	v2 =	vmul.f32 v2, v2;
	v1 =	vadd.f32 v1, v4  }
0xca: {  	v10 =	vsub.f32 v62, v13;
	v9 =	vld [tilespmem:s0+$0xFFFFFFD0];
	v3 =	vadd.f32 v3, v8  }
0xcb: {  	v2 =	vadd.f32 v2, v7;
	v7 =	vsub.f32 v11, v18;
	v11 =	vld [tilespmem:s0+$0x10];
	[tilespmem:$0x1F930] =	vst v1;
	v1 =	vmul.f32 v5, v5  }
0xcc: {  	v5 =	vld [tilespmem:s0+$0xFFFFFFE0];
	[tilespmem:$0x1F940] =	vst v3  }
0xcd: {  	[tilespmem:$0x1F950] =	vst v2;
	v2 =	vld [tilespmem:s0+$0xFFFFFFF0];
	v3 =	vmul.f32 v10, v10;
	v1 =	vadd.f32 v1, v6  }
0xce: {  	s1 =	simm.s32 $0x1;
	v8 =	vsub.f32 v12, v18;
	v12 =	vld [tilespmem:s0+$0x20]  }
0xcf: {  	v6 =	vld [tilespmem:s0+$0x0];
	v0 =	vadd.f32 v3, v0;
	[tilespmem:$0x1F960] =	vst v1;
	v1 =	vmov s1;
	_ =	sdelay $0x1  }
0xd0: {  	v4 =	vimm.f32 $0.0e+00;
	v3 =	vmul.f32 v7, v7;
	[tilespmem:$0x1F970] =	vst v0;
	v0 =	vsub.f32 v9, v18  }
0xd1: {  	s30 =	simm.s32 $0x140;
	v7 =	vmul.f32 v8, v8;
	v16 =	vsub.f32 v11, v18;
	v5 =	vsub.f32 v5, v18  }
0xd2: {  	v9 =	vld [tilespmem:s30+$0x30];
	v13 =	vsub.f32 v2, v18;
	v2 =	vadd.f32 v3, v4;
	v8 =	vmul.f32 v0, v0  }
0xd3: {  	s1 =	simm.s32 $0x2;
	v14 =	vmul.f32 v5, v5;
	v5 =	vsub.f32 v6, v18;
	v18 =	vsub.f32 v12, v18;
	v0 =	vld.idx.msk [tilespmem:v1+s3+$0x0], $0xffff  }
0xd4: {  	v10 =	vld [tilespmem:s30+$0xFFFFFFC0];
	v6 =	vimm.f32 $0.0e+00;
	v15 =	vmul.f32 v13, v13;
	v13 =	vmov s1  }
0xd5: {  	v11 =	vld [tilespmem:s30+$0xFFFFFFD0];
	v1 =	vadd.f32 v7, v4;
	v3 =	vadd.f32 v8, v4;
	v17 =	vmul.f32 v5, v5  }
0xd6: {  	s31 =	simm.s32 $0x3;
	v12 =	vld [tilespmem:s30+$0xFFFFFFE0];
	v8 =	vimm.f32 $0.0e+00;
	v7 =	vimm.f32 $0.0e+00;
	v5 =	vimm.f32 $0.0e+00  }
.LBB2_6:
0xd7: {  	p0 =	sne.s32 s31, $0x3F;
	v19 =	vld [tilespmem:s30+$0xFFFFFFF0];
	v4 =	vadd.f32 v14, v4;
	v8 =	vadd.f32 v15, v8;
	v14 =	vmul.f32 v16, v16  }
0xd8: {  	v15 =	vld [tilespmem:s30+$0x0];
	v9 =	vsub.f32 v9, v0;
	v7 =	vadd.f32 v17, v7;
	v16 =	vmul.f32 v18, v18;
	v18 =	vmovc v0  }
0xd9: {  	v10 =	vsub.f32 v10, v18;
	v17 =	vld [tilespmem:s30+$0x10];
	v6 =	vadd.f32 v14, v6  }
0xda: {  	v11 =	vsub.f32 v11, v18;
	v20 =	vld [tilespmem:s30+$0x20];
	v14 =	vmul.f32 v9, v9;
	v5 =	vadd.f32 v16, v5  }
.Ltmp2:
0xdb: {  	s30 =	sadd.s32 $0x80, s30;
	v0 =	vld.idx.msk [tilespmem:v13+s3+$0x0], $0xffff;
	v13 =	vmul.f32 v10, v10;
	v12 =	vsub.f32 v12, v18;
	(pc) =	sbr.rel @p0 .LBB2_6-.Ltmp2, $4  }
0xdc: {  	v9 =	vld [tilespmem:s30+$0x30];
	v16 =	vmul.f32 v11, v11;
	v19 =	vsub.f32 v19, v18;
	v2 =	vadd.f32 v14, v2  }
0xdd: {  	v10 =	vld [tilespmem:s30+$0xFFFFFFC0];
	v1 =	vadd.f32 v13, v1;
	v14 =	vmul.f32 v12, v12;
	v21 =	vsub.f32 v15, v18  }
0xde: {  	v11 =	vld [tilespmem:s30+$0xFFFFFFD0];
	v3 =	vadd.f32 v16, v3;
	v15 =	vmul.f32 v19, v19;
	v16 =	vsub.f32 v17, v18  }
0xdf: {  	v13 =	vmov s31;
	s31 =	sadd.s32 $0x1, s31;
	v12 =	vld [tilespmem:s30+$0xFFFFFFE0];
	v17 =	vmul.f32 v21, v21;
	v18 =	vsub.f32 v20, v18  }
0xe0: {  	v19 =	vld [tilespmem:s30+$0xFFFFFFF0]  }
0xe1: {  	v20 =	vld [tilespmem:s30+$0x0]  }
0xe2: {  	v21 =	vld [tilespmem:s30+$0x10];
	v4 =	vadd.f32 v14, v4;
	v8 =	vadd.f32 v15, v8  }
0xe3: {  	v22 =	vld [tilespmem:s30+$0x20];
	v14 =	vmul.f32 v16, v16;
	s1 =	simm.s32 $0x0;
	v9 =	vsub.f32 v9, v0;
	v7 =	vadd.f32 v17, v7  }
0xe4: {  	v13 =	vld.idx.msk [tilespmem:v13+s3+$0x0], $0xffff;
	s0 =	sadd.s32 $0x80, s30;
	v16 =	vmul.f32 v18, v18;
	v63 =	vmov s1;
	v10 =	vsub.f32 v10, v0  }
0xe5: {  	v15 =	vld [tilespmem:s0+$0x30];
	v6 =	vadd.f32 v14, v6;
	v11 =	vsub.f32 v11, v0;
	v9 =	vmul.f32 v9, v9  }
0xe6: {  	v17 =	vld [tilespmem:s0+$0xFFFFFFC0];
	v5 =	vadd.f32 v16, v5;
	v10 =	vmul.f32 v10, v10;
	v12 =	vsub.f32 v12, v0  }
0xe7: {  	v62 =	vld [tilespmem:s0+$0x20];
	v11 =	vmul.f32 v11, v11;
	v18 =	vsub.f32 v19, v0;
	v2 =	vadd.f32 v9, v2  }
0xe8: {  	v14 =	vld [tilespmem:s0+$0xFFFFFFD0];
	v1 =	vadd.f32 v10, v1;
	v10 =	vmul.f32 v12, v12;
	v12 =	vsub.f32 v20, v0  }
0xe9: {  	v16 =	vld [tilespmem:s0+$0xFFFFFFE0];
	v3 =	vadd.f32 v11, v3;
	v11 =	vmul.f32 v18, v18;
	v18 =	vsub.f32 v21, v0  }
0xea: {  	v9 =	vld [tilespmem:s0+$0xFFFFFFF0];
	v0 =	vsub.f32 v22, v0;
	v12 =	vmul.f32 v12, v12;
	v4 =	vadd.f32 v10, v4  }
0xeb: {  	v19 =	vld [tilespmem:s0+$0x0];
	v8 =	vadd.f32 v11, v8;
	v10 =	vmul.f32 v18, v18;
	v11 =	vsub.f32 v15, v13  }
0xec: {  	v20 =	vld [tilespmem:s0+$0x10];
	[tilespmem:s22], [sflag:$0x1] =	stream.strided.gather [hbm4b:s8+s20], $0x2000, s21, s20, $0x38;
	v0 =	vmul.f32 v0, v0;
	v7 =	vadd.f32 v12, v7;
	v12 =	vsub.f32 v17, v13  }
0xed: {  	_ =	swait.ge [sflag:s25], $0x2000;
	v6 =	vadd.f32 v10, v6;
	v10 =	vsub.f32 v14, v13;
	v11 =	vmul.f32 v11, v11  }
0xee: {  	[sflag:s25] =	ssyncset.done $0x0;
	v0 =	vadd.f32 v0, v5;
	v5 =	vmul.f32 v12, v12  }
0xef: {  	[sflag:s25] =	ssyncadd.s32 $0xFFFFE000;
	v10 =	vmul.f32 v10, v10;
	v2 =	vadd.f32 v11, v2  }
0xf0: {  	s0 =	simm.s32 $0x20F0;
	v18 =	vld.idx.msk [tilespmem:v63+s3+$0x0], $0xffff;
	v12 =	vsub.f32 v16, v13;
	v1 =	vadd.f32 v5, v1  }
0xf1: {  	v9 =	vsub.f32 v9, v13;
	v11 =	vld [tilespmem:s0+$0x0];
	[tilespmem:$0x1F880] =	vst v2;
	v3 =	vadd.f32 v10, v3  }
0xf2: {  	v2 =	vsub.f32 v19, v13;
	[tilespmem:$0x1F890] =	vst v1;
	v1 =	vmul.f32 v12, v12  }
0xf3: {  	[tilespmem:$0x1F8A0] =	vst v3;
	v3 =	vmul.f32 v9, v9  }
0xf4: {  	v5 =	vsub.f32 v20, v13;
	v12 =	vld [tilespmem:s0+$0xFFFFFF90];
	v2 =	vmul.f32 v2, v2;
	v1 =	vadd.f32 v1, v4  }
0xf5: {  	v10 =	vsub.f32 v62, v13;
	v9 =	vld [tilespmem:s0+$0xFFFFFFA0];
	v3 =	vadd.f32 v3, v8  }
0xf6: {  	v2 =	vadd.f32 v2, v7;
	v7 =	vsub.f32 v11, v18;
	v11 =	vld [tilespmem:s0+$0xFFFFFFE0];
	[tilespmem:$0x1F8B0] =	vst v1;
	v1 =	vmul.f32 v5, v5  }
0xf7: {  	v5 =	vld [tilespmem:s0+$0xFFFFFFB0];
	[tilespmem:$0x1F8C0] =	vst v3  }
0xf8: {  	[tilespmem:$0x1F8D0] =	vst v2;
	v2 =	vld [tilespmem:s0+$0xFFFFFFC0];
	v3 =	vmul.f32 v10, v10;
	v1 =	vadd.f32 v1, v6  }
0xf9: {  	s1 =	simm.s32 $0x1;
	v8 =	vsub.f32 v12, v18;
	v12 =	vld [tilespmem:s0+$0xFFFFFFF0]  }
0xfa: {  	v6 =	vld [tilespmem:s0+$0xFFFFFFD0];
	v0 =	vadd.f32 v3, v0;
	[tilespmem:$0x1F8E0] =	vst v1;
	v1 =	vmov s1;
	_ =	sdelay $0x1  }
0xfb: {  	v4 =	vimm.f32 $0.0e+00;
	v3 =	vmul.f32 v7, v7;
	[tilespmem:$0x1F8F0] =	vst v0;
	v0 =	vsub.f32 v9, v18  }
0xfc: {  	s30 =	simm.s32 $0x2170;
	v7 =	vmul.f32 v8, v8;
	v16 =	vsub.f32 v11, v18;
	v5 =	vsub.f32 v5, v18  }
0xfd: {  	v9 =	vld [tilespmem:s30+$0x0];
	v13 =	vsub.f32 v2, v18;
	v2 =	vadd.f32 v3, v4;
	v8 =	vmul.f32 v0, v0  }
0xfe: {  	s1 =	simm.s32 $0x2;
	v14 =	vmul.f32 v5, v5;
	v5 =	vsub.f32 v6, v18;
	v18 =	vsub.f32 v12, v18;
	v0 =	vld.idx.msk [tilespmem:v1+s3+$0x0], $0xffff  }
0xff: {  	v10 =	vld [tilespmem:s30+$0xFFFFFF90];
	v6 =	vimm.f32 $0.0e+00;
	v15 =	vmul.f32 v13, v13;
	v13 =	vmov s1  }
0x100: {  	v11 =	vld [tilespmem:s30+$0xFFFFFFA0];
	v1 =	vadd.f32 v7, v4;
	v3 =	vadd.f32 v8, v4;
	v17 =	vmul.f32 v5, v5  }
0x101: {  	s31 =	simm.s32 $0x3;
	v12 =	vld [tilespmem:s30+$0xFFFFFFB0];
	v8 =	vimm.f32 $0.0e+00;
	v7 =	vimm.f32 $0.0e+00;
	v5 =	vimm.f32 $0.0e+00  }
.LBB2_8:
0x102: {  	p0 =	sne.s32 s31, $0x3F;
	v19 =	vld [tilespmem:s30+$0xFFFFFFC0];
	v4 =	vadd.f32 v14, v4;
	v8 =	vadd.f32 v15, v8;
	v14 =	vmul.f32 v16, v16  }
0x103: {  	v15 =	vld [tilespmem:s30+$0xFFFFFFD0];
	v9 =	vsub.f32 v9, v0;
	v7 =	vadd.f32 v17, v7;
	v16 =	vmul.f32 v18, v18;
	v18 =	vmovc v0  }
0x104: {  	v10 =	vsub.f32 v10, v18;
	v17 =	vld [tilespmem:s30+$0xFFFFFFE0];
	v6 =	vadd.f32 v14, v6  }
0x105: {  	v11 =	vsub.f32 v11, v18;
	v20 =	vld [tilespmem:s30+$0xFFFFFFF0];
	v14 =	vmul.f32 v9, v9;
	v5 =	vadd.f32 v16, v5  }
.Ltmp3:
0x106: {  	s30 =	sadd.s32 $0x80, s30;
	v0 =	vld.idx.msk [tilespmem:v13+s3+$0x0], $0xffff;
	v13 =	vmul.f32 v10, v10;
	v12 =	vsub.f32 v12, v18;
	(pc) =	sbr.rel @p0 .LBB2_8-.Ltmp3, $4  }
0x107: {  	v9 =	vld [tilespmem:s30+$0x0];
	v16 =	vmul.f32 v11, v11;
	v19 =	vsub.f32 v19, v18;
	v2 =	vadd.f32 v14, v2  }
0x108: {  	v10 =	vld [tilespmem:s30+$0xFFFFFF90];
	v1 =	vadd.f32 v13, v1;
	v14 =	vmul.f32 v12, v12;
	v21 =	vsub.f32 v15, v18  }
0x109: {  	v11 =	vld [tilespmem:s30+$0xFFFFFFA0];
	v3 =	vadd.f32 v16, v3;
	v15 =	vmul.f32 v19, v19;
	v16 =	vsub.f32 v17, v18  }
0x10a: {  	v13 =	vmov s31;
	s31 =	sadd.s32 $0x1, s31;
	v12 =	vld [tilespmem:s30+$0xFFFFFFB0];
	v17 =	vmul.f32 v21, v21;
	v18 =	vsub.f32 v20, v18  }
0x10b: {  	v19 =	vld [tilespmem:s30+$0xFFFFFFC0]  }
0x10c: {  	v20 =	vld [tilespmem:s30+$0xFFFFFFD0]  }
0x10d: {  	v21 =	vld [tilespmem:s30+$0xFFFFFFE0];
	v4 =	vadd.f32 v14, v4;
	v8 =	vadd.f32 v15, v8  }
0x10e: {  	v22 =	vld [tilespmem:s30+$0xFFFFFFF0];
	v14 =	vmul.f32 v16, v16;
	s1 =	simm.s32 $0x0;
	v9 =	vsub.f32 v9, v0;
	v7 =	vadd.f32 v17, v7  }
0x10f: {  	v13 =	vld.idx.msk [tilespmem:v13+s3+$0x0], $0xffff;
	s0 =	sadd.s32 $0x80, s30;
	v16 =	vmul.f32 v18, v18;
	v63 =	vmov s1;
	v10 =	vsub.f32 v10, v0  }
0x110: {  	v15 =	vld [tilespmem:s0+$0x0];
	v6 =	vadd.f32 v14, v6;
	v11 =	vsub.f32 v11, v0;
	v9 =	vmul.f32 v9, v9  }
0x111: {  	v17 =	vld [tilespmem:s0+$0xFFFFFF90];
	v5 =	vadd.f32 v16, v5;
	v10 =	vmul.f32 v10, v10;
	v12 =	vsub.f32 v12, v0  }
0x112: {  	v62 =	vld [tilespmem:s0+$0xFFFFFFF0];
	v11 =	vmul.f32 v11, v11;
	v18 =	vsub.f32 v19, v0;
	v2 =	vadd.f32 v9, v2  }
0x113: {  	v14 =	vld [tilespmem:s0+$0xFFFFFFA0];
	v1 =	vadd.f32 v10, v1;
	v10 =	vmul.f32 v12, v12;
	v12 =	vsub.f32 v20, v0  }
0x114: {  	v16 =	vld [tilespmem:s0+$0xFFFFFFB0];
	v3 =	vadd.f32 v11, v3;
	v11 =	vmul.f32 v18, v18;
	v18 =	vsub.f32 v21, v0  }
0x115: {  	v9 =	vld [tilespmem:s0+$0xFFFFFFC0];
	v0 =	vsub.f32 v22, v0;
	v12 =	vmul.f32 v12, v12;
	v4 =	vadd.f32 v10, v4  }
0x116: {  	v19 =	vld [tilespmem:s0+$0xFFFFFFD0];
	v8 =	vadd.f32 v11, v8;
	v10 =	vmul.f32 v18, v18;
	v11 =	vsub.f32 v15, v13  }
0x117: {  	v20 =	vld [tilespmem:s0+$0xFFFFFFE0];
	[tilespmem:s23], [sflag:$0x2] =	stream.strided.gather [hbm4b:s9+s20], $0x2000, s21, s20, $0x38;
	v0 =	vmul.f32 v0, v0;
	v7 =	vadd.f32 v12, v7;
	v12 =	vsub.f32 v17, v13  }
0x118: {  	_ =	swait.ge [sflag:s24], $0x2000;
	v6 =	vadd.f32 v10, v6;
	v10 =	vsub.f32 v14, v13;
	v11 =	vmul.f32 v11, v11  }
0x119: {  	[sflag:s24] =	ssyncset.done $0x0;
	v0 =	vadd.f32 v0, v5;
	v5 =	vmul.f32 v12, v12  }
0x11a: {  	[sflag:s24] =	ssyncadd.s32 $0xFFFFE000;
	v10 =	vmul.f32 v10, v10;
	v2 =	vadd.f32 v11, v2  }
0x11b: {  	s0 =	simm.s32 $0xC0;
	v18 =	vld.idx.msk [tilespmem:v63+s3+$0x0], $0xffff;
	v12 =	vsub.f32 v16, v13;
	v1 =	vadd.f32 v5, v1  }
0x11c: {  	v9 =	vsub.f32 v9, v13;
	v11 =	vld [tilespmem:s0+$0x30];
	[tilespmem:$0x1F800] =	vst v2;
	v3 =	vadd.f32 v10, v3  }
0x11d: {  	v2 =	vsub.f32 v19, v13;
	[tilespmem:$0x1F810] =	vst v1;
	v1 =	vmul.f32 v12, v12  }
0x11e: {  	[tilespmem:$0x1F820] =	vst v3;
	v3 =	vmul.f32 v9, v9  }
0x11f: {  	v5 =	vsub.f32 v20, v13;
	v12 =	vld [tilespmem:s0+$0xFFFFFFC0];
	v2 =	vmul.f32 v2, v2;
	v1 =	vadd.f32 v1, v4  }
0x120: {  	v10 =	vsub.f32 v62, v13;
	v9 =	vld [tilespmem:s0+$0xFFFFFFD0];
	v3 =	vadd.f32 v3, v8  }
0x121: {  	v2 =	vadd.f32 v2, v7;
	v7 =	vsub.f32 v11, v18;
	v11 =	vld [tilespmem:s0+$0x10];
	[tilespmem:$0x1F830] =	vst v1;
	v1 =	vmul.f32 v5, v5  }
0x122: {  	v5 =	vld [tilespmem:s0+$0xFFFFFFE0];
	[tilespmem:$0x1F840] =	vst v3  }
0x123: {  	[tilespmem:$0x1F850] =	vst v2;
	v2 =	vld [tilespmem:s0+$0xFFFFFFF0];
	v3 =	vmul.f32 v10, v10;
	v1 =	vadd.f32 v1, v6  }
0x124: {  	s1 =	simm.s32 $0x1;
	v8 =	vsub.f32 v12, v18;
	v12 =	vld [tilespmem:s0+$0x20]  }
0x125: {  	v6 =	vld [tilespmem:s0+$0x0];
	v0 =	vadd.f32 v3, v0;
	[tilespmem:$0x1F860] =	vst v1;
	v1 =	vmov s1;
	_ =	sdelay $0x1  }
0x126: {  	v4 =	vimm.f32 $0.0e+00;
	v3 =	vmul.f32 v7, v7;
	[tilespmem:$0x1F870] =	vst v0;
	v0 =	vsub.f32 v9, v18  }
0x127: {  	s30 =	simm.s32 $0x140;
	v7 =	vmul.f32 v8, v8;
	v16 =	vsub.f32 v11, v18;
	v5 =	vsub.f32 v5, v18  }
0x128: {  	v9 =	vld [tilespmem:s30+$0x30];
	v13 =	vsub.f32 v2, v18;
	v2 =	vadd.f32 v3, v4;
	v8 =	vmul.f32 v0, v0  }
0x129: {  	s1 =	simm.s32 $0x2;
	v14 =	vmul.f32 v5, v5;
	v5 =	vsub.f32 v6, v18;
	v18 =	vsub.f32 v12, v18;
	v0 =	vld.idx.msk [tilespmem:v1+s3+$0x0], $0xffff  }
0x12a: {  	v10 =	vld [tilespmem:s30+$0xFFFFFFC0];
	v6 =	vimm.f32 $0.0e+00;
	v15 =	vmul.f32 v13, v13;
	v13 =	vmov s1  }
0x12b: {  	v11 =	vld [tilespmem:s30+$0xFFFFFFD0];
	v1 =	vadd.f32 v7, v4;
	v3 =	vadd.f32 v8, v4;
	v17 =	vmul.f32 v5, v5  }
0x12c: {  	s31 =	simm.s32 $0x3;
	v12 =	vld [tilespmem:s30+$0xFFFFFFE0];
	v8 =	vimm.f32 $0.0e+00;
	v7 =	vimm.f32 $0.0e+00;
	v5 =	vimm.f32 $0.0e+00  }
.LBB2_10:
0x12d: {  	p0 =	sne.s32 s31, $0x3F;
	v19 =	vld [tilespmem:s30+$0xFFFFFFF0];
	v4 =	vadd.f32 v14, v4;
	v8 =	vadd.f32 v15, v8;
	v14 =	vmul.f32 v16, v16  }
0x12e: {  	v15 =	vld [tilespmem:s30+$0x0];
	v9 =	vsub.f32 v9, v0;
	v7 =	vadd.f32 v17, v7;
	v16 =	vmul.f32 v18, v18;
	v18 =	vmovc v0  }
0x12f: {  	v10 =	vsub.f32 v10, v18;
	v17 =	vld [tilespmem:s30+$0x10];
	v6 =	vadd.f32 v14, v6  }
0x130: {  	v11 =	vsub.f32 v11, v18;
	v20 =	vld [tilespmem:s30+$0x20];
	v14 =	vmul.f32 v9, v9;
	v5 =	vadd.f32 v16, v5  }
.Ltmp4:
0x131: {  	s30 =	sadd.s32 $0x80, s30;
	v0 =	vld.idx.msk [tilespmem:v13+s3+$0x0], $0xffff;
	v13 =	vmul.f32 v10, v10;
	v12 =	vsub.f32 v12, v18;
	(pc) =	sbr.rel @p0 .LBB2_10-.Ltmp4, $4  }
0x132: {  	v9 =	vld [tilespmem:s30+$0x30];
	v16 =	vmul.f32 v11, v11;
	v19 =	vsub.f32 v19, v18;
	v2 =	vadd.f32 v14, v2  }
0x133: {  	v10 =	vld [tilespmem:s30+$0xFFFFFFC0];
	v1 =	vadd.f32 v13, v1;
	v14 =	vmul.f32 v12, v12;
	v21 =	vsub.f32 v15, v18  }
0x134: {  	v11 =	vld [tilespmem:s30+$0xFFFFFFD0];
	v3 =	vadd.f32 v16, v3;
	v15 =	vmul.f32 v19, v19;
	v16 =	vsub.f32 v17, v18  }
0x135: {  	v13 =	vmov s31;
	s31 =	sadd.s32 $0x1, s31;
	v12 =	vld [tilespmem:s30+$0xFFFFFFE0];
	v17 =	vmul.f32 v21, v21;
	v18 =	vsub.f32 v20, v18  }
0x136: {  	v19 =	vld [tilespmem:s30+$0xFFFFFFF0]  }
0x137: {  	v20 =	vld [tilespmem:s30+$0x0];
	v4 =	vadd.f32 v14, v4;
	v8 =	vadd.f32 v15, v8  }
0x138: {  	v21 =	vld [tilespmem:s30+$0x10];
	v14 =	vmul.f32 v16, v16;
	s1 =	simm.s32 $0x0;
	v9 =	vsub.f32 v9, v0;
	v7 =	vadd.f32 v17, v7  }
0x139: {  	v22 =	vld [tilespmem:s30+$0x20];
	v16 =	vmul.f32 v18, v18;
	v63 =	vmov s1;
	v10 =	vsub.f32 v10, v0  }
0x13a: {  	v13 =	vld.idx.msk [tilespmem:v13+s3+$0x0], $0xffff;
	s0 =	sadd.s32 $0x80, s30;
	v6 =	vadd.f32 v14, v6;
	v11 =	vsub.f32 v11, v0;
	v9 =	vmul.f32 v9, v9  }
0x13b: {  	v15 =	vld [tilespmem:s0+$0x30];
	v5 =	vadd.f32 v16, v5;
	v10 =	vmul.f32 v10, v10;
	v12 =	vsub.f32 v12, v0  }
0x13c: {  	v17 =	vld [tilespmem:s0+$0xFFFFFFC0];
	v11 =	vmul.f32 v11, v11;
	v18 =	vsub.f32 v19, v0;
	v2 =	vadd.f32 v9, v2  }
0x13d: {  	v14 =	vld [tilespmem:s0+$0xFFFFFFD0];
	v1 =	vadd.f32 v10, v1;
	v10 =	vmul.f32 v12, v12;
	v12 =	vsub.f32 v20, v0  }
0x13e: {  	v3 =	vadd.f32 v11, v3;
	v11 =	vmul.f32 v18, v18;
	v18 =	vsub.f32 v21, v0  }
0x13f: {  	v62 =	vld [tilespmem:s0+$0x20];
	v0 =	vsub.f32 v22, v0;
	v12 =	vmul.f32 v12, v12;
	v4 =	vadd.f32 v10, v4  }
0x140: {  	v16 =	vld [tilespmem:s0+$0xFFFFFFE0];
	v8 =	vadd.f32 v11, v8;
	v10 =	vmul.f32 v18, v18;
	v11 =	vsub.f32 v15, v13  }
0x141: {  	v9 =	vld [tilespmem:s0+$0xFFFFFFF0];
	v0 =	vmul.f32 v0, v0;
	v7 =	vadd.f32 v12, v7;
	v12 =	vsub.f32 v17, v13  }
0x142: {  	v19 =	vld [tilespmem:s0+$0x0];
	v6 =	vadd.f32 v10, v6;
	v10 =	vsub.f32 v14, v13;
	v11 =	vmul.f32 v11, v11  }
0x143: {  	v20 =	vld [tilespmem:s0+$0x10];
	[tilespmem:s22], [sflag:$0x1] =	stream.strided.gather [hbm4b:s10+s20], $0x2000, s21, s20, $0x38;
	v0 =	vadd.f32 v0, v5;
	v5 =	vmul.f32 v12, v12  }
0x144: {  	_ =	swait.ge [sflag:s25], $0x2000;
	v10 =	vmul.f32 v10, v10;
	v2 =	vadd.f32 v11, v2  }
0x145: {  	[sflag:s25] =	ssyncset.done $0x0;
	v12 =	vsub.f32 v16, v13;
	v1 =	vadd.f32 v5, v1  }
0x146: {  	[sflag:s25] =	ssyncadd.s32 $0xFFFFE000;
	v9 =	vsub.f32 v9, v13;
	[tilespmem:$0x1F780] =	vst v2;
	v3 =	vadd.f32 v10, v3  }
0x147: {  	s0 =	simm.s32 $0x20F0;
	v14 =	vld.idx.msk [tilespmem:v63+s3+$0x0], $0xffff;
	v2 =	vsub.f32 v19, v13;
	[tilespmem:$0x1F790] =	vst v1;
	v1 =	vmul.f32 v12, v12  }
0x148: {  	v11 =	vld [tilespmem:s0+$0x0];
	[tilespmem:$0x1F7A0] =	vst v3;
	v3 =	vmul.f32 v9, v9  }
0x149: {  	v5 =	vsub.f32 v20, v13;
	v12 =	vld [tilespmem:s0+$0xFFFFFF90];
	v2 =	vmul.f32 v2, v2;
	v1 =	vadd.f32 v1, v4  }
0x14a: {  	v9 =	vld [tilespmem:s0+$0xFFFFFFA0];
	v3 =	vadd.f32 v3, v8  }
0x14b: {  	v10 =	vsub.f32 v62, v13;
	v4 =	vld [tilespmem:s0+$0xFFFFFFB0];
	v2 =	vadd.f32 v2, v7;
	[tilespmem:$0x1F7B0] =	vst v1;
	v1 =	vmul.f32 v5, v5  }
0x14c: {  	v5 =	vld [tilespmem:s0+$0xFFFFFFD0];
	[tilespmem:$0x1F7C0] =	vst v3  }
0x14d: {  	[tilespmem:$0x1F7D0] =	vst v2;
	v2 =	vld [tilespmem:s0+$0xFFFFFFC0];
	v3 =	vmul.f32 v10, v10;
	v1 =	vadd.f32 v1, v6  }
0x14e: {  	s1 =	simm.s32 $0x1;
	v7 =	vsub.f32 v12, v14  }
0x14f: {  	v12 =	vld [tilespmem:s0+$0xFFFFFFE0];
	v6 =	vsub.f32 v11, v14;
	v0 =	vadd.f32 v3, v0;
	[tilespmem:$0x1F7E0] =	vst v1;
	v1 =	vmov s1  }
0x150: {  	v13 =	vld [tilespmem:s0+$0xFFFFFFF0];
	v4 =	vsub.f32 v4, v14  }
0x151: {  	v3 =	vmul.f32 v6, v6;
	v6 =	vmul.f32 v7, v7;
	[tilespmem:$0x1F7F0] =	vst v0;
	v0 =	vsub.f32 v9, v14  }
0x152: {  	s30 =	simm.s32 $0x2170;
	v11 =	vimm.f32 $0.0e+00;
	v5 =	vsub.f32 v5, v14;
	v15 =	vsub.f32 v2, v14  }
0x153: {  	v16 =	vld [tilespmem:s30+$0x0];
	v9 =	vadd.f32 v3, v11;
	v8 =	vadd.f32 v6, v11  }
0x154: {  	v2 =	vmul.f32 v4, v4;
	v4 =	vsub.f32 v12, v14;
	v7 =	vmul.f32 v0, v0;
	v0 =	vld.idx.msk [tilespmem:v1+s3+$0x0], $0xffff  }
0x155: {  	v17 =	vld [tilespmem:s30+$0xFFFFFF90];
	v6 =	vsub.f32 v13, v14;
	v14 =	vimm.f32 $0.0e+00;
	v13 =	vimm.f32 $0.0e+00  }
0x156: {  	v18 =	vld [tilespmem:s30+$0xFFFFFFA0];
	s1 =	simm.s32 $0x2;
	v12 =	vimm.f32 $0.0e+00;
	v5 =	vmul.f32 v5, v5;
	v3 =	vmul.f32 v15, v15  }
0x157: {  	s31 =	simm.s32 $0x3;
	v19 =	vld [tilespmem:s30+$0xFFFFFFB0];
	v15 =	vimm.f32 $0.0e+00;
	v10 =	vadd.f32 v7, v11;
	v1 =	vmov s1  }
.LBB2_12:
0x158: {  	p0 =	sne.s32 s31, $0x3F;
	v7 =	vld [tilespmem:s30+$0xFFFFFFC0];
	v11 =	vadd.f32 v2, v11;
	v15 =	vadd.f32 v3, v15;
	v2 =	vmul.f32 v4, v4  }
0x159: {  	v3 =	vld [tilespmem:s30+$0xFFFFFFD0];
	v4 =	vsub.f32 v16, v0;
	v14 =	vadd.f32 v5, v14;
	v5 =	vmul.f32 v6, v6;
	v6 =	vmovc v0  }
0x15a: {  	v16 =	vsub.f32 v17, v6;
	v20 =	vld [tilespmem:s30+$0xFFFFFFE0];
	v13 =	vadd.f32 v2, v13  }
0x15b: {  	v2 =	vsub.f32 v18, v6;
	v21 =	vld [tilespmem:s30+$0xFFFFFFF0];
	v4 =	vmul.f32 v4, v4;
	v12 =	vadd.f32 v5, v12  }
.Ltmp5:
0x15c: {  	s30 =	sadd.s32 $0x80, s30;
	v0 =	vld.idx.msk [tilespmem:v1+s3+$0x0], $0xffff;
	v1 =	vmul.f32 v16, v16;
	v5 =	vsub.f32 v19, v6;
	(pc) =	sbr.rel @p0 .LBB2_12-.Ltmp5, $4  }
0x15d: {  	v16 =	vld [tilespmem:s30+$0x0];
	v19 =	vmul.f32 v2, v2;
	v7 =	vsub.f32 v7, v6;
	v9 =	vadd.f32 v4, v9  }
0x15e: {  	v17 =	vld [tilespmem:s30+$0xFFFFFF90];
	v8 =	vadd.f32 v1, v8;
	v2 =	vmul.f32 v5, v5;
	v5 =	vsub.f32 v3, v6  }
0x15f: {  	v18 =	vld [tilespmem:s30+$0xFFFFFFA0];
	v10 =	vadd.f32 v19, v10;
	v3 =	vmul.f32 v7, v7;
	v4 =	vsub.f32 v20, v6  }
0x160: {  	v1 =	vmov s31;
	s31 =	sadd.s32 $0x1, s31;
	v19 =	vld [tilespmem:s30+$0xFFFFFFB0];
	v5 =	vmul.f32 v5, v5;
	v6 =	vsub.f32 v21, v6  }
0x161: {  	_ = 	snop  }
0x162: {  	v7 =	vld [tilespmem:s30+$0xFFFFFFC0]  }
0x163: {  	v20 =	vld [tilespmem:s30+$0xFFFFFFD0]  }
0x164: {  	v21 =	vld [tilespmem:s30+$0xFFFFFFE0];
	v2 =	vadd.f32 v2, v11  }
0x165: {  	v1 =	vld.idx.msk [tilespmem:v1+s3+$0x0], $0xffff;
	s0 =	sadd.s32 $0x80, s30;
	v3 =	vadd.f32 v3, v15;
	v4 =	vmul.f32 v4, v4;
	v59 =	vsub.f32 v16, v0  }
0x166: {  	v5 =	vadd.f32 v5, v14;
	v6 =	vmul.f32 v6, v6;
	v60 =	vld [tilespmem:s0+$0xFFFFFFC0];
	v14 =	vsub.f32 v17, v0  }
0x167: {  	v22 =	vld [tilespmem:s30+$0xFFFFFFF0];
	v4 =	vadd.f32 v4, v13;
	v13 =	vsub.f32 v18, v0  }
0x168: {  	v15 =	vld [tilespmem:s0+$0x0];
	v11 =	vmul.f32 v59, v59;
	v6 =	vadd.f32 v6, v12;
	v12 =	vmul.f32 v14, v14  }
0x169: {  	v16 =	vld [tilespmem:s0+$0xFFFFFF90];
	v14 =	vsub.f32 v19, v0;
	v7 =	vsub.f32 v7, v0  }
0x16a: {  	v19 =	vld [tilespmem:s0+$0xFFFFFFD0];
	v13 =	vmul.f32 v13, v13;
	v9 =	vadd.f32 v11, v9;
	v8 =	vadd.f32 v12, v8  }
0x16b: {  	v17 =	vld [tilespmem:s0+$0xFFFFFFA0];
	v12 =	vmul.f32 v14, v14;
	v14 =	vsub.f32 v20, v0;
	v11 =	vsub.f32 v60, v1  }
0x16c: {  	s1 =	simm.s32 $0x0;
	v18 =	vld [tilespmem:s0+$0xFFFFFFB0];
	v10 =	vadd.f32 v13, v10;
	v7 =	vmul.f32 v7, v7;
	v13 =	vsub.f32 v21, v0  }
0x16d: {  	v0 =	vsub.f32 v22, v0;
	v22 =	vmov s1;
	v2 =	vadd.f32 v12, v2  }
0x16e: {  	v20 =	vld [tilespmem:s0+$0xFFFFFFE0];
	v12 =	vsub.f32 v15, v1;
	v3 =	vadd.f32 v7, v3;
	v7 =	vmul.f32 v13, v13  }
0x16f: {  	v21 =	vld [tilespmem:s0+$0xFFFFFFF0];
	[tilespmem:s23], [sflag:$0x2] =	stream.strided.gather [hbm4b:s11+s20], $0x2000, s21, s20, $0x38;
	v0 =	vmul.f32 v0, v0;
	v13 =	vsub.f32 v16, v1;
	v61 =	vsub.f32 v19, v1  }
0x170: {  	v14 =	vmul.f32 v14, v14;
	_ =	swait.ge [sflag:s24], $0x2000;
	v4 =	vadd.f32 v7, v4;
	v7 =	vsub.f32 v17, v1  }
0x171: {  	[sflag:s24] =	ssyncset.done $0x0;
	v0 =	vadd.f32 v0, v6;
	v6 =	vmul.f32 v13, v13;
	v13 =	vsub.f32 v18, v1  }
0x172: {  	s0 =	simm.s32 $0xC0;
	v5 =	vadd.f32 v14, v5;
	v12 =	vmul.f32 v12, v12;
	[sflag:s24] =	ssyncadd.s32 $0xFFFFE000;
	v7 =	vmul.f32 v7, v7  }
0x173: {  	v14 =	vld [tilespmem:s0+$0x30];
	v15 =	vadd.f32 v6, v8;
	v6 =	vmul.f32 v13, v13;
	v8 =	vsub.f32 v20, v1  }
0x174: {  	v22 =	vld.idx.msk [tilespmem:v22+s3+$0x0], $0xffff;
	v9 =	vadd.f32 v12, v9;
	v17 =	vadd.f32 v7, v10;
	v7 =	vmul.f32 v11, v11  }
0x175: {  	v13 =	vld [tilespmem:s0+$0xFFFFFFC0];
	v1 =	vsub.f32 v21, v1;
	v16 =	vadd.f32 v6, v2;
	v2 =	vmul.f32 v8, v8  }
0x176: {  	[tilespmem:$0x1F730] =	vst v9;
	v9 =	vmul.f32 v61, v61;
	v3 =	vadd.f32 v7, v3  }
0x177: {  	v62 =	vld [tilespmem:s0+$0xFFFFFFD0];
	v1 =	vmul.f32 v1, v1;
	v2 =	vadd.f32 v2, v4  }
0x178: {  	v6 =	vld [tilespmem:s0+$0xFFFFFFE0];
	[tilespmem:$0x1F740] =	vst v3;
	v3 =	vadd.f32 v9, v5  }
0x179: {  	s1 =	simm.s32 $0x1;
	v4 =	vld [tilespmem:s0+$0x0];
	v0 =	vadd.f32 v1, v0;
	[tilespmem:$0x1F760] =	vst v2  }
0x17a: {  	v7 =	vsub.f32 v13, v22;
	v2 =	vmov s1;
	v5 =	vsub.f32 v14, v22;
	[tilespmem:$0x1F750] =	vst v3;
	v3 =	vld [tilespmem:s0+$0xFFFFFFF0]  }
0x17b: {  	v1 =	vld [tilespmem:s0+$0x10]  }
0x17c: {  	[tilespmem:$0x1F770] =	vst v0;
	v0 =	vsub.f32 v62, v22;
	v7 =	vmul.f32 v7, v7;
	v5 =	vmul.f32 v5, v5  }
0x17d: {  	s30 =	simm.s32 $0x140;
	v23 =	vimm.f32 $0.0e+00;
	v19 =	vimm.f32 $0.0e+00;
	v8 =	vld [tilespmem:s0+$0x20];
	v6 =	vsub.f32 v6, v22  }
0x17e: {  	v24 =	vld [tilespmem:s30+$0x30];
	v63 =	vmul.f32 v0, v0;
	v13 =	vadd.f32 v7, v19;
	v14 =	vadd.f32 v5, v19  }
0x17f: {  	v21 =	vimm.f32 $0.0e+00;
	v5 =	vsub.f32 v4, v22;
	v0 =	vld.idx.msk [tilespmem:v2+s3+$0x0], $0xffff;
	v3 =	vsub.f32 v3, v22  }
0x180: {  	v25 =	vld [tilespmem:s30+$0xFFFFFFC0];
	v20 =	vimm.f32 $0.0e+00;
	s1 =	simm.s32 $0x2;
	v18 =	vadd.f32 v63, v19;
	v4 =	vsub.f32 v1, v22  }
0x181: {  	v26 =	vld [tilespmem:s30+$0xFFFFFFD0];
	v1 =	vmov s1;
	v2 =	vmul.f32 v6, v6;
	v3 =	vmul.f32 v3, v3  }
0x182: {  	s31 =	simm.s32 $0x3;
	v27 =	vld [tilespmem:s30+$0xFFFFFFE0];
	v6 =	vsub.f32 v8, v22;
	v5 =	vmul.f32 v5, v5;
	v22 =	vimm.f32 $0.0e+00  }
.LBB2_14:
0x183: {  	p0 =	sne.s32 s31, $0x3F;
	v7 =	vld [tilespmem:s30+$0xFFFFFFF0];
	v19 =	vadd.f32 v2, v19;
	v23 =	vadd.f32 v3, v23;
	v2 =	vmul.f32 v4, v4  }
0x184: {  	v3 =	vld [tilespmem:s30+$0x0];
	v4 =	vsub.f32 v24, v0;
	v22 =	vadd.f32 v5, v22;
	v5 =	vmul.f32 v6, v6;
	v6 =	vmovc v0  }
0x185: {  	v8 =	vsub.f32 v25, v6;
	v9 =	vld [tilespmem:s30+$0x10];
	v21 =	vadd.f32 v2, v21  }
0x186: {  	v2 =	vsub.f32 v26, v6;
	v10 =	vld [tilespmem:s30+$0x20];
	v4 =	vmul.f32 v4, v4;
	v20 =	vadd.f32 v5, v20  }
.Ltmp6:
0x187: {  	s30 =	sadd.s32 $0x80, s30;
	v0 =	vld.idx.msk [tilespmem:v1+s3+$0x0], $0xffff;
	v1 =	vmul.f32 v8, v8;
	v5 =	vsub.f32 v27, v6;
	(pc) =	sbr.rel @p0 .LBB2_14-.Ltmp6, $4  }
0x188: {  	v24 =	vld [tilespmem:s30+$0x30];
	v8 =	vmul.f32 v2, v2;
	v7 =	vsub.f32 v7, v6;
	v14 =	vadd.f32 v4, v14  }
0x189: {  	v25 =	vld [tilespmem:s30+$0xFFFFFFC0];
	v13 =	vadd.f32 v1, v13;
	v2 =	vmul.f32 v5, v5;
	v5 =	vsub.f32 v3, v6  }
0x18a: {  	v26 =	vld [tilespmem:s30+$0xFFFFFFD0];
	v18 =	vadd.f32 v8, v18;
	v3 =	vmul.f32 v7, v7;
	v4 =	vsub.f32 v9, v6  }
0x18b: {  	v1 =	vmov s31;
	s31 =	sadd.s32 $0x1, s31;
	v27 =	vld [tilespmem:s30+$0xFFFFFFE0];
	v5 =	vmul.f32 v5, v5;
	v6 =	vsub.f32 v10, v6  }
0x18c: {  	v7 =	vld [tilespmem:s30+$0xFFFFFFF0]  }
0x18d: {  	v8 =	vld [tilespmem:s30+$0x0]  }
0x18e: {  	v9 =	vld [tilespmem:s30+$0x10];
	v2 =	vadd.f32 v2, v19  }
0x18f: {  	v10 =	vld [tilespmem:s30+$0x20];
	v3 =	vadd.f32 v3, v23;
	v4 =	vmul.f32 v4, v4;
	v19 =	vsub.f32 v24, v0  }
0x190: {  	v1 =	vld.idx.msk [tilespmem:v1+s3+$0x0], $0xffff;
	s0 =	sadd.s32 $0x80, s30;
	v5 =	vadd.f32 v5, v22;
	v6 =	vmul.f32 v6, v6;
	v22 =	vsub.f32 v25, v0  }
0x191: {  	v23 =	vld [tilespmem:s0+$0x30];
	v4 =	vadd.f32 v4, v21;
	v21 =	vsub.f32 v26, v0;
	v19 =	vmul.f32 v19, v19  }
0x192: {  	v24 =	vld [tilespmem:s0+$0xFFFFFFC0];
	v6 =	vadd.f32 v6, v20;
	v20 =	vmul.f32 v22, v22;
	v22 =	vsub.f32 v27, v0  }
0x193: {  	s1 =	simm.s32 $0x0;
	v60 =	vld [tilespmem:s0+$0x20];
	v7 =	vsub.f32 v7, v0;
	v14 =	vadd.f32 v19, v14  }
0x194: {  	v25 =	vld [tilespmem:s0+$0xFFFFFFD0];
	v27 =	vmov s1;
	v8 =	vsub.f32 v8, v0;
	v9 =	vsub.f32 v9, v0  }
0x195: {  	v26 =	vld [tilespmem:s0+$0xFFFFFFE0];
	v21 =	vmul.f32 v21, v21;
	v0 =	vsub.f32 v10, v0;
	v20 =	vadd.f32 v20, v13  }
0x196: {  	v19 =	vld [tilespmem:s0+$0xFFFFFFF0];
	v13 =	vmul.f32 v22, v22;
	v61 =	vsub.f32 v23, v1;
	v7 =	vmul.f32 v7, v7  }
0x197: {  	v22 =	vld [tilespmem:s0+$0x0];
	v18 =	vadd.f32 v21, v18;
	v8 =	vmul.f32 v8, v8;
	v0 =	vmul.f32 v0, v0  }
0x198: {  	v21 =	vld [tilespmem:s0+$0x10];
	[tilespmem:s22], [sflag:$0x1] =	stream.strided.gather [hbm4b:s12+s20], $0x2000, s21, s20, $0x38;
	v2 =	vadd.f32 v13, v2;
	v3 =	vadd.f32 v7, v3;
	v7 =	vmul.f32 v9, v9  }
0x199: {  	_ =	swait.ge [sflag:s25], $0x2000;
	v5 =	vadd.f32 v8, v5;
	v8 =	vsub.f32 v24, v1  }
0x19a: {  	[sflag:s25] =	ssyncset.done $0x0;
	v9 =	vmul.f32 v61, v61;
	v0 =	vadd.f32 v0, v6;
	v4 =	vadd.f32 v7, v4  }
0x19b: {  	[sflag:s25] =	ssyncadd.s32 $0xFFFFE000;
	v7 =	vsub.f32 v25, v1;
	v6 =	vmul.f32 v8, v8;
	v8 =	vsub.f32 v26, v1  }
0x19c: {  	s0 =	simm.s32 $0x20F0;
	v28 =	vld.idx.msk [tilespmem:v27+s3+$0x0], $0xffff;
	v9 =	vadd.f32 v9, v14;
	v62 =	vsub.f32 v22, v1  }
0x19d: {  	v19 =	vsub.f32 v19, v1;
	v14 =	vld [tilespmem:s0+$0x0];
	v7 =	vmul.f32 v7, v7;
	v23 =	vadd.f32 v6, v20  }
0x19e: {  	[tilespmem:$0x1F710] =	vst v9;
	v6 =	vmul.f32 v8, v8;
	v8 =	vsub.f32 v21, v1;
	v21 =	vld [tilespmem:s0+$0xFFFFFF90];
	v9 =	vmul.f32 v62, v62  }
0x19f: {  	v22 =	vld [tilespmem:s0+$0xFFFFFFA0];
	v1 =	vsub.f32 v60, v1;
	v25 =	vadd.f32 v7, v18;
	v7 =	vmul.f32 v19, v19  }
0x1a0: {  	v24 =	vadd.f32 v6, v2;
	v2 =	vmul.f32 v8, v8;
	v6 =	vld [tilespmem:s0+$0xFFFFFFB0]  }
0x1a1: {  	s1 =	simm.s32 $0x1;
	v20 =	vadd.f32 v9, v5;
	v1 =	vmul.f32 v1, v1;
	v19 =	vadd.f32 v7, v3;
	v3 =	vld [tilespmem:s0+$0xFFFFFFC0]  }
0x1a2: {  	v5 =	vsub.f32 v14, v28;
	v18 =	vadd.f32 v2, v4;
	v2 =	vmov s1;
	v4 =	vld [tilespmem:s0+$0xFFFFFFD0]  }
0x1a3: {  	v0 =	vadd.f32 v1, v0;
	v1 =	vld [tilespmem:s0+$0xFFFFFFE0];
	v7 =	vsub.f32 v21, v28  }
0x1a4: {  	v31 =	vimm.f32 $0.0e+00;
	v30 =	vimm.f32 $0.0e+00;
	v8 =	vld [tilespmem:s0+$0xFFFFFFF0];
	v5 =	vmul.f32 v5, v5  }
0x1a5: {  	s30 =	simm.s32 $0x2170;
	v27 =	vimm.f32 $0.0e+00;
	[tilespmem:$0x1F720] =	vst v0;
	v0 =	vsub.f32 v22, v28;
	v7 =	vmul.f32 v7, v7  }
0x1a6: {  	v29 =	vimm.f32 $0.0e+00;
	v32 =	vld [tilespmem:s30+$0x0];
	v6 =	vsub.f32 v6, v28;
	v22 =	vadd.f32 v5, v27  }
0x1a7: {  	v63 =	vmul.f32 v0, v0;
	v3 =	vsub.f32 v3, v28;
	v0 =	vld.idx.msk [tilespmem:v2+s3+$0x0], $0xffff;
	v21 =	vadd.f32 v7, v27  }
0x1a8: {  	v33 =	vld [tilespmem:s30+$0xFFFFFF90];
	s1 =	simm.s32 $0x2;
	v2 =	vmul.f32 v6, v6;
	v5 =	vsub.f32 v4, v28;
	v4 =	vsub.f32 v1, v28  }
0x1a9: {  	v34 =	vld [tilespmem:s30+$0xFFFFFFA0];
	v1 =	vmov s1;
	v6 =	vsub.f32 v8, v28;
	v3 =	vmul.f32 v3, v3  }
0x1aa: {  	s31 =	simm.s32 $0x3;
	v35 =	vld [tilespmem:s30+$0xFFFFFFB0];
	v28 =	vimm.f32 $0.0e+00;
	v26 =	vadd.f32 v63, v27;
	v5 =	vmul.f32 v5, v5  }
.LBB2_16:
0x1ab: {  	p0 =	sne.s32 s31, $0x3F;
	v7 =	vld [tilespmem:s30+$0xFFFFFFC0];
	v27 =	vadd.f32 v2, v27;
	v31 =	vadd.f32 v3, v31;
	v2 =	vmul.f32 v4, v4  }
0x1ac: {  	v3 =	vld [tilespmem:s30+$0xFFFFFFD0];
	v4 =	vsub.f32 v32, v0;
	v30 =	vadd.f32 v5, v30;
	v5 =	vmul.f32 v6, v6;
	v6 =	vmovc v0  }
0x1ad: {  	v8 =	vsub.f32 v33, v6;
	v9 =	vld [tilespmem:s30+$0xFFFFFFE0];
	v29 =	vadd.f32 v2, v29  }
0x1ae: {  	v2 =	vsub.f32 v34, v6;
	v10 =	vld [tilespmem:s30+$0xFFFFFFF0];
	v4 =	vmul.f32 v4, v4;
	v28 =	vadd.f32 v5, v28  }
.Ltmp7:
0x1af: {  	s30 =	sadd.s32 $0x80, s30;
	v0 =	vld.idx.msk [tilespmem:v1+s3+$0x0], $0xffff;
	v1 =	vmul.f32 v8, v8;
	v5 =	vsub.f32 v35, v6;
	(pc) =	sbr.rel @p0 .LBB2_16-.Ltmp7, $4  }
0x1b0: {  	v32 =	vld [tilespmem:s30+$0x0];
	v8 =	vmul.f32 v2, v2;
	v7 =	vsub.f32 v7, v6;
	v22 =	vadd.f32 v4, v22  }
0x1b1: {  	v33 =	vld [tilespmem:s30+$0xFFFFFF90];
	v21 =	vadd.f32 v1, v21;
	v2 =	vmul.f32 v5, v5;
	v5 =	vsub.f32 v3, v6  }
0x1b2: {  	v34 =	vld [tilespmem:s30+$0xFFFFFFA0];
	v26 =	vadd.f32 v8, v26;
	v3 =	vmul.f32 v7, v7;
	v4 =	vsub.f32 v9, v6  }
0x1b3: {  	v1 =	vmov s31;
	s31 =	sadd.s32 $0x1, s31;
	v35 =	vld [tilespmem:s30+$0xFFFFFFB0];
	v5 =	vmul.f32 v5, v5;
	v6 =	vsub.f32 v10, v6  }
0x1b4: {  	v7 =	vld [tilespmem:s30+$0xFFFFFFC0]  }
0x1b5: {  	v8 =	vld [tilespmem:s30+$0xFFFFFFD0]  }
0x1b6: {  	v9 =	vld [tilespmem:s30+$0xFFFFFFE0]  }
0x1b7: {  	v10 =	vld [tilespmem:s30+$0xFFFFFFF0]  }
0x1b8: {  	v2 =	vadd.f32 v2, v27;
	v1 =	vld.idx.msk [tilespmem:v1+s3+$0x0], $0xffff;
	s0 =	sadd.s32 $0x80, s30  }
0x1b9: {  	v3 =	vadd.f32 v3, v31;
	v4 =	vmul.f32 v4, v4;
	v27 =	vsub.f32 v32, v0;
	v31 =	vld [tilespmem:s0+$0x0]  }
0x1ba: {  	v5 =	vadd.f32 v5, v30;
	v6 =	vmul.f32 v6, v6;
	v55 =	vld [tilespmem:s0+$0xFFFFFF90];
	v30 =	vsub.f32 v33, v0  }
0x1bb: {  	v56 =	vld [tilespmem:s0+$0xFFFFFFA0];
	v4 =	vadd.f32 v4, v29;
	v29 =	vsub.f32 v34, v0;
	v27 =	vmul.f32 v27, v27  }
0x1bc: {  	s1 =	simm.s32 $0x0;
	v57 =	vld [tilespmem:s0+$0xFFFFFFB0];
	v6 =	vadd.f32 v6, v28;
	v28 =	vmul.f32 v30, v30;
	v30 =	vsub.f32 v35, v0  }
0x1bd: {  	v58 =	vld [tilespmem:s0+$0xFFFFFFF0];
	v59 =	vmov s1;
	v7 =	vsub.f32 v7, v0;
	v22 =	vadd.f32 v27, v22  }
0x1be: {  	v29 =	vmul.f32 v29, v29;
	v27 =	vld [tilespmem:s0+$0xFFFFFFC0];
	v8 =	vsub.f32 v8, v0;
	v9 =	vsub.f32 v9, v0  }
0x1bf: {  	v0 =	vsub.f32 v10, v0;
	v28 =	vadd.f32 v28, v21;
	v21 =	vmul.f32 v30, v30;
	v30 =	vld [tilespmem:s0+$0xFFFFFFD0]  }
0x1c0: {  	v26 =	vadd.f32 v29, v26;
	v7 =	vmul.f32 v7, v7;
	v29 =	vld [tilespmem:s0+$0xFFFFFFE0];
	v8 =	vmul.f32 v8, v8;
	[tilespmem:s23], [sflag:$0x2] =	stream.strided.gather [hbm4b:s13+s20], $0x2000, s21, s20, $0x38  }
0x1c1: {  	v60 =	vsub.f32 v31, v1;
	v0 =	vmul.f32 v0, v0;
	v2 =	vadd.f32 v21, v2;
	_ =	swait.ge [sflag:s24], $0x2000  }
0x1c2: {  	v3 =	vadd.f32 v7, v3;
	v7 =	vmul.f32 v9, v9;
	v5 =	vadd.f32 v8, v5;
	[sflag:s24] =	ssyncset.done $0x0  }
0x1c3: {  	v8 =	vsub.f32 v55, v1;
	v9 =	vmul.f32 v60, v60;
	v0 =	vadd.f32 v0, v6;
	[sflag:s24] =	ssyncadd.s32 $0xFFFFE000  }
0x1c4: {  	s0 =	simm.s32 $0xC0;
	v4 =	vadd.f32 v7, v4;
	v7 =	vsub.f32 v56, v1;
	v61 =	vld.idx.msk [tilespmem:v59+s3+$0x0], $0xffff  }
0x1c5: {  	v6 =	vmul.f32 v8, v8;
	v8 =	vsub.f32 v57, v1;
	v21 =	vadd.f32 v9, v22;
	v22 =	vld [tilespmem:s0+$0x30]  }
0x1c6: {  	v27 =	vsub.f32 v27, v1;
	v62 =	vsub.f32 v30, v1;
	v7 =	vmul.f32 v7, v7  }
0x1c7: {  	v30 =	vld [tilespmem:s0+$0xFFFFFFD0];
	v31 =	vadd.f32 v6, v28;
	v6 =	vmul.f32 v8, v8;
	v8 =	vsub.f32 v29, v1  }
0x1c8: {  	v29 =	vld [tilespmem:s0+$0xFFFFFFC0];
	v9 =	vmul.f32 v62, v62;
	v1 =	vsub.f32 v58, v1;
	v41 =	vadd.f32 v7, v26  }
0x1c9: {  	v7 =	vmul.f32 v27, v27;
	v40 =	vadd.f32 v6, v2;
	v2 =	vmul.f32 v8, v8  }
0x1ca: {  	s1 =	simm.s32 $0x1;
	v6 =	vld [tilespmem:s0+$0xFFFFFFE0];
	v26 =	vadd.f32 v9, v5;
	v1 =	vmul.f32 v1, v1;
	v5 =	vsub.f32 v22, v61  }
0x1cb: {  	v28 =	vadd.f32 v7, v3;
	v3 =	vld [tilespmem:s0+$0xFFFFFFF0];
	v27 =	vadd.f32 v2, v4;
	v2 =	vmov s1  }
0x1cc: {  	v4 =	vld [tilespmem:s0+$0x0];
	v22 =	vadd.f32 v1, v0;
	v0 =	vsub.f32 v30, v61  }
0x1cd: {  	v37 =	vimm.f32 $0.0e+00;
	v1 =	vld [tilespmem:s0+$0x10];
	v7 =	vsub.f32 v29, v61;
	v5 =	vmul.f32 v5, v5  }
0x1ce: {  	s30 =	simm.s32 $0x140;
	v36 =	vimm.f32 $0.0e+00;
	v33 =	vimm.f32 $0.0e+00;
	v8 =	vld [tilespmem:s0+$0x20];
	v63 =	vmul.f32 v0, v0  }
0x1cf: {  	v38 =	vld [tilespmem:s30+$0x30];
	v7 =	vmul.f32 v7, v7;
	v6 =	vsub.f32 v6, v61;
	v30 =	vadd.f32 v5, v33  }
0x1d0: {  	v34 =	vimm.f32 $0.0e+00;
	v32 =	vadd.f32 v63, v33;
	v3 =	vsub.f32 v3, v61;
	v0 =	vld.idx.msk [tilespmem:v2+s3+$0x0], $0xffff  }
0x1d1: {  	v35 =	vimm.f32 $0.0e+00;
	v39 =	vld [tilespmem:s30+$0xFFFFFFC0];
	v29 =	vadd.f32 v7, v33;
	v5 =	vsub.f32 v4, v61  }
0x1d2: {  	v42 =	vld [tilespmem:s30+$0xFFFFFFD0];
	s1 =	simm.s32 $0x2;
	v2 =	vmul.f32 v6, v6;
	v4 =	vsub.f32 v1, v61;
	v3 =	vmul.f32 v3, v3  }
0x1d3: {  	s31 =	simm.s32 $0x3;
	v43 =	vld [tilespmem:s30+$0xFFFFFFE0];
	v1 =	vmov s1;
	v6 =	vsub.f32 v8, v61;
	v5 =	vmul.f32 v5, v5  }
.LBB2_18:
0x1d4: {  	p0 =	sne.s32 s31, $0x3F;
	v7 =	vld [tilespmem:s30+$0xFFFFFFF0];
	v33 =	vadd.f32 v2, v33;
	v37 =	vadd.f32 v3, v37;
	v2 =	vmul.f32 v4, v4  }
0x1d5: {  	v3 =	vld [tilespmem:s30+$0x0];
	v4 =	vsub.f32 v38, v0;
	v36 =	vadd.f32 v5, v36;
	v5 =	vmul.f32 v6, v6;
	v6 =	vmovc v0  }
0x1d6: {  	v8 =	vsub.f32 v39, v6;
	v9 =	vld [tilespmem:s30+$0x10];
	v35 =	vadd.f32 v2, v35  }
0x1d7: {  	v2 =	vsub.f32 v42, v6;
	v10 =	vld [tilespmem:s30+$0x20];
	v4 =	vmul.f32 v4, v4;
	v34 =	vadd.f32 v5, v34  }
.Ltmp8:
0x1d8: {  	s30 =	sadd.s32 $0x80, s30;
	v0 =	vld.idx.msk [tilespmem:v1+s3+$0x0], $0xffff;
	v1 =	vmul.f32 v8, v8;
	v5 =	vsub.f32 v43, v6;
	(pc) =	sbr.rel @p0 .LBB2_18-.Ltmp8, $4  }
0x1d9: {  	v38 =	vld [tilespmem:s30+$0x30];
	v8 =	vmul.f32 v2, v2;
	v7 =	vsub.f32 v7, v6;
	v30 =	vadd.f32 v4, v30  }
0x1da: {  	v39 =	vld [tilespmem:s30+$0xFFFFFFC0];
	v29 =	vadd.f32 v1, v29;
	v2 =	vmul.f32 v5, v5;
	v5 =	vsub.f32 v3, v6  }
0x1db: {  	v42 =	vld [tilespmem:s30+$0xFFFFFFD0];
	v32 =	vadd.f32 v8, v32;
	v3 =	vmul.f32 v7, v7;
	v4 =	vsub.f32 v9, v6  }
0x1dc: {  	v1 =	vmov s31;
	s31 =	sadd.s32 $0x1, s31;
	v43 =	vld [tilespmem:s30+$0xFFFFFFE0];
	v5 =	vmul.f32 v5, v5;
	v6 =	vsub.f32 v10, v6  }
0x1dd: {  	v7 =	vld [tilespmem:s30+$0xFFFFFFF0]  }
0x1de: {  	v8 =	vld [tilespmem:s30+$0x0]  }
0x1df: {  	v9 =	vld [tilespmem:s30+$0x10]  }
0x1e0: {  	v10 =	vld [tilespmem:s30+$0x20]  }
0x1e1: {  	v2 =	vadd.f32 v2, v33;
	v1 =	vld.idx.msk [tilespmem:v1+s3+$0x0], $0xffff;
	s0 =	sadd.s32 $0x80, s30  }
0x1e2: {  	v3 =	vadd.f32 v3, v37;
	v4 =	vmul.f32 v4, v4;
	v44 =	vsub.f32 v38, v0;
	v45 =	vld [tilespmem:s0+$0x30]  }
0x1e3: {  	v5 =	vadd.f32 v5, v36;
	v6 =	vmul.f32 v6, v6;
	v47 =	vld [tilespmem:s0+$0xFFFFFFC0];
	v46 =	vsub.f32 v39, v0  }
0x1e4: {  	v49 =	vld [tilespmem:s0+$0xFFFFFFD0];
	v4 =	vadd.f32 v4, v35;
	v48 =	vsub.f32 v42, v0;
	v33 =	vmul.f32 v44, v44  }
0x1e5: {  	v53 =	vld [tilespmem:s0+$0xFFFFFFF0];
	v6 =	vadd.f32 v6, v34;
	v51 =	vsub.f32 v43, v0  }
0x1e6: {  	s1 =	simm.s32 $0x0;
	v52 =	vld [tilespmem:s0+$0xFFFFFFE0];
	v50 =	vmul.f32 v46, v46;
	v7 =	vsub.f32 v7, v0;
	v30 =	vadd.f32 v33, v30  }
0x1e7: {  	v54 =	vld [tilespmem:s0+$0x0];
	v57 =	vmov s1;
	v8 =	vsub.f32 v8, v0;
	v9 =	vsub.f32 v9, v0  }
0x1e8: {  	v55 =	vld [tilespmem:s0+$0x10];
	v0 =	vsub.f32 v10, v0;
	v34 =	vadd.f32 v50, v29;
	v29 =	vmul.f32 v51, v51  }
0x1e9: {  	v56 =	vld [tilespmem:s0+$0x20];
	[tilespmem:s22], [sflag:$0x1] =	stream.strided.gather [hbm4b:s14+s20], $0x2000, s21, s20, $0x38;
	v58 =	vsub.f32 v45, v1;
	v7 =	vmul.f32 v7, v7;
	v8 =	vmul.f32 v8, v8  }
0x1ea: {  	_ =	swait.ge [sflag:s25], $0x2000;
	v33 =	vsub.f32 v53, v1;
	v0 =	vmul.f32 v0, v0;
	v2 =	vadd.f32 v29, v2  }
0x1eb: {  	[sflag:s25] =	ssyncset.done $0x0;
	v3 =	vadd.f32 v7, v3;
	v7 =	vmul.f32 v9, v9;
	v5 =	vadd.f32 v8, v5  }
0x1ec: {  	[sflag:s25] =	ssyncadd.s32 $0xFFFFE000;
	v8 =	vsub.f32 v47, v1;
	v9 =	vmul.f32 v58, v58;
	v0 =	vadd.f32 v0, v6  }
0x1ed: {  	s0 =	simm.s32 $0x20F0;
	v35 =	vmul.f32 v48, v48;
	v59 =	vld.idx.msk [tilespmem:v57+s3+$0x0], $0xffff;
	v4 =	vadd.f32 v7, v4;
	v7 =	vsub.f32 v49, v1  }
0x1ee: {  	v6 =	vmul.f32 v8, v8;
	v8 =	vsub.f32 v52, v1;
	v29 =	vadd.f32 v9, v30;
	v30 =	vld [tilespmem:s0+$0x0]  }
0x1ef: {  	v60 =	vsub.f32 v54, v1;
	v32 =	vadd.f32 v35, v32;
	v7 =	vmul.f32 v7, v7  }
0x1f0: {  	v61 =	vld [tilespmem:s0+$0xFFFFFF90];
	v47 =	vadd.f32 v6, v34;
	v6 =	vmul.f32 v8, v8;
	v8 =	vsub.f32 v55, v1  }
0x1f1: {  	v62 =	vld [tilespmem:s0+$0xFFFFFFA0];
	v9 =	vmul.f32 v60, v60;
	v1 =	vsub.f32 v56, v1;
	v49 =	vadd.f32 v7, v32  }
0x1f2: {  	v7 =	vmul.f32 v33, v33;
	v48 =	vadd.f32 v6, v2;
	v2 =	vmul.f32 v8, v8  }
0x1f3: {  	s1 =	simm.s32 $0x1;
	v44 =	vadd.f32 v9, v5;
	v6 =	vld [tilespmem:s0+$0xFFFFFFB0];
	v1 =	vmul.f32 v1, v1;
	v5 =	vsub.f32 v30, v59  }
0x1f4: {  	v43 =	vadd.f32 v7, v3;
	v3 =	vld [tilespmem:s0+$0xFFFFFFC0];
	v42 =	vadd.f32 v2, v4;
	v2 =	vmov s1  }
0x1f5: {  	v37 =	vimm.f32 $0.0e+00;
	v4 =	vld [tilespmem:s0+$0xFFFFFFD0];
	v7 =	vsub.f32 v61, v59  }
0x1f6: {  	v30 =	vadd.f32 v1, v0;
	v1 =	vld [tilespmem:s0+$0xFFFFFFE0];
	v0 =	vsub.f32 v62, v59;
	v5 =	vmul.f32 v5, v5  }
0x1f7: {  	s30 =	simm.s32 $0x2170;
	v36 =	vimm.f32 $0.0e+00;
	v35 =	vimm.f32 $0.0e+00;
	v8 =	vld [tilespmem:s0+$0xFFFFFFF0];
	v7 =	vmul.f32 v7, v7  }
0x1f8: {  	v38 =	vld [tilespmem:s30+$0x0];
	v63 =	vmul.f32 v0, v0;
	v6 =	vsub.f32 v6, v59;
	v33 =	vadd.f32 v5, v35  }
0x1f9: {  	v46 =	vimm.f32 $0.0e+00;
	v32 =	vadd.f32 v7, v35;
	v3 =	vsub.f32 v3, v59;
	v0 =	vld.idx.msk [tilespmem:v2+s3+$0x0], $0xffff  }
0x1fa: {  	v39 =	vld [tilespmem:s30+$0xFFFFFF90];
	v45 =	vimm.f32 $0.0e+00;
	v34 =	vadd.f32 v63, v35;
	v5 =	vsub.f32 v4, v59  }
0x1fb: {  	v50 =	vld [tilespmem:s30+$0xFFFFFFA0];
	s1 =	simm.s32 $0x2;
	v2 =	vmul.f32 v6, v6;
	v4 =	vsub.f32 v1, v59;
	v3 =	vmul.f32 v3, v3  }
0x1fc: {  	s31 =	simm.s32 $0x3;
	v51 =	vld [tilespmem:s30+$0xFFFFFFB0];
	v1 =	vmov s1;
	v6 =	vsub.f32 v8, v59;
	v5 =	vmul.f32 v5, v5  }
.LBB2_20:
0x1fd: {  	p0 =	sne.s32 s31, $0x3F;
	v7 =	vld [tilespmem:s30+$0xFFFFFFC0];
	v35 =	vadd.f32 v2, v35;
	v46 =	vadd.f32 v3, v46;
	v2 =	vmul.f32 v4, v4  }
0x1fe: {  	v3 =	vld [tilespmem:s30+$0xFFFFFFD0];
	v4 =	vsub.f32 v38, v0;
	v45 =	vadd.f32 v5, v45;
	v5 =	vmul.f32 v6, v6;
	v6 =	vmovc v0  }
0x1ff: {  	v8 =	vsub.f32 v39, v6;
	v9 =	vld [tilespmem:s30+$0xFFFFFFE0];
	v37 =	vadd.f32 v2, v37  }
0x200: {  	v2 =	vsub.f32 v50, v6;
	v10 =	vld [tilespmem:s30+$0xFFFFFFF0];
	v4 =	vmul.f32 v4, v4;
	v36 =	vadd.f32 v5, v36  }
.Ltmp9:
0x201: {  	s30 =	sadd.s32 $0x80, s30;
	v0 =	vld.idx.msk [tilespmem:v1+s3+$0x0], $0xffff;
	v1 =	vmul.f32 v8, v8;
	v5 =	vsub.f32 v51, v6;
	(pc) =	sbr.rel @p0 .LBB2_20-.Ltmp9, $4  }
0x202: {  	v38 =	vld [tilespmem:s30+$0x0];
	v8 =	vmul.f32 v2, v2;
	v7 =	vsub.f32 v7, v6;
	v33 =	vadd.f32 v4, v33  }
0x203: {  	v39 =	vld [tilespmem:s30+$0xFFFFFF90];
	v32 =	vadd.f32 v1, v32;
	v2 =	vmul.f32 v5, v5;
	v5 =	vsub.f32 v3, v6  }
0x204: {  	v50 =	vld [tilespmem:s30+$0xFFFFFFA0];
	v34 =	vadd.f32 v8, v34;
	v3 =	vmul.f32 v7, v7;
	v4 =	vsub.f32 v9, v6  }
0x205: {  	v1 =	vmov s31;
	s31 =	sadd.s32 $0x1, s31;
	v51 =	vld [tilespmem:s30+$0xFFFFFFB0];
	v5 =	vmul.f32 v5, v5;
	v6 =	vsub.f32 v10, v6  }
0x206: {  	v7 =	vld [tilespmem:s30+$0xFFFFFFC0]  }
0x207: {  	v8 =	vld [tilespmem:s30+$0xFFFFFFD0]  }
0x208: {  	v9 =	vld [tilespmem:s30+$0xFFFFFFE0]  }
0x209: {  	v10 =	vld [tilespmem:s30+$0xFFFFFFF0]  }
0x20a: {  	v2 =	vadd.f32 v2, v35;
	v1 =	vld.idx.msk [tilespmem:v1+s3+$0x0], $0xffff;
	s0 =	sadd.s32 $0x80, s30  }
0x20b: {  	v3 =	vadd.f32 v3, v46;
	v4 =	vmul.f32 v4, v4;
	v53 =	vsub.f32 v38, v0;
	v38 =	vld [tilespmem:s0+$0x0]  }
0x20c: {  	v5 =	vadd.f32 v5, v45;
	v6 =	vmul.f32 v6, v6;
	v45 =	vld [tilespmem:s0+$0xFFFFFF90];
	v39 =	vsub.f32 v39, v0  }
0x20d: {  	v59 =	vld [tilespmem:s0+$0xFFFFFFC0];
	v4 =	vadd.f32 v4, v37;
	v54 =	vsub.f32 v50, v0;
	v35 =	vmul.f32 v53, v53  }
0x20e: {  	v61 =	vld [tilespmem:s0+$0xFFFFFFD0];
	v6 =	vadd.f32 v6, v36;
	v57 =	vsub.f32 v51, v0  }
0x20f: {  	s1 =	simm.s32 $0x0;
	v55 =	vld [tilespmem:s0+$0xFFFFFFA0];
	v56 =	vmul.f32 v39, v39;
	v7 =	vsub.f32 v7, v0;
	v33 =	vadd.f32 v35, v33  }
0x210: {  	v58 =	vld [tilespmem:s0+$0xFFFFFFB0];
	v63 =	vmov s1;
	v8 =	vsub.f32 v8, v0;
	v9 =	vsub.f32 v9, v0  }
0x211: {  	v62 =	vld [tilespmem:s0+$0xFFFFFFE0];
	v37 =	vmul.f32 v54, v54;
	v0 =	vsub.f32 v10, v0;
	v32 =	vadd.f32 v56, v32  }
0x212: {  	v10 =	vld [tilespmem:s0+$0xFFFFFFF0];
	[tilespmem:s23], [sflag:$0x2] =	stream.strided.gather [hbm4b:s15+s20], $0x2000, s21, s20, $0x38;
	v60 =	vmul.f32 v57, v57;
	v38 =	vsub.f32 v38, v1;
	v7 =	vmul.f32 v7, v7  }
0x213: {  	_ =	swait.ge [sflag:s24], $0x2000;
	v35 =	vsub.f32 v59, v1;
	v51 =	vsub.f32 v61, v1;
	v8 =	vmul.f32 v8, v8  }
0x214: {  	[sflag:s24] =	ssyncset.done $0x0;
	v2 =	vadd.f32 v60, v2;
	v3 =	vadd.f32 v7, v3;
	v7 =	vmul.f32 v9, v9  }
0x215: {  	v0 =	vmul.f32 v0, v0;
	[sflag:s24] =	ssyncadd.s32 $0xFFFFE000;
	v5 =	vadd.f32 v8, v5;
	v8 =	vsub.f32 v45, v1  }
0x216: {  	s0 =	simm.s32 $0xC0;
	v9 =	vmul.f32 v38, v38;
	v36 =	vld.idx.msk [tilespmem:v63+s3+$0x0], $0xffff;
	v4 =	vadd.f32 v7, v4;
	v7 =	vsub.f32 v55, v1  }
0x217: {  	v0 =	vadd.f32 v0, v6;
	v60 =	vld [tilespmem:s0+$0x30];
	v6 =	vmul.f32 v8, v8;
	v8 =	vsub.f32 v58, v1  }
0x218: {  	v34 =	vadd.f32 v37, v34;
	v45 =	vadd.f32 v9, v33;
	v7 =	vmul.f32 v7, v7  }
0x219: {  	v61 =	vld [tilespmem:s0+$0xFFFFFFC0];
	v55 =	vadd.f32 v6, v32;
	v6 =	vmul.f32 v8, v8;
	v8 =	vsub.f32 v62, v1  }
0x21a: {  	v9 =	vmul.f32 v51, v51;
	v62 =	vld [tilespmem:s0+$0xFFFFFFD0];
	v1 =	vsub.f32 v10, v1;
	v57 =	vadd.f32 v7, v34  }
0x21b: {  	v7 =	vmul.f32 v35, v35;
	v56 =	vadd.f32 v6, v2;
	v2 =	vmul.f32 v8, v8  }
0x21c: {  	s1 =	simm.s32 $0x1;
	v51 =	vadd.f32 v9, v5;
	v5 =	vsub.f32 v60, v36;
	v6 =	vld [tilespmem:s0+$0xFFFFFFE0];
	v1 =	vmul.f32 v1, v1  }
0x21d: {  	v52 =	vadd.f32 v7, v3;
	v3 =	vld [tilespmem:s0+$0xFFFFFFF0];
	v50 =	vadd.f32 v2, v4;
	v2 =	vmov s1  }
0x21e: {  	v53 =	vimm.f32 $0.0e+00;
	v4 =	vld [tilespmem:s0+$0x0];
	v7 =	vsub.f32 v61, v36  }
0x21f: {  	v5 =	vmul.f32 v5, v5;
	v46 =	vadd.f32 v1, v0;
	v1 =	vld [tilespmem:s0+$0x10];
	v0 =	vsub.f32 v62, v36  }
0x220: {  	s30 =	simm.s32 $0x140;
	v54 =	vimm.f32 $0.0e+00;
	v35 =	vimm.f32 $0.0e+00;
	v8 =	vld [tilespmem:s0+$0x20];
	v7 =	vmul.f32 v7, v7  }
0x221: {  	v39 =	vld [tilespmem:s30+$0x30];
	v33 =	vadd.f32 v5, v35;
	v6 =	vsub.f32 v6, v36;
	v63 =	vmul.f32 v0, v0  }
0x222: {  	v37 =	vimm.f32 $0.0e+00;
	v32 =	vadd.f32 v7, v35;
	v3 =	vsub.f32 v3, v36;
	v0 =	vld.idx.msk [tilespmem:v2+s3+$0x0], $0xffff  }
0x223: {  	v38 =	vld [tilespmem:s30+$0xFFFFFFC0];
	s1 =	simm.s32 $0x2;
	v2 =	vmul.f32 v6, v6;
	v5 =	vsub.f32 v4, v36;
	v34 =	vadd.f32 v63, v35  }
0x224: {  	v58 =	vld [tilespmem:s30+$0xFFFFFFD0];
	v4 =	vsub.f32 v1, v36;
	v1 =	vmov s1;
	v3 =	vmul.f32 v3, v3  }
0x225: {  	s31 =	simm.s32 $0x3;
	v59 =	vld [tilespmem:s30+$0xFFFFFFE0];
	v6 =	vsub.f32 v8, v36;
	v36 =	vimm.f32 $0.0e+00;
	v5 =	vmul.f32 v5, v5  }
.LBB2_22:
0x226: {  	p0 =	sne.s32 s31, $0x3F;
	v7 =	vld [tilespmem:s30+$0xFFFFFFF0];
	v35 =	vadd.f32 v2, v35;
	v54 =	vadd.f32 v3, v54;
	v2 =	vmul.f32 v4, v4  }
0x227: {  	v3 =	vld [tilespmem:s30+$0x0];
	v4 =	vsub.f32 v39, v0;
	v53 =	vadd.f32 v5, v53;
	v5 =	vmul.f32 v6, v6;
	v6 =	vmovc v0  }
0x228: {  	v8 =	vsub.f32 v38, v6;
	v9 =	vld [tilespmem:s30+$0x10];
	v37 =	vadd.f32 v2, v37  }
0x229: {  	v2 =	vsub.f32 v58, v6;
	v10 =	vld [tilespmem:s30+$0x20];
	v4 =	vmul.f32 v4, v4;
	v36 =	vadd.f32 v5, v36  }
.Ltmp10:
0x22a: {  	s30 =	sadd.s32 $0x80, s30;
	v0 =	vld.idx.msk [tilespmem:v1+s3+$0x0], $0xffff;
	v1 =	vmul.f32 v8, v8;
	v5 =	vsub.f32 v59, v6;
	(pc) =	sbr.rel @p0 .LBB2_22-.Ltmp10, $4  }
0x22b: {  	v39 =	vld [tilespmem:s30+$0x30];
	v8 =	vmul.f32 v2, v2;
	v7 =	vsub.f32 v7, v6;
	v33 =	vadd.f32 v4, v33  }
0x22c: {  	v38 =	vld [tilespmem:s30+$0xFFFFFFC0];
	v32 =	vadd.f32 v1, v32;
	v2 =	vmul.f32 v5, v5;
	v5 =	vsub.f32 v3, v6  }
0x22d: {  	v58 =	vld [tilespmem:s30+$0xFFFFFFD0];
	v34 =	vadd.f32 v8, v34;
	v3 =	vmul.f32 v7, v7;
	v4 =	vsub.f32 v9, v6  }
0x22e: {  	v1 =	vmov s31;
	s31 =	sadd.s32 $0x1, s31;
	v59 =	vld [tilespmem:s30+$0xFFFFFFE0];
	v5 =	vmul.f32 v5, v5;
	v6 =	vsub.f32 v10, v6  }
0x22f: {  	v7 =	vld [tilespmem:s30+$0xFFFFFFF0]  }
0x230: {  	v8 =	vld [tilespmem:s30+$0x0];
	v2 =	vadd.f32 v2, v35  }
0x231: {  	v9 =	vld [tilespmem:s30+$0x10];
	v3 =	vadd.f32 v3, v54;
	v4 =	vmul.f32 v4, v4;
	v54 =	vsub.f32 v39, v0  }
0x232: {  	v10 =	vld [tilespmem:s30+$0x20];
	v5 =	vadd.f32 v5, v53;
	v6 =	vmul.f32 v6, v6;
	v38 =	vsub.f32 v38, v0  }
0x233: {  	v1 =	vld.idx.msk [tilespmem:v1+s3+$0x0], $0xffff;
	s0 =	sadd.s32 $0x80, s30;
	v4 =	vadd.f32 v4, v37;
	v60 =	vsub.f32 v58, v0;
	v35 =	vmul.f32 v54, v54  }
0x234: {  	v39 =	vld [tilespmem:s0+$0x30];
	v6 =	vadd.f32 v6, v36;
	v62 =	vsub.f32 v59, v0  }
0x235: {  	v53 =	vld [tilespmem:s0+$0xFFFFFFC0];
	v61 =	vmul.f32 v38, v38;
	v7 =	vsub.f32 v7, v0;
	v33 =	vadd.f32 v35, v33  }
0x236: {  	v54 =	vld [tilespmem:s0+$0xFFFFFFD0];
	v37 =	vmul.f32 v60, v60;
	v8 =	vsub.f32 v8, v0;
	v9 =	vsub.f32 v9, v0  }
0x237: {  	s1 =	simm.s32 $0x0;
	v35 =	vld [tilespmem:s0+$0xFFFFFFE0];
	v0 =	vsub.f32 v10, v0;
	v32 =	vadd.f32 v61, v32;
	v63 =	vmul.f32 v62, v62  }
0x238: {  	v60 =	vld [tilespmem:s0+$0xFFFFFFF0];
	v62 =	vmov s1;
	v34 =	vadd.f32 v37, v34;
	v7 =	vmul.f32 v7, v7  }
0x239: {  	v61 =	vld [tilespmem:s0+$0x0];
	v8 =	vmul.f32 v8, v8;
	v0 =	vmul.f32 v0, v0;
	v2 =	vadd.f32 v63, v2  }
0x23a: {  	v10 =	vld [tilespmem:s0+$0x10];
	v63 =	vsub.f32 v39, v1;
	v3 =	vadd.f32 v7, v3;
	v7 =	vmul.f32 v9, v9  }
0x23b: {  	v9 =	vld [tilespmem:s0+$0x20];
	v5 =	vadd.f32 v8, v5;
	_ =	swait.ge [sflag:s25], $0x2000;
	v8 =	vsub.f32 v53, v1  }
0x23c: {  	v0 =	vadd.f32 v0, v6;
	[sflag:s25] =	ssyncset.done $0x0;
	v36 =	vmul.f32 v63, v63;
	v4 =	vadd.f32 v7, v4  }
0x23d: {  	v7 =	vsub.f32 v54, v1;
	[sflag:s25] =	ssyncadd.s32 $0xFFFFE000;
	v6 =	vmul.f32 v8, v8;
	v8 =	vsub.f32 v35, v1  }
0x23e: {  	s0 =	simm.s32 $0x20F0;
	v35 =	vsub.f32 v60, v1;
	v59 =	vsub.f32 v61, v1;
	v38 =	vld.idx.msk [tilespmem:v62+s3+$0x0], $0xffff  }
0x23f: {  	v53 =	vadd.f32 v36, v33;
	v54 =	vld [tilespmem:s0+$0x0];
	v7 =	vmul.f32 v7, v7;
	v62 =	vadd.f32 v6, v32  }
0x240: {  	v39 =	vld [tilespmem:s0+$0xFFFFFFA0];
	v6 =	vmul.f32 v8, v8;
	v8 =	vsub.f32 v10, v1;
	v36 =	vmul.f32 v59, v59  }
0x241: {  	v10 =	vld [tilespmem:s0+$0xFFFFFF90];
	v1 =	vsub.f32 v9, v1;
	v33 =	vadd.f32 v7, v34;
	v7 =	vmul.f32 v35, v35  }
0x242: {  	v63 =	vadd.f32 v6, v2;
	v2 =	vmul.f32 v8, v8;
	v6 =	vld [tilespmem:s0+$0xFFFFFFB0]  }
0x243: {  	s1 =	simm.s32 $0x1;
	v59 =	vadd.f32 v36, v5;
	v8 =	vld [tilespmem:s0+$0xFFFFFFE0];
	v1 =	vmul.f32 v1, v1;
	v60 =	vadd.f32 v7, v3  }
0x244: {  	v3 =	vld [tilespmem:s0+$0xFFFFFFC0];
	v58 =	vadd.f32 v2, v4;
	v2 =	vmov s1;
	v5 =	vsub.f32 v54, v38  }
0x245: {  	v37 =	vimm.f32 $0.0e+00;
	v61 =	vimm.f32 $0.0e+00;
	v4 =	vld [tilespmem:s0+$0xFFFFFFD0]  }
0x246: {  	v7 =	vsub.f32 v10, v38;
	v54 =	vadd.f32 v1, v0;
	v1 =	vmul.f32 v5, v5  }
0x247: {  	s30 =	simm.s32 $0x2170;
	v36 =	vimm.f32 $0.0e+00;
	v0 =	vsub.f32 v39, v38;
	v10 =	vld [tilespmem:s0+$0xFFFFFFF0];
	v39 =	vimm.f32 $0.0e+00  }
0x248: {  	v5 =	vmul.f32 v7, v7;
	v6 =	vsub.f32 v6, v38;
	v35 =	vadd.f32 v1, v36;
	v1 =	vld [tilespmem:s30+$0x0]  }
0x249: {  	v7 =	vmul.f32 v0, v0;
	v8 =	vsub.f32 v8, v38;
	v3 =	vsub.f32 v3, v38;
	v32 =	vld.idx.msk [tilespmem:v2+s3+$0x0], $0xffff  }
0x24a: {  	s1 =	simm.s32 $0x2;
	v0 =	vadd.f32 v5, v36;
	v6 =	vmul.f32 v6, v6;
	v9 =	vsub.f32 v4, v38;
	v2 =	vld [tilespmem:s30+$0xFFFFFF90]  }
0x24b: {  	v34 =	vadd.f32 v7, v36;
	v5 =	vmov s1;
	v4 =	vld [tilespmem:s30+$0xFFFFFFA0];
	v7 =	vmul.f32 v3, v3  }
0x24c: {  	s31 =	simm.s32 $0x3;
	v10 =	vsub.f32 v10, v38;
	v38 =	vimm.f32 $0.0e+00;
	v9 =	vmul.f32 v9, v9;
	v3 =	vld [tilespmem:s30+$0xFFFFFFB0]  }
.LBB2_24:
0x24d: {  	p0 =	sne.s32 s31, $0x3F;
	v11 =	vld [tilespmem:s30+$0xFFFFFFC0];
	v36 =	vadd.f32 v6, v36;
	v39 =	vadd.f32 v7, v39;
	v6 =	vmul.f32 v8, v8  }
0x24e: {  	v7 =	vld [tilespmem:s30+$0xFFFFFFD0];
	v1 =	vsub.f32 v1, v32;
	v38 =	vadd.f32 v9, v38;
	v8 =	vmul.f32 v10, v10;
	v10 =	vmovc v32  }
0x24f: {  	v2 =	vsub.f32 v2, v10;
	v9 =	vld [tilespmem:s30+$0xFFFFFFE0];
	v61 =	vadd.f32 v6, v61  }
0x250: {  	v4 =	vsub.f32 v4, v10;
	v12 =	vld [tilespmem:s30+$0xFFFFFFF0];
	v6 =	vmul.f32 v1, v1;
	v37 =	vadd.f32 v8, v37  }
.Ltmp11:
0x251: {  	s30 =	sadd.s32 $0x80, s30;
	v32 =	vld.idx.msk [tilespmem:v5+s3+$0x0], $0xffff;
	v5 =	vmul.f32 v2, v2;
	v3 =	vsub.f32 v3, v10;
	(pc) =	sbr.rel @p0 .LBB2_24-.Ltmp11, $4  }
0x252: {  	v1 =	vld [tilespmem:s30+$0x0];
	v8 =	vmul.f32 v4, v4;
	v11 =	vsub.f32 v11, v10;
	v35 =	vadd.f32 v6, v35  }
0x253: {  	v2 =	vld [tilespmem:s30+$0xFFFFFF90];
	v0 =	vadd.f32 v5, v0;
	v6 =	vmul.f32 v3, v3;
	v13 =	vsub.f32 v7, v10  }
0x254: {  	v4 =	vld [tilespmem:s30+$0xFFFFFFA0];
	v34 =	vadd.f32 v8, v34;
	v7 =	vmul.f32 v11, v11;
	v8 =	vsub.f32 v9, v10  }
0x255: {  	v5 =	vmov s31;
	s31 =	sadd.s32 $0x1, s31;
	v3 =	vld [tilespmem:s30+$0xFFFFFFB0];
	v9 =	vmul.f32 v13, v13;
	v10 =	vsub.f32 v12, v10  }
0x256: {  	v12 =	vld [tilespmem:s30+$0xFFFFFFD0];
	_ =	sdelay $0x1  }
0x257: {  	v13 =	vld [tilespmem:s30+$0xFFFFFFE0];
	v1 =	vsub.f32 v1, v32  }
0x258: {  	v6 =	vadd.f32 v6, v36;
	v8 =	vmul.f32 v8, v8;
	v9 =	vadd.f32 v9, v38  }
0x259: {  	v5 =	vld.idx.msk [tilespmem:v5+s3+$0x0], $0xffff;
	v2 =	vsub.f32 v2, v32;
	v4 =	vsub.f32 v4, v32;
	v1 =	vmul.f32 v1, v1  }
0x25a: {  	v11 =	vld [tilespmem:s30+$0xFFFFFFC0];
	v3 =	vsub.f32 v3, v32;
	v38 =	vsub.f32 v12, v32  }
0x25b: {  	s0 =	sadd.s32 $0x80, s30;
	v36 =	vld [tilespmem:s30+$0xFFFFFFF0];
	v8 =	vadd.f32 v8, v61;
	v1 =	vadd.f32 v1, v35;
	v4 =	vmul.f32 v4, v4  }
0x25c: {  	v35 =	vld [tilespmem:s0+$0xFFFFFF90];
	v13 =	vsub.f32 v13, v32;
	v61 =	vmul.f32 v3, v3;
	v3 =	vmul.f32 v38, v38  }
0x25d: {  	v2 =	vmul.f32 v2, v2;
	v12 =	vld [tilespmem:s0+$0xFFFFFFA0]  }
0x25e: {  	v4 =	vadd.f32 v4, v34;
	v34 =	vld [tilespmem:s0+$0xFFFFFFC0];
	v3 =	vadd.f32 v3, v9;
	v9 =	vmul.f32 v13, v13  }
0x25f: {  	v0 =	vadd.f32 v2, v0;
	v2 =	vadd.f32 v61, v6;
	v6 =	vld [tilespmem:s0+$0xFFFFFFB0]  }
0x260: {  	v10 =	vmul.f32 v10, v10;
	v8 =	vadd.f32 v9, v8;
	v9 =	vld [tilespmem:s0+$0xFFFFFFF0]  }
0x261: {  	v7 =	vadd.f32 v7, v39  }
0x262: {  	v10 =	vadd.f32 v10, v37;
	v37 =	vld [tilespmem:s0+$0x0];
	v11 =	vsub.f32 v11, v32  }
0x263: {  	v39 =	vsub.f32 v36, v32;
	v36 =	vld [tilespmem:s0+$0xFFFFFFD0];
	v35 =	vsub.f32 v35, v5  }
0x264: {  	v11 =	vmul.f32 v11, v11;
	v38 =	vld [tilespmem:s0+$0xFFFFFFE0];
	v12 =	vsub.f32 v12, v5;
	v6 =	vsub.f32 v6, v5  }
0x265: {  	v13 =	vmul.f32 v35, v35;
	v35 =	vsub.f32 v34, v5;
	v34 =	vsub.f32 v9, v5;
	v9 =	vld [tilespmem:$0x1F9A0]  }
0x266: {  	v61 =	vmul.f32 v39, v39;
	v39 =	vmul.f32 v6, v6  }
0x267: {  	v7 =	vadd.f32 v11, v7;
	v11 =	vsub.f32 v37, v5;
	v14 =	vmul.f32 v12, v12  }
0x268: {  	v12 =	vsub.f32 v36, v5;
	v36 =	vadd.f32 v39, v2;
	v39 =	vld [tilespmem:$0x1F990]  }
0x269: {  	v11 =	vmul.f32 v11, v11;
	v37 =	vadd.f32 v13, v0;
	v0 =	vadd.f32 v14, v4  }
0x26a: {  	v14 =	vsub.f32 v38, v5;
	vm2 =	vlt.f32 v9, $+Inf;
	vm3 =	vgt.f32 v9, $+Inf  }
0x26b: {  	v32 =	vadd.f32 v11, v1;
	v13 =	vmul.f32 v35, v35;
	vm4 =	vmor vm3, vm2  }
0x26c: {  	v11 =	vmul.f32 v12, v12;
	v12 =	vmul.f32 v14, v14;
	v14 =	vnsel vm4, $0x7F800000, v9;
	v9 =	vld [tilespmem:$0x1F920]  }
0x26d: {  	vm0 =	vlt.f32 v39, $+Inf;
	vm1 =	vgt.f32 v39, $+Inf  }
0x26e: {  	v35 =	vadd.f32 v13, v7;
	v7 =	vld [tilespmem:$0x1F910];
	vm11 =	vmor vm1, vm0  }
0x26f: {  	v13 =	vnsel vm11, $0x7F800000, v39;
	v39 =	vadd.f32 v11, v3;
	v11 =	vld [tilespmem:$0x1F9C0]  }
0x270: {  	v38 =	vadd.f32 v12, v8;
	v12 =	vld [tilespmem:$0x1F9D0]  }
0x271: {  	vm14 =	vlt.f32 v9, v14  }
0x272: {  	v2 =	vsel vm14, v9, v14;
	v14 =	vld [tilespmem:$0x1F940]  }
0x273: {  	v61 =	vadd.f32 v61, v10;
	v10 =	vld [tilespmem:$0x1F9B0]  }
0x274: {  	vm9 =	vlt.f32 v11, $+Inf;
	vm10 =	vgt.f32 v11, $+Inf  }
0x275: {  	vm5 =	vlt.f32 v12, $+Inf;
	vm12 =	vlt.f32 v7, v13;
	vm6 =	vmor vm10, vm9  }
0x276: {  	vm7 =	vgt.f32 v12, $+Inf;
	v1 =	vsel vm12, v7, v13;
	v13 =	vld [tilespmem:$0x1F930];
	v4 =	vnsel vm6, $0x7F800000, v11  }
0x277: {  	vm8 =	vmor vm7, vm5;
	vm7 =	vlt.f32 v14, v4  }
0x278: {  	vm13 =	vlt.f32 v10, $+Inf;
	vm15 =	vgt.f32 v10, $+Inf;
	v4 =	vsel vm7, v14, v4;
	v14 =	vld [tilespmem:$0x1F980]  }
0x279: {  	vm13 =	vmor vm15, vm13;
	v5 =	vnsel vm8, $0x7F800000, v12;
	v12 =	vld [tilespmem:$0x1F950]  }
0x27a: {  	v3 =	vnsel vm13, $0x7F800000, v10  }
0x27b: {  	vm15 =	vlt.f32 v13, v3  }
0x27c: {  	v3 =	vsel vm15, v13, v3;
	v13 =	vld [tilespmem:$0x1F9F0]  }
0x27d: {  	vm9 =	vlt.f32 v14, $+Inf;
	vm0 =	vgt.f32 v14, $+Inf  }
0x27e: {  	v6 =	vld [tilespmem:$0x1F9E0];
	vm5 =	vlt.f32 v12, v5;
	vm0 =	vmor vm0, vm9  }
0x27f: {  	v5 =	vsel vm5, v12, v5;
	v12 =	vimm.s32 $0x0;
	v8 =	vnsel vm0, $0x7F800000, v14;
	v14 =	vld [tilespmem:$0x1F970]  }
0x280: {  	v9 =	vsel vm0, $0xFFFFFFFF, v12;
	v12 =	vld [tilespmem:$0x1F900]  }
0x281: {  	vm2 =	vlt.f32 v13, $+Inf;
	vm3 =	vgt.f32 v13, $+Inf  }
0x282: {  	vm2 =	vmor vm3, vm2  }
0x283: {  	v7 =	vnsel vm2, $0x7F800000, v13  }
0x284: {  	vm1 =	vgt.f32 v6, $+Inf;
	vm10 =	vlt.f32 v6, $+Inf;
	v13 =	vld [tilespmem:$0x1F960];
	vm3 =	vlt.f32 v14, v7  }
0x285: {  	vm10 =	vmor vm1, vm10;
	vm1 =	vlt.f32 v12, v8;
	v7 =	vsel vm3, v14, v7;
	v14 =	vld [tilespmem:$0x1F890]  }
0x286: {  	v8 =	vsel vm1, v12, v8;
	v12 =	vld [tilespmem:$0x1FA00];
	_ =	sdelay $0x1  }
0x287: {  	v6 =	vnsel vm10, $0x7F800000, v6  }
0x288: {  	vm9 =	vlt.f32 v13, v6  }
0x289: {  	v6 =	vsel vm9, v13, v6;
	v13 =	vld [tilespmem:$0x1FF30]  }
0x28a: {  	vm0 =	vlt.f32 v14, v1;
	v10 =	vnsel vm4, $0x0, v12;
	v12 =	vld [tilespmem:$0x1F8B0]  }
0x28b: {  	v1 =	vsel vm0, v14, v1;
	v14 =	vld [tilespmem:$0x1FA80];
	_ =	sdelay $0x4  }
0x28c: {  	[tilespmem:$0x1F700] =	vst v9;
	v9 =	vnsel vm11, $0x0, v13;
	v13 =	vld [tilespmem:$0x1FA70];
	v10 =	vsel vm14, v14, v10;
	vm14 =	vlt.f32 v12, v3  }
0x28d: {  	v3 =	vsel vm14, v12, v3;
	v12 =	vld [tilespmem:$0x1FAF0];
	_ =	sdelay $0x3  }
0x28e: {  	v9 =	vsel vm12, v13, v9;
	v13 =	vld [tilespmem:$0x1F8C0]  }
0x28f: {  	v9 =	vsel vm0, v12, v9;
	v12 =	vld [tilespmem:$0x1F8D0];
	_ =	sdelay $0x2  }
0x290: {  	v11 =	vld [tilespmem:$0x1F8A0]  }
0x291: {  	v14 =	vld [tilespmem:$0x1FA10];
	vm11 =	vlt.f32 v13, v4  }
0x292: {  	v4 =	vsel vm11, v13, v4;
	v13 =	vld [tilespmem:$0x1FB00];
	vm12 =	vlt.f32 v12, v5  }
0x293: {  	v5 =	vsel vm12, v12, v5;
	v12 =	vld [tilespmem:$0x1FA90];
	_ =	sdelay $0x2  }
0x294: {  	vm4 =	vlt.f32 v11, v2  }
0x295: {  	v2 =	vsel vm4, v11, v2;
	v11 =	vnsel vm13, $0x0, v14;
	v10 =	vsel vm4, v13, v10;
	v13 =	vld [tilespmem:$0x1F810]  }
0x296: {  	v11 =	vsel vm15, v12, v11;
	v12 =	vld [tilespmem:$0x1FB70];
	_ =	sdelay $0x3  }
0x297: {  	v14 =	vld [tilespmem:$0x1F820];
	vm0 =	vlt.f32 v13, v1  }
0x298: {  	v9 =	vsel vm0, v12, v9;
	v12 =	vld [tilespmem:$0x1FB80];
	_ =	sdelay $0x3  }
0x299: {  	vm13 =	vlt.f32 v14, v2  }
0x29a: {  	v10 =	vsel vm13, v12, v10;
	v12 =	vld [tilespmem:$0x1F830];
	_ =	sdelay $0x3  }
0x29b: {  	v2 =	vsel vm13, v14, v2;
	v14 =	vld [tilespmem:$0x1F7A0]  }
0x29c: {  	v1 =	vsel vm0, v13, v1;
	vm0 =	vlt.f32 v12, v3  }
0x29d: {  	v3 =	vsel vm0, v12, v3;
	v12 =	vld [tilespmem:$0x1FB10];
	_ =	sdelay $0x2  }
0x29e: {  	vm13 =	vlt.f32 v14, v2  }
0x29f: {  	v13 =	vld [tilespmem:$0x1F790];
	v2 =	vsel vm13, v14, v2  }
0x2a0: {  	v11 =	vsel vm14, v12, v11;
	v12 =	vld [tilespmem:$0x1FBF0];
	vm14 =	vlt.f32 v17, v2  }
0x2a1: {  	v2 =	vsel vm14, v17, v2;
	v17 =	vld [tilespmem:$0x1FB90];
	_ =	sdelay $0x2  }
0x2a2: {  	vm4 =	vlt.f32 v13, v1  }
0x2a3: {  	v9 =	vsel vm4, v12, v9;
	v12 =	vld [tilespmem:$0x1FC00]  }
0x2a4: {  	v11 =	vsel vm0, v17, v11;
	v17 =	vld [tilespmem:$0x1FC70];
	_ =	sdelay $0x2  }
0x2a5: {  	v1 =	vsel vm4, v13, v1  }
0x2a6: {  	v10 =	vsel vm13, v12, v10;
	vm13 =	vlt.f32 v15, v1  }
0x2a7: {  	v9 =	vsel vm13, v17, v9;
	v17 =	vld [tilespmem:$0x1FC80]  }
0x2a8: {  	v12 =	vld [tilespmem:$0x1F7B0]  }
0x2a9: {  	v13 =	vld [tilespmem:$0x1FB30]  }
0x2aa: {  	v14 =	vld [tilespmem:$0x1F7E0]  }
0x2ab: {  	v1 =	vsel vm13, v15, v1;
	v15 =	vld [tilespmem:$0x1FF90]  }
0x2ac: {  	v10 =	vsel vm14, v17, v10;
	vm14 =	vlt.f32 v25, v2;
	v17 =	vld [tilespmem:$0x1FD00]  }
0x2ad: {  	vm13 =	vlt.f32 v23, v1;
	vm4 =	vlt.f32 v12, v3;
	v2 =	vsel vm14, v25, v2;
	v25 =	vld [tilespmem:$0x1FC10]  }
0x2ae: {  	v1 =	vsel vm13, v23, v1;
	v23 =	vld [tilespmem:$0x1FC90];
	v3 =	vsel vm4, v12, v3  }
0x2af: {  	v12 =	vld [tilespmem:$0x1FB20];
	vm0 =	vlt.f32 v16, v3  }
0x2b0: {  	v3 =	vsel vm0, v16, v3;
	v16 =	vld [tilespmem:$0x1FCF0]  }
0x2b1: {  	v10 =	vsel vm14, v17, v10;
	v17 =	vld [tilespmem:$0x1FF10]  }
0x2b2: {  	vm14 =	vlt.f32 v41, v2;
	v11 =	vsel vm4, v25, v11;
	v25 =	vld [tilespmem:$0x1FD80]  }
0x2b3: {  	vm4 =	vlt.f32 v24, v3;
	v2 =	vsel vm14, v41, v2;
	v41 =	vld [tilespmem:$0x1FE00]  }
0x2b4: {  	v3 =	vsel vm4, v24, v3;
	v24 =	vld [tilespmem:$0x1FD70]  }
0x2b5: {  	v9 =	vsel vm13, v16, v9;
	v16 =	vld [tilespmem:$0x1FE90]  }
0x2b6: {  	vm13 =	vlt.f32 v31, v1;
	v11 =	vsel vm0, v23, v11;
	v23 =	vld [tilespmem:$0x1F8F0]  }
0x2b7: {  	v1 =	vsel vm13, v31, v1;
	vm0 =	vlt.f32 v40, v3;
	v31 =	vld [tilespmem:$0x1FD10]  }
0x2b8: {  	v3 =	vsel vm0, v40, v3;
	v40 =	vld [tilespmem:$0x1FDF0]  }
0x2b9: {  	v10 =	vsel vm14, v25, v10;
	vm14 =	vlt.f32 v49, v2;
	v25 =	vld [tilespmem:$0x1FA20]  }
0x2ba: {  	v2 =	vsel vm14, v49, v2;
	v49 =	vld [tilespmem:$0x1FE80]  }
0x2bb: {  	v9 =	vsel vm13, v24, v9;
	vm13 =	vlt.f32 v47, v1;
	v24 =	vld [tilespmem:$0x1FFA0]  }
0x2bc: {  	v1 =	vsel vm13, v47, v1;
	v47 =	vld [tilespmem:$0x1FD90]  }
0x2bd: {  	v11 =	vsel vm4, v31, v11;
	vm4 =	vlt.f32 v48, v3;
	v31 =	vld [tilespmem:$0x1F880]  }
0x2be: {  	v10 =	vsel vm14, v41, v10;
	vm14 =	vlt.f32 v57, v2;
	v3 =	vsel vm4, v48, v3;
	v48 =	vld [tilespmem:$0x1FE70]  }
0x2bf: {  	v2 =	vsel vm14, v57, v2;
	v57 =	vld [tilespmem:$0x1FF00]  }
0x2c0: {  	v9 =	vsel vm13, v40, v9;
	vm13 =	vlt.f32 v55, v1;
	v40 =	vld [tilespmem:$0x1F860]  }
0x2c1: {  	v1 =	vsel vm13, v55, v1;
	v55 =	vld [tilespmem:$0x1FE10]  }
0x2c2: {  	v10 =	vsel vm14, v49, v10;
	vm14 =	vlt.f32 v33, v2;
	v49 =	vld [tilespmem:$0x1F870]  }
0x2c3: {  	v2 =	vsel vm14, v33, v2;
	v33 =	vld [tilespmem:$0x1F840]  }
0x2c4: {  	v11 =	vsel vm0, v47, v11;
	vm0 =	vlt.f32 v56, v3;
	v47 =	vld [tilespmem:$0x1FA40]  }
0x2c5: {  	v3 =	vsel vm0, v56, v3;
	v56 =	vld [tilespmem:$0x1FEF0]  }
0x2c6: {  	v9 =	vsel vm13, v48, v9;
	v48 =	vld [tilespmem:$0x1FAA0]  }
0x2c7: {  	vm13 =	vlt.f32 v62, v1;
	v10 =	vsel vm14, v57, v10;
	v57 =	vld [tilespmem:$0x1FAC0]  }
0x2c8: {  	v1 =	vsel vm13, v62, v1;
	v62 =	vld [tilespmem:$0x1FF80]  }
0x2c9: {  	v11 =	vsel vm4, v55, v11;
	vm4 =	vlt.f32 v63, v3;
	v55 =	vld [tilespmem:$0x1F800]  }
0x2ca: {  	v3 =	vsel vm4, v63, v3;
	v63 =	vld [tilespmem:$0x1F8E0]  }
0x2cb: {  	v9 =	vsel vm13, v56, v9;
	vm13 =	vlt.f32 v37, v1;
	v56 =	vld [tilespmem:$0x1FAB0]  }
0x2cc: {  	vm14 =	vlt.f32 v0, v2;
	v1 =	vsel vm13, v37, v1;
	v37 =	vld [tilespmem:$0x1F850]  }
0x2cd: {  	v0 =	vsel vm14, v0, v2;
	v2 =	vsel vm13, v62, v9;
	v62 =	vld [tilespmem:$0x1F7C0]  }
0x2ce: {  	v9 =	vsel vm14, v15, v10;
	v10 =	vsel vm0, v16, v11;
	v15 =	vld [tilespmem:$0x1F7F0]  }
0x2cf: {  	v16 =	vld [tilespmem:$0x1FB40];
	vm13 =	vlt.f32 v63, v6;
	vm0 =	veq.f32 v0, v1;
	vm14 =	vlt.s32 v9, v2  }
0x2d0: {  	v10 =	vsel vm4, v17, v10;
	vm15 =	vlt.f32 v0, v1;
	vm4 =	vlt.f32 v23, v7;
	v17 =	vld [tilespmem:$0x1FBA0]  }
0x2d1: {  	vm0 =	vmand vm0, vm14;
	vm14 =	vlt.f32 v36, v3;
	v6 =	vsel vm13, v63, v6;
	v63 =	vld [tilespmem:$0x1F7D0]  }
0x2d2: {  	v7 =	vsel vm4, v23, v7;
	v23 =	vld [tilespmem:$0x1F780];
	vm0 =	vmor vm15, vm0;
	v3 =	vsel vm14, v36, v3  }
0x2d3: {  	v36 =	vld [tilespmem:$0x1FA30];
	vm15 =	vlt.f32 v40, v6;
	v0 =	vsel vm0, v0, v1;
	v1 =	vsel vm14, v24, v10  }
0x2d4: {  	v2 =	vsel vm0, v9, v2;
	v9 =	vnsel vm6, $0x0, v25;
	vm6 =	vlt.f32 v31, v8;
	v24 =	vld [tilespmem:$0x1F740]  }
0x2d5: {  	v41 =	vsel vm15, v40, v6;
	v6 =	vnsel vm10, $0x0, v47;
	v25 =	vld [tilespmem:$0x1FBB0];
	vm0 =	veq.f32 v3, v0  }
0x2d6: {  	v40 =	vld [tilespmem:$0x1FC30];
	vm14 =	vlt.s32 v1, v2;
	v8 =	vsel vm6, v31, v8;
	v9 =	vsel vm7, v48, v9  }
0x2d7: {  	v47 =	vld [tilespmem:$0x1F730];
	v6 =	vsel vm9, v57, v6;
	vm0 =	vmand vm0, vm14;
	vm14 =	vlt.f32 v3, v0  }
0x2d8: {  	v31 =	vld [tilespmem:$0x1FBC0];
	vm7 =	vlt.f32 v55, v8;
	v9 =	vsel vm11, v12, v9;
	v6 =	vsel vm13, v16, v6  }
0x2d9: {  	v48 =	vld [tilespmem:$0x1FC40];
	vm0 =	vmor vm14, vm0;
	vm14 =	vlt.f32 v33, v4;
	v8 =	vsel vm7, v55, v8  }
0x2da: {  	v57 =	vld [tilespmem:$0x1FD20];
	v4 =	vsel vm14, v33, v4;
	v0 =	vsel vm0, v3, v0;
	v1 =	vsel vm0, v1, v2  }
0x2db: {  	v12 =	vld [tilespmem:$0x1FDA0];
	v2 =	vnsel vm8, $0x0, v36;
	vm0 =	vlt.f32 v37, v5;
	vm8 =	vlt.f32 v49, v7  }
0x2dc: {  	v55 =	vld [tilespmem:$0x1FCB0];
	v9 =	vsel vm14, v17, v9;
	vm14 =	vlt.f32 v23, v8;
	v3 =	vsel vm0, v37, v5  }
0x2dd: {  	v33 =	vld [tilespmem:$0x1F750];
	v7 =	vsel vm8, v49, v7;
	v2 =	vsel vm5, v56, v2;
	vm10 =	vlt.f32 v62, v4  }
0x2de: {  	v36 =	vld [tilespmem:$0x1F760];
	v8 =	vsel vm14, v23, v8;
	vm5 =	vlt.f32 v63, v3;
	v4 =	vsel vm10, v62, v4  }
0x2df: {  	v37 =	vld [tilespmem:$0x1FC20];
	v2 =	vsel vm12, v13, v2;
	vm12 =	vlt.f32 v14, v41;
	vm9 =	vlt.f32 v15, v7  }
0x2e0: {  	v49 =	vld [tilespmem:$0x1FCA0];
	v6 =	vsel vm15, v31, v6;
	v3 =	vsel vm5, v63, v3;
	v5 =	vsel vm12, v14, v41  }
0x2e1: {  	v56 =	vld [tilespmem:$0x1FCC0];
	v7 =	vsel vm9, v15, v7;
	vm13 =	vlt.f32 v24, v4;
	v2 =	vsel vm0, v25, v2  }
0x2e2: {  	v16 =	vld [tilespmem:$0x1FE30];
	v6 =	vsel vm12, v48, v6;
	v4 =	vsel vm13, v24, v4;
	v2 =	vsel vm5, v40, v2  }
0x2e3: {  	v41 =	vld [tilespmem:$0x1F770];
	vm0 =	vlt.f32 v33, v3;
	vm15 =	vlt.f32 v36, v5;
	vm5 =	vlt.f32 v19, v4  }
0x2e4: {  	v62 =	vld [tilespmem:$0x1FD30];
	v3 =	vsel vm0, v33, v3;
	v5 =	vsel vm15, v36, v5;
	v9 =	vsel vm10, v37, v9  }
0x2e5: {  	v63 =	vld [tilespmem:$0x1FD40];
	vm10 =	vlt.f32 v47, v8;
	v4 =	vsel vm5, v19, v4;
	v2 =	vsel vm0, v55, v2  }
0x2e6: {  	v13 =	vld [tilespmem:$0x1FDB0];
	v6 =	vsel vm15, v56, v6;
	v8 =	vsel vm10, v47, v8;
	v9 =	vsel vm13, v49, v9  }
0x2e7: {  	v14 =	vld [tilespmem:$0x1FDC0];
	vm12 =	vlt.f32 v20, v3;
	vm0 =	vlt.f32 v18, v5;
	vm13 =	vlt.f32 v28, v4  }
0x2e8: {  	v15 =	vld [tilespmem:$0x1FE20];
	vm11 =	vlt.f32 v41, v7;
	v3 =	vsel vm12, v20, v3;
	v5 =	vsel vm0, v18, v5  }
0x2e9: {  	v17 =	vld [tilespmem:$0x1FEA0];
	v4 =	vsel vm13, v28, v4;
	v9 =	vsel vm5, v57, v9;
	v2 =	vsel vm12, v62, v2  }
0x2ea: {  	v23 =	vld [tilespmem:$0x1FF40];
	v6 =	vsel vm0, v63, v6;
	v7 =	vsel vm11, v41, v7;
	vm5 =	vlt.f32 v26, v3  }
0x2eb: {  	v31 =	vld [tilespmem:$0x1FFD0];
	vm12 =	vlt.f32 v27, v5;
	v9 =	vsel vm13, v12, v9;
	vm0 =	vlt.f32 v43, v4  }
0x2ec: {  	v18 =	vld [tilespmem:$0x1FF20];
	v3 =	vsel vm5, v26, v3;
	v5 =	vsel vm12, v27, v5;
	v4 =	vsel vm0, v43, v4  }
0x2ed: {  	v20 =	vld [tilespmem:$0x1FEB0];
	v2 =	vsel vm5, v13, v2;
	v6 =	vsel vm12, v14, v6;
	v9 =	vsel vm0, v15, v9  }
0x2ee: {  	v19 =	vld [tilespmem:$0x1FFB0];
	vm13 =	vlt.f32 v44, v3;
	vm5 =	vlt.f32 v42, v5;
	vm12 =	vlt.f32 v52, v4  }
0x2ef: {  	v25 =	vld [tilespmem:$0x1FFC0];
	v3 =	vsel vm13, v44, v3;
	v5 =	vsel vm5, v42, v5;
	v4 =	vsel vm12, v52, v4  }
0x2f0: {  	v48 =	vld [tilespmem:$0x1FBE0];
	v2 =	vsel vm13, v16, v2;
	vm0 =	vlt.f32 v51, v3;
	vm13 =	vlt.f32 v60, v4  }
0x2f1: {  	v24 =	vld [tilespmem:$0x1FE40];
	v9 =	vsel vm12, v17, v9;
	v3 =	vsel vm0, v51, v3;
	v4 =	vsel vm13, v60, v4  }
0x2f2: {  	v40 =	vld [tilespmem:$0x1FBD0];
	v9 =	vsel vm13, v18, v9;
	v2 =	vsel vm0, v20, v2;
	vm13 =	vlt.f32 v35, v4  }
0x2f3: {  	v37 =	vld [tilespmem:$0x1FA50];
	vm12 =	vlt.f32 v59, v3;
	v4 =	vsel vm13, v35, v4;
	v9 =	vsel vm13, v19, v9  }
0x2f4: {  	v55 =	vld [tilespmem:$0x1FD60];
	v3 =	vsel vm12, v59, v3;
	vm0 =	veq.f32 v4, v0;
	vm13 =	vlt.s32 v9, v1  }
0x2f5: {  	v28 =	vld [tilespmem:$0x1F720];
	v2 =	vsel vm12, v23, v2;
	vm12 =	vlt.f32 v4, v0;
	vm0 =	vmand vm0, vm13  }
0x2f6: {  	v26 =	vld [tilespmem:$0x1FEC0];
	vm13 =	vlt.f32 v50, v5;
	vm0 =	vmor vm12, vm0;
	vm12 =	vlt.f32 v39, v3  }
0x2f7: {  	v27 =	vld [tilespmem:$0x1FF50];
	v5 =	vsel vm13, v50, v5;
	v3 =	vsel vm12, v39, v3;
	v0 =	vsel vm0, v4, v0  }
0x2f8: {  	v56 =	vld [tilespmem:$0x1FED0];
	v1 =	vsel vm0, v9, v1;
	v4 =	vsel vm5, v24, v6;
	v2 =	vsel vm12, v25, v2  }
0x2f9: {  	v47 =	vld [tilespmem:$0x1FCD0];
	vm0 =	vlt.f32 v58, v5;
	vm5 =	veq.f32 v3, v0;
	vm12 =	vlt.s32 v2, v1  }
0x2fa: {  	v49 =	vld [tilespmem:$0x1FD50];
	v5 =	vsel vm0, v58, v5;
	vm5 =	vmand vm5, vm12;
	vm12 =	vlt.f32 v3, v0  }
0x2fb: {  	v57 =	vld [tilespmem:$0x1FDE0];
	v4 =	vsel vm13, v26, v4;
	vm13 =	vlt.f32 v28, v7;
	vm5 =	vmor vm12, vm5  }
0x2fc: {  	v35 =	vld [tilespmem:$0x1F710];
	vm12 =	vlt.f32 v38, v5;
	v0 =	vsel vm5, v3, v0;
	v3 =	vsel vm0, v27, v4  }
0x2fd: {  	v5 =	vsel vm12, v38, v5;
	v1 =	vsel vm5, v2, v1;
	v38 =	vld [tilespmem:$0x1FAD0];
	v2 =	vsel vm12, v31, v3  }
0x2fe: {  	v39 =	vld [tilespmem:$0x1FB50];
	v33 =	vsel vm13, v28, v7;
	vm0 =	veq.f32 v5, v0;
	vm5 =	vlt.s32 v2, v1  }
0x2ff: {  	v41 =	vld [tilespmem:$0x1FA60];
	vm15 =	vlt.f32 v5, v0;
	vm0 =	vmand vm0, vm5;
	vm5 =	vlt.f32 v22, v33  }
0x300: {  	v42 =	vld [tilespmem:$0x1F700];
	vm0 =	vmor vm15, vm0;
	v3 =	vsel vm5, v22, v33  }
0x301: {  	v43 =	vld [tilespmem:$0x1FAE0];
	v0 =	vsel vm0, v5, v0;
	v5 =	vnsel vm2, $0x0, v37;
	vm2 =	vlt.f32 v30, v3  }
0x302: {  	v44 =	vld [tilespmem:$0x1FC50];
	v3 =	vsel vm2, v30, v3;
	v5 =	vsel vm3, v38, v5  }
0x303: {  	v52 =	vld [tilespmem:$0x1FCE0];
	vm12 =	vlt.f32 v35, v8;
	v5 =	vsel vm4, v39, v5;
	vm4 =	vlt.f32 v46, v3  }
0x304: {  	v34 =	vmul.f32 v34, v34;
	v6 =	vsel vm12, v35, v8;
	v3 =	vsel vm4, v46, v3;
	v46 =	vld [tilespmem:$0x1FB60]  }
0x305: {  	v51 =	vld [tilespmem:$0x1FDD0];
	vm15 =	vnez.u8 v42;
	v1 =	vsel vm0, v2, v1;
	vm0 =	vlt.f32 v21, v6  }
0x306: {  	v50 =	vld [tilespmem:$0x1FC60];
	v36 =	vsel vm0, v21, v6;
	v6 =	vnsel vm15, $0x0, v41;
	vm15 =	vlt.f32 v54, v3  }
0x307: {  	v4 =	vadd.f32 v34, v61;
	v5 =	vsel vm8, v40, v5;
	v3 =	vsel vm15, v54, v3;
	v54 =	vld [tilespmem:$0x1FE50]  }
0x308: {  	v60 =	vld [tilespmem:$0x1FFE0];
	vm3 =	vlt.f32 v29, v36;
	v6 =	vsel vm1, v43, v6;
	v5 =	vsel vm9, v44, v5  }
0x309: {  	v58 =	vld [tilespmem:$0x1FF60];
	v2 =	vsel vm3, v29, v36;
	v5 =	vsel vm11, v47, v5;
	v6 =	vsel vm6, v46, v6  }
0x30a: {  	v59 =	vld [tilespmem:$0x1FE60];
	vm9 =	vlt.f32 v45, v2;
	v5 =	vsel vm13, v49, v5;
	v6 =	vsel vm7, v48, v6  }
0x30b: {  	v61 =	vld [tilespmem:$0x1FEE0];
	v2 =	vsel vm9, v45, v2;
	v5 =	vsel vm5, v51, v5;
	v6 =	vsel vm14, v50, v6  }
0x30c: {  	vm8 =	vlt.f32 v4, v3;
	v5 =	vsel vm2, v54, v5;
	v6 =	vsel vm10, v52, v6  }
0x30d: {  	v62 =	vld [tilespmem:$0x1FF70];
	v3 =	vsel vm8, v4, v3;
	v5 =	vsel vm4, v56, v5;
	v6 =	vsel vm12, v55, v6  }
0x30e: {  	v63 =	vld [tilespmem:$0x1FFF0];
	vm7 =	vlt.f32 v53, v2;
	v5 =	vsel vm15, v58, v5;
	v6 =	vsel vm0, v57, v6  }
0x30f: {  	v2 =	vsel vm7, v53, v2;
	v5 =	vsel vm8, v60, v5;
	v4 =	vsel vm3, v59, v6  }
0x310: {  	vm10 =	vlt.s32 v5, v1;
	v4 =	vsel vm9, v61, v4;
	vm9 =	veq.f32 v3, v0  }
0x311: {  	vm11 =	vlt.f32 v32, v2;
	vm12 =	vlt.f32 v3, v0;
	vm0 =	vmand vm9, vm10  }
0x312: {  	v2 =	vsel vm11, v32, v2;
	v4 =	vsel vm7, v62, v4;
	vm0 =	vmor vm12, vm0  }
0x313: {  	v0 =	vsel vm0, v3, v0;
	v1 =	vsel vm0, v5, v1;
	v3 =	vsel vm11, v63, v4  }
0x314: {  	vm13 =	veq.f32 v2, v0;
	vm14 =	vlt.s32 v3, v1  }
0x315: {  	vm15 =	vlt.f32 v2, v0;
	vm0 =	vmand vm13, vm14  }
0x316: {  	vm0 =	vmor vm15, vm0  }
0x317: {  	v0 =	vsel vm0, v2, v0  }
0x318: {  	v1 =	vsel vm0, v3, v1;
	[tilespmem:$0x4080] =	vst v0  }
0x319: {  	[tilespmem:$0x4100] =	vst v1  }
0x31a: {  	[hbm4b:s16+s3] =	stream.linear.scatter [tilespmem:s26], [sflag:$0x3], $0x80, $0x38;
	[tilespmem:$0x4180] =	vst v63  }
0x31b: {  	s29 =	sadd.s32 $0x1, s29;
	_ =	swait.ge [sflag:s19], $0x80  }
0x31c: {  	p0 =	sne.s32 s29, s18;
	[sflag:s19] =	ssyncset.done $0x0  }
.Ltmp12:
0x31d: {  	[sflag:s19] =	ssyncadd.s32 $0xFFFFFF80;
	(pc) =	sbr.rel @p0 .LBB2_1-.Ltmp12, $4  }
0x31e: {  	[hbm4b:s17+s3] =	stream.linear.scatter [tilespmem:s28], [sflag:$0x3], $0x80, $0x38;
	[tilespmem:$0x4180] =	vst v63  }
0x31f: {  	_ =	swait.ge [sflag:s19], $0x80  }
0x320: {  	[sflag:s19] =	ssyncset.done $0x0  }
0x321: {  	[sflag:s19] =	ssyncadd.s32 $0xFFFFFF80  }
0x322: {  	_ =	sfence.sel $0x180000  }
0x323: {  	[bflag:$0x0] =	sbarrier.arrive $0xFFFF  }
0x324: {  	_ =	strace $0x90000047  }
0x325: {  	s0 =	stileid.u32;
	[bflag:$0x2] =	sbarrier.arrive $0xFFFF  }
0x326: {  	p0 =	sne.s32 s0, $0x0;
	s0 =	rddreg [dreg:$0x3]  }
0x327: {  	s0 =	sadd.s32 @!p0 $0x100000, s0  }
0x328: {  	[sflag:s0] =	ssyncadd.tile.s32 @!p0 $0x1;
	_ =	shalt  }
.Lfunc_end2:
_tile_overlayer_lowered:
.L_overlay_start_2:
0x329: {  	(tag) =	ssettag $0x2  }
0x32a: {  	s0 =	rddreg [dreg:$0x0];
	s2 =	stileid.u32  }
0x32b: {  	s1 =	rddreg [dreg:$0x1];
	p0 =	sne.s32 s2, $0x0  }
0x32c: {  	s3 =	rddreg [dreg:$0x2];
	[bflag:$0x3] =	sbarrier.arrive $0xFFFF;
	s2 =	simm.s32 @!p0 $0x1C03  }
0x32d: {  	[timem:s3], [sflag:s2] =	dma.local @!p0 [hbm:s0], s1  }
0x32e: {  	s0 =	simm.s32 @!p0 $0x3  }
0x32f: {  	_ =	swait.ge @!p0 [sflag:s0], s1  }
0x330: {  	s1 =	ssub.s32 @!p0 $0x0, s1;
	[sflag:s0] =	ssyncset.done @!p0 $0x0  }
0x331: {  	[sflag:s0] =	ssyncadd.s32 @!p0 s1  }
0x332: {  	[bflag:$0x3] =	sbarrier.arrive $0xFFFF  }
0x333: {  	_ =	shalt  }

</sc_bundles>
